<compile_context>
chip_gen: v7x
topology: tpu7x:2x2x1
jax: 0.10.2.dev20260603
libtpu: 0.0.44.dev20260713+nightly
codegen_flags: <defaults>
</compile_context>

<pallas_src>
import functools

import jax
import jax.numpy as jnp
from jax import lax
from jax.experimental import pallas as pl
from jax.experimental.pallas import tpu as pltpu
from jax.experimental.pallas import tpu_sc as plsc

N = 10000
E = 320000
D = 128
H = 128
ED = 16
NSUB = 16
E2 = E
EPT = E2 // NSUB
C = 96
NFULL = EPT // C
REM = EPT - NFULL * C
RPT = 632
NPAD = RPT * NSUB
HC = 64
HC2 = 2 * HC
TRASH = N


def _eproj_body(attr_ref, w_ref, b_ref, out_ref):
    a = attr_ref[...]
    w = w_ref[...]
    acc = lax.dot_general(a, w, (((1,), (1,)), ((), ())),
                          preferred_element_type=jnp.float32)
    out_ref[...] = acc + b_ref[0]


def _eproj(edge_attr, W_edge, b_edge2):
    BE = 16000
    return pl.pallas_call(
        _eproj_body,
        grid=(E2 // BE,),
        in_specs=[
            pl.BlockSpec((BE, ED), lambda i: (i, 0)),
            pl.BlockSpec((D, ED), lambda i: (0, 0)),
            pl.BlockSpec((1, D), lambda i: (0, 0)),
        ],
        out_specs=pl.BlockSpec((BE, D), lambda i: (i, 0)),
        out_shape=jax.ShapeDtypeStruct((E2, D), jnp.float32),
    )(edge_attr, W_edge, b_edge2)


def _msg_body(eoff, x2, src, dst, e3, in_n, in_d, out_n, out_d,
              gidx, didx, sidx,
              xb, eb, wb, nb, acc_n, acc_d,
              sem_i0, sem_i1, sem_g0, sem_g1, sem_s0, sem_s1):
    c = lax.axis_index("c")
    s = lax.axis_index("s")
    start = s * EPT
    sem_i = (sem_i0, sem_i1)
    sem_g = (sem_g0, sem_g1)
    sem_s = (sem_s0, sem_s1)
    zero16 = jnp.zeros((16,), jnp.float32)

    r0 = s * RPT
    pltpu.sync_copy(in_n.at[c, pl.ds(r0, RPT)], acc_n.at[pl.ds(r0, RPT)])
    pltpu.sync_copy(in_d.at[c, pl.ds(r0, RPT)], acc_d.at[pl.ds(r0, RPT)])
    plsc.subcore_barrier()

    def issue_idx(b, base):
        pltpu.async_copy(src.at[pl.ds(eoff + base, C)], gidx.at[b], sem_i[b])
        pltpu.async_copy(dst.at[pl.ds(eoff + base, C)], didx.at[b], sem_i[b])

    def wait_idx(b, base):
        pltpu.make_async_copy(src.at[pl.ds(eoff + base, C)], gidx.at[b],
                              sem_i[b]).wait()
        pltpu.make_async_copy(dst.at[pl.ds(eoff + base, C)], didx.at[b],
                              sem_i[b]).wait()

    def transform(b):
        for j in range(C // 16):
            sl = pl.ds(j * 16, 16)
            gidx[b, sl] = gidx[b, sl] * 2 + c

    ecol = pl.ds(c * HC, HC)

    def issue_gather(b, base):
        pltpu.async_copy(x2.at[gidx.at[b]], xb.at[b], sem_g[b])
        pltpu.async_copy(e3.at[pl.ds(base, C), ecol], eb.at[b], sem_g[b])

    def wait_gather(b, base):
        pltpu.make_async_copy(x2.at[gidx.at[b]], xb.at[b], sem_g[b]).wait()
        pltpu.make_async_copy(e3.at[pl.ds(base, C), ecol], eb.at[b],
                              sem_g[b]).wait()

    def compute(b):
        for j in range(C // 16):
            sl = pl.ds(j * 16, 16)
            sidx[b, sl] = didx[b, sl]
        def row2(i2, _):
            i = i2 * 2
            for di in range(2):
                for k in range(4):
                    sl = pl.ds(k * 16, 16)
                    t = xb[b, i + di, sl] + eb[b, i + di, sl]
                    m = jnp.maximum(t, 0.0)
                    w = jnp.exp(m)
                    wb[b, i + di, sl] = w
                    nb[b, i + di, sl] = m * w
            return 0
        lax.fori_loop(0, C // 2, row2, 0)

    def issue_scatter(b):
        pltpu.async_copy(wb.at[b], acc_d.at[sidx.at[b]], sem_s[b], add=True)
        pltpu.async_copy(nb.at[b], acc_n.at[sidx.at[b]], sem_s[b], add=True)

    def wait_scatter(b):
        pltpu.make_async_copy(wb.at[b], acc_d.at[sidx.at[b]], sem_s[b]).wait()
        pltpu.make_async_copy(nb.at[b], acc_n.at[sidx.at[b]], sem_s[b]).wait()

    for b in (0, 1):
        for j in range(C // 16):
            sidx[b, pl.ds(j * 16, 16)] = jnp.full((16,), TRASH, jnp.int32)
        issue_scatter(b)
    issue_idx(0, start)
    wait_idx(0, start)
    transform(0)
    issue_gather(0, start)
    issue_idx(1, start + C)

    def pair(g2, _):
        for b in (0, 1):
            g = 2 * g2 + b
            nb_ = 1 - b

            @pl.when(g <= NFULL - 2)
            def _():
                wait_idx(nb_, start + (g + 1) * C)
                transform(nb_)
                issue_gather(nb_, start + (g + 1) * C)
            wait_gather(b, start + g * C)
            wait_scatter(b)
            compute(b)
            issue_scatter(b)

            @pl.when(g <= NFULL - 3)
            def _():
                issue_idx(b, start + (g + 2) * C)
        return 0

    lax.fori_loop(0, NFULL // 2, pair, 0)
    wait_scatter(0)
    wait_scatter(1)

    base = start + NFULL * C
    pltpu.sync_copy(src.at[pl.ds(eoff + base, REM)], gidx.at[0, pl.ds(0, REM)])
    pltpu.sync_copy(dst.at[pl.ds(eoff + base, REM)], didx.at[0, pl.ds(0, REM)])
    for j in range(C // 16):
        sl = pl.ds(j * 16, 16)
        if j < REM // 16:
            gidx[0, sl] = gidx[0, sl] * 2 + c
        else:
            gidx[0, sl] = jnp.zeros((16,), jnp.int32)
            didx[0, sl] = jnp.full((16,), TRASH, jnp.int32)
    def zero_etail(i, _):
        for k in range(4):
            eb[0, i, pl.ds(k * 16, 16)] = zero16
        return 0
    lax.fori_loop(REM, C, zero_etail, 0)
    pltpu.async_copy(x2.at[gidx.at[0]], xb.at[0], sem_g[0])
    pltpu.async_copy(e3.at[pl.ds(base, REM), ecol], eb.at[0, pl.ds(0, REM)],
                     sem_g[0])
    pltpu.make_async_copy(x2.at[gidx.at[0]], xb.at[0], sem_g[0]).wait()
    pltpu.make_async_copy(e3.at[pl.ds(base, REM), ecol],
                          eb.at[0, pl.ds(0, REM)], sem_g[0]).wait()
    compute(0)
    issue_scatter(0)
    wait_scatter(0)

    plsc.subcore_barrier()

    pltpu.sync_copy(acc_n.at[pl.ds(r0, RPT)], out_n.at[c, pl.ds(r0, RPT)])
    pltpu.sync_copy(acc_d.at[pl.ds(r0, RPT)], out_d.at[c, pl.ds(r0, RPT)])


def _msgpass(x2, src, dst, e3, in_n, in_d, eoff):
    fn = functools.partial(
        pl.kernel,
        out_type=(jax.ShapeDtypeStruct((2, NPAD, HC), jnp.float32),
                  jax.ShapeDtypeStruct((2, NPAD, HC), jnp.float32)),
        mesh=plsc.VectorSubcoreMesh(core_axis_name="c", subcore_axis_name="s"),
        compiler_params=pltpu.CompilerParams(use_tc_tiling_on_sc=False),
        scratch_types=[
            pltpu.VMEM((2, C), jnp.int32),
            pltpu.VMEM((2, C), jnp.int32),
            pltpu.VMEM((2, C), jnp.int32),
            pltpu.VMEM((2, C, HC), jnp.float32),
            pltpu.VMEM((2, C, HC), jnp.float32),
            pltpu.VMEM((2, C, HC), jnp.float32),
            pltpu.VMEM((2, C, HC), jnp.float32),
            pltpu.VMEM_SHARED((NPAD, HC), jnp.float32),
            pltpu.VMEM_SHARED((NPAD, HC), jnp.float32),
            pltpu.SemaphoreType.DMA,
            pltpu.SemaphoreType.DMA,
            pltpu.SemaphoreType.DMA,
            pltpu.SemaphoreType.DMA,
            pltpu.SemaphoreType.DMA,
            pltpu.SemaphoreType.DMA,
        ],
    )(functools.partial(_msg_body, eoff))
    return fn(x2, src, dst, e3, in_n, in_d)


def _mlp_body(num_ref, den_ref, x_ref, w1_ref, b1_ref, g_ref, be_ref,
              w2_ref, b2_ref, wl_ref, bl_ref, out_ref):
    x = x_ref[...]
    o_lo = num_ref[0, :N] / (den_ref[0, :N] + 1e-16) + x[:, :HC]
    o_hi = num_ref[1, :N] / (den_ref[1, :N] + 1e-16) + x[:, HC:]
    w1 = w1_ref[...]
    h = (lax.dot_general(o_lo, w1[:, :HC], (((1,), (1,)), ((), ())),
                         preferred_element_type=jnp.float32)
         + lax.dot_general(o_hi, w1[:, HC:], (((1,), (1,)), ((), ())),
                           preferred_element_type=jnp.float32)
         + b1_ref[...])
    mean = jnp.mean(h, axis=0, keepdims=True)
    var = jnp.mean(h * h, axis=0, keepdims=True) - mean * mean
    scale = g_ref[...] * lax.rsqrt(var + 1e-5)
    h = (h - mean) * scale + be_ref[...]
    h = jnp.maximum(h, 0.0)
    h = lax.dot_general(h, w2_ref[...], (((1,), (1,)), ((), ())),
                        preferred_element_type=jnp.float32) + b2_ref[...]
    h = jnp.maximum(h, 0.0)
    out_ref[...] = lax.dot_general(h, wl_ref[...], (((1,), (1,)), ((), ())),
                                   preferred_element_type=jnp.float32) + bl_ref[...]


def _mlp(numer, denom, x, W1, b1, g, be, W2, b2, Wlin, bl):
    return pl.pallas_call(
        _mlp_body,
        out_shape=jax.ShapeDtypeStruct((N, D), jnp.float32),
    )(numer, denom, x, W1, b1, g, be, W2, b2, Wlin, bl)


def kernel(x, edge_index, edge_attr, W_edge, b_edge, W1, b1, bn_gamma,
           bn_beta, W2, b2, Wlin, blin):
    e3 = _eproj(edge_attr, W_edge, b_edge.reshape(1, D))
    x2 = x.reshape(2 * N, HC)
    zacc = jnp.zeros((2, NPAD, HC), jnp.float32)
    numer, denom = _msgpass(x2, edge_index[0], edge_index[1], e3, zacc, zacc, 0)
    return _mlp(numer, denom, x,
                W1, b1.reshape(1, 2 * H),
                bn_gamma.reshape(1, 2 * H), bn_beta.reshape(1, 2 * H),
                W2, b2.reshape(1, H), Wlin, blin.reshape(1, H))

# --- scband reference (transcript-rebuilt; emitter-appended) ---
"""Pipeline reference for scband-deepgcn-27212912788336 (READ-ONLY COPY).

The authoritative reference and input builder live on the scoring server;
editing this copy changes nothing except your own understanding.
"""

import jax, jax.numpy as jnp
import numpy as np

N = 10000
E = 320000
D = 128
H = 128
OUT = 128
ED = 16
EPS = 1e-7
BN_EPS = 1e-5

def setup_inputs(seed: int = 0):
    key = jax.random.key(seed)
    ks = jax.random.split(key, 12)
    x = jax.random.normal(ks[0], (N, D), dtype=jnp.float32)
    edge_index = jax.random.randint(ks[1], (2, E), 0, N)
    edge_attr = jax.random.normal(ks[2], (E, ED), dtype=jnp.float32)
    W_edge = jax.random.normal(ks[3], (H, ED), dtype=jnp.float32) * 0.1
    b_edge = jnp.zeros((H,), dtype=jnp.float32)
    W1 = jax.random.normal(ks[4], (2 * H, H), dtype=jnp.float32) * 0.05
    b1 = jnp.zeros((2 * H,), dtype=jnp.float32)
    bn_gamma = jnp.ones((2 * H,), dtype=jnp.float32)
    bn_beta = jnp.zeros((2 * H,), dtype=jnp.float32)
    W2 = jax.random.normal(ks[5], (H, 2 * H), dtype=jnp.float32) * 0.05
    b2 = jnp.zeros((H,), dtype=jnp.float32)
    Wlin = jax.random.normal(ks[6], (OUT, H), dtype=jnp.float32) * 0.05
    blin = jnp.zeros((OUT,), dtype=jnp.float32)
    return {"x": x, "edge_index": edge_index, "edge_attr": edge_attr,
            "W_edge": W_edge, "b_edge": b_edge, "W1": W1, "b1": b1,
            "bn_gamma": bn_gamma, "bn_beta": bn_beta, "W2": W2, "b2": b2,
            "Wlin": Wlin, "blin": blin}

def reference(x, edge_index, edge_attr, W_edge, b_edge, W1, b1, bn_gamma, bn_beta, W2, b2, Wlin, blin):
    src = edge_index[0]
    dst = edge_index[1]
    # GENConv: lin_edge projects edge_attr (edge_dim != out_channels)
    e = edge_attr @ W_edge.T + b_edge
    # message: relu(x_j + edge_attr) + eps
    msg = jax.nn.relu(x[src] + e) + EPS
    # softmax aggregation (t=1.0) over destination nodes
    seg_max = jax.ops.segment_max(msg, dst, num_segments=N)
    seg_max = jnp.where(jnp.isfinite(seg_max), seg_max, 0.0)
    ex = jnp.exp(msg - seg_max[dst])
    denom = jax.ops.segment_sum(ex, dst, num_segments=N)
    alpha = ex / (denom[dst] + 1e-16)
    agg = jax.ops.segment_sum(msg * alpha, dst, num_segments=N)
    # residual add of destination features (in_channels == out_channels, no lin_src)
    out = agg + x
    # MLP: Linear(H, 2H) -> BatchNorm (train-mode batch stats) -> ReLU -> Linear(2H, H)
    h = out @ W1.T + b1
    mean = jnp.mean(h, axis=0)
    var = jnp.var(h, axis=0)
    h = (h - mean) / jnp.sqrt(var + BN_EPS) * bn_gamma + bn_beta
    h = jax.nn.relu(h)
    h = h @ W2.T + b2
    # DEEPGCN: relu after conv, then final linear
    h = jax.nn.relu(h)
    y = h @ Wlin.T + blin
    return y

if __name__ == "__main__":
    import jax
    _d = setup_inputs()
    print(jax.jit(kernel)(*tuple(_d.values())))

</pallas_src>

<mosaic_0001>
#map = affine_map<(d0, d1) -> (0, 0)>
#map1 = affine_map<(d0, d1) -> (0)>
#map2 = affine_map<(d0, d1) -> (0, 0, 0)>
module attributes {stable_mosaic.version = 14 : i64} {
  func.func @_msg_body(%arg0: i32, %arg1: i32, %arg2: memref<20000x64xf32, #tpu.memory_space<hbm>>, %arg3: memref<320000xi32, #tpu.memory_space<hbm>>, %arg4: memref<320000xi32, #tpu.memory_space<hbm>>, %arg5: memref<320000x128xf32, #tpu.memory_space<hbm>>, %arg6: memref<2x10112x64xf32, #tpu.memory_space<hbm>>, %arg7: memref<2x10112x64xf32, #tpu.memory_space<hbm>>, %arg8: memref<2x10112x64xf32, #tpu.memory_space<hbm>>, %arg9: memref<2x10112x64xf32, #tpu.memory_space<hbm>>, %arg10: memref<2x96xi32, #tpu.memory_space<vmem>>, %arg11: memref<2x96xi32, #tpu.memory_space<vmem>>, %arg12: memref<2x96xi32, #tpu.memory_space<vmem>>, %arg13: memref<2x96x64xf32, #tpu.memory_space<vmem>>, %arg14: memref<2x96x64xf32, #tpu.memory_space<vmem>>, %arg15: memref<2x96x64xf32, #tpu.memory_space<vmem>>, %arg16: memref<2x96x64xf32, #tpu.memory_space<vmem>>, %arg17: memref<10112x64xf32, #tpu.memory_space<vmem_shared>>, %arg18: memref<10112x64xf32, #tpu.memory_space<vmem_shared>>, %arg19: memref<!tpu.dma_semaphore, #tpu.memory_space<semaphore_mem>>, %arg20: memref<!tpu.dma_semaphore, #tpu.memory_space<semaphore_mem>>, %arg21: memref<!tpu.dma_semaphore, #tpu.memory_space<semaphore_mem>>, %arg22: memref<!tpu.dma_semaphore, #tpu.memory_space<semaphore_mem>>, %arg23: memref<!tpu.dma_semaphore, #tpu.memory_space<semaphore_mem>>, %arg24: memref<!tpu.dma_semaphore, #tpu.memory_space<semaphore_mem>>) attributes {dimension_semantics = [#tpu.dimension_semantics<core_parallel>, #tpu.dimension_semantics<subcore_parallel>], iteration_bounds = array<i64: 2, 16>, scalar_prefetch = 0 : i64, scratch_operands = 15 : i64, tpu.core_type = #tpu.core_type<sc_vector_subcore>, window_params = [{transform_indices = #map}, {transform_indices = #map1}, {transform_indices = #map1}, {transform_indices = #map}, {transform_indices = #map2}, {transform_indices = #map2}, {transform_indices = #map2}, {transform_indices = #map2}]} {
    %mul3A = arith.constant 20000 : i32
    %mul3A_0 = arith.muli %arg1, %mul3A : i32
    %broadcast_in_dim3A = arith.constant 0.000000e+00 : f32
    %broadcast_in_dim3A_1 = vector.broadcast %broadcast_in_dim3A : f32 to vector<16xf32>
    %mul3A_2 = arith.constant 632 : i32
    %mul3A_3 = arith.muli %arg1, %mul3A_2 : i32
    "tpu.region"() ({
      %run_scoped3A_664 = tpu.sem_alloc : memref<!tpu.dma_semaphore, #tpu.memory_space<semaphore_mem>>
      %dma_start3A_665 = arith.constant 0 : i32
      %dma_start3A_666 = tpu.memref_slice %arg17[%mul3A_3, %dma_start3A_665] : memref<10112x64xf32, #tpu.memory_space<vmem_shared>> -> memref<632x64xf32, #tpu.memory_space<vmem_shared>>
      %dma_start3A_667 = arith.constant 0 : i32
      %dma_start3A_668 = tpu.memref_slice %arg6[%arg0, %mul3A_3, %dma_start3A_667] : memref<2x10112x64xf32, #tpu.memory_space<hbm>> -> memref<1x632x64xf32, #tpu.memory_space<hbm>>
      %dma_start3A_669 = tpu.memref_squeeze %dma_start3A_668 : memref<1x632x64xf32, #tpu.memory_space<hbm>> -> memref<632x64xf32, #tpu.memory_space<hbm>>
      tpu.enqueue_dma source(%dma_start3A_669 : memref<632x64xf32, #tpu.memory_space<hbm>>) target(%dma_start3A_666 : memref<632x64xf32, #tpu.memory_space<vmem_shared>>) target_semaphore(%run_scoped3A_664 : memref<!tpu.dma_semaphore, #tpu.memory_space<semaphore_mem>>)
      %dma_wait3A_670 = arith.constant 0 : i32
      %dma_wait3A_671 = tpu.memref_slice %arg17[%mul3A_3, %dma_wait3A_670] : memref<10112x64xf32, #tpu.memory_space<vmem_shared>> -> memref<632x64xf32, #tpu.memory_space<vmem_shared>>
      %dma_wait3A_672 = arith.constant 0 : i32
      %dma_wait3A_673 = tpu.memref_slice %arg6[%arg0, %mul3A_3, %dma_wait3A_672] : memref<2x10112x64xf32, #tpu.memory_space<hbm>> -> memref<1x632x64xf32, #tpu.memory_space<hbm>>
      %dma_wait3A_674 = tpu.memref_squeeze %dma_wait3A_673 : memref<1x632x64xf32, #tpu.memory_space<hbm>> -> memref<632x64xf32, #tpu.memory_space<hbm>>
      tpu.wait_dma2 semaphore(%run_scoped3A_664 : memref<!tpu.dma_semaphore, #tpu.memory_space<semaphore_mem>>) src(%dma_wait3A_674 : memref<632x64xf32, #tpu.memory_space<hbm>>) dst(%dma_wait3A_671 : memref<632x64xf32, #tpu.memory_space<vmem_shared>>)
      tpu.yield
    }) : () -> ()
    "tpu.region"() ({
      %run_scoped3A_664 = tpu.sem_alloc : memref<!tpu.dma_semaphore, #tpu.memory_space<semaphore_mem>>
      %dma_start3A_665 = arith.constant 0 : i32
      %dma_start3A_666 = tpu.memref_slice %arg18[%mul3A_3, %dma_start3A_665] : memref<10112x64xf32, #tpu.memory_space<vmem_shared>> -> memref<632x64xf32, #tpu.memory_space<vmem_shared>>
      %dma_start3A_667 = arith.constant 0 : i32
      %dma_start3A_668 = tpu.memref_slice %arg7[%arg0, %mul3A_3, %dma_start3A_667] : memref<2x10112x64xf32, #tpu.memory_space<hbm>> -> memref<1x632x64xf32, #tpu.memory_space<hbm>>
      %dma_start3A_669 = tpu.memref_squeeze %dma_start3A_668 : memref<1x632x64xf32, #tpu.memory_space<hbm>> -> memref<632x64xf32, #tpu.memory_space<hbm>>
      tpu.enqueue_dma source(%dma_start3A_669 : memref<632x64xf32, #tpu.memory_space<hbm>>) target(%dma_start3A_666 : memref<632x64xf32, #tpu.memory_space<vmem_shared>>) target_semaphore(%run_scoped3A_664 : memref<!tpu.dma_semaphore, #tpu.memory_space<semaphore_mem>>)
      %dma_wait3A_670 = arith.constant 0 : i32
      %dma_wait3A_671 = tpu.memref_slice %arg18[%mul3A_3, %dma_wait3A_670] : memref<10112x64xf32, #tpu.memory_space<vmem_shared>> -> memref<632x64xf32, #tpu.memory_space<vmem_shared>>
      %dma_wait3A_672 = arith.constant 0 : i32
      %dma_wait3A_673 = tpu.memref_slice %arg7[%arg0, %mul3A_3, %dma_wait3A_672] : memref<2x10112x64xf32, #tpu.memory_space<hbm>> -> memref<1x632x64xf32, #tpu.memory_space<hbm>>
      %dma_wait3A_674 = tpu.memref_squeeze %dma_wait3A_673 : memref<1x632x64xf32, #tpu.memory_space<hbm>> -> memref<632x64xf32, #tpu.memory_space<hbm>>
      tpu.wait_dma2 semaphore(%run_scoped3A_664 : memref<!tpu.dma_semaphore, #tpu.memory_space<semaphore_mem>>) src(%dma_wait3A_674 : memref<632x64xf32, #tpu.memory_space<hbm>>) dst(%dma_wait3A_671 : memref<632x64xf32, #tpu.memory_space<vmem_shared>>)
      tpu.yield
    }) : () -> ()
    %barrier3A = arith.constant 0 : index
    tpu.barrier barrier_id(%barrier3A)
    %mul3A_4 = arith.constant 64 : i32
    %mul3A_5 = arith.muli %arg0, %mul3A_4 : i32
    %broadcast_in_dim3A_6 = arith.constant 10000 : i32
    %broadcast_in_dim3A_7 = vector.broadcast %broadcast_in_dim3A_6 : i32 to vector<16xi32>
    %swap3A = arith.constant 0 : i32
    %swap3A_8 = arith.index_cast %swap3A : i32 to index
    %swap3A_9 = arith.constant 0 : index
    %swap3A_10 = tpu.vector_load %arg12[%swap3A_8, %swap3A_9] {strides = array<i32>} : memref<2x96xi32, #tpu.memory_space<vmem>>, vector<1x16xi32>,
    %swap3A_11 = vector.shape_cast %swap3A_10 : vector<1x16xi32> to vector<16xi32>
    %swap3A_12 = vector.shape_cast %broadcast_in_dim3A_7 : vector<16xi32> to vector<1x16xi32>
    tpu.vector_store %arg12[%swap3A_8, %swap3A_9], %swap3A_12 {strides = array<i32>} : memref<2x96xi32, #tpu.memory_space<vmem>>, vector<1x16xi32>,
    %broadcast_in_dim3A_13 = arith.constant 10000 : i32
    %broadcast_in_dim3A_14 = vector.broadcast %broadcast_in_dim3A_13 : i32 to vector<16xi32>
    %swap3A_15 = arith.constant 0 : i32
    %swap3A_16 = arith.index_cast %swap3A_15 : i32 to index
    %swap3A_17 = arith.constant 16 : index
    %swap3A_18 = tpu.vector_load %arg12[%swap3A_16, %swap3A_17] {strides = array<i32>} : memref<2x96xi32, #tpu.memory_space<vmem>>, vector<1x16xi32>,
    %swap3A_19 = vector.shape_cast %swap3A_18 : vector<1x16xi32> to vector<16xi32>
    %swap3A_20 = vector.shape_cast %broadcast_in_dim3A_14 : vector<16xi32> to vector<1x16xi32>
    tpu.vector_store %arg12[%swap3A_16, %swap3A_17], %swap3A_20 {strides = array<i32>} : memref<2x96xi32, #tpu.memory_space<vmem>>, vector<1x16xi32>,
    %broadcast_in_dim3A_21 = arith.constant 10000 : i32
    %broadcast_in_dim3A_22 = vector.broadcast %broadcast_in_dim3A_21 : i32 to vector<16xi32>
    %swap3A_23 = arith.constant 0 : i32
    %swap3A_24 = arith.index_cast %swap3A_23 : i32 to index
    %swap3A_25 = arith.constant 32 : index
    %swap3A_26 = tpu.vector_load %arg12[%swap3A_24, %swap3A_25] {strides = array<i32>} : memref<2x96xi32, #tpu.memory_space<vmem>>, vector<1x16xi32>,
    %swap3A_27 = vector.shape_cast %swap3A_26 : vector<1x16xi32> to vector<16xi32>
    %swap3A_28 = vector.shape_cast %broadcast_in_dim3A_22 : vector<16xi32> to vector<1x16xi32>
    tpu.vector_store %arg12[%swap3A_24, %swap3A_25], %swap3A_28 {strides = array<i32>} : memref<2x96xi32, #tpu.memory_space<vmem>>, vector<1x16xi32>,
    %broadcast_in_dim3A_29 = arith.constant 10000 : i32
    %broadcast_in_dim3A_30 = vector.broadcast %broadcast_in_dim3A_29 : i32 to vector<16xi32>
    %swap3A_31 = arith.constant 0 : i32
    %swap3A_32 = arith.index_cast %swap3A_31 : i32 to index
    %swap3A_33 = arith.constant 48 : index
    %swap3A_34 = tpu.vector_load %arg12[%swap3A_32, %swap3A_33] {strides = array<i32>} : memref<2x96xi32, #tpu.memory_space<vmem>>, vector<1x16xi32>,
    %swap3A_35 = vector.shape_cast %swap3A_34 : vector<1x16xi32> to vector<16xi32>
    %swap3A_36 = vector.shape_cast %broadcast_in_dim3A_30 : vector<16xi32> to vector<1x16xi32>
    tpu.vector_store %arg12[%swap3A_32, %swap3A_33], %swap3A_36 {strides = array<i32>} : memref<2x96xi32, #tpu.memory_space<vmem>>, vector<1x16xi32>,
    %broadcast_in_dim3A_37 = arith.constant 10000 : i32
    %broadcast_in_dim3A_38 = vector.broadcast %broadcast_in_dim3A_37 : i32 to vector<16xi32>
    %swap3A_39 = arith.constant 0 : i32
    %swap3A_40 = arith.index_cast %swap3A_39 : i32 to index
    %swap3A_41 = arith.constant 64 : index
    %swap3A_42 = tpu.vector_load %arg12[%swap3A_40, %swap3A_41] {strides = array<i32>} : memref<2x96xi32, #tpu.memory_space<vmem>>, vector<1x16xi32>,
    %swap3A_43 = vector.shape_cast %swap3A_42 : vector<1x16xi32> to vector<16xi32>
    %swap3A_44 = vector.shape_cast %broadcast_in_dim3A_38 : vector<16xi32> to vector<1x16xi32>
    tpu.vector_store %arg12[%swap3A_40, %swap3A_41], %swap3A_44 {strides = array<i32>} : memref<2x96xi32, #tpu.memory_space<vmem>>, vector<1x16xi32>,
    %broadcast_in_dim3A_45 = arith.constant 10000 : i32
    %broadcast_in_dim3A_46 = vector.broadcast %broadcast_in_dim3A_45 : i32 to vector<16xi32>
    %swap3A_47 = arith.constant 0 : i32
    %swap3A_48 = arith.index_cast %swap3A_47 : i32 to index
    %swap3A_49 = arith.constant 80 : index
    %swap3A_50 = tpu.vector_load %arg12[%swap3A_48, %swap3A_49] {strides = array<i32>} : memref<2x96xi32, #tpu.memory_space<vmem>>, vector<1x16xi32>,
    %swap3A_51 = vector.shape_cast %swap3A_50 : vector<1x16xi32> to vector<16xi32>
    %swap3A_52 = vector.shape_cast %broadcast_in_dim3A_46 : vector<16xi32> to vector<1x16xi32>
    tpu.vector_store %arg12[%swap3A_48, %swap3A_49], %swap3A_52 {strides = array<i32>} : memref<2x96xi32, #tpu.memory_space<vmem>>, vector<1x16xi32>,
    %dma_start3A = arith.constant 0 : i32
    %dma_start3A_53 = arith.constant 0 : i32
    %dma_start3A_54 = arith.constant 0 : i32
    %dma_start3A_55 = arith.constant 0 : i32
    %dma_start3A_56 = tpu.memref_slice %arg15[%dma_start3A, %dma_start3A_54, %dma_start3A_55] : memref<2x96x64xf32, #tpu.memory_space<vmem>> -> memref<1x96x64xf32, #tpu.memory_space<vmem>>
    %dma_start3A_57 = tpu.memref_squeeze %dma_start3A_56 : memref<1x96x64xf32, #tpu.memory_space<vmem>> -> memref<96x64xf32, #tpu.memory_space<vmem>>
    %dma_start3A_58 = arith.constant 0 : i32
    %dma_start3A_59 = tpu.memref_slice %arg12[%dma_start3A_53, %dma_start3A_58] : memref<2x96xi32, #tpu.memory_space<vmem>> -> memref<1x96xi32, #tpu.memory_space<vmem>>
    %dma_start3A_60 = tpu.memref_squeeze %dma_start3A_59 : memref<1x96xi32, #tpu.memory_space<vmem>> -> memref<96xi32, #tpu.memory_space<vmem>>
    %dma_start3A_61 = arith.constant 0 : i32
    %dma_start3A_62 = arith.constant 0 : i32
    %dma_start3A_63 = tpu.memref_slice %arg18[%dma_start3A_61, %dma_start3A_62] : memref<10112x64xf32, #tpu.memory_space<vmem_shared>> -> memref<10112x64xf32, #tpu.memory_space<vmem_shared>>
    tpu.enqueue_indirect_dma source(%dma_start3A_57 : memref<96x64xf32, #tpu.memory_space<vmem>>) target(%dma_start3A_63 : memref<10112x64xf32, #tpu.memory_space<vmem_shared>>) offsets(%dma_start3A_60 : memref<96xi32, #tpu.memory_space<vmem>>) semaphore(%arg23 : memref<!tpu.dma_semaphore, #tpu.memory_space<semaphore_mem>>) {add = true}
    %dma_start3A_64 = arith.constant 0 : i32
    %dma_start3A_65 = arith.constant 0 : i32
    %dma_start3A_66 = arith.constant 0 : i32
    %dma_start3A_67 = arith.constant 0 : i32
    %dma_start3A_68 = tpu.memref_slice %arg16[%dma_start3A_64, %dma_start3A_66, %dma_start3A_67] : memref<2x96x64xf32, #tpu.memory_space<vmem>> -> memref<1x96x64xf32, #tpu.memory_space<vmem>>
    %dma_start3A_69 = tpu.memref_squeeze %dma_start3A_68 : memref<1x96x64xf32, #tpu.memory_space<vmem>> -> memref<96x64xf32, #tpu.memory_space<vmem>>
    %dma_start3A_70 = arith.constant 0 : i32
    %dma_start3A_71 = tpu.memref_slice %arg12[%dma_start3A_65, %dma_start3A_70] : memref<2x96xi32, #tpu.memory_space<vmem>> -> memref<1x96xi32, #tpu.memory_space<vmem>>
    %dma_start3A_72 = tpu.memref_squeeze %dma_start3A_71 : memref<1x96xi32, #tpu.memory_space<vmem>> -> memref<96xi32, #tpu.memory_space<vmem>>
    %dma_start3A_73 = arith.constant 0 : i32
    %dma_start3A_74 = arith.constant 0 : i32
    %dma_start3A_75 = tpu.memref_slice %arg17[%dma_start3A_73, %dma_start3A_74] : memref<10112x64xf32, #tpu.memory_space<vmem_shared>> -> memref<10112x64xf32, #tpu.memory_space<vmem_shared>>
    tpu.enqueue_indirect_dma source(%dma_start3A_69 : memref<96x64xf32, #tpu.memory_space<vmem>>) target(%dma_start3A_75 : memref<10112x64xf32, #tpu.memory_space<vmem_shared>>) offsets(%dma_start3A_72 : memref<96xi32, #tpu.memory_space<vmem>>) semaphore(%arg23 : memref<!tpu.dma_semaphore, #tpu.memory_space<semaphore_mem>>) {add = true}
    %broadcast_in_dim3A_76 = arith.constant 10000 : i32
    %broadcast_in_dim3A_77 = vector.broadcast %broadcast_in_dim3A_76 : i32 to vector<16xi32>
    %swap3A_78 = arith.constant 1 : i32
    %swap3A_79 = arith.index_cast %swap3A_78 : i32 to index
    %swap3A_80 = arith.constant 0 : index
    %swap3A_81 = tpu.vector_load %arg12[%swap3A_79, %swap3A_80] {strides = array<i32>} : memref<2x96xi32, #tpu.memory_space<vmem>>, vector<1x16xi32>,
    %swap3A_82 = vector.shape_cast %swap3A_81 : vector<1x16xi32> to vector<16xi32>
    %swap3A_83 = vector.shape_cast %broadcast_in_dim3A_77 : vector<16xi32> to vector<1x16xi32>
    tpu.vector_store %arg12[%swap3A_79, %swap3A_80], %swap3A_83 {strides = array<i32>} : memref<2x96xi32, #tpu.memory_space<vmem>>, vector<1x16xi32>,
    %broadcast_in_dim3A_84 = arith.constant 10000 : i32
    %broadcast_in_dim3A_85 = vector.broadcast %broadcast_in_dim3A_84 : i32 to vector<16xi32>
    %swap3A_86 = arith.constant 1 : i32
    %swap3A_87 = arith.index_cast %swap3A_86 : i32 to index
    %swap3A_88 = arith.constant 16 : index
    %swap3A_89 = tpu.vector_load %arg12[%swap3A_87, %swap3A_88] {strides = array<i32>} : memref<2x96xi32, #tpu.memory_space<vmem>>, vector<1x16xi32>,
    %swap3A_90 = vector.shape_cast %swap3A_89 : vector<1x16xi32> to vector<16xi32>
    %swap3A_91 = vector.shape_cast %broadcast_in_dim3A_85 : vector<16xi32> to vector<1x16xi32>
    tpu.vector_store %arg12[%swap3A_87, %swap3A_88], %swap3A_91 {strides = array<i32>} : memref<2x96xi32, #tpu.memory_space<vmem>>, vector<1x16xi32>,
    %broadcast_in_dim3A_92 = arith.constant 10000 : i32
    %broadcast_in_dim3A_93 = vector.broadcast %broadcast_in_dim3A_92 : i32 to vector<16xi32>
    %swap3A_94 = arith.constant 1 : i32
    %swap3A_95 = arith.index_cast %swap3A_94 : i32 to index
    %swap3A_96 = arith.constant 32 : index
    %swap3A_97 = tpu.vector_load %arg12[%swap3A_95, %swap3A_96] {strides = array<i32>} : memref<2x96xi32, #tpu.memory_space<vmem>>, vector<1x16xi32>,
    %swap3A_98 = vector.shape_cast %swap3A_97 : vector<1x16xi32> to vector<16xi32>
    %swap3A_99 = vector.shape_cast %broadcast_in_dim3A_93 : vector<16xi32> to vector<1x16xi32>
    tpu.vector_store %arg12[%swap3A_95, %swap3A_96], %swap3A_99 {strides = array<i32>} : memref<2x96xi32, #tpu.memory_space<vmem>>, vector<1x16xi32>,
    %broadcast_in_dim3A_100 = arith.constant 10000 : i32
    %broadcast_in_dim3A_101 = vector.broadcast %broadcast_in_dim3A_100 : i32 to vector<16xi32>
    %swap3A_102 = arith.constant 1 : i32
    %swap3A_103 = arith.index_cast %swap3A_102 : i32 to index
    %swap3A_104 = arith.constant 48 : index
    %swap3A_105 = tpu.vector_load %arg12[%swap3A_103, %swap3A_104] {strides = array<i32>} : memref<2x96xi32, #tpu.memory_space<vmem>>, vector<1x16xi32>,
    %swap3A_106 = vector.shape_cast %swap3A_105 : vector<1x16xi32> to vector<16xi32>
    %swap3A_107 = vector.shape_cast %broadcast_in_dim3A_101 : vector<16xi32> to vector<1x16xi32>
    tpu.vector_store %arg12[%swap3A_103, %swap3A_104], %swap3A_107 {strides = array<i32>} : memref<2x96xi32, #tpu.memory_space<vmem>>, vector<1x16xi32>,
    %broadcast_in_dim3A_108 = arith.constant 10000 : i32
    %broadcast_in_dim3A_109 = vector.broadcast %broadcast_in_dim3A_108 : i32 to vector<16xi32>
    %swap3A_110 = arith.constant 1 : i32
    %swap3A_111 = arith.index_cast %swap3A_110 : i32 to index
    %swap3A_112 = arith.constant 64 : index
    %swap3A_113 = tpu.vector_load %arg12[%swap3A_111, %swap3A_112] {strides = array<i32>} : memref<2x96xi32, #tpu.memory_space<vmem>>, vector<1x16xi32>,
    %swap3A_114 = vector.shape_cast %swap3A_113 : vector<1x16xi32> to vector<16xi32>
    %swap3A_115 = vector.shape_cast %broadcast_in_dim3A_109 : vector<16xi32> to vector<1x16xi32>
    tpu.vector_store %arg12[%swap3A_111, %swap3A_112], %swap3A_115 {strides = array<i32>} : memref<2x96xi32, #tpu.memory_space<vmem>>, vector<1x16xi32>,
    %broadcast_in_dim3A_116 = arith.constant 10000 : i32
    %broadcast_in_dim3A_117 = vector.broadcast %broadcast_in_dim3A_116 : i32 to vector<16xi32>
    %swap3A_118 = arith.constant 1 : i32
    %swap3A_119 = arith.index_cast %swap3A_118 : i32 to index
    %swap3A_120 = arith.constant 80 : index
    %swap3A_121 = tpu.vector_load %arg12[%swap3A_119, %swap3A_120] {strides = array<i32>} : memref<2x96xi32, #tpu.memory_space<vmem>>, vector<1x16xi32>,
    %swap3A_122 = vector.shape_cast %swap3A_121 : vector<1x16xi32> to vector<16xi32>
    %swap3A_123 = vector.shape_cast %broadcast_in_dim3A_117 : vector<16xi32> to vector<1x16xi32>
    tpu.vector_store %arg12[%swap3A_119, %swap3A_120], %swap3A_123 {strides = array<i32>} : memref<2x96xi32, #tpu.memory_space<vmem>>, vector<1x16xi32>,
    %dma_start3A_124 = arith.constant 1 : i32
    %dma_start3A_125 = arith.constant 1 : i32
    %dma_start3A_126 = arith.constant 0 : i32
    %dma_start3A_127 = arith.constant 0 : i32
    %dma_start3A_128 = tpu.memref_slice %arg15[%dma_start3A_124, %dma_start3A_126, %dma_start3A_127] : memref<2x96x64xf32, #tpu.memory_space<vmem>> -> memref<1x96x64xf32, #tpu.memory_space<vmem>>
    %dma_start3A_129 = tpu.memref_squeeze %dma_start3A_128 : memref<1x96x64xf32, #tpu.memory_space<vmem>> -> memref<96x64xf32, #tpu.memory_space<vmem>>
    %dma_start3A_130 = arith.constant 0 : i32
    %dma_start3A_131 = tpu.memref_slice %arg12[%dma_start3A_125, %dma_start3A_130] : memref<2x96xi32, #tpu.memory_space<vmem>> -> memref<1x96xi32, #tpu.memory_space<vmem>>
    %dma_start3A_132 = tpu.memref_squeeze %dma_start3A_131 : memref<1x96xi32, #tpu.memory_space<vmem>> -> memref<96xi32, #tpu.memory_space<vmem>>
    %dma_start3A_133 = arith.constant 0 : i32
    %dma_start3A_134 = arith.constant 0 : i32
    %dma_start3A_135 = tpu.memref_slice %arg18[%dma_start3A_133, %dma_start3A_134] : memref<10112x64xf32, #tpu.memory_space<vmem_shared>> -> memref<10112x64xf32, #tpu.memory_space<vmem_shared>>
    tpu.enqueue_indirect_dma source(%dma_start3A_129 : memref<96x64xf32, #tpu.memory_space<vmem>>) target(%dma_start3A_135 : memref<10112x64xf32, #tpu.memory_space<vmem_shared>>) offsets(%dma_start3A_132 : memref<96xi32, #tpu.memory_space<vmem>>) semaphore(%arg24 : memref<!tpu.dma_semaphore, #tpu.memory_space<semaphore_mem>>) {add = true}
    %dma_start3A_136 = arith.constant 1 : i32
    %dma_start3A_137 = arith.constant 1 : i32
    %dma_start3A_138 = arith.constant 0 : i32
    %dma_start3A_139 = arith.constant 0 : i32
    %dma_start3A_140 = tpu.memref_slice %arg16[%dma_start3A_136, %dma_start3A_138, %dma_start3A_139] : memref<2x96x64xf32, #tpu.memory_space<vmem>> -> memref<1x96x64xf32, #tpu.memory_space<vmem>>
    %dma_start3A_141 = tpu.memref_squeeze %dma_start3A_140 : memref<1x96x64xf32, #tpu.memory_space<vmem>> -> memref<96x64xf32, #tpu.memory_space<vmem>>
    %dma_start3A_142 = arith.constant 0 : i32
    %dma_start3A_143 = tpu.memref_slice %arg12[%dma_start3A_137, %dma_start3A_142] : memref<2x96xi32, #tpu.memory_space<vmem>> -> memref<1x96xi32, #tpu.memory_space<vmem>>
    %dma_start3A_144 = tpu.memref_squeeze %dma_start3A_143 : memref<1x96xi32, #tpu.memory_space<vmem>> -> memref<96xi32, #tpu.memory_space<vmem>>
    %dma_start3A_145 = arith.constant 0 : i32
    %dma_start3A_146 = arith.constant 0 : i32
    %dma_start3A_147 = tpu.memref_slice %arg17[%dma_start3A_145, %dma_start3A_146] : memref<10112x64xf32, #tpu.memory_space<vmem_shared>> -> memref<10112x64xf32, #tpu.memory_space<vmem_shared>>
    tpu.enqueue_indirect_dma source(%dma_start3A_141 : memref<96x64xf32, #tpu.memory_space<vmem>>) target(%dma_start3A_147 : memref<10112x64xf32, #tpu.memory_space<vmem_shared>>) offsets(%dma_start3A_144 : memref<96xi32, #tpu.memory_space<vmem>>) semaphore(%arg24 : memref<!tpu.dma_semaphore, #tpu.memory_space<semaphore_mem>>) {add = true}
    %add3A = arith.constant 0 : i32
    %add3A_148 = arith.addi %add3A, %mul3A_0 : i32
    %dma_start3A_149 = arith.constant 0 : i32
    %dma_start3A_150 = arith.constant 0 : i32
    %dma_start3A_151 = tpu.memref_slice %arg10[%dma_start3A_149, %dma_start3A_150] : memref<2x96xi32, #tpu.memory_space<vmem>> -> memref<1x96xi32, #tpu.memory_space<vmem>>
    %dma_start3A_152 = tpu.memref_squeeze %dma_start3A_151 : memref<1x96xi32, #tpu.memory_space<vmem>> -> memref<96xi32, #tpu.memory_space<vmem>>
    %dma_start3A_153 = tpu.memref_slice %arg3[%add3A_148] : memref<320000xi32, #tpu.memory_space<hbm>> -> memref<96xi32, #tpu.memory_space<hbm>>
    %dma_start3A_154 = arith.constant 0 : i32
    %dma_start3A_155 = tpu.memref_slice %arg10[%dma_start3A_149, %dma_start3A_154] : memref<2x96xi32, #tpu.memory_space<vmem>> -> memref<1x96xi32, #tpu.memory_space<vmem>>
    %dma_start3A_156 = tpu.memref_squeeze %dma_start3A_155 : memref<1x96xi32, #tpu.memory_space<vmem>> -> memref<96xi32, #tpu.memory_space<vmem>>
    %dma_start3A_157 = tpu.memref_slice %arg3[%add3A_148] : memref<320000xi32, #tpu.memory_space<hbm>> -> memref<96xi32, #tpu.memory_space<hbm>>
    tpu.enqueue_dma source(%dma_start3A_157 : memref<96xi32, #tpu.memory_space<hbm>>) target(%dma_start3A_156 : memref<96xi32, #tpu.memory_space<vmem>>) target_semaphore(%arg19 : memref<!tpu.dma_semaphore, #tpu.memory_space<semaphore_mem>>)
    %add3A_158 = arith.constant 0 : i32
    %add3A_159 = arith.addi %add3A_158, %mul3A_0 : i32
    %dma_start3A_160 = arith.constant 0 : i32
    %dma_start3A_161 = arith.constant 0 : i32
    %dma_start3A_162 = tpu.memref_slice %arg11[%dma_start3A_160, %dma_start3A_161] : memref<2x96xi32, #tpu.memory_space<vmem>> -> memref<1x96xi32, #tpu.memory_space<vmem>>
    %dma_start3A_163 = tpu.memref_squeeze %dma_start3A_162 : memref<1x96xi32, #tpu.memory_space<vmem>> -> memref<96xi32, #tpu.memory_space<vmem>>
    %dma_start3A_164 = tpu.memref_slice %arg4[%add3A_159] : memref<320000xi32, #tpu.memory_space<hbm>> -> memref<96xi32, #tpu.memory_space<hbm>>
    %dma_start3A_165 = arith.constant 0 : i32
    %dma_start3A_166 = tpu.memref_slice %arg11[%dma_start3A_160, %dma_start3A_165] : memref<2x96xi32, #tpu.memory_space<vmem>> -> memref<1x96xi32, #tpu.memory_space<vmem>>
    %dma_start3A_167 = tpu.memref_squeeze %dma_start3A_166 : memref<1x96xi32, #tpu.memory_space<vmem>> -> memref<96xi32, #tpu.memory_space<vmem>>
    %dma_start3A_168 = tpu.memref_slice %arg4[%add3A_159] : memref<320000xi32, #tpu.memory_space<hbm>> -> memref<96xi32, #tpu.memory_space<hbm>>
    tpu.enqueue_dma source(%dma_start3A_168 : memref<96xi32, #tpu.memory_space<hbm>>) target(%dma_start3A_167 : memref<96xi32, #tpu.memory_space<vmem>>) target_semaphore(%arg19 : memref<!tpu.dma_semaphore, #tpu.memory_space<semaphore_mem>>)
    %add3A_169 = arith.constant 0 : i32
    %add3A_170 = arith.addi %add3A_169, %mul3A_0 : i32
    %dma_wait3A = arith.constant 0 : i32
    %dma_wait3A_171 = arith.constant 0 : i32
    %dma_wait3A_172 = tpu.memref_slice %arg10[%dma_wait3A, %dma_wait3A_171] : memref<2x96xi32, #tpu.memory_space<vmem>> -> memref<1x96xi32, #tpu.memory_space<vmem>>
    %dma_wait3A_173 = tpu.memref_squeeze %dma_wait3A_172 : memref<1x96xi32, #tpu.memory_space<vmem>> -> memref<96xi32, #tpu.memory_space<vmem>>
    %dma_wait3A_174 = tpu.memref_slice %arg3[%add3A_170] : memref<320000xi32, #tpu.memory_space<hbm>> -> memref<96xi32, #tpu.memory_space<hbm>>
    %dma_wait3A_175 = arith.constant 0 : i32
    %dma_wait3A_176 = tpu.memref_slice %arg10[%dma_wait3A, %dma_wait3A_175] : memref<2x96xi32, #tpu.memory_space<vmem>> -> memref<1x96xi32, #tpu.memory_space<vmem>>
    %dma_wait3A_177 = tpu.memref_squeeze %dma_wait3A_176 : memref<1x96xi32, #tpu.memory_space<vmem>> -> memref<96xi32, #tpu.memory_space<vmem>>
    %dma_wait3A_178 = tpu.memref_slice %arg3[%add3A_170] : memref<320000xi32, #tpu.memory_space<hbm>> -> memref<96xi32, #tpu.memory_space<hbm>>
    tpu.wait_dma2 semaphore(%arg19 : memref<!tpu.dma_semaphore, #tpu.memory_space<semaphore_mem>>) src(%dma_wait3A_178 : memref<96xi32, #tpu.memory_space<hbm>>) dst(%dma_wait3A_177 : memref<96xi32, #tpu.memory_space<vmem>>)
    %add3A_179 = arith.constant 0 : i32
    %add3A_180 = arith.addi %add3A_179, %mul3A_0 : i32
    %dma_wait3A_181 = arith.constant 0 : i32
    %dma_wait3A_182 = arith.constant 0 : i32
    %dma_wait3A_183 = tpu.memref_slice %arg11[%dma_wait3A_181, %dma_wait3A_182] : memref<2x96xi32, #tpu.memory_space<vmem>> -> memref<1x96xi32, #tpu.memory_space<vmem>>
    %dma_wait3A_184 = tpu.memref_squeeze %dma_wait3A_183 : memref<1x96xi32, #tpu.memory_space<vmem>> -> memref<96xi32, #tpu.memory_space<vmem>>
    %dma_wait3A_185 = tpu.memref_slice %arg4[%add3A_180] : memref<320000xi32, #tpu.memory_space<hbm>> -> memref<96xi32, #tpu.memory_space<hbm>>
    %dma_wait3A_186 = arith.constant 0 : i32
    %dma_wait3A_187 = tpu.memref_slice %arg11[%dma_wait3A_181, %dma_wait3A_186] : memref<2x96xi32, #tpu.memory_space<vmem>> -> memref<1x96xi32, #tpu.memory_space<vmem>>
    %dma_wait3A_188 = tpu.memref_squeeze %dma_wait3A_187 : memref<1x96xi32, #tpu.memory_space<vmem>> -> memref<96xi32, #tpu.memory_space<vmem>>
    %dma_wait3A_189 = tpu.memref_slice %arg4[%add3A_180] : memref<320000xi32, #tpu.memory_space<hbm>> -> memref<96xi32, #tpu.memory_space<hbm>>
    tpu.wait_dma2 semaphore(%arg19 : memref<!tpu.dma_semaphore, #tpu.memory_space<semaphore_mem>>) src(%dma_wait3A_189 : memref<96xi32, #tpu.memory_space<hbm>>) dst(%dma_wait3A_188 : memref<96xi32, #tpu.memory_space<vmem>>)
    %get3A = arith.constant 0 : i32
    %get3A_190 = arith.index_cast %get3A : i32 to index
    %get3A_191 = arith.constant 0 : index
    %get3A_192 = tpu.vector_load %arg10[%get3A_190, %get3A_191] {strides = array<i32>} : memref<2x96xi32, #tpu.memory_space<vmem>>, vector<1x16xi32>,
    %get3A_193 = vector.shape_cast %get3A_192 : vector<1x16xi32> to vector<16xi32>
    %mul3A_194 = arith.constant 2 : i32
    %mul3A_195 = vector.broadcast %mul3A_194 : i32 to vector<16xi32>
    %mul3A_196 = arith.muli %get3A_193, %mul3A_195 : vector<16xi32>
    %add3A_197 = vector.broadcast %arg0 : i32 to vector<16xi32>
    %add3A_198 = arith.addi %mul3A_196, %add3A_197 : vector<16xi32>
    %swap3A_199 = arith.constant 0 : i32
    %swap3A_200 = arith.index_cast %swap3A_199 : i32 to index
    %swap3A_201 = arith.constant 0 : index
    %swap3A_202 = tpu.vector_load %arg10[%swap3A_200, %swap3A_201] {strides = array<i32>} : memref<2x96xi32, #tpu.memory_space<vmem>>, vector<1x16xi32>,
    %swap3A_203 = vector.shape_cast %swap3A_202 : vector<1x16xi32> to vector<16xi32>
    %swap3A_204 = vector.shape_cast %add3A_198 : vector<16xi32> to vector<1x16xi32>
    tpu.vector_store %arg10[%swap3A_200, %swap3A_201], %swap3A_204 {strides = array<i32>} : memref<2x96xi32, #tpu.memory_space<vmem>>, vector<1x16xi32>,
    %get3A_205 = arith.constant 0 : i32
    %get3A_206 = arith.index_cast %get3A_205 : i32 to index
    %get3A_207 = arith.constant 16 : index
    %get3A_208 = tpu.vector_load %arg10[%get3A_206, %get3A_207] {strides = array<i32>} : memref<2x96xi32, #tpu.memory_space<vmem>>, vector<1x16xi32>,
    %get3A_209 = vector.shape_cast %get3A_208 : vector<1x16xi32> to vector<16xi32>
    %mul3A_210 = arith.constant 2 : i32
    %mul3A_211 = vector.broadcast %mul3A_210 : i32 to vector<16xi32>
    %mul3A_212 = arith.muli %get3A_209, %mul3A_211 : vector<16xi32>
    %add3A_213 = vector.broadcast %arg0 : i32 to vector<16xi32>
    %add3A_214 = arith.addi %mul3A_212, %add3A_213 : vector<16xi32>
    %swap3A_215 = arith.constant 0 : i32
    %swap3A_216 = arith.index_cast %swap3A_215 : i32 to index
    %swap3A_217 = arith.constant 16 : index
    %swap3A_218 = tpu.vector_load %arg10[%swap3A_216, %swap3A_217] {strides = array<i32>} : memref<2x96xi32, #tpu.memory_space<vmem>>, vector<1x16xi32>,
    %swap3A_219 = vector.shape_cast %swap3A_218 : vector<1x16xi32> to vector<16xi32>
    %swap3A_220 = vector.shape_cast %add3A_214 : vector<16xi32> to vector<1x16xi32>
    tpu.vector_store %arg10[%swap3A_216, %swap3A_217], %swap3A_220 {strides = array<i32>} : memref<2x96xi32, #tpu.memory_space<vmem>>, vector<1x16xi32>,
    %get3A_221 = arith.constant 0 : i32
    %get3A_222 = arith.index_cast %get3A_221 : i32 to index
    %get3A_223 = arith.constant 32 : index
    %get3A_224 = tpu.vector_load %arg10[%get3A_222, %get3A_223] {strides = array<i32>} : memref<2x96xi32, #tpu.memory_space<vmem>>, vector<1x16xi32>,
    %get3A_225 = vector.shape_cast %get3A_224 : vector<1x16xi32> to vector<16xi32>
    %mul3A_226 = arith.constant 2 : i32
    %mul3A_227 = vector.broadcast %mul3A_226 : i32 to vector<16xi32>
    %mul3A_228 = arith.muli %get3A_225, %mul3A_227 : vector<16xi32>
    %add3A_229 = vector.broadcast %arg0 : i32 to vector<16xi32>
    %add3A_230 = arith.addi %mul3A_228, %add3A_229 : vector<16xi32>
    %swap3A_231 = arith.constant 0 : i32
    %swap3A_232 = arith.index_cast %swap3A_231 : i32 to index
    %swap3A_233 = arith.constant 32 : index
    %swap3A_234 = tpu.vector_load %arg10[%swap3A_232, %swap3A_233] {strides = array<i32>} : memref<2x96xi32, #tpu.memory_space<vmem>>, vector<1x16xi32>,
    %swap3A_235 = vector.shape_cast %swap3A_234 : vector<1x16xi32> to vector<16xi32>
    %swap3A_236 = vector.shape_cast %add3A_230 : vector<16xi32> to vector<1x16xi32>
    tpu.vector_store %arg10[%swap3A_232, %swap3A_233], %swap3A_236 {strides = array<i32>} : memref<2x96xi32, #tpu.memory_space<vmem>>, vector<1x16xi32>,
    %get3A_237 = arith.constant 0 : i32
    %get3A_238 = arith.index_cast %get3A_237 : i32 to index
    %get3A_239 = arith.constant 48 : index
    %get3A_240 = tpu.vector_load %arg10[%get3A_238, %get3A_239] {strides = array<i32>} : memref<2x96xi32, #tpu.memory_space<vmem>>, vector<1x16xi32>,
    %get3A_241 = vector.shape_cast %get3A_240 : vector<1x16xi32> to vector<16xi32>
    %mul3A_242 = arith.constant 2 : i32
    %mul3A_243 = vector.broadcast %mul3A_242 : i32 to vector<16xi32>
    %mul3A_244 = arith.muli %get3A_241, %mul3A_243 : vector<16xi32>
    %add3A_245 = vector.broadcast %arg0 : i32 to vector<16xi32>
    %add3A_246 = arith.addi %mul3A_244, %add3A_245 : vector<16xi32>
    %swap3A_247 = arith.constant 0 : i32
    %swap3A_248 = arith.index_cast %swap3A_247 : i32 to index
    %swap3A_249 = arith.constant 48 : index
    %swap3A_250 = tpu.vector_load %arg10[%swap3A_248, %swap3A_249] {strides = array<i32>} : memref<2x96xi32, #tpu.memory_space<vmem>>, vector<1x16xi32>,
    %swap3A_251 = vector.shape_cast %swap3A_250 : vector<1x16xi32> to vector<16xi32>
    %swap3A_252 = vector.shape_cast %add3A_246 : vector<16xi32> to vector<1x16xi32>
    tpu.vector_store %arg10[%swap3A_248, %swap3A_249], %swap3A_252 {strides = array<i32>} : memref<2x96xi32, #tpu.memory_space<vmem>>, vector<1x16xi32>,
    %get3A_253 = arith.constant 0 : i32
    %get3A_254 = arith.index_cast %get3A_253 : i32 to index
    %get3A_255 = arith.constant 64 : index
    %get3A_256 = tpu.vector_load %arg10[%get3A_254, %get3A_255] {strides = array<i32>} : memref<2x96xi32, #tpu.memory_space<vmem>>, vector<1x16xi32>,
    %get3A_257 = vector.shape_cast %get3A_256 : vector<1x16xi32> to vector<16xi32>
    %mul3A_258 = arith.constant 2 : i32
    %mul3A_259 = vector.broadcast %mul3A_258 : i32 to vector<16xi32>
    %mul3A_260 = arith.muli %get3A_257, %mul3A_259 : vector<16xi32>
    %add3A_261 = vector.broadcast %arg0 : i32 to vector<16xi32>
    %add3A_262 = arith.addi %mul3A_260, %add3A_261 : vector<16xi32>
    %swap3A_263 = arith.constant 0 : i32
    %swap3A_264 = arith.index_cast %swap3A_263 : i32 to index
    %swap3A_265 = arith.constant 64 : index
    %swap3A_266 = tpu.vector_load %arg10[%swap3A_264, %swap3A_265] {strides = array<i32>} : memref<2x96xi32, #tpu.memory_space<vmem>>, vector<1x16xi32>,
    %swap3A_267 = vector.shape_cast %swap3A_266 : vector<1x16xi32> to vector<16xi32>
    %swap3A_268 = vector.shape_cast %add3A_262 : vector<16xi32> to vector<1x16xi32>
    tpu.vector_store %arg10[%swap3A_264, %swap3A_265], %swap3A_268 {strides = array<i32>} : memref<2x96xi32, #tpu.memory_space<vmem>>, vector<1x16xi32>,
    %get3A_269 = arith.constant 0 : i32
    %get3A_270 = arith.index_cast %get3A_269 : i32 to index
    %get3A_271 = arith.constant 80 : index
    %get3A_272 = tpu.vector_load %arg10[%get3A_270, %get3A_271] {strides = array<i32>} : memref<2x96xi32, #tpu.memory_space<vmem>>, vector<1x16xi32>,
    %get3A_273 = vector.shape_cast %get3A_272 : vector<1x16xi32> to vector<16xi32>
    %mul3A_274 = arith.constant 2 : i32
    %mul3A_275 = vector.broadcast %mul3A_274 : i32 to vector<16xi32>
    %mul3A_276 = arith.muli %get3A_273, %mul3A_275 : vector<16xi32>
    %add3A_277 = vector.broadcast %arg0 : i32 to vector<16xi32>
    %add3A_278 = arith.addi %mul3A_276, %add3A_277 : vector<16xi32>
    %swap3A_279 = arith.constant 0 : i32
    %swap3A_280 = arith.index_cast %swap3A_279 : i32 to index
    %swap3A_281 = arith.constant 80 : index
    %swap3A_282 = tpu.vector_load %arg10[%swap3A_280, %swap3A_281] {strides = array<i32>} : memref<2x96xi32, #tpu.memory_space<vmem>>, vector<1x16xi32>,
    %swap3A_283 = vector.shape_cast %swap3A_282 : vector<1x16xi32> to vector<16xi32>
    %swap3A_284 = vector.shape_cast %add3A_278 : vector<16xi32> to vector<1x16xi32>
    tpu.vector_store %arg10[%swap3A_280, %swap3A_281], %swap3A_284 {strides = array<i32>} : memref<2x96xi32, #tpu.memory_space<vmem>>, vector<1x16xi32>,
    %dma_start3A_285 = arith.constant 0 : i32
    %dma_start3A_286 = arith.constant 0 : i32
    %dma_start3A_287 = arith.constant 0 : i32
    %dma_start3A_288 = arith.constant 0 : i32
    %dma_start3A_289 = tpu.memref_slice %arg13[%dma_start3A_286, %dma_start3A_287, %dma_start3A_288] : memref<2x96x64xf32, #tpu.memory_space<vmem>> -> memref<1x96x64xf32, #tpu.memory_space<vmem>>
    %dma_start3A_290 = tpu.memref_squeeze %dma_start3A_289 : memref<1x96x64xf32, #tpu.memory_space<vmem>> -> memref<96x64xf32, #tpu.memory_space<vmem>>
    %dma_start3A_291 = arith.constant 0 : i32
    %dma_start3A_292 = tpu.memref_slice %arg10[%dma_start3A_285, %dma_start3A_291] : memref<2x96xi32, #tpu.memory_space<vmem>> -> memref<1x96xi32, #tpu.memory_space<vmem>>
    %dma_start3A_293 = tpu.memref_squeeze %dma_start3A_292 : memref<1x96xi32, #tpu.memory_space<vmem>> -> memref<96xi32, #tpu.memory_space<vmem>>
    %dma_start3A_294 = arith.constant 0 : i32
    %dma_start3A_295 = arith.constant 0 : i32
    %dma_start3A_296 = tpu.memref_slice %arg2[%dma_start3A_294, %dma_start3A_295] : memref<20000x64xf32, #tpu.memory_space<hbm>> -> memref<20000x64xf32, #tpu.memory_space<hbm>>
    tpu.enqueue_indirect_dma source(%dma_start3A_296 : memref<20000x64xf32, #tpu.memory_space<hbm>>) target(%dma_start3A_290 : memref<96x64xf32, #tpu.memory_space<vmem>>) offsets(%dma_start3A_293 : memref<96xi32, #tpu.memory_space<vmem>>) semaphore(%arg21 : memref<!tpu.dma_semaphore, #tpu.memory_space<semaphore_mem>>)
    %dma_start3A_297 = arith.constant 0 : i32
    %dma_start3A_298 = arith.constant 0 : i32
    %dma_start3A_299 = arith.constant 0 : i32
    %dma_start3A_300 = tpu.memref_slice %arg14[%dma_start3A_297, %dma_start3A_298, %dma_start3A_299] : memref<2x96x64xf32, #tpu.memory_space<vmem>> -> memref<1x96x64xf32, #tpu.memory_space<vmem>>
    %dma_start3A_301 = tpu.memref_squeeze %dma_start3A_300 : memref<1x96x64xf32, #tpu.memory_space<vmem>> -> memref<96x64xf32, #tpu.memory_space<vmem>>
    %dma_start3A_302 = tpu.memref_slice %arg5[%mul3A_0, %mul3A_5] : memref<320000x128xf32, #tpu.memory_space<hbm>> -> memref<96x64xf32, #tpu.memory_space<hbm>>
    %dma_start3A_303 = arith.constant 0 : i32
    %dma_start3A_304 = arith.constant 0 : i32
    %dma_start3A_305 = tpu.memref_slice %arg14[%dma_start3A_297, %dma_start3A_303, %dma_start3A_304] : memref<2x96x64xf32, #tpu.memory_space<vmem>> -> memref<1x96x64xf32, #tpu.memory_space<vmem>>
    %dma_start3A_306 = tpu.memref_squeeze %dma_start3A_305 : memref<1x96x64xf32, #tpu.memory_space<vmem>> -> memref<96x64xf32, #tpu.memory_space<vmem>>
    %dma_start3A_307 = tpu.memref_slice %arg5[%mul3A_0, %mul3A_5] : memref<320000x128xf32, #tpu.memory_space<hbm>> -> memref<96x64xf32, #tpu.memory_space<hbm>>
    tpu.enqueue_dma source(%dma_start3A_307 : memref<96x64xf32, #tpu.memory_space<hbm>>) target(%dma_start3A_306 : memref<96x64xf32, #tpu.memory_space<vmem>>) target_semaphore(%arg21 : memref<!tpu.dma_semaphore, #tpu.memory_space<semaphore_mem>>)
    %add3A_308 = arith.constant 96 : i32
    %add3A_309 = arith.addi %mul3A_0, %add3A_308 : i32
    %add3A_310 = arith.constant 0 : i32
    %add3A_311 = arith.addi %add3A_310, %add3A_309 : i32
    %dma_start3A_312 = arith.constant 1 : i32
    %dma_start3A_313 = arith.constant 0 : i32
    %dma_start3A_314 = tpu.memref_slice %arg10[%dma_start3A_312, %dma_start3A_313] : memref<2x96xi32, #tpu.memory_space<vmem>> -> memref<1x96xi32, #tpu.memory_space<vmem>>
    %dma_start3A_315 = tpu.memref_squeeze %dma_start3A_314 : memref<1x96xi32, #tpu.memory_space<vmem>> -> memref<96xi32, #tpu.memory_space<vmem>>
    %dma_start3A_316 = tpu.memref_slice %arg3[%add3A_311] : memref<320000xi32, #tpu.memory_space<hbm>> -> memref<96xi32, #tpu.memory_space<hbm>>
    %dma_start3A_317 = arith.constant 0 : i32
    %dma_start3A_318 = tpu.memref_slice %arg10[%dma_start3A_312, %dma_start3A_317] : memref<2x96xi32, #tpu.memory_space<vmem>> -> memref<1x96xi32, #tpu.memory_space<vmem>>
    %dma_start3A_319 = tpu.memref_squeeze %dma_start3A_318 : memref<1x96xi32, #tpu.memory_space<vmem>> -> memref<96xi32, #tpu.memory_space<vmem>>
    %dma_start3A_320 = tpu.memref_slice %arg3[%add3A_311] : memref<320000xi32, #tpu.memory_space<hbm>> -> memref<96xi32, #tpu.memory_space<hbm>>
    tpu.enqueue_dma source(%dma_start3A_320 : memref<96xi32, #tpu.memory_space<hbm>>) target(%dma_start3A_319 : memref<96xi32, #tpu.memory_space<vmem>>) target_semaphore(%arg20 : memref<!tpu.dma_semaphore, #tpu.memory_space<semaphore_mem>>)
    %add3A_321 = arith.constant 0 : i32
    %add3A_322 = arith.addi %add3A_321, %add3A_309 : i32
    %dma_start3A_323 = arith.constant 1 : i32
    %dma_start3A_324 = arith.constant 0 : i32
    %dma_start3A_325 = tpu.memref_slice %arg11[%dma_start3A_323, %dma_start3A_324] : memref<2x96xi32, #tpu.memory_space<vmem>> -> memref<1x96xi32, #tpu.memory_space<vmem>>
    %dma_start3A_326 = tpu.memref_squeeze %dma_start3A_325 : memref<1x96xi32, #tpu.memory_space<vmem>> -> memref<96xi32, #tpu.memory_space<vmem>>
    %dma_start3A_327 = tpu.memref_slice %arg4[%add3A_322] : memref<320000xi32, #tpu.memory_space<hbm>> -> memref<96xi32, #tpu.memory_space<hbm>>
    %dma_start3A_328 = arith.constant 0 : i32
    %dma_start3A_329 = tpu.memref_slice %arg11[%dma_start3A_323, %dma_start3A_328] : memref<2x96xi32, #tpu.memory_space<vmem>> -> memref<1x96xi32, #tpu.memory_space<vmem>>
    %dma_start3A_330 = tpu.memref_squeeze %dma_start3A_329 : memref<1x96xi32, #tpu.memory_space<vmem>> -> memref<96xi32, #tpu.memory_space<vmem>>
    %dma_start3A_331 = tpu.memref_slice %arg4[%add3A_322] : memref<320000xi32, #tpu.memory_space<hbm>> -> memref<96xi32, #tpu.memory_space<hbm>>
    tpu.enqueue_dma source(%dma_start3A_331 : memref<96xi32, #tpu.memory_space<hbm>>) target(%dma_start3A_330 : memref<96xi32, #tpu.memory_space<vmem>>) target_semaphore(%arg20 : memref<!tpu.dma_semaphore, #tpu.memory_space<semaphore_mem>>)
    %scan3A = arith.constant 0 : i32
    %scan3A_332 = arith.constant 0 : i32
    %scan3A_333 = arith.constant 104 : i32
    %scan3A_334 = arith.addi %scan3A_332, %scan3A_333 : i32
    %scan3A_335 = arith.constant 1 : i32
    %scan3A_336 = scf.for %scan3A_664 = %scan3A_332 to %scan3A_334 step %scan3A_335 iter_args(%scan3A_665 = %scan3A) -> (i32)  : i32 {
      %mul3A_666 = arith.constant 2 : i32
      %mul3A_667 = arith.muli %mul3A_666, %scan3A_664 : i32
      %add3A_668 = arith.constant 0 : i32
      %add3A_669 = arith.addi %mul3A_667, %add3A_668 : i32
      %le3A = arith.constant 206 : i32
      %le3A_670 = arith.cmpi sle, %add3A_669, %le3A : i32
      %convert_element_type3A = arith.extui %le3A_670 : i1 to i32
      %cond3A = arith.constant 0 : i32
      %cond3A_671 = arith.cmpi ne, %convert_element_type3A, %cond3A : i32
      scf.if %cond3A_671 {
        %add3A_986 = arith.constant 1 : i32
        %add3A_987 = arith.addi %add3A_669, %add3A_986 : i32
        %mul3A_988 = arith.constant 96 : i32
        %mul3A_989 = arith.muli %add3A_987, %mul3A_988 : i32
        %add3A_990 = arith.addi %mul3A_0, %mul3A_989 : i32
        %add3A_991 = arith.constant 0 : i32
        %add3A_992 = arith.addi %add3A_991, %add3A_990 : i32
        %dma_wait3A_993 = arith.constant 1 : i32
        %dma_wait3A_994 = arith.constant 0 : i32
        %dma_wait3A_995 = tpu.memref_slice %arg10[%dma_wait3A_993, %dma_wait3A_994] : memref<2x96xi32, #tpu.memory_space<vmem>> -> memref<1x96xi32, #tpu.memory_space<vmem>>
        %dma_wait3A_996 = tpu.memref_squeeze %dma_wait3A_995 : memref<1x96xi32, #tpu.memory_space<vmem>> -> memref<96xi32, #tpu.memory_space<vmem>>
        %dma_wait3A_997 = tpu.memref_slice %arg3[%add3A_992] : memref<320000xi32, #tpu.memory_space<hbm>> -> memref<96xi32, #tpu.memory_space<hbm>>
        %dma_wait3A_998 = arith.constant 0 : i32
        %dma_wait3A_999 = tpu.memref_slice %arg10[%dma_wait3A_993, %dma_wait3A_998] : memref<2x96xi32, #tpu.memory_space<vmem>> -> memref<1x96xi32, #tpu.memory_space<vmem>>
        %dma_wait3A_1000 = tpu.memref_squeeze %dma_wait3A_999 : memref<1x96xi32, #tpu.memory_space<vmem>> -> memref<96xi32, #tpu.memory_space<vmem>>
        %dma_wait3A_1001 = tpu.memref_slice %arg3[%add3A_992] : memref<320000xi32, #tpu.memory_space<hbm>> -> memref<96xi32, #tpu.memory_space<hbm>>
        tpu.wait_dma2 semaphore(%arg20 : memref<!tpu.dma_semaphore, #tpu.memory_space<semaphore_mem>>) src(%dma_wait3A_1001 : memref<96xi32, #tpu.memory_space<hbm>>) dst(%dma_wait3A_1000 : memref<96xi32, #tpu.memory_space<vmem>>)
        %add3A_1002 = arith.constant 0 : i32
        %add3A_1003 = arith.addi %add3A_1002, %add3A_990 : i32
        %dma_wait3A_1004 = arith.constant 1 : i32
        %dma_wait3A_1005 = arith.constant 0 : i32
        %dma_wait3A_1006 = tpu.memref_slice %arg11[%dma_wait3A_1004, %dma_wait3A_1005] : memref<2x96xi32, #tpu.memory_space<vmem>> -> memref<1x96xi32, #tpu.memory_space<vmem>>
        %dma_wait3A_1007 = tpu.memref_squeeze %dma_wait3A_1006 : memref<1x96xi32, #tpu.memory_space<vmem>> -> memref<96xi32, #tpu.memory_space<vmem>>
        %dma_wait3A_1008 = tpu.memref_slice %arg4[%add3A_1003] : memref<320000xi32, #tpu.memory_space<hbm>> -> memref<96xi32, #tpu.memory_space<hbm>>
        %dma_wait3A_1009 = arith.constant 0 : i32
        %dma_wait3A_1010 = tpu.memref_slice %arg11[%dma_wait3A_1004, %dma_wait3A_1009] : memref<2x96xi32, #tpu.memory_space<vmem>> -> memref<1x96xi32, #tpu.memory_space<vmem>>
        %dma_wait3A_1011 = tpu.memref_squeeze %dma_wait3A_1010 : memref<1x96xi32, #tpu.memory_space<vmem>> -> memref<96xi32, #tpu.memory_space<vmem>>
        %dma_wait3A_1012 = tpu.memref_slice %arg4[%add3A_1003] : memref<320000xi32, #tpu.memory_space<hbm>> -> memref<96xi32, #tpu.memory_space<hbm>>
        tpu.wait_dma2 semaphore(%arg20 : memref<!tpu.dma_semaphore, #tpu.memory_space<semaphore_mem>>) src(%dma_wait3A_1012 : memref<96xi32, #tpu.memory_space<hbm>>) dst(%dma_wait3A_1011 : memref<96xi32, #tpu.memory_space<vmem>>)
        %get3A_1013 = arith.constant 1 : i32
        %get3A_1014 = arith.index_cast %get3A_1013 : i32 to index
        %get3A_1015 = arith.constant 0 : index
        %get3A_1016 = tpu.vector_load %arg10[%get3A_1014, %get3A_1015] {strides = array<i32>} : memref<2x96xi32, #tpu.memory_space<vmem>>, vector<1x16xi32>,
        %get3A_1017 = vector.shape_cast %get3A_1016 : vector<1x16xi32> to vector<16xi32>
        %mul3A_1018 = arith.constant 2 : i32
        %mul3A_1019 = vector.broadcast %mul3A_1018 : i32 to vector<16xi32>
        %mul3A_1020 = arith.muli %get3A_1017, %mul3A_1019 : vector<16xi32>
        %add3A_1021 = vector.broadcast %arg0 : i32 to vector<16xi32>
        %add3A_1022 = arith.addi %mul3A_1020, %add3A_1021 : vector<16xi32>
        %swap3A_1023 = arith.constant 1 : i32
        %swap3A_1024 = arith.index_cast %swap3A_1023 : i32 to index
        %swap3A_1025 = arith.constant 0 : index
        %swap3A_1026 = tpu.vector_load %arg10[%swap3A_1024, %swap3A_1025] {strides = array<i32>} : memref<2x96xi32, #tpu.memory_space<vmem>>, vector<1x16xi32>,
        %swap3A_1027 = vector.shape_cast %swap3A_1026 : vector<1x16xi32> to vector<16xi32>
        %swap3A_1028 = vector.shape_cast %add3A_1022 : vector<16xi32> to vector<1x16xi32>
        tpu.vector_store %arg10[%swap3A_1024, %swap3A_1025], %swap3A_1028 {strides = array<i32>} : memref<2x96xi32, #tpu.memory_space<vmem>>, vector<1x16xi32>,
        %get3A_1029 = arith.constant 1 : i32
        %get3A_1030 = arith.index_cast %get3A_1029 : i32 to index
        %get3A_1031 = arith.constant 16 : index
        %get3A_1032 = tpu.vector_load %arg10[%get3A_1030, %get3A_1031] {strides = array<i32>} : memref<2x96xi32, #tpu.memory_space<vmem>>, vector<1x16xi32>,
        %get3A_1033 = vector.shape_cast %get3A_1032 : vector<1x16xi32> to vector<16xi32>
        %mul3A_1034 = arith.constant 2 : i32
        %mul3A_1035 = vector.broadcast %mul3A_1034 : i32 to vector<16xi32>
        %mul3A_1036 = arith.muli %get3A_1033, %mul3A_1035 : vector<16xi32>
        %add3A_1037 = vector.broadcast %arg0 : i32 to vector<16xi32>
        %add3A_1038 = arith.addi %mul3A_1036, %add3A_1037 : vector<16xi32>
        %swap3A_1039 = arith.constant 1 : i32
        %swap3A_1040 = arith.index_cast %swap3A_1039 : i32 to index
        %swap3A_1041 = arith.constant 16 : index
        %swap3A_1042 = tpu.vector_load %arg10[%swap3A_1040, %swap3A_1041] {strides = array<i32>} : memref<2x96xi32, #tpu.memory_space<vmem>>, vector<1x16xi32>,
        %swap3A_1043 = vector.shape_cast %swap3A_1042 : vector<1x16xi32> to vector<16xi32>
        %swap3A_1044 = vector.shape_cast %add3A_1038 : vector<16xi32> to vector<1x16xi32>
        tpu.vector_store %arg10[%swap3A_1040, %swap3A_1041], %swap3A_1044 {strides = array<i32>} : memref<2x96xi32, #tpu.memory_space<vmem>>, vector<1x16xi32>,
        %get3A_1045 = arith.constant 1 : i32
        %get3A_1046 = arith.index_cast %get3A_1045 : i32 to index
        %get3A_1047 = arith.constant 32 : index
        %get3A_1048 = tpu.vector_load %arg10[%get3A_1046, %get3A_1047] {strides = array<i32>} : memref<2x96xi32, #tpu.memory_space<vmem>>, vector<1x16xi32>,
        %get3A_1049 = vector.shape_cast %get3A_1048 : vector<1x16xi32> to vector<16xi32>
        %mul3A_1050 = arith.constant 2 : i32
        %mul3A_1051 = vector.broadcast %mul3A_1050 : i32 to vector<16xi32>
        %mul3A_1052 = arith.muli %get3A_1049, %mul3A_1051 : vector<16xi32>
        %add3A_1053 = vector.broadcast %arg0 : i32 to vector<16xi32>
        %add3A_1054 = arith.addi %mul3A_1052, %add3A_1053 : vector<16xi32>
        %swap3A_1055 = arith.constant 1 : i32
        %swap3A_1056 = arith.index_cast %swap3A_1055 : i32 to index
        %swap3A_1057 = arith.constant 32 : index
        %swap3A_1058 = tpu.vector_load %arg10[%swap3A_1056, %swap3A_1057] {strides = array<i32>} : memref<2x96xi32, #tpu.memory_space<vmem>>, vector<1x16xi32>,
        %swap3A_1059 = vector.shape_cast %swap3A_1058 : vector<1x16xi32> to vector<16xi32>
        %swap3A_1060 = vector.shape_cast %add3A_1054 : vector<16xi32> to vector<1x16xi32>
        tpu.vector_store %arg10[%swap3A_1056, %swap3A_1057], %swap3A_1060 {strides = array<i32>} : memref<2x96xi32, #tpu.memory_space<vmem>>, vector<1x16xi32>,
        %get3A_1061 = arith.constant 1 : i32
        %get3A_1062 = arith.index_cast %get3A_1061 : i32 to index
        %get3A_1063 = arith.constant 48 : index
        %get3A_1064 = tpu.vector_load %arg10[%get3A_1062, %get3A_1063] {strides = array<i32>} : memref<2x96xi32, #tpu.memory_space<vmem>>, vector<1x16xi32>,
        %get3A_1065 = vector.shape_cast %get3A_1064 : vector<1x16xi32> to vector<16xi32>
        %mul3A_1066 = arith.constant 2 : i32
        %mul3A_1067 = vector.broadcast %mul3A_1066 : i32 to vector<16xi32>
        %mul3A_1068 = arith.muli %get3A_1065, %mul3A_1067 : vector<16xi32>
        %add3A_1069 = vector.broadcast %arg0 : i32 to vector<16xi32>
        %add3A_1070 = arith.addi %mul3A_1068, %add3A_1069 : vector<16xi32>
        %swap3A_1071 = arith.constant 1 : i32
        %swap3A_1072 = arith.index_cast %swap3A_1071 : i32 to index
        %swap3A_1073 = arith.constant 48 : index
        %swap3A_1074 = tpu.vector_load %arg10[%swap3A_1072, %swap3A_1073] {strides = array<i32>} : memref<2x96xi32, #tpu.memory_space<vmem>>, vector<1x16xi32>,
        %swap3A_1075 = vector.shape_cast %swap3A_1074 : vector<1x16xi32> to vector<16xi32>
        %swap3A_1076 = vector.shape_cast %add3A_1070 : vector<16xi32> to vector<1x16xi32>
        tpu.vector_store %arg10[%swap3A_1072, %swap3A_1073], %swap3A_1076 {strides = array<i32>} : memref<2x96xi32, #tpu.memory_space<vmem>>, vector<1x16xi32>,
        %get3A_1077 = arith.constant 1 : i32
        %get3A_1078 = arith.index_cast %get3A_1077 : i32 to index
        %get3A_1079 = arith.constant 64 : index
        %get3A_1080 = tpu.vector_load %arg10[%get3A_1078, %get3A_1079] {strides = array<i32>} : memref<2x96xi32, #tpu.memory_space<vmem>>, vector<1x16xi32>,
        %get3A_1081 = vector.shape_cast %get3A_1080 : vector<1x16xi32> to vector<16xi32>
        %mul3A_1082 = arith.constant 2 : i32
        %mul3A_1083 = vector.broadcast %mul3A_1082 : i32 to vector<16xi32>
        %mul3A_1084 = arith.muli %get3A_1081, %mul3A_1083 : vector<16xi32>
        %add3A_1085 = vector.broadcast %arg0 : i32 to vector<16xi32>
        %add3A_1086 = arith.addi %mul3A_1084, %add3A_1085 : vector<16xi32>
        %swap3A_1087 = arith.constant 1 : i32
        %swap3A_1088 = arith.index_cast %swap3A_1087 : i32 to index
        %swap3A_1089 = arith.constant 64 : index
        %swap3A_1090 = tpu.vector_load %arg10[%swap3A_1088, %swap3A_1089] {strides = array<i32>} : memref<2x96xi32, #tpu.memory_space<vmem>>, vector<1x16xi32>,
        %swap3A_1091 = vector.shape_cast %swap3A_1090 : vector<1x16xi32> to vector<16xi32>
        %swap3A_1092 = vector.shape_cast %add3A_1086 : vector<16xi32> to vector<1x16xi32>
        tpu.vector_store %arg10[%swap3A_1088, %swap3A_1089], %swap3A_1092 {strides = array<i32>} : memref<2x96xi32, #tpu.memory_space<vmem>>, vector<1x16xi32>,
        %get3A_1093 = arith.constant 1 : i32
        %get3A_1094 = arith.index_cast %get3A_1093 : i32 to index
        %get3A_1095 = arith.constant 80 : index
        %get3A_1096 = tpu.vector_load %arg10[%get3A_1094, %get3A_1095] {strides = array<i32>} : memref<2x96xi32, #tpu.memory_space<vmem>>, vector<1x16xi32>,
        %get3A_1097 = vector.shape_cast %get3A_1096 : vector<1x16xi32> to vector<16xi32>
        %mul3A_1098 = arith.constant 2 : i32
        %mul3A_1099 = vector.broadcast %mul3A_1098 : i32 to vector<16xi32>
        %mul3A_1100 = arith.muli %get3A_1097, %mul3A_1099 : vector<16xi32>
        %add3A_1101 = vector.broadcast %arg0 : i32 to vector<16xi32>
        %add3A_1102 = arith.addi %mul3A_1100, %add3A_1101 : vector<16xi32>
        %swap3A_1103 = arith.constant 1 : i32
        %swap3A_1104 = arith.index_cast %swap3A_1103 : i32 to index
        %swap3A_1105 = arith.constant 80 : index
        %swap3A_1106 = tpu.vector_load %arg10[%swap3A_1104, %swap3A_1105] {strides = array<i32>} : memref<2x96xi32, #tpu.memory_space<vmem>>, vector<1x16xi32>,
        %swap3A_1107 = vector.shape_cast %swap3A_1106 : vector<1x16xi32> to vector<16xi32>
        %swap3A_1108 = vector.shape_cast %add3A_1102 : vector<16xi32> to vector<1x16xi32>
        tpu.vector_store %arg10[%swap3A_1104, %swap3A_1105], %swap3A_1108 {strides = array<i32>} : memref<2x96xi32, #tpu.memory_space<vmem>>, vector<1x16xi32>,
        %add3A_1109 = arith.constant 1 : i32
        %add3A_1110 = arith.addi %add3A_669, %add3A_1109 : i32
        %mul3A_1111 = arith.constant 96 : i32
        %mul3A_1112 = arith.muli %add3A_1110, %mul3A_1111 : i32
        %add3A_1113 = arith.addi %mul3A_0, %mul3A_1112 : i32
        %dma_start3A_1114 = arith.constant 1 : i32
        %dma_start3A_1115 = arith.constant 1 : i32
        %dma_start3A_1116 = arith.constant 0 : i32
        %dma_start3A_1117 = arith.constant 0 : i32
        %dma_start3A_1118 = tpu.memref_slice %arg13[%dma_start3A_1115, %dma_start3A_1116, %dma_start3A_1117] : memref<2x96x64xf32, #tpu.memory_space<vmem>> -> memref<1x96x64xf32, #tpu.memory_space<vmem>>
        %dma_start3A_1119 = tpu.memref_squeeze %dma_start3A_1118 : memref<1x96x64xf32, #tpu.memory_space<vmem>> -> memref<96x64xf32, #tpu.memory_space<vmem>>
        %dma_start3A_1120 = arith.constant 0 : i32
        %dma_start3A_1121 = tpu.memref_slice %arg10[%dma_start3A_1114, %dma_start3A_1120] : memref<2x96xi32, #tpu.memory_space<vmem>> -> memref<1x96xi32, #tpu.memory_space<vmem>>
        %dma_start3A_1122 = tpu.memref_squeeze %dma_start3A_1121 : memref<1x96xi32, #tpu.memory_space<vmem>> -> memref<96xi32, #tpu.memory_space<vmem>>
        %dma_start3A_1123 = arith.constant 0 : i32
        %dma_start3A_1124 = arith.constant 0 : i32
        %dma_start3A_1125 = tpu.memref_slice %arg2[%dma_start3A_1123, %dma_start3A_1124] : memref<20000x64xf32, #tpu.memory_space<hbm>> -> memref<20000x64xf32, #tpu.memory_space<hbm>>
        tpu.enqueue_indirect_dma source(%dma_start3A_1125 : memref<20000x64xf32, #tpu.memory_space<hbm>>) target(%dma_start3A_1119 : memref<96x64xf32, #tpu.memory_space<vmem>>) offsets(%dma_start3A_1122 : memref<96xi32, #tpu.memory_space<vmem>>) semaphore(%arg22 : memref<!tpu.dma_semaphore, #tpu.memory_space<semaphore_mem>>)
        %dma_start3A_1126 = arith.constant 1 : i32
        %dma_start3A_1127 = arith.constant 0 : i32
        %dma_start3A_1128 = arith.constant 0 : i32
        %dma_start3A_1129 = tpu.memref_slice %arg14[%dma_start3A_1126, %dma_start3A_1127, %dma_start3A_1128] : memref<2x96x64xf32, #tpu.memory_space<vmem>> -> memref<1x96x64xf32, #tpu.memory_space<vmem>>
        %dma_start3A_1130 = tpu.memref_squeeze %dma_start3A_1129 : memref<1x96x64xf32, #tpu.memory_space<vmem>> -> memref<96x64xf32, #tpu.memory_space<vmem>>
        %dma_start3A_1131 = tpu.memref_slice %arg5[%add3A_1113, %mul3A_5] : memref<320000x128xf32, #tpu.memory_space<hbm>> -> memref<96x64xf32, #tpu.memory_space<hbm>>
        %dma_start3A_1132 = arith.constant 0 : i32
        %dma_start3A_1133 = arith.constant 0 : i32
        %dma_start3A_1134 = tpu.memref_slice %arg14[%dma_start3A_1126, %dma_start3A_1132, %dma_start3A_1133] : memref<2x96x64xf32, #tpu.memory_space<vmem>> -> memref<1x96x64xf32, #tpu.memory_space<vmem>>
        %dma_start3A_1135 = tpu.memref_squeeze %dma_start3A_1134 : memref<1x96x64xf32, #tpu.memory_space<vmem>> -> memref<96x64xf32, #tpu.memory_space<vmem>>
        %dma_start3A_1136 = tpu.memref_slice %arg5[%add3A_1113, %mul3A_5] : memref<320000x128xf32, #tpu.memory_space<hbm>> -> memref<96x64xf32, #tpu.memory_space<hbm>>
        tpu.enqueue_dma source(%dma_start3A_1136 : memref<96x64xf32, #tpu.memory_space<hbm>>) target(%dma_start3A_1135 : memref<96x64xf32, #tpu.memory_space<vmem>>) target_semaphore(%arg22 : memref<!tpu.dma_semaphore, #tpu.memory_space<semaphore_mem>>)
      } else {
      }
      %mul3A_672 = arith.constant 96 : i32
      %mul3A_673 = arith.muli %add3A_669, %mul3A_672 : i32
      %add3A_674 = arith.addi %mul3A_0, %mul3A_673 : i32
      %dma_wait3A_675 = arith.constant 0 : i32
      %dma_wait3A_676 = arith.constant 0 : i32
      %dma_wait3A_677 = arith.constant 0 : i32
      %dma_wait3A_678 = arith.constant 0 : i32
      %dma_wait3A_679 = tpu.memref_slice %arg13[%dma_wait3A_676, %dma_wait3A_677, %dma_wait3A_678] : memref<2x96x64xf32, #tpu.memory_space<vmem>> -> memref<1x96x64xf32, #tpu.memory_space<vmem>>
      %dma_wait3A_680 = tpu.memref_squeeze %dma_wait3A_679 : memref<1x96x64xf32, #tpu.memory_space<vmem>> -> memref<96x64xf32, #tpu.memory_space<vmem>>
      %dma_wait3A_681 = arith.constant 0 : i32
      %dma_wait3A_682 = tpu.memref_slice %arg10[%dma_wait3A_675, %dma_wait3A_681] : memref<2x96xi32, #tpu.memory_space<vmem>> -> memref<1x96xi32, #tpu.memory_space<vmem>>
      %dma_wait3A_683 = tpu.memref_squeeze %dma_wait3A_682 : memref<1x96xi32, #tpu.memory_space<vmem>> -> memref<96xi32, #tpu.memory_space<vmem>>
      %dma_wait3A_684 = arith.constant 0 : i32
      %dma_wait3A_685 = arith.constant 0 : i32
      %dma_wait3A_686 = tpu.memref_slice %arg2[%dma_wait3A_684, %dma_wait3A_685] : memref<20000x64xf32, #tpu.memory_space<hbm>> -> memref<20000x64xf32, #tpu.memory_space<hbm>>
      tpu.wait_indirect_dma semaphore(%arg21 : memref<!tpu.dma_semaphore, #tpu.memory_space<semaphore_mem>>) src(%dma_wait3A_686 : memref<20000x64xf32, #tpu.memory_space<hbm>>) dst(%dma_wait3A_680 : memref<96x64xf32, #tpu.memory_space<vmem>>)
      %dma_wait3A_687 = arith.constant 0 : i32
      %dma_wait3A_688 = arith.constant 0 : i32
      %dma_wait3A_689 = arith.constant 0 : i32
      %dma_wait3A_690 = tpu.memref_slice %arg14[%dma_wait3A_687, %dma_wait3A_688, %dma_wait3A_689] : memref<2x96x64xf32, #tpu.memory_space<vmem>> -> memref<1x96x64xf32, #tpu.memory_space<vmem>>
      %dma_wait3A_691 = tpu.memref_squeeze %dma_wait3A_690 : memref<1x96x64xf32, #tpu.memory_space<vmem>> -> memref<96x64xf32, #tpu.memory_space<vmem>>
      %dma_wait3A_692 = tpu.memref_slice %arg5[%add3A_674, %mul3A_5] : memref<320000x128xf32, #tpu.memory_space<hbm>> -> memref<96x64xf32, #tpu.memory_space<hbm>>
      %dma_wait3A_693 = arith.constant 0 : i32
      %dma_wait3A_694 = arith.constant 0 : i32
      %dma_wait3A_695 = tpu.memref_slice %arg14[%dma_wait3A_687, %dma_wait3A_693, %dma_wait3A_694] : memref<2x96x64xf32, #tpu.memory_space<vmem>> -> memref<1x96x64xf32, #tpu.memory_space<vmem>>
      %dma_wait3A_696 = tpu.memref_squeeze %dma_wait3A_695 : memref<1x96x64xf32, #tpu.memory_space<vmem>> -> memref<96x64xf32, #tpu.memory_space<vmem>>
      %dma_wait3A_697 = tpu.memref_slice %arg5[%add3A_674, %mul3A_5] : memref<320000x128xf32, #tpu.memory_space<hbm>> -> memref<96x64xf32, #tpu.memory_space<hbm>>
      tpu.wait_dma2 semaphore(%arg21 : memref<!tpu.dma_semaphore, #tpu.memory_space<semaphore_mem>>) src(%dma_wait3A_697 : memref<96x64xf32, #tpu.memory_space<hbm>>) dst(%dma_wait3A_696 : memref<96x64xf32, #tpu.memory_space<vmem>>)
      %dma_wait3A_698 = arith.constant 0 : i32
      %dma_wait3A_699 = arith.constant 0 : i32
      %dma_wait3A_700 = arith.constant 0 : i32
      %dma_wait3A_701 = arith.constant 0 : i32
      %dma_wait3A_702 = tpu.memref_slice %arg15[%dma_wait3A_698, %dma_wait3A_700, %dma_wait3A_701] : memref<2x96x64xf32, #tpu.memory_space<vmem>> -> memref<1x96x64xf32, #tpu.memory_space<vmem>>
      %dma_wait3A_703 = tpu.memref_squeeze %dma_wait3A_702 : memref<1x96x64xf32, #tpu.memory_space<vmem>> -> memref<96x64xf32, #tpu.memory_space<vmem>>
      %dma_wait3A_704 = arith.constant 0 : i32
      %dma_wait3A_705 = tpu.memref_slice %arg12[%dma_wait3A_699, %dma_wait3A_704] : memref<2x96xi32, #tpu.memory_space<vmem>> -> memref<1x96xi32, #tpu.memory_space<vmem>>
      %dma_wait3A_706 = tpu.memref_squeeze %dma_wait3A_705 : memref<1x96xi32, #tpu.memory_space<vmem>> -> memref<96xi32, #tpu.memory_space<vmem>>
      %dma_wait3A_707 = arith.constant 0 : i32
      %dma_wait3A_708 = arith.constant 0 : i32
      %dma_wait3A_709 = tpu.memref_slice %arg18[%dma_wait3A_707, %dma_wait3A_708] : memref<10112x64xf32, #tpu.memory_space<vmem_shared>> -> memref<10112x64xf32, #tpu.memory_space<vmem_shared>>
      tpu.wait_indirect_dma semaphore(%arg23 : memref<!tpu.dma_semaphore, #tpu.memory_space<semaphore_mem>>) src(%dma_wait3A_703 : memref<96x64xf32, #tpu.memory_space<vmem>>) dst(%dma_wait3A_709 : memref<10112x64xf32, #tpu.memory_space<vmem_shared>>)
      %dma_wait3A_710 = arith.constant 0 : i32
      %dma_wait3A_711 = arith.constant 0 : i32
      %dma_wait3A_712 = arith.constant 0 : i32
      %dma_wait3A_713 = arith.constant 0 : i32
      %dma_wait3A_714 = tpu.memref_slice %arg16[%dma_wait3A_710, %dma_wait3A_712, %dma_wait3A_713] : memref<2x96x64xf32, #tpu.memory_space<vmem>> -> memref<1x96x64xf32, #tpu.memory_space<vmem>>
      %dma_wait3A_715 = tpu.memref_squeeze %dma_wait3A_714 : memref<1x96x64xf32, #tpu.memory_space<vmem>> -> memref<96x64xf32, #tpu.memory_space<vmem>>
      %dma_wait3A_716 = arith.constant 0 : i32
      %dma_wait3A_717 = tpu.memref_slice %arg12[%dma_wait3A_711, %dma_wait3A_716] : memref<2x96xi32, #tpu.memory_space<vmem>> -> memref<1x96xi32, #tpu.memory_space<vmem>>
      %dma_wait3A_718 = tpu.memref_squeeze %dma_wait3A_717 : memref<1x96xi32, #tpu.memory_space<vmem>> -> memref<96xi32, #tpu.memory_space<vmem>>
      %dma_wait3A_719 = arith.constant 0 : i32
      %dma_wait3A_720 = arith.constant 0 : i32
      %dma_wait3A_721 = tpu.memref_slice %arg17[%dma_wait3A_719, %dma_wait3A_720] : memref<10112x64xf32, #tpu.memory_space<vmem_shared>> -> memref<10112x64xf32, #tpu.memory_space<vmem_shared>>
      tpu.wait_indirect_dma semaphore(%arg23 : memref<!tpu.dma_semaphore, #tpu.memory_space<semaphore_mem>>) src(%dma_wait3A_715 : memref<96x64xf32, #tpu.memory_space<vmem>>) dst(%dma_wait3A_721 : memref<10112x64xf32, #tpu.memory_space<vmem_shared>>)
      %get3A_722 = arith.constant 0 : i32
      %get3A_723 = arith.index_cast %get3A_722 : i32 to index
      %get3A_724 = arith.constant 0 : index
      %get3A_725 = tpu.vector_load %arg11[%get3A_723, %get3A_724] {strides = array<i32>} : memref<2x96xi32, #tpu.memory_space<vmem>>, vector<1x16xi32>,
      %get3A_726 = vector.shape_cast %get3A_725 : vector<1x16xi32> to vector<16xi32>
      %swap3A_727 = arith.constant 0 : i32
      %swap3A_728 = arith.index_cast %swap3A_727 : i32 to index
      %swap3A_729 = arith.constant 0 : index
      %swap3A_730 = tpu.vector_load %arg12[%swap3A_728, %swap3A_729] {strides = array<i32>} : memref<2x96xi32, #tpu.memory_space<vmem>>, vector<1x16xi32>,
      %swap3A_731 = vector.shape_cast %swap3A_730 : vector<1x16xi32> to vector<16xi32>
      %swap3A_732 = vector.shape_cast %get3A_726 : vector<16xi32> to vector<1x16xi32>
      tpu.vector_store %arg12[%swap3A_728, %swap3A_729], %swap3A_732 {strides = array<i32>} : memref<2x96xi32, #tpu.memory_space<vmem>>, vector<1x16xi32>,
      %get3A_733 = arith.constant 0 : i32
      %get3A_734 = arith.index_cast %get3A_733 : i32 to index
      %get3A_735 = arith.constant 16 : index
      %get3A_736 = tpu.vector_load %arg11[%get3A_734, %get3A_735] {strides = array<i32>} : memref<2x96xi32, #tpu.memory_space<vmem>>, vector<1x16xi32>,
      %get3A_737 = vector.shape_cast %get3A_736 : vector<1x16xi32> to vector<16xi32>
      %swap3A_738 = arith.constant 0 : i32
      %swap3A_739 = arith.index_cast %swap3A_738 : i32 to index
      %swap3A_740 = arith.constant 16 : index
      %swap3A_741 = tpu.vector_load %arg12[%swap3A_739, %swap3A_740] {strides = array<i32>} : memref<2x96xi32, #tpu.memory_space<vmem>>, vector<1x16xi32>,
      %swap3A_742 = vector.shape_cast %swap3A_741 : vector<1x16xi32> to vector<16xi32>
      %swap3A_743 = vector.shape_cast %get3A_737 : vector<16xi32> to vector<1x16xi32>
      tpu.vector_store %arg12[%swap3A_739, %swap3A_740], %swap3A_743 {strides = array<i32>} : memref<2x96xi32, #tpu.memory_space<vmem>>, vector<1x16xi32>,
      %get3A_744 = arith.constant 0 : i32
      %get3A_745 = arith.index_cast %get3A_744 : i32 to index
      %get3A_746 = arith.constant 32 : index
      %get3A_747 = tpu.vector_load %arg11[%get3A_745, %get3A_746] {strides = array<i32>} : memref<2x96xi32, #tpu.memory_space<vmem>>, vector<1x16xi32>,
      %get3A_748 = vector.shape_cast %get3A_747 : vector<1x16xi32> to vector<16xi32>
      %swap3A_749 = arith.constant 0 : i32
      %swap3A_750 = arith.index_cast %swap3A_749 : i32 to index
      %swap3A_751 = arith.constant 32 : index
      %swap3A_752 = tpu.vector_load %arg12[%swap3A_750, %swap3A_751] {strides = array<i32>} : memref<2x96xi32, #tpu.memory_space<vmem>>, vector<1x16xi32>,
      %swap3A_753 = vector.shape_cast %swap3A_752 : vector<1x16xi32> to vector<16xi32>
      %swap3A_754 = vector.shape_cast %get3A_748 : vector<16xi32> to vector<1x16xi32>
      tpu.vector_store %arg12[%swap3A_750, %swap3A_751], %swap3A_754 {strides = array<i32>} : memref<2x96xi32, #tpu.memory_space<vmem>>, vector<1x16xi32>,
      %get3A_755 = arith.constant 0 : i32
      %get3A_756 = arith.index_cast %get3A_755 : i32 to index
      %get3A_757 = arith.constant 48 : index
      %get3A_758 = tpu.vector_load %arg11[%get3A_756, %get3A_757] {strides = array<i32>} : memref<2x96xi32, #tpu.memory_space<vmem>>, vector<1x16xi32>,
      %get3A_759 = vector.shape_cast %get3A_758 : vector<1x16xi32> to vector<16xi32>
      %swap3A_760 = arith.constant 0 : i32
      %swap3A_761 = arith.index_cast %swap3A_760 : i32 to index
      %swap3A_762 = arith.constant 48 : index
      %swap3A_763 = tpu.vector_load %arg12[%swap3A_761, %swap3A_762] {strides = array<i32>} : memref<2x96xi32, #tpu.memory_space<vmem>>, vector<1x16xi32>,
      %swap3A_764 = vector.shape_cast %swap3A_763 : vector<1x16xi32> to vector<16xi32>
      %swap3A_765 = vector.shape_cast %get3A_759 : vector<16xi32> to vector<1x16xi32>
      tpu.vector_store %arg12[%swap3A_761, %swap3A_762], %swap3A_765 {strides = array<i32>} : memref<2x96xi32, #tpu.memory_space<vmem>>, vector<1x16xi32>,
      %get3A_766 = arith.constant 0 : i32
      %get3A_767 = arith.index_cast %get3A_766 : i32 to index
      %get3A_768 = arith.constant 64 : index
      %get3A_769 = tpu.vector_load %arg11[%get3A_767, %get3A_768] {strides = array<i32>} : memref<2x96xi32, #tpu.memory_space<vmem>>, vector<1x16xi32>,
      %get3A_770 = vector.shape_cast %get3A_769 : vector<1x16xi32> to vector<16xi32>
      %swap3A_771 = arith.constant 0 : i32
      %swap3A_772 = arith.index_cast %swap3A_771 : i32 to index
      %swap3A_773 = arith.constant 64 : index
      %swap3A_774 = tpu.vector_load %arg12[%swap3A_772, %swap3A_773] {strides = array<i32>} : memref<2x96xi32, #tpu.memory_space<vmem>>, vector<1x16xi32>,
      %swap3A_775 = vector.shape_cast %swap3A_774 : vector<1x16xi32> to vector<16xi32>
      %swap3A_776 = vector.shape_cast %get3A_770 : vector<16xi32> to vector<1x16xi32>
      tpu.vector_store %arg12[%swap3A_772, %swap3A_773], %swap3A_776 {strides = array<i32>} : memref<2x96xi32, #tpu.memory_space<vmem>>, vector<1x16xi32>,
      %get3A_777 = arith.constant 0 : i32
      %get3A_778 = arith.index_cast %get3A_777 : i32 to index
      %get3A_779 = arith.constant 80 : index
      %get3A_780 = tpu.vector_load %arg11[%get3A_778, %get3A_779] {strides = array<i32>} : memref<2x96xi32, #tpu.memory_space<vmem>>, vector<1x16xi32>,
      %get3A_781 = vector.shape_cast %get3A_780 : vector<1x16xi32> to vector<16xi32>
      %swap3A_782 = arith.constant 0 : i32
      %swap3A_783 = arith.index_cast %swap3A_782 : i32 to index
      %swap3A_784 = arith.constant 80 : index
      %swap3A_785 = tpu.vector_load %arg12[%swap3A_783, %swap3A_784] {strides = array<i32>} : memref<2x96xi32, #tpu.memory_space<vmem>>, vector<1x16xi32>,
      %swap3A_786 = vector.shape_cast %swap3A_785 : vector<1x16xi32> to vector<16xi32>
      %swap3A_787 = vector.shape_cast %get3A_781 : vector<16xi32> to vector<1x16xi32>
      tpu.vector_store %arg12[%swap3A_783, %swap3A_784], %swap3A_787 {strides = array<i32>} : memref<2x96xi32, #tpu.memory_space<vmem>>, vector<1x16xi32>,
      %scan3A_788 = arith.constant 0 : i32
      %scan3A_789 = arith.constant 0 : i32
      %scan3A_790 = arith.constant 48 : i32
      %scan3A_791 = arith.addi %scan3A_789, %scan3A_790 : i32
      %scan3A_792 = arith.constant 1 : i32
      %scan3A_793 = scf.for %scan3A_986 = %scan3A_789 to %scan3A_791 step %scan3A_792 iter_args(%scan3A_987 = %scan3A_788) -> (i32)  : i32 {
        %mul3A_988 = arith.constant 2 : i32
        %mul3A_989 = arith.muli %scan3A_986, %mul3A_988 : i32
        %add3A_990 = arith.constant 0 : i32
        %add3A_991 = arith.addi %mul3A_989, %add3A_990 : i32
        %get3A_992 = arith.constant 0 : i32
        %get3A_993 = arith.index_cast %get3A_992 : i32 to index
        %get3A_994 = arith.index_cast %add3A_991 : i32 to index
        %get3A_995 = arith.constant 0 : index
        %get3A_996 = tpu.vector_load %arg13[%get3A_993, %get3A_994, %get3A_995] {strides = array<i32>} : memref<2x96x64xf32, #tpu.memory_space<vmem>>, vector<1x1x16xf32>,
        %get3A_997 = vector.shape_cast %get3A_996 : vector<1x1x16xf32> to vector<16xf32>
        %add3A_998 = arith.constant 0 : i32
        %add3A_999 = arith.addi %mul3A_989, %add3A_998 : i32
        %get3A_1000 = arith.constant 0 : i32
        %get3A_1001 = arith.index_cast %get3A_1000 : i32 to index
        %get3A_1002 = arith.index_cast %add3A_999 : i32 to index
        %get3A_1003 = arith.constant 0 : index
        %get3A_1004 = tpu.vector_load %arg14[%get3A_1001, %get3A_1002, %get3A_1003] {strides = array<i32>} : memref<2x96x64xf32, #tpu.memory_space<vmem>>, vector<1x1x16xf32>,
        %get3A_1005 = vector.shape_cast %get3A_1004 : vector<1x1x16xf32> to vector<16xf32>
        %add3A_1006 = arith.addf %get3A_997, %get3A_1005 : vector<16xf32>
        %max3A = arith.constant 0.000000e+00 : f32
        %max3A_1007 = vector.broadcast %max3A : f32 to vector<16xf32>
        %max3A_1008 = arith.maximumf %add3A_1006, %max3A_1007 : vector<16xf32>
        %exp3A = math.exp %max3A_1008 : vector<16xf32>
        %add3A_1009 = arith.constant 0 : i32
        %add3A_1010 = arith.addi %mul3A_989, %add3A_1009 : i32
        %swap3A_1011 = arith.constant 0 : i32
        %swap3A_1012 = arith.index_cast %swap3A_1011 : i32 to index
        %swap3A_1013 = arith.index_cast %add3A_1010 : i32 to index
        %swap3A_1014 = arith.constant 0 : index
        %swap3A_1015 = tpu.vector_load %arg15[%swap3A_1012, %swap3A_1013, %swap3A_1014] {strides = array<i32>} : memref<2x96x64xf32, #tpu.memory_space<vmem>>, vector<1x1x16xf32>,
        %swap3A_1016 = vector.shape_cast %swap3A_1015 : vector<1x1x16xf32> to vector<16xf32>
        %swap3A_1017 = vector.shape_cast %exp3A : vector<16xf32> to vector<1x1x16xf32>
        tpu.vector_store %arg15[%swap3A_1012, %swap3A_1013, %swap3A_1014], %swap3A_1017 {strides = array<i32>} : memref<2x96x64xf32, #tpu.memory_space<vmem>>, vector<1x1x16xf32>,
        %mul3A_1018 = arith.mulf %max3A_1008, %exp3A : vector<16xf32>
        %add3A_1019 = arith.constant 0 : i32
        %add3A_1020 = arith.addi %mul3A_989, %add3A_1019 : i32
        %swap3A_1021 = arith.constant 0 : i32
        %swap3A_1022 = arith.index_cast %swap3A_1021 : i32 to index
        %swap3A_1023 = arith.index_cast %add3A_1020 : i32 to index
        %swap3A_1024 = arith.constant 0 : index
        %swap3A_1025 = tpu.vector_load %arg16[%swap3A_1022, %swap3A_1023, %swap3A_1024] {strides = array<i32>} : memref<2x96x64xf32, #tpu.memory_space<vmem>>, vector<1x1x16xf32>,
        %swap3A_1026 = vector.shape_cast %swap3A_1025 : vector<1x1x16xf32> to vector<16xf32>
        %swap3A_1027 = vector.shape_cast %mul3A_1018 : vector<16xf32> to vector<1x1x16xf32>
        tpu.vector_store %arg16[%swap3A_1022, %swap3A_1023, %swap3A_1024], %swap3A_1027 {strides = array<i32>} : memref<2x96x64xf32, #tpu.memory_space<vmem>>, vector<1x1x16xf32>,
        %add3A_1028 = arith.constant 0 : i32
        %add3A_1029 = arith.addi %mul3A_989, %add3A_1028 : i32
        %get3A_1030 = arith.constant 0 : i32
        %get3A_1031 = arith.index_cast %get3A_1030 : i32 to index
        %get3A_1032 = arith.index_cast %add3A_1029 : i32 to index
        %get3A_1033 = arith.constant 16 : index
        %get3A_1034 = tpu.vector_load %arg13[%get3A_1031, %get3A_1032, %get3A_1033] {strides = array<i32>} : memref<2x96x64xf32, #tpu.memory_space<vmem>>, vector<1x1x16xf32>,
        %get3A_1035 = vector.shape_cast %get3A_1034 : vector<1x1x16xf32> to vector<16xf32>
        %add3A_1036 = arith.constant 0 : i32
        %add3A_1037 = arith.addi %mul3A_989, %add3A_1036 : i32
        %get3A_1038 = arith.constant 0 : i32
        %get3A_1039 = arith.index_cast %get3A_1038 : i32 to index
        %get3A_1040 = arith.index_cast %add3A_1037 : i32 to index
        %get3A_1041 = arith.constant 16 : index
        %get3A_1042 = tpu.vector_load %arg14[%get3A_1039, %get3A_1040, %get3A_1041] {strides = array<i32>} : memref<2x96x64xf32, #tpu.memory_space<vmem>>, vector<1x1x16xf32>,
        %get3A_1043 = vector.shape_cast %get3A_1042 : vector<1x1x16xf32> to vector<16xf32>
        %add3A_1044 = arith.addf %get3A_1035, %get3A_1043 : vector<16xf32>
        %max3A_1045 = arith.constant 0.000000e+00 : f32
        %max3A_1046 = vector.broadcast %max3A_1045 : f32 to vector<16xf32>
        %max3A_1047 = arith.maximumf %add3A_1044, %max3A_1046 : vector<16xf32>
        %exp3A_1048 = math.exp %max3A_1047 : vector<16xf32>
        %add3A_1049 = arith.constant 0 : i32
        %add3A_1050 = arith.addi %mul3A_989, %add3A_1049 : i32
        %swap3A_1051 = arith.constant 0 : i32
        %swap3A_1052 = arith.index_cast %swap3A_1051 : i32 to index
        %swap3A_1053 = arith.index_cast %add3A_1050 : i32 to index
        %swap3A_1054 = arith.constant 16 : index
        %swap3A_1055 = tpu.vector_load %arg15[%swap3A_1052, %swap3A_1053, %swap3A_1054] {strides = array<i32>} : memref<2x96x64xf32, #tpu.memory_space<vmem>>, vector<1x1x16xf32>,
        %swap3A_1056 = vector.shape_cast %swap3A_1055 : vector<1x1x16xf32> to vector<16xf32>
        %swap3A_1057 = vector.shape_cast %exp3A_1048 : vector<16xf32> to vector<1x1x16xf32>
        tpu.vector_store %arg15[%swap3A_1052, %swap3A_1053, %swap3A_1054], %swap3A_1057 {strides = array<i32>} : memref<2x96x64xf32, #tpu.memory_space<vmem>>, vector<1x1x16xf32>,
        %mul3A_1058 = arith.mulf %max3A_1047, %exp3A_1048 : vector<16xf32>
        %add3A_1059 = arith.constant 0 : i32
        %add3A_1060 = arith.addi %mul3A_989, %add3A_1059 : i32
        %swap3A_1061 = arith.constant 0 : i32
        %swap3A_1062 = arith.index_cast %swap3A_1061 : i32 to index
        %swap3A_1063 = arith.index_cast %add3A_1060 : i32 to index
        %swap3A_1064 = arith.constant 16 : index
        %swap3A_1065 = tpu.vector_load %arg16[%swap3A_1062, %swap3A_1063, %swap3A_1064] {strides = array<i32>} : memref<2x96x64xf32, #tpu.memory_space<vmem>>, vector<1x1x16xf32>,
        %swap3A_1066 = vector.shape_cast %swap3A_1065 : vector<1x1x16xf32> to vector<16xf32>
        %swap3A_1067 = vector.shape_cast %mul3A_1058 : vector<16xf32> to vector<1x1x16xf32>
        tpu.vector_store %arg16[%swap3A_1062, %swap3A_1063, %swap3A_1064], %swap3A_1067 {strides = array<i32>} : memref<2x96x64xf32, #tpu.memory_space<vmem>>, vector<1x1x16xf32>,
        %add3A_1068 = arith.constant 0 : i32
        %add3A_1069 = arith.addi %mul3A_989, %add3A_1068 : i32
        %get3A_1070 = arith.constant 0 : i32
        %get3A_1071 = arith.index_cast %get3A_1070 : i32 to index
        %get3A_1072 = arith.index_cast %add3A_1069 : i32 to index
        %get3A_1073 = arith.constant 32 : index
        %get3A_1074 = tpu.vector_load %arg13[%get3A_1071, %get3A_1072, %get3A_1073] {strides = array<i32>} : memref<2x96x64xf32, #tpu.memory_space<vmem>>, vector<1x1x16xf32>,
        %get3A_1075 = vector.shape_cast %get3A_1074 : vector<1x1x16xf32> to vector<16xf32>
        %add3A_1076 = arith.constant 0 : i32
        %add3A_1077 = arith.addi %mul3A_989, %add3A_1076 : i32
        %get3A_1078 = arith.constant 0 : i32
        %get3A_1079 = arith.index_cast %get3A_1078 : i32 to index
        %get3A_1080 = arith.index_cast %add3A_1077 : i32 to index
        %get3A_1081 = arith.constant 32 : index
        %get3A_1082 = tpu.vector_load %arg14[%get3A_1079, %get3A_1080, %get3A_1081] {strides = array<i32>} : memref<2x96x64xf32, #tpu.memory_space<vmem>>, vector<1x1x16xf32>,
        %get3A_1083 = vector.shape_cast %get3A_1082 : vector<1x1x16xf32> to vector<16xf32>
        %add3A_1084 = arith.addf %get3A_1075, %get3A_1083 : vector<16xf32>
        %max3A_1085 = arith.constant 0.000000e+00 : f32
        %max3A_1086 = vector.broadcast %max3A_1085 : f32 to vector<16xf32>
        %max3A_1087 = arith.maximumf %add3A_1084, %max3A_1086 : vector<16xf32>
        %exp3A_1088 = math.exp %max3A_1087 : vector<16xf32>
        %add3A_1089 = arith.constant 0 : i32
        %add3A_1090 = arith.addi %mul3A_989, %add3A_1089 : i32
        %swap3A_1091 = arith.constant 0 : i32
        %swap3A_1092 = arith.index_cast %swap3A_1091 : i32 to index
        %swap3A_1093 = arith.index_cast %add3A_1090 : i32 to index
        %swap3A_1094 = arith.constant 32 : index
        %swap3A_1095 = tpu.vector_load %arg15[%swap3A_1092, %swap3A_1093, %swap3A_1094] {strides = array<i32>} : memref<2x96x64xf32, #tpu.memory_space<vmem>>, vector<1x1x16xf32>,
        %swap3A_1096 = vector.shape_cast %swap3A_1095 : vector<1x1x16xf32> to vector<16xf32>
        %swap3A_1097 = vector.shape_cast %exp3A_1088 : vector<16xf32> to vector<1x1x16xf32>
        tpu.vector_store %arg15[%swap3A_1092, %swap3A_1093, %swap3A_1094], %swap3A_1097 {strides = array<i32>} : memref<2x96x64xf32, #tpu.memory_space<vmem>>, vector<1x1x16xf32>,
        %mul3A_1098 = arith.mulf %max3A_1087, %exp3A_1088 : vector<16xf32>
        %add3A_1099 = arith.constant 0 : i32
        %add3A_1100 = arith.addi %mul3A_989, %add3A_1099 : i32
        %swap3A_1101 = arith.constant 0 : i32
        %swap3A_1102 = arith.index_cast %swap3A_1101 : i32 to index
        %swap3A_1103 = arith.index_cast %add3A_1100 : i32 to index
        %swap3A_1104 = arith.constant 32 : index
        %swap3A_1105 = tpu.vector_load %arg16[%swap3A_1102, %swap3A_1103, %swap3A_1104] {strides = array<i32>} : memref<2x96x64xf32, #tpu.memory_space<vmem>>, vector<1x1x16xf32>,
        %swap3A_1106 = vector.shape_cast %swap3A_1105 : vector<1x1x16xf32> to vector<16xf32>
        %swap3A_1107 = vector.shape_cast %mul3A_1098 : vector<16xf32> to vector<1x1x16xf32>
        tpu.vector_store %arg16[%swap3A_1102, %swap3A_1103, %swap3A_1104], %swap3A_1107 {strides = array<i32>} : memref<2x96x64xf32, #tpu.memory_space<vmem>>, vector<1x1x16xf32>,
        %add3A_1108 = arith.constant 0 : i32
        %add3A_1109 = arith.addi %mul3A_989, %add3A_1108 : i32
        %get3A_1110 = arith.constant 0 : i32
        %get3A_1111 = arith.index_cast %get3A_1110 : i32 to index
        %get3A_1112 = arith.index_cast %add3A_1109 : i32 to index
        %get3A_1113 = arith.constant 48 : index
        %get3A_1114 = tpu.vector_load %arg13[%get3A_1111, %get3A_1112, %get3A_1113] {strides = array<i32>} : memref<2x96x64xf32, #tpu.memory_space<vmem>>, vector<1x1x16xf32>,
        %get3A_1115 = vector.shape_cast %get3A_1114 : vector<1x1x16xf32> to vector<16xf32>
        %add3A_1116 = arith.constant 0 : i32
        %add3A_1117 = arith.addi %mul3A_989, %add3A_1116 : i32
        %get3A_1118 = arith.constant 0 : i32
        %get3A_1119 = arith.index_cast %get3A_1118 : i32 to index
        %get3A_1120 = arith.index_cast %add3A_1117 : i32 to index
        %get3A_1121 = arith.constant 48 : index
        %get3A_1122 = tpu.vector_load %arg14[%get3A_1119, %get3A_1120, %get3A_1121] {strides = array<i32>} : memref<2x96x64xf32, #tpu.memory_space<vmem>>, vector<1x1x16xf32>,
        %get3A_1123 = vector.shape_cast %get3A_1122 : vector<1x1x16xf32> to vector<16xf32>
        %add3A_1124 = arith.addf %get3A_1115, %get3A_1123 : vector<16xf32>
        %max3A_1125 = arith.constant 0.000000e+00 : f32
        %max3A_1126 = vector.broadcast %max3A_1125 : f32 to vector<16xf32>
        %max3A_1127 = arith.maximumf %add3A_1124, %max3A_1126 : vector<16xf32>
        %exp3A_1128 = math.exp %max3A_1127 : vector<16xf32>
        %add3A_1129 = arith.constant 0 : i32
        %add3A_1130 = arith.addi %mul3A_989, %add3A_1129 : i32
        %swap3A_1131 = arith.constant 0 : i32
        %swap3A_1132 = arith.index_cast %swap3A_1131 : i32 to index
        %swap3A_1133 = arith.index_cast %add3A_1130 : i32 to index
        %swap3A_1134 = arith.constant 48 : index
        %swap3A_1135 = tpu.vector_load %arg15[%swap3A_1132, %swap3A_1133, %swap3A_1134] {strides = array<i32>} : memref<2x96x64xf32, #tpu.memory_space<vmem>>, vector<1x1x16xf32>,
        %swap3A_1136 = vector.shape_cast %swap3A_1135 : vector<1x1x16xf32> to vector<16xf32>
        %swap3A_1137 = vector.shape_cast %exp3A_1128 : vector<16xf32> to vector<1x1x16xf32>
        tpu.vector_store %arg15[%swap3A_1132, %swap3A_1133, %swap3A_1134], %swap3A_1137 {strides = array<i32>} : memref<2x96x64xf32, #tpu.memory_space<vmem>>, vector<1x1x16xf32>,
        %mul3A_1138 = arith.mulf %max3A_1127, %exp3A_1128 : vector<16xf32>
        %add3A_1139 = arith.constant 0 : i32
        %add3A_1140 = arith.addi %mul3A_989, %add3A_1139 : i32
        %swap3A_1141 = arith.constant 0 : i32
        %swap3A_1142 = arith.index_cast %swap3A_1141 : i32 to index
        %swap3A_1143 = arith.index_cast %add3A_1140 : i32 to index
        %swap3A_1144 = arith.constant 48 : index
        %swap3A_1145 = tpu.vector_load %arg16[%swap3A_1142, %swap3A_1143, %swap3A_1144] {strides = array<i32>} : memref<2x96x64xf32, #tpu.memory_space<vmem>>, vector<1x1x16xf32>,
        %swap3A_1146 = vector.shape_cast %swap3A_1145 : vector<1x1x16xf32> to vector<16xf32>
        %swap3A_1147 = vector.shape_cast %mul3A_1138 : vector<16xf32> to vector<1x1x16xf32>
        tpu.vector_store %arg16[%swap3A_1142, %swap3A_1143, %swap3A_1144], %swap3A_1147 {strides = array<i32>} : memref<2x96x64xf32, #tpu.memory_space<vmem>>, vector<1x1x16xf32>,
        %add3A_1148 = arith.constant 1 : i32
        %add3A_1149 = arith.addi %mul3A_989, %add3A_1148 : i32
        %get3A_1150 = arith.constant 0 : i32
        %get3A_1151 = arith.index_cast %get3A_1150 : i32 to index
        %get3A_1152 = arith.index_cast %add3A_1149 : i32 to index
        %get3A_1153 = arith.constant 0 : index
        %get3A_1154 = tpu.vector_load %arg13[%get3A_1151, %get3A_1152, %get3A_1153] {strides = array<i32>} : memref<2x96x64xf32, #tpu.memory_space<vmem>>, vector<1x1x16xf32>,
        %get3A_1155 = vector.shape_cast %get3A_1154 : vector<1x1x16xf32> to vector<16xf32>
        %add3A_1156 = arith.constant 1 : i32
        %add3A_1157 = arith.addi %mul3A_989, %add3A_1156 : i32
        %get3A_1158 = arith.constant 0 : i32
        %get3A_1159 = arith.index_cast %get3A_1158 : i32 to index
        %get3A_1160 = arith.index_cast %add3A_1157 : i32 to index
        %get3A_1161 = arith.constant 0 : index
        %get3A_1162 = tpu.vector_load %arg14[%get3A_1159, %get3A_1160, %get3A_1161] {strides = array<i32>} : memref<2x96x64xf32, #tpu.memory_space<vmem>>, vector<1x1x16xf32>,
        %get3A_1163 = vector.shape_cast %get3A_1162 : vector<1x1x16xf32> to vector<16xf32>
        %add3A_1164 = arith.addf %get3A_1155, %get3A_1163 : vector<16xf32>
        %max3A_1165 = arith.constant 0.000000e+00 : f32
        %max3A_1166 = vector.broadcast %max3A_1165 : f32 to vector<16xf32>
        %max3A_1167 = arith.maximumf %add3A_1164, %max3A_1166 : vector<16xf32>
        %exp3A_1168 = math.exp %max3A_1167 : vector<16xf32>
        %add3A_1169 = arith.constant 1 : i32
        %add3A_1170 = arith.addi %mul3A_989, %add3A_1169 : i32
        %swap3A_1171 = arith.constant 0 : i32
        %swap3A_1172 = arith.index_cast %swap3A_1171 : i32 to index
        %swap3A_1173 = arith.index_cast %add3A_1170 : i32 to index
        %swap3A_1174 = arith.constant 0 : index
        %swap3A_1175 = tpu.vector_load %arg15[%swap3A_1172, %swap3A_1173, %swap3A_1174] {strides = array<i32>} : memref<2x96x64xf32, #tpu.memory_space<vmem>>, vector<1x1x16xf32>,
        %swap3A_1176 = vector.shape_cast %swap3A_1175 : vector<1x1x16xf32> to vector<16xf32>
        %swap3A_1177 = vector.shape_cast %exp3A_1168 : vector<16xf32> to vector<1x1x16xf32>
        tpu.vector_store %arg15[%swap3A_1172, %swap3A_1173, %swap3A_1174], %swap3A_1177 {strides = array<i32>} : memref<2x96x64xf32, #tpu.memory_space<vmem>>, vector<1x1x16xf32>,
        %mul3A_1178 = arith.mulf %max3A_1167, %exp3A_1168 : vector<16xf32>
        %add3A_1179 = arith.constant 1 : i32
        %add3A_1180 = arith.addi %mul3A_989, %add3A_1179 : i32
        %swap3A_1181 = arith.constant 0 : i32
        %swap3A_1182 = arith.index_cast %swap3A_1181 : i32 to index
        %swap3A_1183 = arith.index_cast %add3A_1180 : i32 to index
        %swap3A_1184 = arith.constant 0 : index
        %swap3A_1185 = tpu.vector_load %arg16[%swap3A_1182, %swap3A_1183, %swap3A_1184] {strides = array<i32>} : memref<2x96x64xf32, #tpu.memory_space<vmem>>, vector<1x1x16xf32>,
        %swap3A_1186 = vector.shape_cast %swap3A_1185 : vector<1x1x16xf32> to vector<16xf32>
        %swap3A_1187 = vector.shape_cast %mul3A_1178 : vector<16xf32> to vector<1x1x16xf32>
        tpu.vector_store %arg16[%swap3A_1182, %swap3A_1183, %swap3A_1184], %swap3A_1187 {strides = array<i32>} : memref<2x96x64xf32, #tpu.memory_space<vmem>>, vector<1x1x16xf32>,
        %add3A_1188 = arith.constant 1 : i32
        %add3A_1189 = arith.addi %mul3A_989, %add3A_1188 : i32
        %get3A_1190 = arith.constant 0 : i32
        %get3A_1191 = arith.index_cast %get3A_1190 : i32 to index
        %get3A_1192 = arith.index_cast %add3A_1189 : i32 to index
        %get3A_1193 = arith.constant 16 : index
        %get3A_1194 = tpu.vector_load %arg13[%get3A_1191, %get3A_1192, %get3A_1193] {strides = array<i32>} : memref<2x96x64xf32, #tpu.memory_space<vmem>>, vector<1x1x16xf32>,
        %get3A_1195 = vector.shape_cast %get3A_1194 : vector<1x1x16xf32> to vector<16xf32>
        %add3A_1196 = arith.constant 1 : i32
        %add3A_1197 = arith.addi %mul3A_989, %add3A_1196 : i32
        %get3A_1198 = arith.constant 0 : i32
        %get3A_1199 = arith.index_cast %get3A_1198 : i32 to index
        %get3A_1200 = arith.index_cast %add3A_1197 : i32 to index
        %get3A_1201 = arith.constant 16 : index
        %get3A_1202 = tpu.vector_load %arg14[%get3A_1199, %get3A_1200, %get3A_1201] {strides = array<i32>} : memref<2x96x64xf32, #tpu.memory_space<vmem>>, vector<1x1x16xf32>,
        %get3A_1203 = vector.shape_cast %get3A_1202 : vector<1x1x16xf32> to vector<16xf32>
        %add3A_1204 = arith.addf %get3A_1195, %get3A_1203 : vector<16xf32>
        %max3A_1205 = arith.constant 0.000000e+00 : f32
        %max3A_1206 = vector.broadcast %max3A_1205 : f32 to vector<16xf32>
        %max3A_1207 = arith.maximumf %add3A_1204, %max3A_1206 : vector<16xf32>
        %exp3A_1208 = math.exp %max3A_1207 : vector<16xf32>
        %add3A_1209 = arith.constant 1 : i32
        %add3A_1210 = arith.addi %mul3A_989, %add3A_1209 : i32
        %swap3A_1211 = arith.constant 0 : i32
        %swap3A_1212 = arith.index_cast %swap3A_1211 : i32 to index
        %swap3A_1213 = arith.index_cast %add3A_1210 : i32 to index
        %swap3A_1214 = arith.constant 16 : index
        %swap3A_1215 = tpu.vector_load %arg15[%swap3A_1212, %swap3A_1213, %swap3A_1214] {strides = array<i32>} : memref<2x96x64xf32, #tpu.memory_space<vmem>>, vector<1x1x16xf32>,
        %swap3A_1216 = vector.shape_cast %swap3A_1215 : vector<1x1x16xf32> to vector<16xf32>
        %swap3A_1217 = vector.shape_cast %exp3A_1208 : vector<16xf32> to vector<1x1x16xf32>
        tpu.vector_store %arg15[%swap3A_1212, %swap3A_1213, %swap3A_1214], %swap3A_1217 {strides = array<i32>} : memref<2x96x64xf32, #tpu.memory_space<vmem>>, vector<1x1x16xf32>,
        %mul3A_1218 = arith.mulf %max3A_1207, %exp3A_1208 : vector<16xf32>
        %add3A_1219 = arith.constant 1 : i32
        %add3A_1220 = arith.addi %mul3A_989, %add3A_1219 : i32
        %swap3A_1221 = arith.constant 0 : i32
        %swap3A_1222 = arith.index_cast %swap3A_1221 : i32 to index
        %swap3A_1223 = arith.index_cast %add3A_1220 : i32 to index
        %swap3A_1224 = arith.constant 16 : index
        %swap3A_1225 = tpu.vector_load %arg16[%swap3A_1222, %swap3A_1223, %swap3A_1224] {strides = array<i32>} : memref<2x96x64xf32, #tpu.memory_space<vmem>>, vector<1x1x16xf32>,
        %swap3A_1226 = vector.shape_cast %swap3A_1225 : vector<1x1x16xf32> to vector<16xf32>
        %swap3A_1227 = vector.shape_cast %mul3A_1218 : vector<16xf32> to vector<1x1x16xf32>
        tpu.vector_store %arg16[%swap3A_1222, %swap3A_1223, %swap3A_1224], %swap3A_1227 {strides = array<i32>} : memref<2x96x64xf32, #tpu.memory_space<vmem>>, vector<1x1x16xf32>,
        %add3A_1228 = arith.constant 1 : i32
        %add3A_1229 = arith.addi %mul3A_989, %add3A_1228 : i32
        %get3A_1230 = arith.constant 0 : i32
        %get3A_1231 = arith.index_cast %get3A_1230 : i32 to index
        %get3A_1232 = arith.index_cast %add3A_1229 : i32 to index
        %get3A_1233 = arith.constant 32 : index
        %get3A_1234 = tpu.vector_load %arg13[%get3A_1231, %get3A_1232, %get3A_1233] {strides = array<i32>} : memref<2x96x64xf32, #tpu.memory_space<vmem>>, vector<1x1x16xf32>,
        %get3A_1235 = vector.shape_cast %get3A_1234 : vector<1x1x16xf32> to vector<16xf32>
        %add3A_1236 = arith.constant 1 : i32
        %add3A_1237 = arith.addi %mul3A_989, %add3A_1236 : i32
        %get3A_1238 = arith.constant 0 : i32
        %get3A_1239 = arith.index_cast %get3A_1238 : i32 to index
        %get3A_1240 = arith.index_cast %add3A_1237 : i32 to index
        %get3A_1241 = arith.constant 32 : index
        %get3A_1242 = tpu.vector_load %arg14[%get3A_1239, %get3A_1240, %get3A_1241] {strides = array<i32>} : memref<2x96x64xf32, #tpu.memory_space<vmem>>, vector<1x1x16xf32>,
        %get3A_1243 = vector.shape_cast %get3A_1242 : vector<1x1x16xf32> to vector<16xf32>
        %add3A_1244 = arith.addf %get3A_1235, %get3A_1243 : vector<16xf32>
        %max3A_1245 = arith.constant 0.000000e+00 : f32
        %max3A_1246 = vector.broadcast %max3A_1245 : f32 to vector<16xf32>
        %max3A_1247 = arith.maximumf %add3A_1244, %max3A_1246 : vector<16xf32>
        %exp3A_1248 = math.exp %max3A_1247 : vector<16xf32>
        %add3A_1249 = arith.constant 1 : i32
        %add3A_1250 = arith.addi %mul3A_989, %add3A_1249 : i32
        %swap3A_1251 = arith.constant 0 : i32
        %swap3A_1252 = arith.index_cast %swap3A_1251 : i32 to index
        %swap3A_1253 = arith.index_cast %add3A_1250 : i32 to index
        %swap3A_1254 = arith.constant 32 : index
        %swap3A_1255 = tpu.vector_load %arg15[%swap3A_1252, %swap3A_1253, %swap3A_1254] {strides = array<i32>} : memref<2x96x64xf32, #tpu.memory_space<vmem>>, vector<1x1x16xf32>,
        %swap3A_1256 = vector.shape_cast %swap3A_1255 : vector<1x1x16xf32> to vector<16xf32>
        %swap3A_1257 = vector.shape_cast %exp3A_1248 : vector<16xf32> to vector<1x1x16xf32>
        tpu.vector_store %arg15[%swap3A_1252, %swap3A_1253, %swap3A_1254], %swap3A_1257 {strides = array<i32>} : memref<2x96x64xf32, #tpu.memory_space<vmem>>, vector<1x1x16xf32>,
        %mul3A_1258 = arith.mulf %max3A_1247, %exp3A_1248 : vector<16xf32>
        %add3A_1259 = arith.constant 1 : i32
        %add3A_1260 = arith.addi %mul3A_989, %add3A_1259 : i32
        %swap3A_1261 = arith.constant 0 : i32
        %swap3A_1262 = arith.index_cast %swap3A_1261 : i32 to index
        %swap3A_1263 = arith.index_cast %add3A_1260 : i32 to index
        %swap3A_1264 = arith.constant 32 : index
        %swap3A_1265 = tpu.vector_load %arg16[%swap3A_1262, %swap3A_1263, %swap3A_1264] {strides = array<i32>} : memref<2x96x64xf32, #tpu.memory_space<vmem>>, vector<1x1x16xf32>,
        %swap3A_1266 = vector.shape_cast %swap3A_1265 : vector<1x1x16xf32> to vector<16xf32>
        %swap3A_1267 = vector.shape_cast %mul3A_1258 : vector<16xf32> to vector<1x1x16xf32>
        tpu.vector_store %arg16[%swap3A_1262, %swap3A_1263, %swap3A_1264], %swap3A_1267 {strides = array<i32>} : memref<2x96x64xf32, #tpu.memory_space<vmem>>, vector<1x1x16xf32>,
        %add3A_1268 = arith.constant 1 : i32
        %add3A_1269 = arith.addi %mul3A_989, %add3A_1268 : i32
        %get3A_1270 = arith.constant 0 : i32
        %get3A_1271 = arith.index_cast %get3A_1270 : i32 to index
        %get3A_1272 = arith.index_cast %add3A_1269 : i32 to index
        %get3A_1273 = arith.constant 48 : index
        %get3A_1274 = tpu.vector_load %arg13[%get3A_1271, %get3A_1272, %get3A_1273] {strides = array<i32>} : memref<2x96x64xf32, #tpu.memory_space<vmem>>, vector<1x1x16xf32>,
        %get3A_1275 = vector.shape_cast %get3A_1274 : vector<1x1x16xf32> to vector<16xf32>
        %add3A_1276 = arith.constant 1 : i32
        %add3A_1277 = arith.addi %mul3A_989, %add3A_1276 : i32
        %get3A_1278 = arith.constant 0 : i32
        %get3A_1279 = arith.index_cast %get3A_1278 : i32 to index
        %get3A_1280 = arith.index_cast %add3A_1277 : i32 to index
        %get3A_1281 = arith.constant 48 : index
        %get3A_1282 = tpu.vector_load %arg14[%get3A_1279, %get3A_1280, %get3A_1281] {strides = array<i32>} : memref<2x96x64xf32, #tpu.memory_space<vmem>>, vector<1x1x16xf32>,
        %get3A_1283 = vector.shape_cast %get3A_1282 : vector<1x1x16xf32> to vector<16xf32>
        %add3A_1284 = arith.addf %get3A_1275, %get3A_1283 : vector<16xf32>
        %max3A_1285 = arith.constant 0.000000e+00 : f32
        %max3A_1286 = vector.broadcast %max3A_1285 : f32 to vector<16xf32>
        %max3A_1287 = arith.maximumf %add3A_1284, %max3A_1286 : vector<16xf32>
        %exp3A_1288 = math.exp %max3A_1287 : vector<16xf32>
        %add3A_1289 = arith.constant 1 : i32
        %add3A_1290 = arith.addi %mul3A_989, %add3A_1289 : i32
        %swap3A_1291 = arith.constant 0 : i32
        %swap3A_1292 = arith.index_cast %swap3A_1291 : i32 to index
        %swap3A_1293 = arith.index_cast %add3A_1290 : i32 to index
        %swap3A_1294 = arith.constant 48 : index
        %swap3A_1295 = tpu.vector_load %arg15[%swap3A_1292, %swap3A_1293, %swap3A_1294] {strides = array<i32>} : memref<2x96x64xf32, #tpu.memory_space<vmem>>, vector<1x1x16xf32>,
        %swap3A_1296 = vector.shape_cast %swap3A_1295 : vector<1x1x16xf32> to vector<16xf32>
        %swap3A_1297 = vector.shape_cast %exp3A_1288 : vector<16xf32> to vector<1x1x16xf32>
        tpu.vector_store %arg15[%swap3A_1292, %swap3A_1293, %swap3A_1294], %swap3A_1297 {strides = array<i32>} : memref<2x96x64xf32, #tpu.memory_space<vmem>>, vector<1x1x16xf32>,
        %mul3A_1298 = arith.mulf %max3A_1287, %exp3A_1288 : vector<16xf32>
        %add3A_1299 = arith.constant 1 : i32
        %add3A_1300 = arith.addi %mul3A_989, %add3A_1299 : i32
        %swap3A_1301 = arith.constant 0 : i32
        %swap3A_1302 = arith.index_cast %swap3A_1301 : i32 to index
        %swap3A_1303 = arith.index_cast %add3A_1300 : i32 to index
        %swap3A_1304 = arith.constant 48 : index
        %swap3A_1305 = tpu.vector_load %arg16[%swap3A_1302, %swap3A_1303, %swap3A_1304] {strides = array<i32>} : memref<2x96x64xf32, #tpu.memory_space<vmem>>, vector<1x1x16xf32>,
        %swap3A_1306 = vector.shape_cast %swap3A_1305 : vector<1x1x16xf32> to vector<16xf32>
        %swap3A_1307 = vector.shape_cast %mul3A_1298 : vector<16xf32> to vector<1x1x16xf32>
        tpu.vector_store %arg16[%swap3A_1302, %swap3A_1303, %swap3A_1304], %swap3A_1307 {strides = array<i32>} : memref<2x96x64xf32, #tpu.memory_space<vmem>>, vector<1x1x16xf32>,
        %scan3A_1308 = arith.constant 0 : i32
        scf.yield %scan3A_1308 : i32
      }
      %scan3A_794 = arith.constant 48 : i32
      %dma_start3A_795 = arith.constant 0 : i32
      %dma_start3A_796 = arith.constant 0 : i32
      %dma_start3A_797 = arith.constant 0 : i32
      %dma_start3A_798 = arith.constant 0 : i32
      %dma_start3A_799 = tpu.memref_slice %arg15[%dma_start3A_795, %dma_start3A_797, %dma_start3A_798] : memref<2x96x64xf32, #tpu.memory_space<vmem>> -> memref<1x96x64xf32, #tpu.memory_space<vmem>>
      %dma_start3A_800 = tpu.memref_squeeze %dma_start3A_799 : memref<1x96x64xf32, #tpu.memory_space<vmem>> -> memref<96x64xf32, #tpu.memory_space<vmem>>
      %dma_start3A_801 = arith.constant 0 : i32
      %dma_start3A_802 = tpu.memref_slice %arg12[%dma_start3A_796, %dma_start3A_801] : memref<2x96xi32, #tpu.memory_space<vmem>> -> memref<1x96xi32, #tpu.memory_space<vmem>>
      %dma_start3A_803 = tpu.memref_squeeze %dma_start3A_802 : memref<1x96xi32, #tpu.memory_space<vmem>> -> memref<96xi32, #tpu.memory_space<vmem>>
      %dma_start3A_804 = arith.constant 0 : i32
      %dma_start3A_805 = arith.constant 0 : i32
      %dma_start3A_806 = tpu.memref_slice %arg18[%dma_start3A_804, %dma_start3A_805] : memref<10112x64xf32, #tpu.memory_space<vmem_shared>> -> memref<10112x64xf32, #tpu.memory_space<vmem_shared>>
      tpu.enqueue_indirect_dma source(%dma_start3A_800 : memref<96x64xf32, #tpu.memory_space<vmem>>) target(%dma_start3A_806 : memref<10112x64xf32, #tpu.memory_space<vmem_shared>>) offsets(%dma_start3A_803 : memref<96xi32, #tpu.memory_space<vmem>>) semaphore(%arg23 : memref<!tpu.dma_semaphore, #tpu.memory_space<semaphore_mem>>) {add = true}
      %dma_start3A_807 = arith.constant 0 : i32
      %dma_start3A_808 = arith.constant 0 : i32
      %dma_start3A_809 = arith.constant 0 : i32
      %dma_start3A_810 = arith.constant 0 : i32
      %dma_start3A_811 = tpu.memref_slice %arg16[%dma_start3A_807, %dma_start3A_809, %dma_start3A_810] : memref<2x96x64xf32, #tpu.memory_space<vmem>> -> memref<1x96x64xf32, #tpu.memory_space<vmem>>
      %dma_start3A_812 = tpu.memref_squeeze %dma_start3A_811 : memref<1x96x64xf32, #tpu.memory_space<vmem>> -> memref<96x64xf32, #tpu.memory_space<vmem>>
      %dma_start3A_813 = arith.constant 0 : i32
      %dma_start3A_814 = tpu.memref_slice %arg12[%dma_start3A_808, %dma_start3A_813] : memref<2x96xi32, #tpu.memory_space<vmem>> -> memref<1x96xi32, #tpu.memory_space<vmem>>
      %dma_start3A_815 = tpu.memref_squeeze %dma_start3A_814 : memref<1x96xi32, #tpu.memory_space<vmem>> -> memref<96xi32, #tpu.memory_space<vmem>>
      %dma_start3A_816 = arith.constant 0 : i32
      %dma_start3A_817 = arith.constant 0 : i32
      %dma_start3A_818 = tpu.memref_slice %arg17[%dma_start3A_816, %dma_start3A_817] : memref<10112x64xf32, #tpu.memory_space<vmem_shared>> -> memref<10112x64xf32, #tpu.memory_space<vmem_shared>>
      tpu.enqueue_indirect_dma source(%dma_start3A_812 : memref<96x64xf32, #tpu.memory_space<vmem>>) target(%dma_start3A_818 : memref<10112x64xf32, #tpu.memory_space<vmem_shared>>) offsets(%dma_start3A_815 : memref<96xi32, #tpu.memory_space<vmem>>) semaphore(%arg23 : memref<!tpu.dma_semaphore, #tpu.memory_space<semaphore_mem>>) {add = true}
      %le3A_819 = arith.constant 205 : i32
      %le3A_820 = arith.cmpi sle, %add3A_669, %le3A_819 : i32
      %convert_element_type3A_821 = arith.extui %le3A_820 : i1 to i32
      %cond3A_822 = arith.constant 0 : i32
      %cond3A_823 = arith.cmpi ne, %convert_element_type3A_821, %cond3A_822 : i32
      scf.if %cond3A_823 {
        %add3A_986 = arith.constant 2 : i32
        %add3A_987 = arith.addi %add3A_669, %add3A_986 : i32
        %mul3A_988 = arith.constant 96 : i32
        %mul3A_989 = arith.muli %add3A_987, %mul3A_988 : i32
        %add3A_990 = arith.addi %mul3A_0, %mul3A_989 : i32
        %add3A_991 = arith.constant 0 : i32
        %add3A_992 = arith.addi %add3A_991, %add3A_990 : i32
        %dma_start3A_993 = arith.constant 0 : i32
        %dma_start3A_994 = arith.constant 0 : i32
        %dma_start3A_995 = tpu.memref_slice %arg10[%dma_start3A_993, %dma_start3A_994] : memref<2x96xi32, #tpu.memory_space<vmem>> -> memref<1x96xi32, #tpu.memory_space<vmem>>
        %dma_start3A_996 = tpu.memref_squeeze %dma_start3A_995 : memref<1x96xi32, #tpu.memory_space<vmem>> -> memref<96xi32, #tpu.memory_space<vmem>>
        %dma_start3A_997 = tpu.memref_slice %arg3[%add3A_992] : memref<320000xi32, #tpu.memory_space<hbm>> -> memref<96xi32, #tpu.memory_space<hbm>>
        %dma_start3A_998 = arith.constant 0 : i32
        %dma_start3A_999 = tpu.memref_slice %arg10[%dma_start3A_993, %dma_start3A_998] : memref<2x96xi32, #tpu.memory_space<vmem>> -> memref<1x96xi32, #tpu.memory_space<vmem>>
        %dma_start3A_1000 = tpu.memref_squeeze %dma_start3A_999 : memref<1x96xi32, #tpu.memory_space<vmem>> -> memref<96xi32, #tpu.memory_space<vmem>>
        %dma_start3A_1001 = tpu.memref_slice %arg3[%add3A_992] : memref<320000xi32, #tpu.memory_space<hbm>> -> memref<96xi32, #tpu.memory_space<hbm>>
        tpu.enqueue_dma source(%dma_start3A_1001 : memref<96xi32, #tpu.memory_space<hbm>>) target(%dma_start3A_1000 : memref<96xi32, #tpu.memory_space<vmem>>) target_semaphore(%arg19 : memref<!tpu.dma_semaphore, #tpu.memory_space<semaphore_mem>>)
        %add3A_1002 = arith.constant 0 : i32
        %add3A_1003 = arith.addi %add3A_1002, %add3A_990 : i32
        %dma_start3A_1004 = arith.constant 0 : i32
        %dma_start3A_1005 = arith.constant 0 : i32
        %dma_start3A_1006 = tpu.memref_slice %arg11[%dma_start3A_1004, %dma_start3A_1005] : memref<2x96xi32, #tpu.memory_space<vmem>> -> memref<1x96xi32, #tpu.memory_space<vmem>>
        %dma_start3A_1007 = tpu.memref_squeeze %dma_start3A_1006 : memref<1x96xi32, #tpu.memory_space<vmem>> -> memref<96xi32, #tpu.memory_space<vmem>>
        %dma_start3A_1008 = tpu.memref_slice %arg4[%add3A_1003] : memref<320000xi32, #tpu.memory_space<hbm>> -> memref<96xi32, #tpu.memory_space<hbm>>
        %dma_start3A_1009 = arith.constant 0 : i32
        %dma_start3A_1010 = tpu.memref_slice %arg11[%dma_start3A_1004, %dma_start3A_1009] : memref<2x96xi32, #tpu.memory_space<vmem>> -> memref<1x96xi32, #tpu.memory_space<vmem>>
        %dma_start3A_1011 = tpu.memref_squeeze %dma_start3A_1010 : memref<1x96xi32, #tpu.memory_space<vmem>> -> memref<96xi32, #tpu.memory_space<vmem>>
        %dma_start3A_1012 = tpu.memref_slice %arg4[%add3A_1003] : memref<320000xi32, #tpu.memory_space<hbm>> -> memref<96xi32, #tpu.memory_space<hbm>>
        tpu.enqueue_dma source(%dma_start3A_1012 : memref<96xi32, #tpu.memory_space<hbm>>) target(%dma_start3A_1011 : memref<96xi32, #tpu.memory_space<vmem>>) target_semaphore(%arg19 : memref<!tpu.dma_semaphore, #tpu.memory_space<semaphore_mem>>)
      } else {
      }
      %mul3A_824 = arith.constant 2 : i32
      %mul3A_825 = arith.muli %mul3A_824, %scan3A_664 : i32
      %add3A_826 = arith.constant 1 : i32
      %add3A_827 = arith.addi %mul3A_825, %add3A_826 : i32
      %le3A_828 = arith.constant 206 : i32
      %le3A_829 = arith.cmpi sle, %add3A_827, %le3A_828 : i32
      %convert_element_type3A_830 = arith.extui %le3A_829 : i1 to i32
      %cond3A_831 = arith.constant 0 : i32
      %cond3A_832 = arith.cmpi ne, %convert_element_type3A_830, %cond3A_831 : i32
      scf.if %cond3A_832 {
        %add3A_986 = arith.constant 1 : i32
        %add3A_987 = arith.addi %add3A_827, %add3A_986 : i32
        %mul3A_988 = arith.constant 96 : i32
        %mul3A_989 = arith.muli %add3A_987, %mul3A_988 : i32
        %add3A_990 = arith.addi %mul3A_0, %mul3A_989 : i32
        %add3A_991 = arith.constant 0 : i32
        %add3A_992 = arith.addi %add3A_991, %add3A_990 : i32
        %dma_wait3A_993 = arith.constant 0 : i32
        %dma_wait3A_994 = arith.constant 0 : i32
        %dma_wait3A_995 = tpu.memref_slice %arg10[%dma_wait3A_993, %dma_wait3A_994] : memref<2x96xi32, #tpu.memory_space<vmem>> -> memref<1x96xi32, #tpu.memory_space<vmem>>
        %dma_wait3A_996 = tpu.memref_squeeze %dma_wait3A_995 : memref<1x96xi32, #tpu.memory_space<vmem>> -> memref<96xi32, #tpu.memory_space<vmem>>
        %dma_wait3A_997 = tpu.memref_slice %arg3[%add3A_992] : memref<320000xi32, #tpu.memory_space<hbm>> -> memref<96xi32, #tpu.memory_space<hbm>>
        %dma_wait3A_998 = arith.constant 0 : i32
        %dma_wait3A_999 = tpu.memref_slice %arg10[%dma_wait3A_993, %dma_wait3A_998] : memref<2x96xi32, #tpu.memory_space<vmem>> -> memref<1x96xi32, #tpu.memory_space<vmem>>
        %dma_wait3A_1000 = tpu.memref_squeeze %dma_wait3A_999 : memref<1x96xi32, #tpu.memory_space<vmem>> -> memref<96xi32, #tpu.memory_space<vmem>>
        %dma_wait3A_1001 = tpu.memref_slice %arg3[%add3A_992] : memref<320000xi32, #tpu.memory_space<hbm>> -> memref<96xi32, #tpu.memory_space<hbm>>
        tpu.wait_dma2 semaphore(%arg19 : memref<!tpu.dma_semaphore, #tpu.memory_space<semaphore_mem>>) src(%dma_wait3A_1001 : memref<96xi32, #tpu.memory_space<hbm>>) dst(%dma_wait3A_1000 : memref<96xi32, #tpu.memory_space<vmem>>)
        %add3A_1002 = arith.constant 0 : i32
        %add3A_1003 = arith.addi %add3A_1002, %add3A_990 : i32
        %dma_wait3A_1004 = arith.constant 0 : i32
        %dma_wait3A_1005 = arith.constant 0 : i32
        %dma_wait3A_1006 = tpu.memref_slice %arg11[%dma_wait3A_1004, %dma_wait3A_1005] : memref<2x96xi32, #tpu.memory_space<vmem>> -> memref<1x96xi32, #tpu.memory_space<vmem>>
        %dma_wait3A_1007 = tpu.memref_squeeze %dma_wait3A_1006 : memref<1x96xi32, #tpu.memory_space<vmem>> -> memref<96xi32, #tpu.memory_space<vmem>>
        %dma_wait3A_1008 = tpu.memref_slice %arg4[%add3A_1003] : memref<320000xi32, #tpu.memory_space<hbm>> -> memref<96xi32, #tpu.memory_space<hbm>>
        %dma_wait3A_1009 = arith.constant 0 : i32
        %dma_wait3A_1010 = tpu.memref_slice %arg11[%dma_wait3A_1004, %dma_wait3A_1009] : memref<2x96xi32, #tpu.memory_space<vmem>> -> memref<1x96xi32, #tpu.memory_space<vmem>>
        %dma_wait3A_1011 = tpu.memref_squeeze %dma_wait3A_1010 : memref<1x96xi32, #tpu.memory_space<vmem>> -> memref<96xi32, #tpu.memory_space<vmem>>
        %dma_wait3A_1012 = tpu.memref_slice %arg4[%add3A_1003] : memref<320000xi32, #tpu.memory_space<hbm>> -> memref<96xi32, #tpu.memory_space<hbm>>
        tpu.wait_dma2 semaphore(%arg19 : memref<!tpu.dma_semaphore, #tpu.memory_space<semaphore_mem>>) src(%dma_wait3A_1012 : memref<96xi32, #tpu.memory_space<hbm>>) dst(%dma_wait3A_1011 : memref<96xi32, #tpu.memory_space<vmem>>)
        %get3A_1013 = arith.constant 0 : i32
        %get3A_1014 = arith.index_cast %get3A_1013 : i32 to index
        %get3A_1015 = arith.constant 0 : index
        %get3A_1016 = tpu.vector_load %arg10[%get3A_1014, %get3A_1015] {strides = array<i32>} : memref<2x96xi32, #tpu.memory_space<vmem>>, vector<1x16xi32>,
        %get3A_1017 = vector.shape_cast %get3A_1016 : vector<1x16xi32> to vector<16xi32>
        %mul3A_1018 = arith.constant 2 : i32
        %mul3A_1019 = vector.broadcast %mul3A_1018 : i32 to vector<16xi32>
        %mul3A_1020 = arith.muli %get3A_1017, %mul3A_1019 : vector<16xi32>
        %add3A_1021 = vector.broadcast %arg0 : i32 to vector<16xi32>
        %add3A_1022 = arith.addi %mul3A_1020, %add3A_1021 : vector<16xi32>
        %swap3A_1023 = arith.constant 0 : i32
        %swap3A_1024 = arith.index_cast %swap3A_1023 : i32 to index
        %swap3A_1025 = arith.constant 0 : index
        %swap3A_1026 = tpu.vector_load %arg10[%swap3A_1024, %swap3A_1025] {strides = array<i32>} : memref<2x96xi32, #tpu.memory_space<vmem>>, vector<1x16xi32>,
        %swap3A_1027 = vector.shape_cast %swap3A_1026 : vector<1x16xi32> to vector<16xi32>
        %swap3A_1028 = vector.shape_cast %add3A_1022 : vector<16xi32> to vector<1x16xi32>
        tpu.vector_store %arg10[%swap3A_1024, %swap3A_1025], %swap3A_1028 {strides = array<i32>} : memref<2x96xi32, #tpu.memory_space<vmem>>, vector<1x16xi32>,
        %get3A_1029 = arith.constant 0 : i32
        %get3A_1030 = arith.index_cast %get3A_1029 : i32 to index
        %get3A_1031 = arith.constant 16 : index
        %get3A_1032 = tpu.vector_load %arg10[%get3A_1030, %get3A_1031] {strides = array<i32>} : memref<2x96xi32, #tpu.memory_space<vmem>>, vector<1x16xi32>,
        %get3A_1033 = vector.shape_cast %get3A_1032 : vector<1x16xi32> to vector<16xi32>
        %mul3A_1034 = arith.constant 2 : i32
        %mul3A_1035 = vector.broadcast %mul3A_1034 : i32 to vector<16xi32>
        %mul3A_1036 = arith.muli %get3A_1033, %mul3A_1035 : vector<16xi32>
        %add3A_1037 = vector.broadcast %arg0 : i32 to vector<16xi32>
        %add3A_1038 = arith.addi %mul3A_1036, %add3A_1037 : vector<16xi32>
        %swap3A_1039 = arith.constant 0 : i32
        %swap3A_1040 = arith.index_cast %swap3A_1039 : i32 to index
        %swap3A_1041 = arith.constant 16 : index
        %swap3A_1042 = tpu.vector_load %arg10[%swap3A_1040, %swap3A_1041] {strides = array<i32>} : memref<2x96xi32, #tpu.memory_space<vmem>>, vector<1x16xi32>,
        %swap3A_1043 = vector.shape_cast %swap3A_1042 : vector<1x16xi32> to vector<16xi32>
        %swap3A_1044 = vector.shape_cast %add3A_1038 : vector<16xi32> to vector<1x16xi32>
        tpu.vector_store %arg10[%swap3A_1040, %swap3A_1041], %swap3A_1044 {strides = array<i32>} : memref<2x96xi32, #tpu.memory_space<vmem>>, vector<1x16xi32>,
        %get3A_1045 = arith.constant 0 : i32
        %get3A_1046 = arith.index_cast %get3A_1045 : i32 to index
        %get3A_1047 = arith.constant 32 : index
        %get3A_1048 = tpu.vector_load %arg10[%get3A_1046, %get3A_1047] {strides = array<i32>} : memref<2x96xi32, #tpu.memory_space<vmem>>, vector<1x16xi32>,
        %get3A_1049 = vector.shape_cast %get3A_1048 : vector<1x16xi32> to vector<16xi32>
        %mul3A_1050 = arith.constant 2 : i32
        %mul3A_1051 = vector.broadcast %mul3A_1050 : i32 to vector<16xi32>
        %mul3A_1052 = arith.muli %get3A_1049, %mul3A_1051 : vector<16xi32>
        %add3A_1053 = vector.broadcast %arg0 : i32 to vector<16xi32>
        %add3A_1054 = arith.addi %mul3A_1052, %add3A_1053 : vector<16xi32>
        %swap3A_1055 = arith.constant 0 : i32
        %swap3A_1056 = arith.index_cast %swap3A_1055 : i32 to index
        %swap3A_1057 = arith.constant 32 : index
        %swap3A_1058 = tpu.vector_load %arg10[%swap3A_1056, %swap3A_1057] {strides = array<i32>} : memref<2x96xi32, #tpu.memory_space<vmem>>, vector<1x16xi32>,
        %swap3A_1059 = vector.shape_cast %swap3A_1058 : vector<1x16xi32> to vector<16xi32>
        %swap3A_1060 = vector.shape_cast %add3A_1054 : vector<16xi32> to vector<1x16xi32>
        tpu.vector_store %arg10[%swap3A_1056, %swap3A_1057], %swap3A_1060 {strides = array<i32>} : memref<2x96xi32, #tpu.memory_space<vmem>>, vector<1x16xi32>,
        %get3A_1061 = arith.constant 0 : i32
        %get3A_1062 = arith.index_cast %get3A_1061 : i32 to index
        %get3A_1063 = arith.constant 48 : index
        %get3A_1064 = tpu.vector_load %arg10[%get3A_1062, %get3A_1063] {strides = array<i32>} : memref<2x96xi32, #tpu.memory_space<vmem>>, vector<1x16xi32>,
        %get3A_1065 = vector.shape_cast %get3A_1064 : vector<1x16xi32> to vector<16xi32>
        %mul3A_1066 = arith.constant 2 : i32
        %mul3A_1067 = vector.broadcast %mul3A_1066 : i32 to vector<16xi32>
        %mul3A_1068 = arith.muli %get3A_1065, %mul3A_1067 : vector<16xi32>
        %add3A_1069 = vector.broadcast %arg0 : i32 to vector<16xi32>
        %add3A_1070 = arith.addi %mul3A_1068, %add3A_1069 : vector<16xi32>
        %swap3A_1071 = arith.constant 0 : i32
        %swap3A_1072 = arith.index_cast %swap3A_1071 : i32 to index
        %swap3A_1073 = arith.constant 48 : index
        %swap3A_1074 = tpu.vector_load %arg10[%swap3A_1072, %swap3A_1073] {strides = array<i32>} : memref<2x96xi32, #tpu.memory_space<vmem>>, vector<1x16xi32>,
        %swap3A_1075 = vector.shape_cast %swap3A_1074 : vector<1x16xi32> to vector<16xi32>
        %swap3A_1076 = vector.shape_cast %add3A_1070 : vector<16xi32> to vector<1x16xi32>
        tpu.vector_store %arg10[%swap3A_1072, %swap3A_1073], %swap3A_1076 {strides = array<i32>} : memref<2x96xi32, #tpu.memory_space<vmem>>, vector<1x16xi32>,
        %get3A_1077 = arith.constant 0 : i32
        %get3A_1078 = arith.index_cast %get3A_1077 : i32 to index
        %get3A_1079 = arith.constant 64 : index
        %get3A_1080 = tpu.vector_load %arg10[%get3A_1078, %get3A_1079] {strides = array<i32>} : memref<2x96xi32, #tpu.memory_space<vmem>>, vector<1x16xi32>,
        %get3A_1081 = vector.shape_cast %get3A_1080 : vector<1x16xi32> to vector<16xi32>
        %mul3A_1082 = arith.constant 2 : i32
        %mul3A_1083 = vector.broadcast %mul3A_1082 : i32 to vector<16xi32>
        %mul3A_1084 = arith.muli %get3A_1081, %mul3A_1083 : vector<16xi32>
        %add3A_1085 = vector.broadcast %arg0 : i32 to vector<16xi32>
        %add3A_1086 = arith.addi %mul3A_1084, %add3A_1085 : vector<16xi32>
        %swap3A_1087 = arith.constant 0 : i32
        %swap3A_1088 = arith.index_cast %swap3A_1087 : i32 to index
        %swap3A_1089 = arith.constant 64 : index
        %swap3A_1090 = tpu.vector_load %arg10[%swap3A_1088, %swap3A_1089] {strides = array<i32>} : memref<2x96xi32, #tpu.memory_space<vmem>>, vector<1x16xi32>,
        %swap3A_1091 = vector.shape_cast %swap3A_1090 : vector<1x16xi32> to vector<16xi32>
        %swap3A_1092 = vector.shape_cast %add3A_1086 : vector<16xi32> to vector<1x16xi32>
        tpu.vector_store %arg10[%swap3A_1088, %swap3A_1089], %swap3A_1092 {strides = array<i32>} : memref<2x96xi32, #tpu.memory_space<vmem>>, vector<1x16xi32>,
        %get3A_1093 = arith.constant 0 : i32
        %get3A_1094 = arith.index_cast %get3A_1093 : i32 to index
        %get3A_1095 = arith.constant 80 : index
        %get3A_1096 = tpu.vector_load %arg10[%get3A_1094, %get3A_1095] {strides = array<i32>} : memref<2x96xi32, #tpu.memory_space<vmem>>, vector<1x16xi32>,
        %get3A_1097 = vector.shape_cast %get3A_1096 : vector<1x16xi32> to vector<16xi32>
        %mul3A_1098 = arith.constant 2 : i32
        %mul3A_1099 = vector.broadcast %mul3A_1098 : i32 to vector<16xi32>
        %mul3A_1100 = arith.muli %get3A_1097, %mul3A_1099 : vector<16xi32>
        %add3A_1101 = vector.broadcast %arg0 : i32 to vector<16xi32>
        %add3A_1102 = arith.addi %mul3A_1100, %add3A_1101 : vector<16xi32>
        %swap3A_1103 = arith.constant 0 : i32
        %swap3A_1104 = arith.index_cast %swap3A_1103 : i32 to index
        %swap3A_1105 = arith.constant 80 : index
        %swap3A_1106 = tpu.vector_load %arg10[%swap3A_1104, %swap3A_1105] {strides = array<i32>} : memref<2x96xi32, #tpu.memory_space<vmem>>, vector<1x16xi32>,
        %swap3A_1107 = vector.shape_cast %swap3A_1106 : vector<1x16xi32> to vector<16xi32>
        %swap3A_1108 = vector.shape_cast %add3A_1102 : vector<16xi32> to vector<1x16xi32>
        tpu.vector_store %arg10[%swap3A_1104, %swap3A_1105], %swap3A_1108 {strides = array<i32>} : memref<2x96xi32, #tpu.memory_space<vmem>>, vector<1x16xi32>,
        %add3A_1109 = arith.constant 1 : i32
        %add3A_1110 = arith.addi %add3A_827, %add3A_1109 : i32
        %mul3A_1111 = arith.constant 96 : i32
        %mul3A_1112 = arith.muli %add3A_1110, %mul3A_1111 : i32
        %add3A_1113 = arith.addi %mul3A_0, %mul3A_1112 : i32
        %dma_start3A_1114 = arith.constant 0 : i32
        %dma_start3A_1115 = arith.constant 0 : i32
        %dma_start3A_1116 = arith.constant 0 : i32
        %dma_start3A_1117 = arith.constant 0 : i32
        %dma_start3A_1118 = tpu.memref_slice %arg13[%dma_start3A_1115, %dma_start3A_1116, %dma_start3A_1117] : memref<2x96x64xf32, #tpu.memory_space<vmem>> -> memref<1x96x64xf32, #tpu.memory_space<vmem>>
        %dma_start3A_1119 = tpu.memref_squeeze %dma_start3A_1118 : memref<1x96x64xf32, #tpu.memory_space<vmem>> -> memref<96x64xf32, #tpu.memory_space<vmem>>
        %dma_start3A_1120 = arith.constant 0 : i32
        %dma_start3A_1121 = tpu.memref_slice %arg10[%dma_start3A_1114, %dma_start3A_1120] : memref<2x96xi32, #tpu.memory_space<vmem>> -> memref<1x96xi32, #tpu.memory_space<vmem>>
        %dma_start3A_1122 = tpu.memref_squeeze %dma_start3A_1121 : memref<1x96xi32, #tpu.memory_space<vmem>> -> memref<96xi32, #tpu.memory_space<vmem>>
        %dma_start3A_1123 = arith.constant 0 : i32
        %dma_start3A_1124 = arith.constant 0 : i32
        %dma_start3A_1125 = tpu.memref_slice %arg2[%dma_start3A_1123, %dma_start3A_1124] : memref<20000x64xf32, #tpu.memory_space<hbm>> -> memref<20000x64xf32, #tpu.memory_space<hbm>>
        tpu.enqueue_indirect_dma source(%dma_start3A_1125 : memref<20000x64xf32, #tpu.memory_space<hbm>>) target(%dma_start3A_1119 : memref<96x64xf32, #tpu.memory_space<vmem>>) offsets(%dma_start3A_1122 : memref<96xi32, #tpu.memory_space<vmem>>) semaphore(%arg21 : memref<!tpu.dma_semaphore, #tpu.memory_space<semaphore_mem>>)
        %dma_start3A_1126 = arith.constant 0 : i32
        %dma_start3A_1127 = arith.constant 0 : i32
        %dma_start3A_1128 = arith.constant 0 : i32
        %dma_start3A_1129 = tpu.memref_slice %arg14[%dma_start3A_1126, %dma_start3A_1127, %dma_start3A_1128] : memref<2x96x64xf32, #tpu.memory_space<vmem>> -> memref<1x96x64xf32, #tpu.memory_space<vmem>>
        %dma_start3A_1130 = tpu.memref_squeeze %dma_start3A_1129 : memref<1x96x64xf32, #tpu.memory_space<vmem>> -> memref<96x64xf32, #tpu.memory_space<vmem>>
        %dma_start3A_1131 = tpu.memref_slice %arg5[%add3A_1113, %mul3A_5] : memref<320000x128xf32, #tpu.memory_space<hbm>> -> memref<96x64xf32, #tpu.memory_space<hbm>>
        %dma_start3A_1132 = arith.constant 0 : i32
        %dma_start3A_1133 = arith.constant 0 : i32
        %dma_start3A_1134 = tpu.memref_slice %arg14[%dma_start3A_1126, %dma_start3A_1132, %dma_start3A_1133] : memref<2x96x64xf32, #tpu.memory_space<vmem>> -> memref<1x96x64xf32, #tpu.memory_space<vmem>>
        %dma_start3A_1135 = tpu.memref_squeeze %dma_start3A_1134 : memref<1x96x64xf32, #tpu.memory_space<vmem>> -> memref<96x64xf32, #tpu.memory_space<vmem>>
        %dma_start3A_1136 = tpu.memref_slice %arg5[%add3A_1113, %mul3A_5] : memref<320000x128xf32, #tpu.memory_space<hbm>> -> memref<96x64xf32, #tpu.memory_space<hbm>>
        tpu.enqueue_dma source(%dma_start3A_1136 : memref<96x64xf32, #tpu.memory_space<hbm>>) target(%dma_start3A_1135 : memref<96x64xf32, #tpu.memory_space<vmem>>) target_semaphore(%arg21 : memref<!tpu.dma_semaphore, #tpu.memory_space<semaphore_mem>>)
      } else {
      }
      %mul3A_833 = arith.constant 96 : i32
      %mul3A_834 = arith.muli %add3A_827, %mul3A_833 : i32
      %add3A_835 = arith.addi %mul3A_0, %mul3A_834 : i32
      %dma_wait3A_836 = arith.constant 1 : i32
      %dma_wait3A_837 = arith.constant 1 : i32
      %dma_wait3A_838 = arith.constant 0 : i32
      %dma_wait3A_839 = arith.constant 0 : i32
      %dma_wait3A_840 = tpu.memref_slice %arg13[%dma_wait3A_837, %dma_wait3A_838, %dma_wait3A_839] : memref<2x96x64xf32, #tpu.memory_space<vmem>> -> memref<1x96x64xf32, #tpu.memory_space<vmem>>
      %dma_wait3A_841 = tpu.memref_squeeze %dma_wait3A_840 : memref<1x96x64xf32, #tpu.memory_space<vmem>> -> memref<96x64xf32, #tpu.memory_space<vmem>>
      %dma_wait3A_842 = arith.constant 0 : i32
      %dma_wait3A_843 = tpu.memref_slice %arg10[%dma_wait3A_836, %dma_wait3A_842] : memref<2x96xi32, #tpu.memory_space<vmem>> -> memref<1x96xi32, #tpu.memory_space<vmem>>
      %dma_wait3A_844 = tpu.memref_squeeze %dma_wait3A_843 : memref<1x96xi32, #tpu.memory_space<vmem>> -> memref<96xi32, #tpu.memory_space<vmem>>
      %dma_wait3A_845 = arith.constant 0 : i32
      %dma_wait3A_846 = arith.constant 0 : i32
      %dma_wait3A_847 = tpu.memref_slice %arg2[%dma_wait3A_845, %dma_wait3A_846] : memref<20000x64xf32, #tpu.memory_space<hbm>> -> memref<20000x64xf32, #tpu.memory_space<hbm>>
      tpu.wait_indirect_dma semaphore(%arg22 : memref<!tpu.dma_semaphore, #tpu.memory_space<semaphore_mem>>) src(%dma_wait3A_847 : memref<20000x64xf32, #tpu.memory_space<hbm>>) dst(%dma_wait3A_841 : memref<96x64xf32, #tpu.memory_space<vmem>>)
      %dma_wait3A_848 = arith.constant 1 : i32
      %dma_wait3A_849 = arith.constant 0 : i32
      %dma_wait3A_850 = arith.constant 0 : i32
      %dma_wait3A_851 = tpu.memref_slice %arg14[%dma_wait3A_848, %dma_wait3A_849, %dma_wait3A_850] : memref<2x96x64xf32, #tpu.memory_space<vmem>> -> memref<1x96x64xf32, #tpu.memory_space<vmem>>
      %dma_wait3A_852 = tpu.memref_squeeze %dma_wait3A_851 : memref<1x96x64xf32, #tpu.memory_space<vmem>> -> memref<96x64xf32, #tpu.memory_space<vmem>>
      %dma_wait3A_853 = tpu.memref_slice %arg5[%add3A_835, %mul3A_5] : memref<320000x128xf32, #tpu.memory_space<hbm>> -> memref<96x64xf32, #tpu.memory_space<hbm>>
      %dma_wait3A_854 = arith.constant 0 : i32
      %dma_wait3A_855 = arith.constant 0 : i32
      %dma_wait3A_856 = tpu.memref_slice %arg14[%dma_wait3A_848, %dma_wait3A_854, %dma_wait3A_855] : memref<2x96x64xf32, #tpu.memory_space<vmem>> -> memref<1x96x64xf32, #tpu.memory_space<vmem>>
      %dma_wait3A_857 = tpu.memref_squeeze %dma_wait3A_856 : memref<1x96x64xf32, #tpu.memory_space<vmem>> -> memref<96x64xf32, #tpu.memory_space<vmem>>
      %dma_wait3A_858 = tpu.memref_slice %arg5[%add3A_835, %mul3A_5] : memref<320000x128xf32, #tpu.memory_space<hbm>> -> memref<96x64xf32, #tpu.memory_space<hbm>>
      tpu.wait_dma2 semaphore(%arg22 : memref<!tpu.dma_semaphore, #tpu.memory_space<semaphore_mem>>) src(%dma_wait3A_858 : memref<96x64xf32, #tpu.memory_space<hbm>>) dst(%dma_wait3A_857 : memref<96x64xf32, #tpu.memory_space<vmem>>)
      %dma_wait3A_859 = arith.constant 1 : i32
      %dma_wait3A_860 = arith.constant 1 : i32
      %dma_wait3A_861 = arith.constant 0 : i32
      %dma_wait3A_862 = arith.constant 0 : i32
      %dma_wait3A_863 = tpu.memref_slice %arg15[%dma_wait3A_859, %dma_wait3A_861, %dma_wait3A_862] : memref<2x96x64xf32, #tpu.memory_space<vmem>> -> memref<1x96x64xf32, #tpu.memory_space<vmem>>
      %dma_wait3A_864 = tpu.memref_squeeze %dma_wait3A_863 : memref<1x96x64xf32, #tpu.memory_space<vmem>> -> memref<96x64xf32, #tpu.memory_space<vmem>>
      %dma_wait3A_865 = arith.constant 0 : i32
      %dma_wait3A_866 = tpu.memref_slice %arg12[%dma_wait3A_860, %dma_wait3A_865] : memref<2x96xi32, #tpu.memory_space<vmem>> -> memref<1x96xi32, #tpu.memory_space<vmem>>
      %dma_wait3A_867 = tpu.memref_squeeze %dma_wait3A_866 : memref<1x96xi32, #tpu.memory_space<vmem>> -> memref<96xi32, #tpu.memory_space<vmem>>
      %dma_wait3A_868 = arith.constant 0 : i32
      %dma_wait3A_869 = arith.constant 0 : i32
      %dma_wait3A_870 = tpu.memref_slice %arg18[%dma_wait3A_868, %dma_wait3A_869] : memref<10112x64xf32, #tpu.memory_space<vmem_shared>> -> memref<10112x64xf32, #tpu.memory_space<vmem_shared>>
      tpu.wait_indirect_dma semaphore(%arg24 : memref<!tpu.dma_semaphore, #tpu.memory_space<semaphore_mem>>) src(%dma_wait3A_864 : memref<96x64xf32, #tpu.memory_space<vmem>>) dst(%dma_wait3A_870 : memref<10112x64xf32, #tpu.memory_space<vmem_shared>>)
      %dma_wait3A_871 = arith.constant 1 : i32
      %dma_wait3A_872 = arith.constant 1 : i32
      %dma_wait3A_873 = arith.constant 0 : i32
      %dma_wait3A_874 = arith.constant 0 : i32
      %dma_wait3A_875 = tpu.memref_slice %arg16[%dma_wait3A_871, %dma_wait3A_873, %dma_wait3A_874] : memref<2x96x64xf32, #tpu.memory_space<vmem>> -> memref<1x96x64xf32, #tpu.memory_space<vmem>>
      %dma_wait3A_876 = tpu.memref_squeeze %dma_wait3A_875 : memref<1x96x64xf32, #tpu.memory_space<vmem>> -> memref<96x64xf32, #tpu.memory_space<vmem>>
      %dma_wait3A_877 = arith.constant 0 : i32
      %dma_wait3A_878 = tpu.memref_slice %arg12[%dma_wait3A_872, %dma_wait3A_877] : memref<2x96xi32, #tpu.memory_space<vmem>> -> memref<1x96xi32, #tpu.memory_space<vmem>>
      %dma_wait3A_879 = tpu.memref_squeeze %dma_wait3A_878 : memref<1x96xi32, #tpu.memory_space<vmem>> -> memref<96xi32, #tpu.memory_space<vmem>>
      %dma_wait3A_880 = arith.constant 0 : i32
      %dma_wait3A_881 = arith.constant 0 : i32
      %dma_wait3A_882 = tpu.memref_slice %arg17[%dma_wait3A_880, %dma_wait3A_881] : memref<10112x64xf32, #tpu.memory_space<vmem_shared>> -> memref<10112x64xf32, #tpu.memory_space<vmem_shared>>
      tpu.wait_indirect_dma semaphore(%arg24 : memref<!tpu.dma_semaphore, #tpu.memory_space<semaphore_mem>>) src(%dma_wait3A_876 : memref<96x64xf32, #tpu.memory_space<vmem>>) dst(%dma_wait3A_882 : memref<10112x64xf32, #tpu.memory_space<vmem_shared>>)
      %get3A_883 = arith.constant 1 : i32
      %get3A_884 = arith.index_cast %get3A_883 : i32 to index
      %get3A_885 = arith.constant 0 : index
      %get3A_886 = tpu.vector_load %arg11[%get3A_884, %get3A_885] {strides = array<i32>} : memref<2x96xi32, #tpu.memory_space<vmem>>, vector<1x16xi32>,
      %get3A_887 = vector.shape_cast %get3A_886 : vector<1x16xi32> to vector<16xi32>
      %swap3A_888 = arith.constant 1 : i32
      %swap3A_889 = arith.index_cast %swap3A_888 : i32 to index
      %swap3A_890 = arith.constant 0 : index
      %swap3A_891 = tpu.vector_load %arg12[%swap3A_889, %swap3A_890] {strides = array<i32>} : memref<2x96xi32, #tpu.memory_space<vmem>>, vector<1x16xi32>,
      %swap3A_892 = vector.shape_cast %swap3A_891 : vector<1x16xi32> to vector<16xi32>
      %swap3A_893 = vector.shape_cast %get3A_887 : vector<16xi32> to vector<1x16xi32>
      tpu.vector_store %arg12[%swap3A_889, %swap3A_890], %swap3A_893 {strides = array<i32>} : memref<2x96xi32, #tpu.memory_space<vmem>>, vector<1x16xi32>,
      %get3A_894 = arith.constant 1 : i32
      %get3A_895 = arith.index_cast %get3A_894 : i32 to index
      %get3A_896 = arith.constant 16 : index
      %get3A_897 = tpu.vector_load %arg11[%get3A_895, %get3A_896] {strides = array<i32>} : memref<2x96xi32, #tpu.memory_space<vmem>>, vector<1x16xi32>,
      %get3A_898 = vector.shape_cast %get3A_897 : vector<1x16xi32> to vector<16xi32>
      %swap3A_899 = arith.constant 1 : i32
      %swap3A_900 = arith.index_cast %swap3A_899 : i32 to index
      %swap3A_901 = arith.constant 16 : index
      %swap3A_902 = tpu.vector_load %arg12[%swap3A_900, %swap3A_901] {strides = array<i32>} : memref<2x96xi32, #tpu.memory_space<vmem>>, vector<1x16xi32>,
      %swap3A_903 = vector.shape_cast %swap3A_902 : vector<1x16xi32> to vector<16xi32>
      %swap3A_904 = vector.shape_cast %get3A_898 : vector<16xi32> to vector<1x16xi32>
      tpu.vector_store %arg12[%swap3A_900, %swap3A_901], %swap3A_904 {strides = array<i32>} : memref<2x96xi32, #tpu.memory_space<vmem>>, vector<1x16xi32>,
      %get3A_905 = arith.constant 1 : i32
      %get3A_906 = arith.index_cast %get3A_905 : i32 to index
      %get3A_907 = arith.constant 32 : index
      %get3A_908 = tpu.vector_load %arg11[%get3A_906, %get3A_907] {strides = array<i32>} : memref<2x96xi32, #tpu.memory_space<vmem>>, vector<1x16xi32>,
      %get3A_909 = vector.shape_cast %get3A_908 : vector<1x16xi32> to vector<16xi32>
      %swap3A_910 = arith.constant 1 : i32
      %swap3A_911 = arith.index_cast %swap3A_910 : i32 to index
      %swap3A_912 = arith.constant 32 : index
      %swap3A_913 = tpu.vector_load %arg12[%swap3A_911, %swap3A_912] {strides = array<i32>} : memref<2x96xi32, #tpu.memory_space<vmem>>, vector<1x16xi32>,
      %swap3A_914 = vector.shape_cast %swap3A_913 : vector<1x16xi32> to vector<16xi32>
      %swap3A_915 = vector.shape_cast %get3A_909 : vector<16xi32> to vector<1x16xi32>
      tpu.vector_store %arg12[%swap3A_911, %swap3A_912], %swap3A_915 {strides = array<i32>} : memref<2x96xi32, #tpu.memory_space<vmem>>, vector<1x16xi32>,
      %get3A_916 = arith.constant 1 : i32
      %get3A_917 = arith.index_cast %get3A_916 : i32 to index
      %get3A_918 = arith.constant 48 : index
      %get3A_919 = tpu.vector_load %arg11[%get3A_917, %get3A_918] {strides = array<i32>} : memref<2x96xi32, #tpu.memory_space<vmem>>, vector<1x16xi32>,
      %get3A_920 = vector.shape_cast %get3A_919 : vector<1x16xi32> to vector<16xi32>
      %swap3A_921 = arith.constant 1 : i32
      %swap3A_922 = arith.index_cast %swap3A_921 : i32 to index
      %swap3A_923 = arith.constant 48 : index
      %swap3A_924 = tpu.vector_load %arg12[%swap3A_922, %swap3A_923] {strides = array<i32>} : memref<2x96xi32, #tpu.memory_space<vmem>>, vector<1x16xi32>,
      %swap3A_925 = vector.shape_cast %swap3A_924 : vector<1x16xi32> to vector<16xi32>
      %swap3A_926 = vector.shape_cast %get3A_920 : vector<16xi32> to vector<1x16xi32>
      tpu.vector_store %arg12[%swap3A_922, %swap3A_923], %swap3A_926 {strides = array<i32>} : memref<2x96xi32, #tpu.memory_space<vmem>>, vector<1x16xi32>,
      %get3A_927 = arith.constant 1 : i32
      %get3A_928 = arith.index_cast %get3A_927 : i32 to index
      %get3A_929 = arith.constant 64 : index
      %get3A_930 = tpu.vector_load %arg11[%get3A_928, %get3A_929] {strides = array<i32>} : memref<2x96xi32, #tpu.memory_space<vmem>>, vector<1x16xi32>,
      %get3A_931 = vector.shape_cast %get3A_930 : vector<1x16xi32> to vector<16xi32>
      %swap3A_932 = arith.constant 1 : i32
      %swap3A_933 = arith.index_cast %swap3A_932 : i32 to index
      %swap3A_934 = arith.constant 64 : index
      %swap3A_935 = tpu.vector_load %arg12[%swap3A_933, %swap3A_934] {strides = array<i32>} : memref<2x96xi32, #tpu.memory_space<vmem>>, vector<1x16xi32>,
      %swap3A_936 = vector.shape_cast %swap3A_935 : vector<1x16xi32> to vector<16xi32>
      %swap3A_937 = vector.shape_cast %get3A_931 : vector<16xi32> to vector<1x16xi32>
      tpu.vector_store %arg12[%swap3A_933, %swap3A_934], %swap3A_937 {strides = array<i32>} : memref<2x96xi32, #tpu.memory_space<vmem>>, vector<1x16xi32>,
      %get3A_938 = arith.constant 1 : i32
      %get3A_939 = arith.index_cast %get3A_938 : i32 to index
      %get3A_940 = arith.constant 80 : index
      %get3A_941 = tpu.vector_load %arg11[%get3A_939, %get3A_940] {strides = array<i32>} : memref<2x96xi32, #tpu.memory_space<vmem>>, vector<1x16xi32>,
      %get3A_942 = vector.shape_cast %get3A_941 : vector<1x16xi32> to vector<16xi32>
      %swap3A_943 = arith.constant 1 : i32
      %swap3A_944 = arith.index_cast %swap3A_943 : i32 to index
      %swap3A_945 = arith.constant 80 : index
      %swap3A_946 = tpu.vector_load %arg12[%swap3A_944, %swap3A_945] {strides = array<i32>} : memref<2x96xi32, #tpu.memory_space<vmem>>, vector<1x16xi32>,
      %swap3A_947 = vector.shape_cast %swap3A_946 : vector<1x16xi32> to vector<16xi32>
      %swap3A_948 = vector.shape_cast %get3A_942 : vector<16xi32> to vector<1x16xi32>
      tpu.vector_store %arg12[%swap3A_944, %swap3A_945], %swap3A_948 {strides = array<i32>} : memref<2x96xi32, #tpu.memory_space<vmem>>, vector<1x16xi32>,
      %scan3A_949 = arith.constant 0 : i32
      %scan3A_950 = arith.constant 0 : i32
      %scan3A_951 = arith.constant 48 : i32
      %scan3A_952 = arith.addi %scan3A_950, %scan3A_951 : i32
      %scan3A_953 = arith.constant 1 : i32
      %scan3A_954 = scf.for %scan3A_986 = %scan3A_950 to %scan3A_952 step %scan3A_953 iter_args(%scan3A_987 = %scan3A_949) -> (i32)  : i32 {
        %mul3A_988 = arith.constant 2 : i32
        %mul3A_989 = arith.muli %scan3A_986, %mul3A_988 : i32
        %add3A_990 = arith.constant 0 : i32
        %add3A_991 = arith.addi %mul3A_989, %add3A_990 : i32
        %get3A_992 = arith.constant 1 : i32
        %get3A_993 = arith.index_cast %get3A_992 : i32 to index
        %get3A_994 = arith.index_cast %add3A_991 : i32 to index
        %get3A_995 = arith.constant 0 : index
        %get3A_996 = tpu.vector_load %arg13[%get3A_993, %get3A_994, %get3A_995] {strides = array<i32>} : memref<2x96x64xf32, #tpu.memory_space<vmem>>, vector<1x1x16xf32>,
        %get3A_997 = vector.shape_cast %get3A_996 : vector<1x1x16xf32> to vector<16xf32>
        %add3A_998 = arith.constant 0 : i32
        %add3A_999 = arith.addi %mul3A_989, %add3A_998 : i32
        %get3A_1000 = arith.constant 1 : i32
        %get3A_1001 = arith.index_cast %get3A_1000 : i32 to index
        %get3A_1002 = arith.index_cast %add3A_999 : i32 to index
        %get3A_1003 = arith.constant 0 : index
        %get3A_1004 = tpu.vector_load %arg14[%get3A_1001, %get3A_1002, %get3A_1003] {strides = array<i32>} : memref<2x96x64xf32, #tpu.memory_space<vmem>>, vector<1x1x16xf32>,
        %get3A_1005 = vector.shape_cast %get3A_1004 : vector<1x1x16xf32> to vector<16xf32>
        %add3A_1006 = arith.addf %get3A_997, %get3A_1005 : vector<16xf32>
        %max3A = arith.constant 0.000000e+00 : f32
        %max3A_1007 = vector.broadcast %max3A : f32 to vector<16xf32>
        %max3A_1008 = arith.maximumf %add3A_1006, %max3A_1007 : vector<16xf32>
        %exp3A = math.exp %max3A_1008 : vector<16xf32>
        %add3A_1009 = arith.constant 0 : i32
        %add3A_1010 = arith.addi %mul3A_989, %add3A_1009 : i32
        %swap3A_1011 = arith.constant 1 : i32
        %swap3A_1012 = arith.index_cast %swap3A_1011 : i32 to index
        %swap3A_1013 = arith.index_cast %add3A_1010 : i32 to index
        %swap3A_1014 = arith.constant 0 : index
        %swap3A_1015 = tpu.vector_load %arg15[%swap3A_1012, %swap3A_1013, %swap3A_1014] {strides = array<i32>} : memref<2x96x64xf32, #tpu.memory_space<vmem>>, vector<1x1x16xf32>,
        %swap3A_1016 = vector.shape_cast %swap3A_1015 : vector<1x1x16xf32> to vector<16xf32>
        %swap3A_1017 = vector.shape_cast %exp3A : vector<16xf32> to vector<1x1x16xf32>
        tpu.vector_store %arg15[%swap3A_1012, %swap3A_1013, %swap3A_1014], %swap3A_1017 {strides = array<i32>} : memref<2x96x64xf32, #tpu.memory_space<vmem>>, vector<1x1x16xf32>,
        %mul3A_1018 = arith.mulf %max3A_1008, %exp3A : vector<16xf32>
        %add3A_1019 = arith.constant 0 : i32
        %add3A_1020 = arith.addi %mul3A_989, %add3A_1019 : i32
        %swap3A_1021 = arith.constant 1 : i32
        %swap3A_1022 = arith.index_cast %swap3A_1021 : i32 to index
        %swap3A_1023 = arith.index_cast %add3A_1020 : i32 to index
        %swap3A_1024 = arith.constant 0 : index
        %swap3A_1025 = tpu.vector_load %arg16[%swap3A_1022, %swap3A_1023, %swap3A_1024] {strides = array<i32>} : memref<2x96x64xf32, #tpu.memory_space<vmem>>, vector<1x1x16xf32>,
        %swap3A_1026 = vector.shape_cast %swap3A_1025 : vector<1x1x16xf32> to vector<16xf32>
        %swap3A_1027 = vector.shape_cast %mul3A_1018 : vector<16xf32> to vector<1x1x16xf32>
        tpu.vector_store %arg16[%swap3A_1022, %swap3A_1023, %swap3A_1024], %swap3A_1027 {strides = array<i32>} : memref<2x96x64xf32, #tpu.memory_space<vmem>>, vector<1x1x16xf32>,
        %add3A_1028 = arith.constant 0 : i32
        %add3A_1029 = arith.addi %mul3A_989, %add3A_1028 : i32
        %get3A_1030 = arith.constant 1 : i32
        %get3A_1031 = arith.index_cast %get3A_1030 : i32 to index
        %get3A_1032 = arith.index_cast %add3A_1029 : i32 to index
        %get3A_1033 = arith.constant 16 : index
        %get3A_1034 = tpu.vector_load %arg13[%get3A_1031, %get3A_1032, %get3A_1033] {strides = array<i32>} : memref<2x96x64xf32, #tpu.memory_space<vmem>>, vector<1x1x16xf32>,
        %get3A_1035 = vector.shape_cast %get3A_1034 : vector<1x1x16xf32> to vector<16xf32>
        %add3A_1036 = arith.constant 0 : i32
        %add3A_1037 = arith.addi %mul3A_989, %add3A_1036 : i32
        %get3A_1038 = arith.constant 1 : i32
        %get3A_1039 = arith.index_cast %get3A_1038 : i32 to index
        %get3A_1040 = arith.index_cast %add3A_1037 : i32 to index
        %get3A_1041 = arith.constant 16 : index
        %get3A_1042 = tpu.vector_load %arg14[%get3A_1039, %get3A_1040, %get3A_1041] {strides = array<i32>} : memref<2x96x64xf32, #tpu.memory_space<vmem>>, vector<1x1x16xf32>,
        %get3A_1043 = vector.shape_cast %get3A_1042 : vector<1x1x16xf32> to vector<16xf32>
        %add3A_1044 = arith.addf %get3A_1035, %get3A_1043 : vector<16xf32>
        %max3A_1045 = arith.constant 0.000000e+00 : f32
        %max3A_1046 = vector.broadcast %max3A_1045 : f32 to vector<16xf32>
        %max3A_1047 = arith.maximumf %add3A_1044, %max3A_1046 : vector<16xf32>
        %exp3A_1048 = math.exp %max3A_1047 : vector<16xf32>
        %add3A_1049 = arith.constant 0 : i32
        %add3A_1050 = arith.addi %mul3A_989, %add3A_1049 : i32
        %swap3A_1051 = arith.constant 1 : i32
        %swap3A_1052 = arith.index_cast %swap3A_1051 : i32 to index
        %swap3A_1053 = arith.index_cast %add3A_1050 : i32 to index
        %swap3A_1054 = arith.constant 16 : index
        %swap3A_1055 = tpu.vector_load %arg15[%swap3A_1052, %swap3A_1053, %swap3A_1054] {strides = array<i32>} : memref<2x96x64xf32, #tpu.memory_space<vmem>>, vector<1x1x16xf32>,
        %swap3A_1056 = vector.shape_cast %swap3A_1055 : vector<1x1x16xf32> to vector<16xf32>
        %swap3A_1057 = vector.shape_cast %exp3A_1048 : vector<16xf32> to vector<1x1x16xf32>
        tpu.vector_store %arg15[%swap3A_1052, %swap3A_1053, %swap3A_1054], %swap3A_1057 {strides = array<i32>} : memref<2x96x64xf32, #tpu.memory_space<vmem>>, vector<1x1x16xf32>,
        %mul3A_1058 = arith.mulf %max3A_1047, %exp3A_1048 : vector<16xf32>
        %add3A_1059 = arith.constant 0 : i32
        %add3A_1060 = arith.addi %mul3A_989, %add3A_1059 : i32
        %swap3A_1061 = arith.constant 1 : i32
        %swap3A_1062 = arith.index_cast %swap3A_1061 : i32 to index
        %swap3A_1063 = arith.index_cast %add3A_1060 : i32 to index
        %swap3A_1064 = arith.constant 16 : index
        %swap3A_1065 = tpu.vector_load %arg16[%swap3A_1062, %swap3A_1063, %swap3A_1064] {strides = array<i32>} : memref<2x96x64xf32, #tpu.memory_space<vmem>>, vector<1x1x16xf32>,
        %swap3A_1066 = vector.shape_cast %swap3A_1065 : vector<1x1x16xf32> to vector<16xf32>
        %swap3A_1067 = vector.shape_cast %mul3A_1058 : vector<16xf32> to vector<1x1x16xf32>
        tpu.vector_store %arg16[%swap3A_1062, %swap3A_1063, %swap3A_1064], %swap3A_1067 {strides = array<i32>} : memref<2x96x64xf32, #tpu.memory_space<vmem>>, vector<1x1x16xf32>,
        %add3A_1068 = arith.constant 0 : i32
        %add3A_1069 = arith.addi %mul3A_989, %add3A_1068 : i32
        %get3A_1070 = arith.constant 1 : i32
        %get3A_1071 = arith.index_cast %get3A_1070 : i32 to index
        %get3A_1072 = arith.index_cast %add3A_1069 : i32 to index
        %get3A_1073 = arith.constant 32 : index
        %get3A_1074 = tpu.vector_load %arg13[%get3A_1071, %get3A_1072, %get3A_1073] {strides = array<i32>} : memref<2x96x64xf32, #tpu.memory_space<vmem>>, vector<1x1x16xf32>,
        %get3A_1075 = vector.shape_cast %get3A_1074 : vector<1x1x16xf32> to vector<16xf32>
        %add3A_1076 = arith.constant 0 : i32
        %add3A_1077 = arith.addi %mul3A_989, %add3A_1076 : i32
        %get3A_1078 = arith.constant 1 : i32
        %get3A_1079 = arith.index_cast %get3A_1078 : i32 to index
        %get3A_1080 = arith.index_cast %add3A_1077 : i32 to index
        %get3A_1081 = arith.constant 32 : index
        %get3A_1082 = tpu.vector_load %arg14[%get3A_1079, %get3A_1080, %get3A_1081] {strides = array<i32>} : memref<2x96x64xf32, #tpu.memory_space<vmem>>, vector<1x1x16xf32>,
        %get3A_1083 = vector.shape_cast %get3A_1082 : vector<1x1x16xf32> to vector<16xf32>
        %add3A_1084 = arith.addf %get3A_1075, %get3A_1083 : vector<16xf32>
        %max3A_1085 = arith.constant 0.000000e+00 : f32
        %max3A_1086 = vector.broadcast %max3A_1085 : f32 to vector<16xf32>
        %max3A_1087 = arith.maximumf %add3A_1084, %max3A_1086 : vector<16xf32>
        %exp3A_1088 = math.exp %max3A_1087 : vector<16xf32>
        %add3A_1089 = arith.constant 0 : i32
        %add3A_1090 = arith.addi %mul3A_989, %add3A_1089 : i32
        %swap3A_1091 = arith.constant 1 : i32
        %swap3A_1092 = arith.index_cast %swap3A_1091 : i32 to index
        %swap3A_1093 = arith.index_cast %add3A_1090 : i32 to index
        %swap3A_1094 = arith.constant 32 : index
        %swap3A_1095 = tpu.vector_load %arg15[%swap3A_1092, %swap3A_1093, %swap3A_1094] {strides = array<i32>} : memref<2x96x64xf32, #tpu.memory_space<vmem>>, vector<1x1x16xf32>,
        %swap3A_1096 = vector.shape_cast %swap3A_1095 : vector<1x1x16xf32> to vector<16xf32>
        %swap3A_1097 = vector.shape_cast %exp3A_1088 : vector<16xf32> to vector<1x1x16xf32>
        tpu.vector_store %arg15[%swap3A_1092, %swap3A_1093, %swap3A_1094], %swap3A_1097 {strides = array<i32>} : memref<2x96x64xf32, #tpu.memory_space<vmem>>, vector<1x1x16xf32>,
        %mul3A_1098 = arith.mulf %max3A_1087, %exp3A_1088 : vector<16xf32>
        %add3A_1099 = arith.constant 0 : i32
        %add3A_1100 = arith.addi %mul3A_989, %add3A_1099 : i32
        %swap3A_1101 = arith.constant 1 : i32
        %swap3A_1102 = arith.index_cast %swap3A_1101 : i32 to index
        %swap3A_1103 = arith.index_cast %add3A_1100 : i32 to index
        %swap3A_1104 = arith.constant 32 : index
        %swap3A_1105 = tpu.vector_load %arg16[%swap3A_1102, %swap3A_1103, %swap3A_1104] {strides = array<i32>} : memref<2x96x64xf32, #tpu.memory_space<vmem>>, vector<1x1x16xf32>,
        %swap3A_1106 = vector.shape_cast %swap3A_1105 : vector<1x1x16xf32> to vector<16xf32>
        %swap3A_1107 = vector.shape_cast %mul3A_1098 : vector<16xf32> to vector<1x1x16xf32>
        tpu.vector_store %arg16[%swap3A_1102, %swap3A_1103, %swap3A_1104], %swap3A_1107 {strides = array<i32>} : memref<2x96x64xf32, #tpu.memory_space<vmem>>, vector<1x1x16xf32>,
        %add3A_1108 = arith.constant 0 : i32
        %add3A_1109 = arith.addi %mul3A_989, %add3A_1108 : i32
        %get3A_1110 = arith.constant 1 : i32
        %get3A_1111 = arith.index_cast %get3A_1110 : i32 to index
        %get3A_1112 = arith.index_cast %add3A_1109 : i32 to index
        %get3A_1113 = arith.constant 48 : index
        %get3A_1114 = tpu.vector_load %arg13[%get3A_1111, %get3A_1112, %get3A_1113] {strides = array<i32>} : memref<2x96x64xf32, #tpu.memory_space<vmem>>, vector<1x1x16xf32>,
        %get3A_1115 = vector.shape_cast %get3A_1114 : vector<1x1x16xf32> to vector<16xf32>
        %add3A_1116 = arith.constant 0 : i32
        %add3A_1117 = arith.addi %mul3A_989, %add3A_1116 : i32
        %get3A_1118 = arith.constant 1 : i32
        %get3A_1119 = arith.index_cast %get3A_1118 : i32 to index
        %get3A_1120 = arith.index_cast %add3A_1117 : i32 to index
        %get3A_1121 = arith.constant 48 : index
        %get3A_1122 = tpu.vector_load %arg14[%get3A_1119, %get3A_1120, %get3A_1121] {strides = array<i32>} : memref<2x96x64xf32, #tpu.memory_space<vmem>>, vector<1x1x16xf32>,
        %get3A_1123 = vector.shape_cast %get3A_1122 : vector<1x1x16xf32> to vector<16xf32>
        %add3A_1124 = arith.addf %get3A_1115, %get3A_1123 : vector<16xf32>
        %max3A_1125 = arith.constant 0.000000e+00 : f32
        %max3A_1126 = vector.broadcast %max3A_1125 : f32 to vector<16xf32>
        %max3A_1127 = arith.maximumf %add3A_1124, %max3A_1126 : vector<16xf32>
        %exp3A_1128 = math.exp %max3A_1127 : vector<16xf32>
        %add3A_1129 = arith.constant 0 : i32
        %add3A_1130 = arith.addi %mul3A_989, %add3A_1129 : i32
        %swap3A_1131 = arith.constant 1 : i32
        %swap3A_1132 = arith.index_cast %swap3A_1131 : i32 to index
        %swap3A_1133 = arith.index_cast %add3A_1130 : i32 to index
        %swap3A_1134 = arith.constant 48 : index
        %swap3A_1135 = tpu.vector_load %arg15[%swap3A_1132, %swap3A_1133, %swap3A_1134] {strides = array<i32>} : memref<2x96x64xf32, #tpu.memory_space<vmem>>, vector<1x1x16xf32>,
        %swap3A_1136 = vector.shape_cast %swap3A_1135 : vector<1x1x16xf32> to vector<16xf32>
        %swap3A_1137 = vector.shape_cast %exp3A_1128 : vector<16xf32> to vector<1x1x16xf32>
        tpu.vector_store %arg15[%swap3A_1132, %swap3A_1133, %swap3A_1134], %swap3A_1137 {strides = array<i32>} : memref<2x96x64xf32, #tpu.memory_space<vmem>>, vector<1x1x16xf32>,
        %mul3A_1138 = arith.mulf %max3A_1127, %exp3A_1128 : vector<16xf32>
        %add3A_1139 = arith.constant 0 : i32
        %add3A_1140 = arith.addi %mul3A_989, %add3A_1139 : i32
        %swap3A_1141 = arith.constant 1 : i32
        %swap3A_1142 = arith.index_cast %swap3A_1141 : i32 to index
        %swap3A_1143 = arith.index_cast %add3A_1140 : i32 to index
        %swap3A_1144 = arith.constant 48 : index
        %swap3A_1145 = tpu.vector_load %arg16[%swap3A_1142, %swap3A_1143, %swap3A_1144] {strides = array<i32>} : memref<2x96x64xf32, #tpu.memory_space<vmem>>, vector<1x1x16xf32>,
        %swap3A_1146 = vector.shape_cast %swap3A_1145 : vector<1x1x16xf32> to vector<16xf32>
        %swap3A_1147 = vector.shape_cast %mul3A_1138 : vector<16xf32> to vector<1x1x16xf32>
        tpu.vector_store %arg16[%swap3A_1142, %swap3A_1143, %swap3A_1144], %swap3A_1147 {strides = array<i32>} : memref<2x96x64xf32, #tpu.memory_space<vmem>>, vector<1x1x16xf32>,
        %add3A_1148 = arith.constant 1 : i32
        %add3A_1149 = arith.addi %mul3A_989, %add3A_1148 : i32
        %get3A_1150 = arith.constant 1 : i32
        %get3A_1151 = arith.index_cast %get3A_1150 : i32 to index
        %get3A_1152 = arith.index_cast %add3A_1149 : i32 to index
        %get3A_1153 = arith.constant 0 : index
        %get3A_1154 = tpu.vector_load %arg13[%get3A_1151, %get3A_1152, %get3A_1153] {strides = array<i32>} : memref<2x96x64xf32, #tpu.memory_space<vmem>>, vector<1x1x16xf32>,
        %get3A_1155 = vector.shape_cast %get3A_1154 : vector<1x1x16xf32> to vector<16xf32>
        %add3A_1156 = arith.constant 1 : i32
        %add3A_1157 = arith.addi %mul3A_989, %add3A_1156 : i32
        %get3A_1158 = arith.constant 1 : i32
        %get3A_1159 = arith.index_cast %get3A_1158 : i32 to index
        %get3A_1160 = arith.index_cast %add3A_1157 : i32 to index
        %get3A_1161 = arith.constant 0 : index
        %get3A_1162 = tpu.vector_load %arg14[%get3A_1159, %get3A_1160, %get3A_1161] {strides = array<i32>} : memref<2x96x64xf32, #tpu.memory_space<vmem>>, vector<1x1x16xf32>,
        %get3A_1163 = vector.shape_cast %get3A_1162 : vector<1x1x16xf32> to vector<16xf32>
        %add3A_1164 = arith.addf %get3A_1155, %get3A_1163 : vector<16xf32>
        %max3A_1165 = arith.constant 0.000000e+00 : f32
        %max3A_1166 = vector.broadcast %max3A_1165 : f32 to vector<16xf32>
        %max3A_1167 = arith.maximumf %add3A_1164, %max3A_1166 : vector<16xf32>
        %exp3A_1168 = math.exp %max3A_1167 : vector<16xf32>
        %add3A_1169 = arith.constant 1 : i32
        %add3A_1170 = arith.addi %mul3A_989, %add3A_1169 : i32
        %swap3A_1171 = arith.constant 1 : i32
        %swap3A_1172 = arith.index_cast %swap3A_1171 : i32 to index
        %swap3A_1173 = arith.index_cast %add3A_1170 : i32 to index
        %swap3A_1174 = arith.constant 0 : index
        %swap3A_1175 = tpu.vector_load %arg15[%swap3A_1172, %swap3A_1173, %swap3A_1174] {strides = array<i32>} : memref<2x96x64xf32, #tpu.memory_space<vmem>>, vector<1x1x16xf32>,
        %swap3A_1176 = vector.shape_cast %swap3A_1175 : vector<1x1x16xf32> to vector<16xf32>
        %swap3A_1177 = vector.shape_cast %exp3A_1168 : vector<16xf32> to vector<1x1x16xf32>
        tpu.vector_store %arg15[%swap3A_1172, %swap3A_1173, %swap3A_1174], %swap3A_1177 {strides = array<i32>} : memref<2x96x64xf32, #tpu.memory_space<vmem>>, vector<1x1x16xf32>,
        %mul3A_1178 = arith.mulf %max3A_1167, %exp3A_1168 : vector<16xf32>
        %add3A_1179 = arith.constant 1 : i32
        %add3A_1180 = arith.addi %mul3A_989, %add3A_1179 : i32
        %swap3A_1181 = arith.constant 1 : i32
        %swap3A_1182 = arith.index_cast %swap3A_1181 : i32 to index
        %swap3A_1183 = arith.index_cast %add3A_1180 : i32 to index
        %swap3A_1184 = arith.constant 0 : index
        %swap3A_1185 = tpu.vector_load %arg16[%swap3A_1182, %swap3A_1183, %swap3A_1184] {strides = array<i32>} : memref<2x96x64xf32, #tpu.memory_space<vmem>>, vector<1x1x16xf32>,
        %swap3A_1186 = vector.shape_cast %swap3A_1185 : vector<1x1x16xf32> to vector<16xf32>
        %swap3A_1187 = vector.shape_cast %mul3A_1178 : vector<16xf32> to vector<1x1x16xf32>
        tpu.vector_store %arg16[%swap3A_1182, %swap3A_1183, %swap3A_1184], %swap3A_1187 {strides = array<i32>} : memref<2x96x64xf32, #tpu.memory_space<vmem>>, vector<1x1x16xf32>,
        %add3A_1188 = arith.constant 1 : i32
        %add3A_1189 = arith.addi %mul3A_989, %add3A_1188 : i32
        %get3A_1190 = arith.constant 1 : i32
        %get3A_1191 = arith.index_cast %get3A_1190 : i32 to index
        %get3A_1192 = arith.index_cast %add3A_1189 : i32 to index
        %get3A_1193 = arith.constant 16 : index
        %get3A_1194 = tpu.vector_load %arg13[%get3A_1191, %get3A_1192, %get3A_1193] {strides = array<i32>} : memref<2x96x64xf32, #tpu.memory_space<vmem>>, vector<1x1x16xf32>,
        %get3A_1195 = vector.shape_cast %get3A_1194 : vector<1x1x16xf32> to vector<16xf32>
        %add3A_1196 = arith.constant 1 : i32
        %add3A_1197 = arith.addi %mul3A_989, %add3A_1196 : i32
        %get3A_1198 = arith.constant 1 : i32
        %get3A_1199 = arith.index_cast %get3A_1198 : i32 to index
        %get3A_1200 = arith.index_cast %add3A_1197 : i32 to index
        %get3A_1201 = arith.constant 16 : index
        %get3A_1202 = tpu.vector_load %arg14[%get3A_1199, %get3A_1200, %get3A_1201] {strides = array<i32>} : memref<2x96x64xf32, #tpu.memory_space<vmem>>, vector<1x1x16xf32>,
        %get3A_1203 = vector.shape_cast %get3A_1202 : vector<1x1x16xf32> to vector<16xf32>
        %add3A_1204 = arith.addf %get3A_1195, %get3A_1203 : vector<16xf32>
        %max3A_1205 = arith.constant 0.000000e+00 : f32
        %max3A_1206 = vector.broadcast %max3A_1205 : f32 to vector<16xf32>
        %max3A_1207 = arith.maximumf %add3A_1204, %max3A_1206 : vector<16xf32>
        %exp3A_1208 = math.exp %max3A_1207 : vector<16xf32>
        %add3A_1209 = arith.constant 1 : i32
        %add3A_1210 = arith.addi %mul3A_989, %add3A_1209 : i32
        %swap3A_1211 = arith.constant 1 : i32
        %swap3A_1212 = arith.index_cast %swap3A_1211 : i32 to index
        %swap3A_1213 = arith.index_cast %add3A_1210 : i32 to index
        %swap3A_1214 = arith.constant 16 : index
        %swap3A_1215 = tpu.vector_load %arg15[%swap3A_1212, %swap3A_1213, %swap3A_1214] {strides = array<i32>} : memref<2x96x64xf32, #tpu.memory_space<vmem>>, vector<1x1x16xf32>,
        %swap3A_1216 = vector.shape_cast %swap3A_1215 : vector<1x1x16xf32> to vector<16xf32>
        %swap3A_1217 = vector.shape_cast %exp3A_1208 : vector<16xf32> to vector<1x1x16xf32>
        tpu.vector_store %arg15[%swap3A_1212, %swap3A_1213, %swap3A_1214], %swap3A_1217 {strides = array<i32>} : memref<2x96x64xf32, #tpu.memory_space<vmem>>, vector<1x1x16xf32>,
        %mul3A_1218 = arith.mulf %max3A_1207, %exp3A_1208 : vector<16xf32>
        %add3A_1219 = arith.constant 1 : i32
        %add3A_1220 = arith.addi %mul3A_989, %add3A_1219 : i32
        %swap3A_1221 = arith.constant 1 : i32
        %swap3A_1222 = arith.index_cast %swap3A_1221 : i32 to index
        %swap3A_1223 = arith.index_cast %add3A_1220 : i32 to index
        %swap3A_1224 = arith.constant 16 : index
        %swap3A_1225 = tpu.vector_load %arg16[%swap3A_1222, %swap3A_1223, %swap3A_1224] {strides = array<i32>} : memref<2x96x64xf32, #tpu.memory_space<vmem>>, vector<1x1x16xf32>,
        %swap3A_1226 = vector.shape_cast %swap3A_1225 : vector<1x1x16xf32> to vector<16xf32>
        %swap3A_1227 = vector.shape_cast %mul3A_1218 : vector<16xf32> to vector<1x1x16xf32>
        tpu.vector_store %arg16[%swap3A_1222, %swap3A_1223, %swap3A_1224], %swap3A_1227 {strides = array<i32>} : memref<2x96x64xf32, #tpu.memory_space<vmem>>, vector<1x1x16xf32>,
        %add3A_1228 = arith.constant 1 : i32
        %add3A_1229 = arith.addi %mul3A_989, %add3A_1228 : i32
        %get3A_1230 = arith.constant 1 : i32
        %get3A_1231 = arith.index_cast %get3A_1230 : i32 to index
        %get3A_1232 = arith.index_cast %add3A_1229 : i32 to index
        %get3A_1233 = arith.constant 32 : index
        %get3A_1234 = tpu.vector_load %arg13[%get3A_1231, %get3A_1232, %get3A_1233] {strides = array<i32>} : memref<2x96x64xf32, #tpu.memory_space<vmem>>, vector<1x1x16xf32>,
        %get3A_1235 = vector.shape_cast %get3A_1234 : vector<1x1x16xf32> to vector<16xf32>
        %add3A_1236 = arith.constant 1 : i32
        %add3A_1237 = arith.addi %mul3A_989, %add3A_1236 : i32
        %get3A_1238 = arith.constant 1 : i32
        %get3A_1239 = arith.index_cast %get3A_1238 : i32 to index
        %get3A_1240 = arith.index_cast %add3A_1237 : i32 to index
        %get3A_1241 = arith.constant 32 : index
        %get3A_1242 = tpu.vector_load %arg14[%get3A_1239, %get3A_1240, %get3A_1241] {strides = array<i32>} : memref<2x96x64xf32, #tpu.memory_space<vmem>>, vector<1x1x16xf32>,
        %get3A_1243 = vector.shape_cast %get3A_1242 : vector<1x1x16xf32> to vector<16xf32>
        %add3A_1244 = arith.addf %get3A_1235, %get3A_1243 : vector<16xf32>
        %max3A_1245 = arith.constant 0.000000e+00 : f32
        %max3A_1246 = vector.broadcast %max3A_1245 : f32 to vector<16xf32>
        %max3A_1247 = arith.maximumf %add3A_1244, %max3A_1246 : vector<16xf32>
        %exp3A_1248 = math.exp %max3A_1247 : vector<16xf32>
        %add3A_1249 = arith.constant 1 : i32
        %add3A_1250 = arith.addi %mul3A_989, %add3A_1249 : i32
        %swap3A_1251 = arith.constant 1 : i32
        %swap3A_1252 = arith.index_cast %swap3A_1251 : i32 to index
        %swap3A_1253 = arith.index_cast %add3A_1250 : i32 to index
        %swap3A_1254 = arith.constant 32 : index
        %swap3A_1255 = tpu.vector_load %arg15[%swap3A_1252, %swap3A_1253, %swap3A_1254] {strides = array<i32>} : memref<2x96x64xf32, #tpu.memory_space<vmem>>, vector<1x1x16xf32>,
        %swap3A_1256 = vector.shape_cast %swap3A_1255 : vector<1x1x16xf32> to vector<16xf32>
        %swap3A_1257 = vector.shape_cast %exp3A_1248 : vector<16xf32> to vector<1x1x16xf32>
        tpu.vector_store %arg15[%swap3A_1252, %swap3A_1253, %swap3A_1254], %swap3A_1257 {strides = array<i32>} : memref<2x96x64xf32, #tpu.memory_space<vmem>>, vector<1x1x16xf32>,
        %mul3A_1258 = arith.mulf %max3A_1247, %exp3A_1248 : vector<16xf32>
        %add3A_1259 = arith.constant 1 : i32
        %add3A_1260 = arith.addi %mul3A_989, %add3A_1259 : i32
        %swap3A_1261 = arith.constant 1 : i32
        %swap3A_1262 = arith.index_cast %swap3A_1261 : i32 to index
        %swap3A_1263 = arith.index_cast %add3A_1260 : i32 to index
        %swap3A_1264 = arith.constant 32 : index
        %swap3A_1265 = tpu.vector_load %arg16[%swap3A_1262, %swap3A_1263, %swap3A_1264] {strides = array<i32>} : memref<2x96x64xf32, #tpu.memory_space<vmem>>, vector<1x1x16xf32>,
        %swap3A_1266 = vector.shape_cast %swap3A_1265 : vector<1x1x16xf32> to vector<16xf32>
        %swap3A_1267 = vector.shape_cast %mul3A_1258 : vector<16xf32> to vector<1x1x16xf32>
        tpu.vector_store %arg16[%swap3A_1262, %swap3A_1263, %swap3A_1264], %swap3A_1267 {strides = array<i32>} : memref<2x96x64xf32, #tpu.memory_space<vmem>>, vector<1x1x16xf32>,
        %add3A_1268 = arith.constant 1 : i32
        %add3A_1269 = arith.addi %mul3A_989, %add3A_1268 : i32
        %get3A_1270 = arith.constant 1 : i32
        %get3A_1271 = arith.index_cast %get3A_1270 : i32 to index
        %get3A_1272 = arith.index_cast %add3A_1269 : i32 to index
        %get3A_1273 = arith.constant 48 : index
        %get3A_1274 = tpu.vector_load %arg13[%get3A_1271, %get3A_1272, %get3A_1273] {strides = array<i32>} : memref<2x96x64xf32, #tpu.memory_space<vmem>>, vector<1x1x16xf32>,
        %get3A_1275 = vector.shape_cast %get3A_1274 : vector<1x1x16xf32> to vector<16xf32>
        %add3A_1276 = arith.constant 1 : i32
        %add3A_1277 = arith.addi %mul3A_989, %add3A_1276 : i32
        %get3A_1278 = arith.constant 1 : i32
        %get3A_1279 = arith.index_cast %get3A_1278 : i32 to index
        %get3A_1280 = arith.index_cast %add3A_1277 : i32 to index
        %get3A_1281 = arith.constant 48 : index
        %get3A_1282 = tpu.vector_load %arg14[%get3A_1279, %get3A_1280, %get3A_1281] {strides = array<i32>} : memref<2x96x64xf32, #tpu.memory_space<vmem>>, vector<1x1x16xf32>,
        %get3A_1283 = vector.shape_cast %get3A_1282 : vector<1x1x16xf32> to vector<16xf32>
        %add3A_1284 = arith.addf %get3A_1275, %get3A_1283 : vector<16xf32>
        %max3A_1285 = arith.constant 0.000000e+00 : f32
        %max3A_1286 = vector.broadcast %max3A_1285 : f32 to vector<16xf32>
        %max3A_1287 = arith.maximumf %add3A_1284, %max3A_1286 : vector<16xf32>
        %exp3A_1288 = math.exp %max3A_1287 : vector<16xf32>
        %add3A_1289 = arith.constant 1 : i32
        %add3A_1290 = arith.addi %mul3A_989, %add3A_1289 : i32
        %swap3A_1291 = arith.constant 1 : i32
        %swap3A_1292 = arith.index_cast %swap3A_1291 : i32 to index
        %swap3A_1293 = arith.index_cast %add3A_1290 : i32 to index
        %swap3A_1294 = arith.constant 48 : index
        %swap3A_1295 = tpu.vector_load %arg15[%swap3A_1292, %swap3A_1293, %swap3A_1294] {strides = array<i32>} : memref<2x96x64xf32, #tpu.memory_space<vmem>>, vector<1x1x16xf32>,
        %swap3A_1296 = vector.shape_cast %swap3A_1295 : vector<1x1x16xf32> to vector<16xf32>
        %swap3A_1297 = vector.shape_cast %exp3A_1288 : vector<16xf32> to vector<1x1x16xf32>
        tpu.vector_store %arg15[%swap3A_1292, %swap3A_1293, %swap3A_1294], %swap3A_1297 {strides = array<i32>} : memref<2x96x64xf32, #tpu.memory_space<vmem>>, vector<1x1x16xf32>,
        %mul3A_1298 = arith.mulf %max3A_1287, %exp3A_1288 : vector<16xf32>
        %add3A_1299 = arith.constant 1 : i32
        %add3A_1300 = arith.addi %mul3A_989, %add3A_1299 : i32
        %swap3A_1301 = arith.constant 1 : i32
        %swap3A_1302 = arith.index_cast %swap3A_1301 : i32 to index
        %swap3A_1303 = arith.index_cast %add3A_1300 : i32 to index
        %swap3A_1304 = arith.constant 48 : index
        %swap3A_1305 = tpu.vector_load %arg16[%swap3A_1302, %swap3A_1303, %swap3A_1304] {strides = array<i32>} : memref<2x96x64xf32, #tpu.memory_space<vmem>>, vector<1x1x16xf32>,
        %swap3A_1306 = vector.shape_cast %swap3A_1305 : vector<1x1x16xf32> to vector<16xf32>
        %swap3A_1307 = vector.shape_cast %mul3A_1298 : vector<16xf32> to vector<1x1x16xf32>
        tpu.vector_store %arg16[%swap3A_1302, %swap3A_1303, %swap3A_1304], %swap3A_1307 {strides = array<i32>} : memref<2x96x64xf32, #tpu.memory_space<vmem>>, vector<1x1x16xf32>,
        %scan3A_1308 = arith.constant 0 : i32
        scf.yield %scan3A_1308 : i32
      }
      %scan3A_955 = arith.constant 48 : i32
      %dma_start3A_956 = arith.constant 1 : i32
      %dma_start3A_957 = arith.constant 1 : i32
      %dma_start3A_958 = arith.constant 0 : i32
      %dma_start3A_959 = arith.constant 0 : i32
      %dma_start3A_960 = tpu.memref_slice %arg15[%dma_start3A_956, %dma_start3A_958, %dma_start3A_959] : memref<2x96x64xf32, #tpu.memory_space<vmem>> -> memref<1x96x64xf32, #tpu.memory_space<vmem>>
      %dma_start3A_961 = tpu.memref_squeeze %dma_start3A_960 : memref<1x96x64xf32, #tpu.memory_space<vmem>> -> memref<96x64xf32, #tpu.memory_space<vmem>>
      %dma_start3A_962 = arith.constant 0 : i32
      %dma_start3A_963 = tpu.memref_slice %arg12[%dma_start3A_957, %dma_start3A_962] : memref<2x96xi32, #tpu.memory_space<vmem>> -> memref<1x96xi32, #tpu.memory_space<vmem>>
      %dma_start3A_964 = tpu.memref_squeeze %dma_start3A_963 : memref<1x96xi32, #tpu.memory_space<vmem>> -> memref<96xi32, #tpu.memory_space<vmem>>
      %dma_start3A_965 = arith.constant 0 : i32
      %dma_start3A_966 = arith.constant 0 : i32
      %dma_start3A_967 = tpu.memref_slice %arg18[%dma_start3A_965, %dma_start3A_966] : memref<10112x64xf32, #tpu.memory_space<vmem_shared>> -> memref<10112x64xf32, #tpu.memory_space<vmem_shared>>
      tpu.enqueue_indirect_dma source(%dma_start3A_961 : memref<96x64xf32, #tpu.memory_space<vmem>>) target(%dma_start3A_967 : memref<10112x64xf32, #tpu.memory_space<vmem_shared>>) offsets(%dma_start3A_964 : memref<96xi32, #tpu.memory_space<vmem>>) semaphore(%arg24 : memref<!tpu.dma_semaphore, #tpu.memory_space<semaphore_mem>>) {add = true}
      %dma_start3A_968 = arith.constant 1 : i32
      %dma_start3A_969 = arith.constant 1 : i32
      %dma_start3A_970 = arith.constant 0 : i32
      %dma_start3A_971 = arith.constant 0 : i32
      %dma_start3A_972 = tpu.memref_slice %arg16[%dma_start3A_968, %dma_start3A_970, %dma_start3A_971] : memref<2x96x64xf32, #tpu.memory_space<vmem>> -> memref<1x96x64xf32, #tpu.memory_space<vmem>>
      %dma_start3A_973 = tpu.memref_squeeze %dma_start3A_972 : memref<1x96x64xf32, #tpu.memory_space<vmem>> -> memref<96x64xf32, #tpu.memory_space<vmem>>
      %dma_start3A_974 = arith.constant 0 : i32
      %dma_start3A_975 = tpu.memref_slice %arg12[%dma_start3A_969, %dma_start3A_974] : memref<2x96xi32, #tpu.memory_space<vmem>> -> memref<1x96xi32, #tpu.memory_space<vmem>>
      %dma_start3A_976 = tpu.memref_squeeze %dma_start3A_975 : memref<1x96xi32, #tpu.memory_space<vmem>> -> memref<96xi32, #tpu.memory_space<vmem>>
      %dma_start3A_977 = arith.constant 0 : i32
      %dma_start3A_978 = arith.constant 0 : i32
      %dma_start3A_979 = tpu.memref_slice %arg17[%dma_start3A_977, %dma_start3A_978] : memref<10112x64xf32, #tpu.memory_space<vmem_shared>> -> memref<10112x64xf32, #tpu.memory_space<vmem_shared>>
      tpu.enqueue_indirect_dma source(%dma_start3A_973 : memref<96x64xf32, #tpu.memory_space<vmem>>) target(%dma_start3A_979 : memref<10112x64xf32, #tpu.memory_space<vmem_shared>>) offsets(%dma_start3A_976 : memref<96xi32, #tpu.memory_space<vmem>>) semaphore(%arg24 : memref<!tpu.dma_semaphore, #tpu.memory_space<semaphore_mem>>) {add = true}
      %le3A_980 = arith.constant 205 : i32
      %le3A_981 = arith.cmpi sle, %add3A_827, %le3A_980 : i32
      %convert_element_type3A_982 = arith.extui %le3A_981 : i1 to i32
      %cond3A_983 = arith.constant 0 : i32
      %cond3A_984 = arith.cmpi ne, %convert_element_type3A_982, %cond3A_983 : i32
      scf.if %cond3A_984 {
        %add3A_986 = arith.constant 2 : i32
        %add3A_987 = arith.addi %add3A_827, %add3A_986 : i32
        %mul3A_988 = arith.constant 96 : i32
        %mul3A_989 = arith.muli %add3A_987, %mul3A_988 : i32
        %add3A_990 = arith.addi %mul3A_0, %mul3A_989 : i32
        %add3A_991 = arith.constant 0 : i32
        %add3A_992 = arith.addi %add3A_991, %add3A_990 : i32
        %dma_start3A_993 = arith.constant 1 : i32
        %dma_start3A_994 = arith.constant 0 : i32
        %dma_start3A_995 = tpu.memref_slice %arg10[%dma_start3A_993, %dma_start3A_994] : memref<2x96xi32, #tpu.memory_space<vmem>> -> memref<1x96xi32, #tpu.memory_space<vmem>>
        %dma_start3A_996 = tpu.memref_squeeze %dma_start3A_995 : memref<1x96xi32, #tpu.memory_space<vmem>> -> memref<96xi32, #tpu.memory_space<vmem>>
        %dma_start3A_997 = tpu.memref_slice %arg3[%add3A_992] : memref<320000xi32, #tpu.memory_space<hbm>> -> memref<96xi32, #tpu.memory_space<hbm>>
        %dma_start3A_998 = arith.constant 0 : i32
        %dma_start3A_999 = tpu.memref_slice %arg10[%dma_start3A_993, %dma_start3A_998] : memref<2x96xi32, #tpu.memory_space<vmem>> -> memref<1x96xi32, #tpu.memory_space<vmem>>
        %dma_start3A_1000 = tpu.memref_squeeze %dma_start3A_999 : memref<1x96xi32, #tpu.memory_space<vmem>> -> memref<96xi32, #tpu.memory_space<vmem>>
        %dma_start3A_1001 = tpu.memref_slice %arg3[%add3A_992] : memref<320000xi32, #tpu.memory_space<hbm>> -> memref<96xi32, #tpu.memory_space<hbm>>
        tpu.enqueue_dma source(%dma_start3A_1001 : memref<96xi32, #tpu.memory_space<hbm>>) target(%dma_start3A_1000 : memref<96xi32, #tpu.memory_space<vmem>>) target_semaphore(%arg20 : memref<!tpu.dma_semaphore, #tpu.memory_space<semaphore_mem>>)
        %add3A_1002 = arith.constant 0 : i32
        %add3A_1003 = arith.addi %add3A_1002, %add3A_990 : i32
        %dma_start3A_1004 = arith.constant 1 : i32
        %dma_start3A_1005 = arith.constant 0 : i32
        %dma_start3A_1006 = tpu.memref_slice %arg11[%dma_start3A_1004, %dma_start3A_1005] : memref<2x96xi32, #tpu.memory_space<vmem>> -> memref<1x96xi32, #tpu.memory_space<vmem>>
        %dma_start3A_1007 = tpu.memref_squeeze %dma_start3A_1006 : memref<1x96xi32, #tpu.memory_space<vmem>> -> memref<96xi32, #tpu.memory_space<vmem>>
        %dma_start3A_1008 = tpu.memref_slice %arg4[%add3A_1003] : memref<320000xi32, #tpu.memory_space<hbm>> -> memref<96xi32, #tpu.memory_space<hbm>>
        %dma_start3A_1009 = arith.constant 0 : i32
        %dma_start3A_1010 = tpu.memref_slice %arg11[%dma_start3A_1004, %dma_start3A_1009] : memref<2x96xi32, #tpu.memory_space<vmem>> -> memref<1x96xi32, #tpu.memory_space<vmem>>
        %dma_start3A_1011 = tpu.memref_squeeze %dma_start3A_1010 : memref<1x96xi32, #tpu.memory_space<vmem>> -> memref<96xi32, #tpu.memory_space<vmem>>
        %dma_start3A_1012 = tpu.memref_slice %arg4[%add3A_1003] : memref<320000xi32, #tpu.memory_space<hbm>> -> memref<96xi32, #tpu.memory_space<hbm>>
        tpu.enqueue_dma source(%dma_start3A_1012 : memref<96xi32, #tpu.memory_space<hbm>>) target(%dma_start3A_1011 : memref<96xi32, #tpu.memory_space<vmem>>) target_semaphore(%arg20 : memref<!tpu.dma_semaphore, #tpu.memory_space<semaphore_mem>>)
      } else {
      }
      %scan3A_985 = arith.constant 0 : i32
      scf.yield %scan3A_985 : i32
    }
    %scan3A_337 = arith.constant 104 : i32
    %dma_wait3A_338 = arith.constant 0 : i32
    %dma_wait3A_339 = arith.constant 0 : i32
    %dma_wait3A_340 = arith.constant 0 : i32
    %dma_wait3A_341 = arith.constant 0 : i32
    %dma_wait3A_342 = tpu.memref_slice %arg15[%dma_wait3A_338, %dma_wait3A_340, %dma_wait3A_341] : memref<2x96x64xf32, #tpu.memory_space<vmem>> -> memref<1x96x64xf32, #tpu.memory_space<vmem>>
    %dma_wait3A_343 = tpu.memref_squeeze %dma_wait3A_342 : memref<1x96x64xf32, #tpu.memory_space<vmem>> -> memref<96x64xf32, #tpu.memory_space<vmem>>
    %dma_wait3A_344 = arith.constant 0 : i32
    %dma_wait3A_345 = tpu.memref_slice %arg12[%dma_wait3A_339, %dma_wait3A_344] : memref<2x96xi32, #tpu.memory_space<vmem>> -> memref<1x96xi32, #tpu.memory_space<vmem>>
    %dma_wait3A_346 = tpu.memref_squeeze %dma_wait3A_345 : memref<1x96xi32, #tpu.memory_space<vmem>> -> memref<96xi32, #tpu.memory_space<vmem>>
    %dma_wait3A_347 = arith.constant 0 : i32
    %dma_wait3A_348 = arith.constant 0 : i32
    %dma_wait3A_349 = tpu.memref_slice %arg18[%dma_wait3A_347, %dma_wait3A_348] : memref<10112x64xf32, #tpu.memory_space<vmem_shared>> -> memref<10112x64xf32, #tpu.memory_space<vmem_shared>>
    tpu.wait_indirect_dma semaphore(%arg23 : memref<!tpu.dma_semaphore, #tpu.memory_space<semaphore_mem>>) src(%dma_wait3A_343 : memref<96x64xf32, #tpu.memory_space<vmem>>) dst(%dma_wait3A_349 : memref<10112x64xf32, #tpu.memory_space<vmem_shared>>)
    %dma_wait3A_350 = arith.constant 0 : i32
    %dma_wait3A_351 = arith.constant 0 : i32
    %dma_wait3A_352 = arith.constant 0 : i32
    %dma_wait3A_353 = arith.constant 0 : i32
    %dma_wait3A_354 = tpu.memref_slice %arg16[%dma_wait3A_350, %dma_wait3A_352, %dma_wait3A_353] : memref<2x96x64xf32, #tpu.memory_space<vmem>> -> memref<1x96x64xf32, #tpu.memory_space<vmem>>
    %dma_wait3A_355 = tpu.memref_squeeze %dma_wait3A_354 : memref<1x96x64xf32, #tpu.memory_space<vmem>> -> memref<96x64xf32, #tpu.memory_space<vmem>>
    %dma_wait3A_356 = arith.constant 0 : i32
    %dma_wait3A_357 = tpu.memref_slice %arg12[%dma_wait3A_351, %dma_wait3A_356] : memref<2x96xi32, #tpu.memory_space<vmem>> -> memref<1x96xi32, #tpu.memory_space<vmem>>
    %dma_wait3A_358 = tpu.memref_squeeze %dma_wait3A_357 : memref<1x96xi32, #tpu.memory_space<vmem>> -> memref<96xi32, #tpu.memory_space<vmem>>
    %dma_wait3A_359 = arith.constant 0 : i32
    %dma_wait3A_360 = arith.constant 0 : i32
    %dma_wait3A_361 = tpu.memref_slice %arg17[%dma_wait3A_359, %dma_wait3A_360] : memref<10112x64xf32, #tpu.memory_space<vmem_shared>> -> memref<10112x64xf32, #tpu.memory_space<vmem_shared>>
    tpu.wait_indirect_dma semaphore(%arg23 : memref<!tpu.dma_semaphore, #tpu.memory_space<semaphore_mem>>) src(%dma_wait3A_355 : memref<96x64xf32, #tpu.memory_space<vmem>>) dst(%dma_wait3A_361 : memref<10112x64xf32, #tpu.memory_space<vmem_shared>>)
    %dma_wait3A_362 = arith.constant 1 : i32
    %dma_wait3A_363 = arith.constant 1 : i32
    %dma_wait3A_364 = arith.constant 0 : i32
    %dma_wait3A_365 = arith.constant 0 : i32
    %dma_wait3A_366 = tpu.memref_slice %arg15[%dma_wait3A_362, %dma_wait3A_364, %dma_wait3A_365] : memref<2x96x64xf32, #tpu.memory_space<vmem>> -> memref<1x96x64xf32, #tpu.memory_space<vmem>>
    %dma_wait3A_367 = tpu.memref_squeeze %dma_wait3A_366 : memref<1x96x64xf32, #tpu.memory_space<vmem>> -> memref<96x64xf32, #tpu.memory_space<vmem>>
    %dma_wait3A_368 = arith.constant 0 : i32
    %dma_wait3A_369 = tpu.memref_slice %arg12[%dma_wait3A_363, %dma_wait3A_368] : memref<2x96xi32, #tpu.memory_space<vmem>> -> memref<1x96xi32, #tpu.memory_space<vmem>>
    %dma_wait3A_370 = tpu.memref_squeeze %dma_wait3A_369 : memref<1x96xi32, #tpu.memory_space<vmem>> -> memref<96xi32, #tpu.memory_space<vmem>>
    %dma_wait3A_371 = arith.constant 0 : i32
    %dma_wait3A_372 = arith.constant 0 : i32
    %dma_wait3A_373 = tpu.memref_slice %arg18[%dma_wait3A_371, %dma_wait3A_372] : memref<10112x64xf32, #tpu.memory_space<vmem_shared>> -> memref<10112x64xf32, #tpu.memory_space<vmem_shared>>
    tpu.wait_indirect_dma semaphore(%arg24 : memref<!tpu.dma_semaphore, #tpu.memory_space<semaphore_mem>>) src(%dma_wait3A_367 : memref<96x64xf32, #tpu.memory_space<vmem>>) dst(%dma_wait3A_373 : memref<10112x64xf32, #tpu.memory_space<vmem_shared>>)
    %dma_wait3A_374 = arith.constant 1 : i32
    %dma_wait3A_375 = arith.constant 1 : i32
    %dma_wait3A_376 = arith.constant 0 : i32
    %dma_wait3A_377 = arith.constant 0 : i32
    %dma_wait3A_378 = tpu.memref_slice %arg16[%dma_wait3A_374, %dma_wait3A_376, %dma_wait3A_377] : memref<2x96x64xf32, #tpu.memory_space<vmem>> -> memref<1x96x64xf32, #tpu.memory_space<vmem>>
    %dma_wait3A_379 = tpu.memref_squeeze %dma_wait3A_378 : memref<1x96x64xf32, #tpu.memory_space<vmem>> -> memref<96x64xf32, #tpu.memory_space<vmem>>
    %dma_wait3A_380 = arith.constant 0 : i32
    %dma_wait3A_381 = tpu.memref_slice %arg12[%dma_wait3A_375, %dma_wait3A_380] : memref<2x96xi32, #tpu.memory_space<vmem>> -> memref<1x96xi32, #tpu.memory_space<vmem>>
    %dma_wait3A_382 = tpu.memref_squeeze %dma_wait3A_381 : memref<1x96xi32, #tpu.memory_space<vmem>> -> memref<96xi32, #tpu.memory_space<vmem>>
    %dma_wait3A_383 = arith.constant 0 : i32
    %dma_wait3A_384 = arith.constant 0 : i32
    %dma_wait3A_385 = tpu.memref_slice %arg17[%dma_wait3A_383, %dma_wait3A_384] : memref<10112x64xf32, #tpu.memory_space<vmem_shared>> -> memref<10112x64xf32, #tpu.memory_space<vmem_shared>>
    tpu.wait_indirect_dma semaphore(%arg24 : memref<!tpu.dma_semaphore, #tpu.memory_space<semaphore_mem>>) src(%dma_wait3A_379 : memref<96x64xf32, #tpu.memory_space<vmem>>) dst(%dma_wait3A_385 : memref<10112x64xf32, #tpu.memory_space<vmem_shared>>)
    %add3A_386 = arith.constant 19968 : i32
    %add3A_387 = arith.addi %mul3A_0, %add3A_386 : i32
    %add3A_388 = arith.constant 0 : i32
    %add3A_389 = arith.addi %add3A_388, %add3A_387 : i32
    %run_scoped3A = arith.constant 0 : i32
    "tpu.region"() ({
      %run_scoped3A_664 = tpu.sem_alloc : memref<!tpu.dma_semaphore, #tpu.memory_space<semaphore_mem>>
      %dma_start3A_665 = arith.constant 0 : i32
      %dma_start3A_666 = tpu.memref_slice %arg10[%run_scoped3A, %dma_start3A_665] : memref<2x96xi32, #tpu.memory_space<vmem>> -> memref<1x32xi32, #tpu.memory_space<vmem>>
      %dma_start3A_667 = tpu.memref_squeeze %dma_start3A_666 : memref<1x32xi32, #tpu.memory_space<vmem>> -> memref<32xi32, #tpu.memory_space<vmem>>
      %dma_start3A_668 = tpu.memref_slice %arg3[%add3A_389] : memref<320000xi32, #tpu.memory_space<hbm>> -> memref<32xi32, #tpu.memory_space<hbm>>
      %dma_start3A_669 = arith.constant 0 : i32
      %dma_start3A_670 = tpu.memref_slice %arg10[%run_scoped3A, %dma_start3A_669] : memref<2x96xi32, #tpu.memory_space<vmem>> -> memref<1x32xi32, #tpu.memory_space<vmem>>
      %dma_start3A_671 = tpu.memref_squeeze %dma_start3A_670 : memref<1x32xi32, #tpu.memory_space<vmem>> -> memref<32xi32, #tpu.memory_space<vmem>>
      %dma_start3A_672 = tpu.memref_slice %arg3[%add3A_389] : memref<320000xi32, #tpu.memory_space<hbm>> -> memref<32xi32, #tpu.memory_space<hbm>>
      tpu.enqueue_dma source(%dma_start3A_672 : memref<32xi32, #tpu.memory_space<hbm>>) target(%dma_start3A_671 : memref<32xi32, #tpu.memory_space<vmem>>) target_semaphore(%run_scoped3A_664 : memref<!tpu.dma_semaphore, #tpu.memory_space<semaphore_mem>>)
      %dma_wait3A_673 = arith.constant 0 : i32
      %dma_wait3A_674 = tpu.memref_slice %arg10[%run_scoped3A, %dma_wait3A_673] : memref<2x96xi32, #tpu.memory_space<vmem>> -> memref<1x32xi32, #tpu.memory_space<vmem>>
      %dma_wait3A_675 = tpu.memref_squeeze %dma_wait3A_674 : memref<1x32xi32, #tpu.memory_space<vmem>> -> memref<32xi32, #tpu.memory_space<vmem>>
      %dma_wait3A_676 = tpu.memref_slice %arg3[%add3A_389] : memref<320000xi32, #tpu.memory_space<hbm>> -> memref<32xi32, #tpu.memory_space<hbm>>
      %dma_wait3A_677 = arith.constant 0 : i32
      %dma_wait3A_678 = tpu.memref_slice %arg10[%run_scoped3A, %dma_wait3A_677] : memref<2x96xi32, #tpu.memory_space<vmem>> -> memref<1x32xi32, #tpu.memory_space<vmem>>
      %dma_wait3A_679 = tpu.memref_squeeze %dma_wait3A_678 : memref<1x32xi32, #tpu.memory_space<vmem>> -> memref<32xi32, #tpu.memory_space<vmem>>
      %dma_wait3A_680 = tpu.memref_slice %arg3[%add3A_389] : memref<320000xi32, #tpu.memory_space<hbm>> -> memref<32xi32, #tpu.memory_space<hbm>>
      tpu.wait_dma2 semaphore(%run_scoped3A_664 : memref<!tpu.dma_semaphore, #tpu.memory_space<semaphore_mem>>) src(%dma_wait3A_680 : memref<32xi32, #tpu.memory_space<hbm>>) dst(%dma_wait3A_679 : memref<32xi32, #tpu.memory_space<vmem>>)
      tpu.yield
    }) : () -> ()
    %add3A_390 = arith.constant 0 : i32
    %add3A_391 = arith.addi %add3A_390, %add3A_387 : i32
    %run_scoped3A_392 = arith.constant 0 : i32
    "tpu.region"() ({
      %run_scoped3A_664 = tpu.sem_alloc : memref<!tpu.dma_semaphore, #tpu.memory_space<semaphore_mem>>
      %dma_start3A_665 = arith.constant 0 : i32
      %dma_start3A_666 = tpu.memref_slice %arg11[%run_scoped3A_392, %dma_start3A_665] : memref<2x96xi32, #tpu.memory_space<vmem>> -> memref<1x32xi32, #tpu.memory_space<vmem>>
      %dma_start3A_667 = tpu.memref_squeeze %dma_start3A_666 : memref<1x32xi32, #tpu.memory_space<vmem>> -> memref<32xi32, #tpu.memory_space<vmem>>
      %dma_start3A_668 = tpu.memref_slice %arg4[%add3A_391] : memref<320000xi32, #tpu.memory_space<hbm>> -> memref<32xi32, #tpu.memory_space<hbm>>
      %dma_start3A_669 = arith.constant 0 : i32
      %dma_start3A_670 = tpu.memref_slice %arg11[%run_scoped3A_392, %dma_start3A_669] : memref<2x96xi32, #tpu.memory_space<vmem>> -> memref<1x32xi32, #tpu.memory_space<vmem>>
      %dma_start3A_671 = tpu.memref_squeeze %dma_start3A_670 : memref<1x32xi32, #tpu.memory_space<vmem>> -> memref<32xi32, #tpu.memory_space<vmem>>
      %dma_start3A_672 = tpu.memref_slice %arg4[%add3A_391] : memref<320000xi32, #tpu.memory_space<hbm>> -> memref<32xi32, #tpu.memory_space<hbm>>
      tpu.enqueue_dma source(%dma_start3A_672 : memref<32xi32, #tpu.memory_space<hbm>>) target(%dma_start3A_671 : memref<32xi32, #tpu.memory_space<vmem>>) target_semaphore(%run_scoped3A_664 : memref<!tpu.dma_semaphore, #tpu.memory_space<semaphore_mem>>)
      %dma_wait3A_673 = arith.constant 0 : i32
      %dma_wait3A_674 = tpu.memref_slice %arg11[%run_scoped3A_392, %dma_wait3A_673] : memref<2x96xi32, #tpu.memory_space<vmem>> -> memref<1x32xi32, #tpu.memory_space<vmem>>
      %dma_wait3A_675 = tpu.memref_squeeze %dma_wait3A_674 : memref<1x32xi32, #tpu.memory_space<vmem>> -> memref<32xi32, #tpu.memory_space<vmem>>
      %dma_wait3A_676 = tpu.memref_slice %arg4[%add3A_391] : memref<320000xi32, #tpu.memory_space<hbm>> -> memref<32xi32, #tpu.memory_space<hbm>>
      %dma_wait3A_677 = arith.constant 0 : i32
      %dma_wait3A_678 = tpu.memref_slice %arg11[%run_scoped3A_392, %dma_wait3A_677] : memref<2x96xi32, #tpu.memory_space<vmem>> -> memref<1x32xi32, #tpu.memory_space<vmem>>
      %dma_wait3A_679 = tpu.memref_squeeze %dma_wait3A_678 : memref<1x32xi32, #tpu.memory_space<vmem>> -> memref<32xi32, #tpu.memory_space<vmem>>
      %dma_wait3A_680 = tpu.memref_slice %arg4[%add3A_391] : memref<320000xi32, #tpu.memory_space<hbm>> -> memref<32xi32, #tpu.memory_space<hbm>>
      tpu.wait_dma2 semaphore(%run_scoped3A_664 : memref<!tpu.dma_semaphore, #tpu.memory_space<semaphore_mem>>) src(%dma_wait3A_680 : memref<32xi32, #tpu.memory_space<hbm>>) dst(%dma_wait3A_679 : memref<32xi32, #tpu.memory_space<vmem>>)
      tpu.yield
    }) : () -> ()
    %get3A_393 = arith.constant 0 : i32
    %get3A_394 = arith.index_cast %get3A_393 : i32 to index
    %get3A_395 = arith.constant 0 : index
    %get3A_396 = tpu.vector_load %arg10[%get3A_394, %get3A_395] {strides = array<i32>} : memref<2x96xi32, #tpu.memory_space<vmem>>, vector<1x16xi32>,
    %get3A_397 = vector.shape_cast %get3A_396 : vector<1x16xi32> to vector<16xi32>
    %mul3A_398 = arith.constant 2 : i32
    %mul3A_399 = vector.broadcast %mul3A_398 : i32 to vector<16xi32>
    %mul3A_400 = arith.muli %get3A_397, %mul3A_399 : vector<16xi32>
    %add3A_401 = vector.broadcast %arg0 : i32 to vector<16xi32>
    %add3A_402 = arith.addi %mul3A_400, %add3A_401 : vector<16xi32>
    %swap3A_403 = arith.constant 0 : i32
    %swap3A_404 = arith.index_cast %swap3A_403 : i32 to index
    %swap3A_405 = arith.constant 0 : index
    %swap3A_406 = tpu.vector_load %arg10[%swap3A_404, %swap3A_405] {strides = array<i32>} : memref<2x96xi32, #tpu.memory_space<vmem>>, vector<1x16xi32>,
    %swap3A_407 = vector.shape_cast %swap3A_406 : vector<1x16xi32> to vector<16xi32>
    %swap3A_408 = vector.shape_cast %add3A_402 : vector<16xi32> to vector<1x16xi32>
    tpu.vector_store %arg10[%swap3A_404, %swap3A_405], %swap3A_408 {strides = array<i32>} : memref<2x96xi32, #tpu.memory_space<vmem>>, vector<1x16xi32>,
    %get3A_409 = arith.constant 0 : i32
    %get3A_410 = arith.index_cast %get3A_409 : i32 to index
    %get3A_411 = arith.constant 16 : index
    %get3A_412 = tpu.vector_load %arg10[%get3A_410, %get3A_411] {strides = array<i32>} : memref<2x96xi32, #tpu.memory_space<vmem>>, vector<1x16xi32>,
    %get3A_413 = vector.shape_cast %get3A_412 : vector<1x16xi32> to vector<16xi32>
    %mul3A_414 = arith.constant 2 : i32
    %mul3A_415 = vector.broadcast %mul3A_414 : i32 to vector<16xi32>
    %mul3A_416 = arith.muli %get3A_413, %mul3A_415 : vector<16xi32>
    %add3A_417 = vector.broadcast %arg0 : i32 to vector<16xi32>
    %add3A_418 = arith.addi %mul3A_416, %add3A_417 : vector<16xi32>
    %swap3A_419 = arith.constant 0 : i32
    %swap3A_420 = arith.index_cast %swap3A_419 : i32 to index
    %swap3A_421 = arith.constant 16 : index
    %swap3A_422 = tpu.vector_load %arg10[%swap3A_420, %swap3A_421] {strides = array<i32>} : memref<2x96xi32, #tpu.memory_space<vmem>>, vector<1x16xi32>,
    %swap3A_423 = vector.shape_cast %swap3A_422 : vector<1x16xi32> to vector<16xi32>
    %swap3A_424 = vector.shape_cast %add3A_418 : vector<16xi32> to vector<1x16xi32>
    tpu.vector_store %arg10[%swap3A_420, %swap3A_421], %swap3A_424 {strides = array<i32>} : memref<2x96xi32, #tpu.memory_space<vmem>>, vector<1x16xi32>,
    %broadcast_in_dim3A_425 = arith.constant 0 : i32
    %broadcast_in_dim3A_426 = vector.broadcast %broadcast_in_dim3A_425 : i32 to vector<16xi32>
    %swap3A_427 = arith.constant 0 : i32
    %swap3A_428 = arith.index_cast %swap3A_427 : i32 to index
    %swap3A_429 = arith.constant 32 : index
    %swap3A_430 = tpu.vector_load %arg10[%swap3A_428, %swap3A_429] {strides = array<i32>} : memref<2x96xi32, #tpu.memory_space<vmem>>, vector<1x16xi32>,
    %swap3A_431 = vector.shape_cast %swap3A_430 : vector<1x16xi32> to vector<16xi32>
    %swap3A_432 = vector.shape_cast %broadcast_in_dim3A_426 : vector<16xi32> to vector<1x16xi32>
    tpu.vector_store %arg10[%swap3A_428, %swap3A_429], %swap3A_432 {strides = array<i32>} : memref<2x96xi32, #tpu.memory_space<vmem>>, vector<1x16xi32>,
    %broadcast_in_dim3A_433 = arith.constant 10000 : i32
    %broadcast_in_dim3A_434 = vector.broadcast %broadcast_in_dim3A_433 : i32 to vector<16xi32>
    %swap3A_435 = arith.constant 0 : i32
    %swap3A_436 = arith.index_cast %swap3A_435 : i32 to index
    %swap3A_437 = arith.constant 32 : index
    %swap3A_438 = tpu.vector_load %arg11[%swap3A_436, %swap3A_437] {strides = array<i32>} : memref<2x96xi32, #tpu.memory_space<vmem>>, vector<1x16xi32>,
    %swap3A_439 = vector.shape_cast %swap3A_438 : vector<1x16xi32> to vector<16xi32>
    %swap3A_440 = vector.shape_cast %broadcast_in_dim3A_434 : vector<16xi32> to vector<1x16xi32>
    tpu.vector_store %arg11[%swap3A_436, %swap3A_437], %swap3A_440 {strides = array<i32>} : memref<2x96xi32, #tpu.memory_space<vmem>>, vector<1x16xi32>,
    %broadcast_in_dim3A_441 = arith.constant 0 : i32
    %broadcast_in_dim3A_442 = vector.broadcast %broadcast_in_dim3A_441 : i32 to vector<16xi32>
    %swap3A_443 = arith.constant 0 : i32
    %swap3A_444 = arith.index_cast %swap3A_443 : i32 to index
    %swap3A_445 = arith.constant 48 : index
    %swap3A_446 = tpu.vector_load %arg10[%swap3A_444, %swap3A_445] {strides = array<i32>} : memref<2x96xi32, #tpu.memory_space<vmem>>, vector<1x16xi32>,
    %swap3A_447 = vector.shape_cast %swap3A_446 : vector<1x16xi32> to vector<16xi32>
    %swap3A_448 = vector.shape_cast %broadcast_in_dim3A_442 : vector<16xi32> to vector<1x16xi32>
    tpu.vector_store %arg10[%swap3A_444, %swap3A_445], %swap3A_448 {strides = array<i32>} : memref<2x96xi32, #tpu.memory_space<vmem>>, vector<1x16xi32>,
    %broadcast_in_dim3A_449 = arith.constant 10000 : i32
    %broadcast_in_dim3A_450 = vector.broadcast %broadcast_in_dim3A_449 : i32 to vector<16xi32>
    %swap3A_451 = arith.constant 0 : i32
    %swap3A_452 = arith.index_cast %swap3A_451 : i32 to index
    %swap3A_453 = arith.constant 48 : index
    %swap3A_454 = tpu.vector_load %arg11[%swap3A_452, %swap3A_453] {strides = array<i32>} : memref<2x96xi32, #tpu.memory_space<vmem>>, vector<1x16xi32>,
    %swap3A_455 = vector.shape_cast %swap3A_454 : vector<1x16xi32> to vector<16xi32>
    %swap3A_456 = vector.shape_cast %broadcast_in_dim3A_450 : vector<16xi32> to vector<1x16xi32>
    tpu.vector_store %arg11[%swap3A_452, %swap3A_453], %swap3A_456 {strides = array<i32>} : memref<2x96xi32, #tpu.memory_space<vmem>>, vector<1x16xi32>,
    %broadcast_in_dim3A_457 = arith.constant 0 : i32
    %broadcast_in_dim3A_458 = vector.broadcast %broadcast_in_dim3A_457 : i32 to vector<16xi32>
    %swap3A_459 = arith.constant 0 : i32
    %swap3A_460 = arith.index_cast %swap3A_459 : i32 to index
    %swap3A_461 = arith.constant 64 : index
    %swap3A_462 = tpu.vector_load %arg10[%swap3A_460, %swap3A_461] {strides = array<i32>} : memref<2x96xi32, #tpu.memory_space<vmem>>, vector<1x16xi32>,
    %swap3A_463 = vector.shape_cast %swap3A_462 : vector<1x16xi32> to vector<16xi32>
    %swap3A_464 = vector.shape_cast %broadcast_in_dim3A_458 : vector<16xi32> to vector<1x16xi32>
    tpu.vector_store %arg10[%swap3A_460, %swap3A_461], %swap3A_464 {strides = array<i32>} : memref<2x96xi32, #tpu.memory_space<vmem>>, vector<1x16xi32>,
    %broadcast_in_dim3A_465 = arith.constant 10000 : i32
    %broadcast_in_dim3A_466 = vector.broadcast %broadcast_in_dim3A_465 : i32 to vector<16xi32>
    %swap3A_467 = arith.constant 0 : i32
    %swap3A_468 = arith.index_cast %swap3A_467 : i32 to index
    %swap3A_469 = arith.constant 64 : index
    %swap3A_470 = tpu.vector_load %arg11[%swap3A_468, %swap3A_469] {strides = array<i32>} : memref<2x96xi32, #tpu.memory_space<vmem>>, vector<1x16xi32>,
    %swap3A_471 = vector.shape_cast %swap3A_470 : vector<1x16xi32> to vector<16xi32>
    %swap3A_472 = vector.shape_cast %broadcast_in_dim3A_466 : vector<16xi32> to vector<1x16xi32>
    tpu.vector_store %arg11[%swap3A_468, %swap3A_469], %swap3A_472 {strides = array<i32>} : memref<2x96xi32, #tpu.memory_space<vmem>>, vector<1x16xi32>,
    %broadcast_in_dim3A_473 = arith.constant 0 : i32
    %broadcast_in_dim3A_474 = vector.broadcast %broadcast_in_dim3A_473 : i32 to vector<16xi32>
    %swap3A_475 = arith.constant 0 : i32
    %swap3A_476 = arith.index_cast %swap3A_475 : i32 to index
    %swap3A_477 = arith.constant 80 : index
    %swap3A_478 = tpu.vector_load %arg10[%swap3A_476, %swap3A_477] {strides = array<i32>} : memref<2x96xi32, #tpu.memory_space<vmem>>, vector<1x16xi32>,
    %swap3A_479 = vector.shape_cast %swap3A_478 : vector<1x16xi32> to vector<16xi32>
    %swap3A_480 = vector.shape_cast %broadcast_in_dim3A_474 : vector<16xi32> to vector<1x16xi32>
    tpu.vector_store %arg10[%swap3A_476, %swap3A_477], %swap3A_480 {strides = array<i32>} : memref<2x96xi32, #tpu.memory_space<vmem>>, vector<1x16xi32>,
    %broadcast_in_dim3A_481 = arith.constant 10000 : i32
    %broadcast_in_dim3A_482 = vector.broadcast %broadcast_in_dim3A_481 : i32 to vector<16xi32>
    %swap3A_483 = arith.constant 0 : i32
    %swap3A_484 = arith.index_cast %swap3A_483 : i32 to index
    %swap3A_485 = arith.constant 80 : index
    %swap3A_486 = tpu.vector_load %arg11[%swap3A_484, %swap3A_485] {strides = array<i32>} : memref<2x96xi32, #tpu.memory_space<vmem>>, vector<1x16xi32>,
    %swap3A_487 = vector.shape_cast %swap3A_486 : vector<1x16xi32> to vector<16xi32>
    %swap3A_488 = vector.shape_cast %broadcast_in_dim3A_482 : vector<16xi32> to vector<1x16xi32>
    tpu.vector_store %arg11[%swap3A_484, %swap3A_485], %swap3A_488 {strides = array<i32>} : memref<2x96xi32, #tpu.memory_space<vmem>>, vector<1x16xi32>,
    %scan3A_489 = arith.constant 0 : i32
    %scan3A_490 = arith.constant 32 : i32
    %scan3A_491 = arith.constant 64 : i32
    %scan3A_492 = arith.addi %scan3A_490, %scan3A_491 : i32
    %scan3A_493 = arith.constant 1 : i32
    %scan3A_494 = scf.for %scan3A_664 = %scan3A_490 to %scan3A_492 step %scan3A_493 iter_args(%scan3A_665 = %scan3A_489) -> (i32)  : i32 {
      %swap3A_666 = arith.constant 0 : i32
      %swap3A_667 = arith.index_cast %swap3A_666 : i32 to index
      %swap3A_668 = arith.index_cast %scan3A_664 : i32 to index
      %swap3A_669 = arith.constant 0 : index
      %swap3A_670 = tpu.vector_load %arg14[%swap3A_667, %swap3A_668, %swap3A_669] {strides = array<i32>} : memref<2x96x64xf32, #tpu.memory_space<vmem>>, vector<1x1x16xf32>,
      %swap3A_671 = vector.shape_cast %swap3A_670 : vector<1x1x16xf32> to vector<16xf32>
      %swap3A_672 = vector.shape_cast %broadcast_in_dim3A_1 : vector<16xf32> to vector<1x1x16xf32>
      tpu.vector_store %arg14[%swap3A_667, %swap3A_668, %swap3A_669], %swap3A_672 {strides = array<i32>} : memref<2x96x64xf32, #tpu.memory_space<vmem>>, vector<1x1x16xf32>,
      %swap3A_673 = arith.constant 0 : i32
      %swap3A_674 = arith.index_cast %swap3A_673 : i32 to index
      %swap3A_675 = arith.index_cast %scan3A_664 : i32 to index
      %swap3A_676 = arith.constant 16 : index
      %swap3A_677 = tpu.vector_load %arg14[%swap3A_674, %swap3A_675, %swap3A_676] {strides = array<i32>} : memref<2x96x64xf32, #tpu.memory_space<vmem>>, vector<1x1x16xf32>,
      %swap3A_678 = vector.shape_cast %swap3A_677 : vector<1x1x16xf32> to vector<16xf32>
      %swap3A_679 = vector.shape_cast %broadcast_in_dim3A_1 : vector<16xf32> to vector<1x1x16xf32>
      tpu.vector_store %arg14[%swap3A_674, %swap3A_675, %swap3A_676], %swap3A_679 {strides = array<i32>} : memref<2x96x64xf32, #tpu.memory_space<vmem>>, vector<1x1x16xf32>,
      %swap3A_680 = arith.constant 0 : i32
      %swap3A_681 = arith.index_cast %swap3A_680 : i32 to index
      %swap3A_682 = arith.index_cast %scan3A_664 : i32 to index
      %swap3A_683 = arith.constant 32 : index
      %swap3A_684 = tpu.vector_load %arg14[%swap3A_681, %swap3A_682, %swap3A_683] {strides = array<i32>} : memref<2x96x64xf32, #tpu.memory_space<vmem>>, vector<1x1x16xf32>,
      %swap3A_685 = vector.shape_cast %swap3A_684 : vector<1x1x16xf32> to vector<16xf32>
      %swap3A_686 = vector.shape_cast %broadcast_in_dim3A_1 : vector<16xf32> to vector<1x1x16xf32>
      tpu.vector_store %arg14[%swap3A_681, %swap3A_682, %swap3A_683], %swap3A_686 {strides = array<i32>} : memref<2x96x64xf32, #tpu.memory_space<vmem>>, vector<1x1x16xf32>,
      %swap3A_687 = arith.constant 0 : i32
      %swap3A_688 = arith.index_cast %swap3A_687 : i32 to index
      %swap3A_689 = arith.index_cast %scan3A_664 : i32 to index
      %swap3A_690 = arith.constant 48 : index
      %swap3A_691 = tpu.vector_load %arg14[%swap3A_688, %swap3A_689, %swap3A_690] {strides = array<i32>} : memref<2x96x64xf32, #tpu.memory_space<vmem>>, vector<1x1x16xf32>,
      %swap3A_692 = vector.shape_cast %swap3A_691 : vector<1x1x16xf32> to vector<16xf32>
      %swap3A_693 = vector.shape_cast %broadcast_in_dim3A_1 : vector<16xf32> to vector<1x1x16xf32>
      tpu.vector_store %arg14[%swap3A_688, %swap3A_689, %swap3A_690], %swap3A_693 {strides = array<i32>} : memref<2x96x64xf32, #tpu.memory_space<vmem>>, vector<1x1x16xf32>,
      %scan3A_694 = arith.constant 0 : i32
      scf.yield %scan3A_694 : i32
    }
    %scan3A_495 = arith.constant 64 : i32
    %dma_start3A_496 = arith.constant 0 : i32
    %dma_start3A_497 = arith.constant 0 : i32
    %dma_start3A_498 = arith.constant 0 : i32
    %dma_start3A_499 = arith.constant 0 : i32
    %dma_start3A_500 = tpu.memref_slice %arg13[%dma_start3A_497, %dma_start3A_498, %dma_start3A_499] : memref<2x96x64xf32, #tpu.memory_space<vmem>> -> memref<1x96x64xf32, #tpu.memory_space<vmem>>
    %dma_start3A_501 = tpu.memref_squeeze %dma_start3A_500 : memref<1x96x64xf32, #tpu.memory_space<vmem>> -> memref<96x64xf32, #tpu.memory_space<vmem>>
    %dma_start3A_502 = arith.constant 0 : i32
    %dma_start3A_503 = tpu.memref_slice %arg10[%dma_start3A_496, %dma_start3A_502] : memref<2x96xi32, #tpu.memory_space<vmem>> -> memref<1x96xi32, #tpu.memory_space<vmem>>
    %dma_start3A_504 = tpu.memref_squeeze %dma_start3A_503 : memref<1x96xi32, #tpu.memory_space<vmem>> -> memref<96xi32, #tpu.memory_space<vmem>>
    %dma_start3A_505 = arith.constant 0 : i32
    %dma_start3A_506 = arith.constant 0 : i32
    %dma_start3A_507 = tpu.memref_slice %arg2[%dma_start3A_505, %dma_start3A_506] : memref<20000x64xf32, #tpu.memory_space<hbm>> -> memref<20000x64xf32, #tpu.memory_space<hbm>>
    tpu.enqueue_indirect_dma source(%dma_start3A_507 : memref<20000x64xf32, #tpu.memory_space<hbm>>) target(%dma_start3A_501 : memref<96x64xf32, #tpu.memory_space<vmem>>) offsets(%dma_start3A_504 : memref<96xi32, #tpu.memory_space<vmem>>) semaphore(%arg21 : memref<!tpu.dma_semaphore, #tpu.memory_space<semaphore_mem>>)
    %dma_start3A_508 = arith.constant 0 : i32
    %dma_start3A_509 = arith.constant 0 : i32
    %dma_start3A_510 = arith.constant 0 : i32
    %dma_start3A_511 = tpu.memref_slice %arg14[%dma_start3A_508, %dma_start3A_509, %dma_start3A_510] : memref<2x96x64xf32, #tpu.memory_space<vmem>> -> memref<1x32x64xf32, #tpu.memory_space<vmem>>
    %dma_start3A_512 = tpu.memref_squeeze %dma_start3A_511 : memref<1x32x64xf32, #tpu.memory_space<vmem>> -> memref<32x64xf32, #tpu.memory_space<vmem>>
    %dma_start3A_513 = tpu.memref_slice %arg5[%add3A_387, %mul3A_5] : memref<320000x128xf32, #tpu.memory_space<hbm>> -> memref<32x64xf32, #tpu.memory_space<hbm>>
    %dma_start3A_514 = arith.constant 0 : i32
    %dma_start3A_515 = arith.constant 0 : i32
    %dma_start3A_516 = tpu.memref_slice %arg14[%dma_start3A_508, %dma_start3A_514, %dma_start3A_515] : memref<2x96x64xf32, #tpu.memory_space<vmem>> -> memref<1x32x64xf32, #tpu.memory_space<vmem>>
    %dma_start3A_517 = tpu.memref_squeeze %dma_start3A_516 : memref<1x32x64xf32, #tpu.memory_space<vmem>> -> memref<32x64xf32, #tpu.memory_space<vmem>>
    %dma_start3A_518 = tpu.memref_slice %arg5[%add3A_387, %mul3A_5] : memref<320000x128xf32, #tpu.memory_space<hbm>> -> memref<32x64xf32, #tpu.memory_space<hbm>>
    tpu.enqueue_dma source(%dma_start3A_518 : memref<32x64xf32, #tpu.memory_space<hbm>>) target(%dma_start3A_517 : memref<32x64xf32, #tpu.memory_space<vmem>>) target_semaphore(%arg21 : memref<!tpu.dma_semaphore, #tpu.memory_space<semaphore_mem>>)
    %dma_wait3A_519 = arith.constant 0 : i32
    %dma_wait3A_520 = arith.constant 0 : i32
    %dma_wait3A_521 = arith.constant 0 : i32
    %dma_wait3A_522 = arith.constant 0 : i32
    %dma_wait3A_523 = tpu.memref_slice %arg13[%dma_wait3A_520, %dma_wait3A_521, %dma_wait3A_522] : memref<2x96x64xf32, #tpu.memory_space<vmem>> -> memref<1x96x64xf32, #tpu.memory_space<vmem>>
    %dma_wait3A_524 = tpu.memref_squeeze %dma_wait3A_523 : memref<1x96x64xf32, #tpu.memory_space<vmem>> -> memref<96x64xf32, #tpu.memory_space<vmem>>
    %dma_wait3A_525 = arith.constant 0 : i32
    %dma_wait3A_526 = tpu.memref_slice %arg10[%dma_wait3A_519, %dma_wait3A_525] : memref<2x96xi32, #tpu.memory_space<vmem>> -> memref<1x96xi32, #tpu.memory_space<vmem>>
    %dma_wait3A_527 = tpu.memref_squeeze %dma_wait3A_526 : memref<1x96xi32, #tpu.memory_space<vmem>> -> memref<96xi32, #tpu.memory_space<vmem>>
    %dma_wait3A_528 = arith.constant 0 : i32
    %dma_wait3A_529 = arith.constant 0 : i32
    %dma_wait3A_530 = tpu.memref_slice %arg2[%dma_wait3A_528, %dma_wait3A_529] : memref<20000x64xf32, #tpu.memory_space<hbm>> -> memref<20000x64xf32, #tpu.memory_space<hbm>>
    tpu.wait_indirect_dma semaphore(%arg21 : memref<!tpu.dma_semaphore, #tpu.memory_space<semaphore_mem>>) src(%dma_wait3A_530 : memref<20000x64xf32, #tpu.memory_space<hbm>>) dst(%dma_wait3A_524 : memref<96x64xf32, #tpu.memory_space<vmem>>)
    %dma_wait3A_531 = arith.constant 0 : i32
    %dma_wait3A_532 = arith.constant 0 : i32
    %dma_wait3A_533 = arith.constant 0 : i32
    %dma_wait3A_534 = tpu.memref_slice %arg14[%dma_wait3A_531, %dma_wait3A_532, %dma_wait3A_533] : memref<2x96x64xf32, #tpu.memory_space<vmem>> -> memref<1x32x64xf32, #tpu.memory_space<vmem>>
    %dma_wait3A_535 = tpu.memref_squeeze %dma_wait3A_534 : memref<1x32x64xf32, #tpu.memory_space<vmem>> -> memref<32x64xf32, #tpu.memory_space<vmem>>
    %dma_wait3A_536 = tpu.memref_slice %arg5[%add3A_387, %mul3A_5] : memref<320000x128xf32, #tpu.memory_space<hbm>> -> memref<32x64xf32, #tpu.memory_space<hbm>>
    %dma_wait3A_537 = arith.constant 0 : i32
    %dma_wait3A_538 = arith.constant 0 : i32
    %dma_wait3A_539 = tpu.memref_slice %arg14[%dma_wait3A_531, %dma_wait3A_537, %dma_wait3A_538] : memref<2x96x64xf32, #tpu.memory_space<vmem>> -> memref<1x32x64xf32, #tpu.memory_space<vmem>>
    %dma_wait3A_540 = tpu.memref_squeeze %dma_wait3A_539 : memref<1x32x64xf32, #tpu.memory_space<vmem>> -> memref<32x64xf32, #tpu.memory_space<vmem>>
    %dma_wait3A_541 = tpu.memref_slice %arg5[%add3A_387, %mul3A_5] : memref<320000x128xf32, #tpu.memory_space<hbm>> -> memref<32x64xf32, #tpu.memory_space<hbm>>
    tpu.wait_dma2 semaphore(%arg21 : memref<!tpu.dma_semaphore, #tpu.memory_space<semaphore_mem>>) src(%dma_wait3A_541 : memref<32x64xf32, #tpu.memory_space<hbm>>) dst(%dma_wait3A_540 : memref<32x64xf32, #tpu.memory_space<vmem>>)
    %get3A_542 = arith.constant 0 : i32
    %get3A_543 = arith.index_cast %get3A_542 : i32 to index
    %get3A_544 = arith.constant 0 : index
    %get3A_545 = tpu.vector_load %arg11[%get3A_543, %get3A_544] {strides = array<i32>} : memref<2x96xi32, #tpu.memory_space<vmem>>, vector<1x16xi32>,
    %get3A_546 = vector.shape_cast %get3A_545 : vector<1x16xi32> to vector<16xi32>
    %swap3A_547 = arith.constant 0 : i32
    %swap3A_548 = arith.index_cast %swap3A_547 : i32 to index
    %swap3A_549 = arith.constant 0 : index
    %swap3A_550 = tpu.vector_load %arg12[%swap3A_548, %swap3A_549] {strides = array<i32>} : memref<2x96xi32, #tpu.memory_space<vmem>>, vector<1x16xi32>,
    %swap3A_551 = vector.shape_cast %swap3A_550 : vector<1x16xi32> to vector<16xi32>
    %swap3A_552 = vector.shape_cast %get3A_546 : vector<16xi32> to vector<1x16xi32>
    tpu.vector_store %arg12[%swap3A_548, %swap3A_549], %swap3A_552 {strides = array<i32>} : memref<2x96xi32, #tpu.memory_space<vmem>>, vector<1x16xi32>,
    %get3A_553 = arith.constant 0 : i32
    %get3A_554 = arith.index_cast %get3A_553 : i32 to index
    %get3A_555 = arith.constant 16 : index
    %get3A_556 = tpu.vector_load %arg11[%get3A_554, %get3A_555] {strides = array<i32>} : memref<2x96xi32, #tpu.memory_space<vmem>>, vector<1x16xi32>,
    %get3A_557 = vector.shape_cast %get3A_556 : vector<1x16xi32> to vector<16xi32>
    %swap3A_558 = arith.constant 0 : i32
    %swap3A_559 = arith.index_cast %swap3A_558 : i32 to index
    %swap3A_560 = arith.constant 16 : index
    %swap3A_561 = tpu.vector_load %arg12[%swap3A_559, %swap3A_560] {strides = array<i32>} : memref<2x96xi32, #tpu.memory_space<vmem>>, vector<1x16xi32>,
    %swap3A_562 = vector.shape_cast %swap3A_561 : vector<1x16xi32> to vector<16xi32>
    %swap3A_563 = vector.shape_cast %get3A_557 : vector<16xi32> to vector<1x16xi32>
    tpu.vector_store %arg12[%swap3A_559, %swap3A_560], %swap3A_563 {strides = array<i32>} : memref<2x96xi32, #tpu.memory_space<vmem>>, vector<1x16xi32>,
    %get3A_564 = arith.constant 0 : i32
    %get3A_565 = arith.index_cast %get3A_564 : i32 to index
    %get3A_566 = arith.constant 32 : index
    %get3A_567 = tpu.vector_load %arg11[%get3A_565, %get3A_566] {strides = array<i32>} : memref<2x96xi32, #tpu.memory_space<vmem>>, vector<1x16xi32>,
    %get3A_568 = vector.shape_cast %get3A_567 : vector<1x16xi32> to vector<16xi32>
    %swap3A_569 = arith.constant 0 : i32
    %swap3A_570 = arith.index_cast %swap3A_569 : i32 to index
    %swap3A_571 = arith.constant 32 : index
    %swap3A_572 = tpu.vector_load %arg12[%swap3A_570, %swap3A_571] {strides = array<i32>} : memref<2x96xi32, #tpu.memory_space<vmem>>, vector<1x16xi32>,
    %swap3A_573 = vector.shape_cast %swap3A_572 : vector<1x16xi32> to vector<16xi32>
    %swap3A_574 = vector.shape_cast %get3A_568 : vector<16xi32> to vector<1x16xi32>
    tpu.vector_store %arg12[%swap3A_570, %swap3A_571], %swap3A_574 {strides = array<i32>} : memref<2x96xi32, #tpu.memory_space<vmem>>, vector<1x16xi32>,
    %get3A_575 = arith.constant 0 : i32
    %get3A_576 = arith.index_cast %get3A_575 : i32 to index
    %get3A_577 = arith.constant 48 : index
    %get3A_578 = tpu.vector_load %arg11[%get3A_576, %get3A_577] {strides = array<i32>} : memref<2x96xi32, #tpu.memory_space<vmem>>, vector<1x16xi32>,
    %get3A_579 = vector.shape_cast %get3A_578 : vector<1x16xi32> to vector<16xi32>
    %swap3A_580 = arith.constant 0 : i32
    %swap3A_581 = arith.index_cast %swap3A_580 : i32 to index
    %swap3A_582 = arith.constant 48 : index
    %swap3A_583 = tpu.vector_load %arg12[%swap3A_581, %swap3A_582] {strides = array<i32>} : memref<2x96xi32, #tpu.memory_space<vmem>>, vector<1x16xi32>,
    %swap3A_584 = vector.shape_cast %swap3A_583 : vector<1x16xi32> to vector<16xi32>
    %swap3A_585 = vector.shape_cast %get3A_579 : vector<16xi32> to vector<1x16xi32>
    tpu.vector_store %arg12[%swap3A_581, %swap3A_582], %swap3A_585 {strides = array<i32>} : memref<2x96xi32, #tpu.memory_space<vmem>>, vector<1x16xi32>,
    %get3A_586 = arith.constant 0 : i32
    %get3A_587 = arith.index_cast %get3A_586 : i32 to index
    %get3A_588 = arith.constant 64 : index
    %get3A_589 = tpu.vector_load %arg11[%get3A_587, %get3A_588] {strides = array<i32>} : memref<2x96xi32, #tpu.memory_space<vmem>>, vector<1x16xi32>,
    %get3A_590 = vector.shape_cast %get3A_589 : vector<1x16xi32> to vector<16xi32>
    %swap3A_591 = arith.constant 0 : i32
    %swap3A_592 = arith.index_cast %swap3A_591 : i32 to index
    %swap3A_593 = arith.constant 64 : index
    %swap3A_594 = tpu.vector_load %arg12[%swap3A_592, %swap3A_593] {strides = array<i32>} : memref<2x96xi32, #tpu.memory_space<vmem>>, vector<1x16xi32>,
    %swap3A_595 = vector.shape_cast %swap3A_594 : vector<1x16xi32> to vector<16xi32>
    %swap3A_596 = vector.shape_cast %get3A_590 : vector<16xi32> to vector<1x16xi32>
    tpu.vector_store %arg12[%swap3A_592, %swap3A_593], %swap3A_596 {strides = array<i32>} : memref<2x96xi32, #tpu.memory_space<vmem>>, vector<1x16xi32>,
    %get3A_597 = arith.constant 0 : i32
    %get3A_598 = arith.index_cast %get3A_597 : i32 to index
    %get3A_599 = arith.constant 80 : index
    %get3A_600 = tpu.vector_load %arg11[%get3A_598, %get3A_599] {strides = array<i32>} : memref<2x96xi32, #tpu.memory_space<vmem>>, vector<1x16xi32>,
    %get3A_601 = vector.shape_cast %get3A_600 : vector<1x16xi32> to vector<16xi32>
    %swap3A_602 = arith.constant 0 : i32
    %swap3A_603 = arith.index_cast %swap3A_602 : i32 to index
    %swap3A_604 = arith.constant 80 : index
    %swap3A_605 = tpu.vector_load %arg12[%swap3A_603, %swap3A_604] {strides = array<i32>} : memref<2x96xi32, #tpu.memory_space<vmem>>, vector<1x16xi32>,
    %swap3A_606 = vector.shape_cast %swap3A_605 : vector<1x16xi32> to vector<16xi32>
    %swap3A_607 = vector.shape_cast %get3A_601 : vector<16xi32> to vector<1x16xi32>
    tpu.vector_store %arg12[%swap3A_603, %swap3A_604], %swap3A_607 {strides = array<i32>} : memref<2x96xi32, #tpu.memory_space<vmem>>, vector<1x16xi32>,
    %scan3A_608 = arith.constant 0 : i32
    %scan3A_609 = arith.constant 0 : i32
    %scan3A_610 = arith.constant 48 : i32
    %scan3A_611 = arith.addi %scan3A_609, %scan3A_610 : i32
    %scan3A_612 = arith.constant 1 : i32
    %scan3A_613 = scf.for %scan3A_664 = %scan3A_609 to %scan3A_611 step %scan3A_612 iter_args(%scan3A_665 = %scan3A_608) -> (i32)  : i32 {
      %mul3A_666 = arith.constant 2 : i32
      %mul3A_667 = arith.muli %scan3A_664, %mul3A_666 : i32
      %add3A_668 = arith.constant 0 : i32
      %add3A_669 = arith.addi %mul3A_667, %add3A_668 : i32
      %get3A_670 = arith.constant 0 : i32
      %get3A_671 = arith.index_cast %get3A_670 : i32 to index
      %get3A_672 = arith.index_cast %add3A_669 : i32 to index
      %get3A_673 = arith.constant 0 : index
      %get3A_674 = tpu.vector_load %arg13[%get3A_671, %get3A_672, %get3A_673] {strides = array<i32>} : memref<2x96x64xf32, #tpu.memory_space<vmem>>, vector<1x1x16xf32>,
      %get3A_675 = vector.shape_cast %get3A_674 : vector<1x1x16xf32> to vector<16xf32>
      %add3A_676 = arith.constant 0 : i32
      %add3A_677 = arith.addi %mul3A_667, %add3A_676 : i32
      %get3A_678 = arith.constant 0 : i32
      %get3A_679 = arith.index_cast %get3A_678 : i32 to index
      %get3A_680 = arith.index_cast %add3A_677 : i32 to index
      %get3A_681 = arith.constant 0 : index
      %get3A_682 = tpu.vector_load %arg14[%get3A_679, %get3A_680, %get3A_681] {strides = array<i32>} : memref<2x96x64xf32, #tpu.memory_space<vmem>>, vector<1x1x16xf32>,
      %get3A_683 = vector.shape_cast %get3A_682 : vector<1x1x16xf32> to vector<16xf32>
      %add3A_684 = arith.addf %get3A_675, %get3A_683 : vector<16xf32>
      %max3A = arith.constant 0.000000e+00 : f32
      %max3A_685 = vector.broadcast %max3A : f32 to vector<16xf32>
      %max3A_686 = arith.maximumf %add3A_684, %max3A_685 : vector<16xf32>
      %exp3A = math.exp %max3A_686 : vector<16xf32>
      %add3A_687 = arith.constant 0 : i32
      %add3A_688 = arith.addi %mul3A_667, %add3A_687 : i32
      %swap3A_689 = arith.constant 0 : i32
      %swap3A_690 = arith.index_cast %swap3A_689 : i32 to index
      %swap3A_691 = arith.index_cast %add3A_688 : i32 to index
      %swap3A_692 = arith.constant 0 : index
      %swap3A_693 = tpu.vector_load %arg15[%swap3A_690, %swap3A_691, %swap3A_692] {strides = array<i32>} : memref<2x96x64xf32, #tpu.memory_space<vmem>>, vector<1x1x16xf32>,
      %swap3A_694 = vector.shape_cast %swap3A_693 : vector<1x1x16xf32> to vector<16xf32>
      %swap3A_695 = vector.shape_cast %exp3A : vector<16xf32> to vector<1x1x16xf32>
      tpu.vector_store %arg15[%swap3A_690, %swap3A_691, %swap3A_692], %swap3A_695 {strides = array<i32>} : memref<2x96x64xf32, #tpu.memory_space<vmem>>, vector<1x1x16xf32>,
      %mul3A_696 = arith.mulf %max3A_686, %exp3A : vector<16xf32>
      %add3A_697 = arith.constant 0 : i32
      %add3A_698 = arith.addi %mul3A_667, %add3A_697 : i32
      %swap3A_699 = arith.constant 0 : i32
      %swap3A_700 = arith.index_cast %swap3A_699 : i32 to index
      %swap3A_701 = arith.index_cast %add3A_698 : i32 to index
      %swap3A_702 = arith.constant 0 : index
      %swap3A_703 = tpu.vector_load %arg16[%swap3A_700, %swap3A_701, %swap3A_702] {strides = array<i32>} : memref<2x96x64xf32, #tpu.memory_space<vmem>>, vector<1x1x16xf32>,
      %swap3A_704 = vector.shape_cast %swap3A_703 : vector<1x1x16xf32> to vector<16xf32>
      %swap3A_705 = vector.shape_cast %mul3A_696 : vector<16xf32> to vector<1x1x16xf32>
      tpu.vector_store %arg16[%swap3A_700, %swap3A_701, %swap3A_702], %swap3A_705 {strides = array<i32>} : memref<2x96x64xf32, #tpu.memory_space<vmem>>, vector<1x1x16xf32>,
      %add3A_706 = arith.constant 0 : i32
      %add3A_707 = arith.addi %mul3A_667, %add3A_706 : i32
      %get3A_708 = arith.constant 0 : i32
      %get3A_709 = arith.index_cast %get3A_708 : i32 to index
      %get3A_710 = arith.index_cast %add3A_707 : i32 to index
      %get3A_711 = arith.constant 16 : index
      %get3A_712 = tpu.vector_load %arg13[%get3A_709, %get3A_710, %get3A_711] {strides = array<i32>} : memref<2x96x64xf32, #tpu.memory_space<vmem>>, vector<1x1x16xf32>,
      %get3A_713 = vector.shape_cast %get3A_712 : vector<1x1x16xf32> to vector<16xf32>
      %add3A_714 = arith.constant 0 : i32
      %add3A_715 = arith.addi %mul3A_667, %add3A_714 : i32
      %get3A_716 = arith.constant 0 : i32
      %get3A_717 = arith.index_cast %get3A_716 : i32 to index
      %get3A_718 = arith.index_cast %add3A_715 : i32 to index
      %get3A_719 = arith.constant 16 : index
      %get3A_720 = tpu.vector_load %arg14[%get3A_717, %get3A_718, %get3A_719] {strides = array<i32>} : memref<2x96x64xf32, #tpu.memory_space<vmem>>, vector<1x1x16xf32>,
      %get3A_721 = vector.shape_cast %get3A_720 : vector<1x1x16xf32> to vector<16xf32>
      %add3A_722 = arith.addf %get3A_713, %get3A_721 : vector<16xf32>
      %max3A_723 = arith.constant 0.000000e+00 : f32
      %max3A_724 = vector.broadcast %max3A_723 : f32 to vector<16xf32>
      %max3A_725 = arith.maximumf %add3A_722, %max3A_724 : vector<16xf32>
      %exp3A_726 = math.exp %max3A_725 : vector<16xf32>
      %add3A_727 = arith.constant 0 : i32
      %add3A_728 = arith.addi %mul3A_667, %add3A_727 : i32
      %swap3A_729 = arith.constant 0 : i32
      %swap3A_730 = arith.index_cast %swap3A_729 : i32 to index
      %swap3A_731 = arith.index_cast %add3A_728 : i32 to index
      %swap3A_732 = arith.constant 16 : index
      %swap3A_733 = tpu.vector_load %arg15[%swap3A_730, %swap3A_731, %swap3A_732] {strides = array<i32>} : memref<2x96x64xf32, #tpu.memory_space<vmem>>, vector<1x1x16xf32>,
      %swap3A_734 = vector.shape_cast %swap3A_733 : vector<1x1x16xf32> to vector<16xf32>
      %swap3A_735 = vector.shape_cast %exp3A_726 : vector<16xf32> to vector<1x1x16xf32>
      tpu.vector_store %arg15[%swap3A_730, %swap3A_731, %swap3A_732], %swap3A_735 {strides = array<i32>} : memref<2x96x64xf32, #tpu.memory_space<vmem>>, vector<1x1x16xf32>,
      %mul3A_736 = arith.mulf %max3A_725, %exp3A_726 : vector<16xf32>
      %add3A_737 = arith.constant 0 : i32
      %add3A_738 = arith.addi %mul3A_667, %add3A_737 : i32
      %swap3A_739 = arith.constant 0 : i32
      %swap3A_740 = arith.index_cast %swap3A_739 : i32 to index
      %swap3A_741 = arith.index_cast %add3A_738 : i32 to index
      %swap3A_742 = arith.constant 16 : index
      %swap3A_743 = tpu.vector_load %arg16[%swap3A_740, %swap3A_741, %swap3A_742] {strides = array<i32>} : memref<2x96x64xf32, #tpu.memory_space<vmem>>, vector<1x1x16xf32>,
      %swap3A_744 = vector.shape_cast %swap3A_743 : vector<1x1x16xf32> to vector<16xf32>
      %swap3A_745 = vector.shape_cast %mul3A_736 : vector<16xf32> to vector<1x1x16xf32>
      tpu.vector_store %arg16[%swap3A_740, %swap3A_741, %swap3A_742], %swap3A_745 {strides = array<i32>} : memref<2x96x64xf32, #tpu.memory_space<vmem>>, vector<1x1x16xf32>,
      %add3A_746 = arith.constant 0 : i32
      %add3A_747 = arith.addi %mul3A_667, %add3A_746 : i32
      %get3A_748 = arith.constant 0 : i32
      %get3A_749 = arith.index_cast %get3A_748 : i32 to index
      %get3A_750 = arith.index_cast %add3A_747 : i32 to index
      %get3A_751 = arith.constant 32 : index
      %get3A_752 = tpu.vector_load %arg13[%get3A_749, %get3A_750, %get3A_751] {strides = array<i32>} : memref<2x96x64xf32, #tpu.memory_space<vmem>>, vector<1x1x16xf32>,
      %get3A_753 = vector.shape_cast %get3A_752 : vector<1x1x16xf32> to vector<16xf32>
      %add3A_754 = arith.constant 0 : i32
      %add3A_755 = arith.addi %mul3A_667, %add3A_754 : i32
      %get3A_756 = arith.constant 0 : i32
      %get3A_757 = arith.index_cast %get3A_756 : i32 to index
      %get3A_758 = arith.index_cast %add3A_755 : i32 to index
      %get3A_759 = arith.constant 32 : index
      %get3A_760 = tpu.vector_load %arg14[%get3A_757, %get3A_758, %get3A_759] {strides = array<i32>} : memref<2x96x64xf32, #tpu.memory_space<vmem>>, vector<1x1x16xf32>,
      %get3A_761 = vector.shape_cast %get3A_760 : vector<1x1x16xf32> to vector<16xf32>
      %add3A_762 = arith.addf %get3A_753, %get3A_761 : vector<16xf32>
      %max3A_763 = arith.constant 0.000000e+00 : f32
      %max3A_764 = vector.broadcast %max3A_763 : f32 to vector<16xf32>
      %max3A_765 = arith.maximumf %add3A_762, %max3A_764 : vector<16xf32>
      %exp3A_766 = math.exp %max3A_765 : vector<16xf32>
      %add3A_767 = arith.constant 0 : i32
      %add3A_768 = arith.addi %mul3A_667, %add3A_767 : i32
      %swap3A_769 = arith.constant 0 : i32
      %swap3A_770 = arith.index_cast %swap3A_769 : i32 to index
      %swap3A_771 = arith.index_cast %add3A_768 : i32 to index
      %swap3A_772 = arith.constant 32 : index
      %swap3A_773 = tpu.vector_load %arg15[%swap3A_770, %swap3A_771, %swap3A_772] {strides = array<i32>} : memref<2x96x64xf32, #tpu.memory_space<vmem>>, vector<1x1x16xf32>,
      %swap3A_774 = vector.shape_cast %swap3A_773 : vector<1x1x16xf32> to vector<16xf32>
      %swap3A_775 = vector.shape_cast %exp3A_766 : vector<16xf32> to vector<1x1x16xf32>
      tpu.vector_store %arg15[%swap3A_770, %swap3A_771, %swap3A_772], %swap3A_775 {strides = array<i32>} : memref<2x96x64xf32, #tpu.memory_space<vmem>>, vector<1x1x16xf32>,
      %mul3A_776 = arith.mulf %max3A_765, %exp3A_766 : vector<16xf32>
      %add3A_777 = arith.constant 0 : i32
      %add3A_778 = arith.addi %mul3A_667, %add3A_777 : i32
      %swap3A_779 = arith.constant 0 : i32
      %swap3A_780 = arith.index_cast %swap3A_779 : i32 to index
      %swap3A_781 = arith.index_cast %add3A_778 : i32 to index
      %swap3A_782 = arith.constant 32 : index
      %swap3A_783 = tpu.vector_load %arg16[%swap3A_780, %swap3A_781, %swap3A_782] {strides = array<i32>} : memref<2x96x64xf32, #tpu.memory_space<vmem>>, vector<1x1x16xf32>,
      %swap3A_784 = vector.shape_cast %swap3A_783 : vector<1x1x16xf32> to vector<16xf32>
      %swap3A_785 = vector.shape_cast %mul3A_776 : vector<16xf32> to vector<1x1x16xf32>
      tpu.vector_store %arg16[%swap3A_780, %swap3A_781, %swap3A_782], %swap3A_785 {strides = array<i32>} : memref<2x96x64xf32, #tpu.memory_space<vmem>>, vector<1x1x16xf32>,
      %add3A_786 = arith.constant 0 : i32
      %add3A_787 = arith.addi %mul3A_667, %add3A_786 : i32
      %get3A_788 = arith.constant 0 : i32
      %get3A_789 = arith.index_cast %get3A_788 : i32 to index
      %get3A_790 = arith.index_cast %add3A_787 : i32 to index
      %get3A_791 = arith.constant 48 : index
      %get3A_792 = tpu.vector_load %arg13[%get3A_789, %get3A_790, %get3A_791] {strides = array<i32>} : memref<2x96x64xf32, #tpu.memory_space<vmem>>, vector<1x1x16xf32>,
      %get3A_793 = vector.shape_cast %get3A_792 : vector<1x1x16xf32> to vector<16xf32>
      %add3A_794 = arith.constant 0 : i32
      %add3A_795 = arith.addi %mul3A_667, %add3A_794 : i32
      %get3A_796 = arith.constant 0 : i32
      %get3A_797 = arith.index_cast %get3A_796 : i32 to index
      %get3A_798 = arith.index_cast %add3A_795 : i32 to index
      %get3A_799 = arith.constant 48 : index
      %get3A_800 = tpu.vector_load %arg14[%get3A_797, %get3A_798, %get3A_799] {strides = array<i32>} : memref<2x96x64xf32, #tpu.memory_space<vmem>>, vector<1x1x16xf32>,
      %get3A_801 = vector.shape_cast %get3A_800 : vector<1x1x16xf32> to vector<16xf32>
      %add3A_802 = arith.addf %get3A_793, %get3A_801 : vector<16xf32>
      %max3A_803 = arith.constant 0.000000e+00 : f32
      %max3A_804 = vector.broadcast %max3A_803 : f32 to vector<16xf32>
      %max3A_805 = arith.maximumf %add3A_802, %max3A_804 : vector<16xf32>
      %exp3A_806 = math.exp %max3A_805 : vector<16xf32>
      %add3A_807 = arith.constant 0 : i32
      %add3A_808 = arith.addi %mul3A_667, %add3A_807 : i32
      %swap3A_809 = arith.constant 0 : i32
      %swap3A_810 = arith.index_cast %swap3A_809 : i32 to index
      %swap3A_811 = arith.index_cast %add3A_808 : i32 to index
      %swap3A_812 = arith.constant 48 : index
      %swap3A_813 = tpu.vector_load %arg15[%swap3A_810, %swap3A_811, %swap3A_812] {strides = array<i32>} : memref<2x96x64xf32, #tpu.memory_space<vmem>>, vector<1x1x16xf32>,
      %swap3A_814 = vector.shape_cast %swap3A_813 : vector<1x1x16xf32> to vector<16xf32>
      %swap3A_815 = vector.shape_cast %exp3A_806 : vector<16xf32> to vector<1x1x16xf32>
      tpu.vector_store %arg15[%swap3A_810, %swap3A_811, %swap3A_812], %swap3A_815 {strides = array<i32>} : memref<2x96x64xf32, #tpu.memory_space<vmem>>, vector<1x1x16xf32>,
      %mul3A_816 = arith.mulf %max3A_805, %exp3A_806 : vector<16xf32>
      %add3A_817 = arith.constant 0 : i32
      %add3A_818 = arith.addi %mul3A_667, %add3A_817 : i32
      %swap3A_819 = arith.constant 0 : i32
      %swap3A_820 = arith.index_cast %swap3A_819 : i32 to index
      %swap3A_821 = arith.index_cast %add3A_818 : i32 to index
      %swap3A_822 = arith.constant 48 : index
      %swap3A_823 = tpu.vector_load %arg16[%swap3A_820, %swap3A_821, %swap3A_822] {strides = array<i32>} : memref<2x96x64xf32, #tpu.memory_space<vmem>>, vector<1x1x16xf32>,
      %swap3A_824 = vector.shape_cast %swap3A_823 : vector<1x1x16xf32> to vector<16xf32>
      %swap3A_825 = vector.shape_cast %mul3A_816 : vector<16xf32> to vector<1x1x16xf32>
      tpu.vector_store %arg16[%swap3A_820, %swap3A_821, %swap3A_822], %swap3A_825 {strides = array<i32>} : memref<2x96x64xf32, #tpu.memory_space<vmem>>, vector<1x1x16xf32>,
      %add3A_826 = arith.constant 1 : i32
      %add3A_827 = arith.addi %mul3A_667, %add3A_826 : i32
      %get3A_828 = arith.constant 0 : i32
      %get3A_829 = arith.index_cast %get3A_828 : i32 to index
      %get3A_830 = arith.index_cast %add3A_827 : i32 to index
      %get3A_831 = arith.constant 0 : index
      %get3A_832 = tpu.vector_load %arg13[%get3A_829, %get3A_830, %get3A_831] {strides = array<i32>} : memref<2x96x64xf32, #tpu.memory_space<vmem>>, vector<1x1x16xf32>,
      %get3A_833 = vector.shape_cast %get3A_832 : vector<1x1x16xf32> to vector<16xf32>
      %add3A_834 = arith.constant 1 : i32
      %add3A_835 = arith.addi %mul3A_667, %add3A_834 : i32
      %get3A_836 = arith.constant 0 : i32
      %get3A_837 = arith.index_cast %get3A_836 : i32 to index
      %get3A_838 = arith.index_cast %add3A_835 : i32 to index
      %get3A_839 = arith.constant 0 : index
      %get3A_840 = tpu.vector_load %arg14[%get3A_837, %get3A_838, %get3A_839] {strides = array<i32>} : memref<2x96x64xf32, #tpu.memory_space<vmem>>, vector<1x1x16xf32>,
      %get3A_841 = vector.shape_cast %get3A_840 : vector<1x1x16xf32> to vector<16xf32>
      %add3A_842 = arith.addf %get3A_833, %get3A_841 : vector<16xf32>
      %max3A_843 = arith.constant 0.000000e+00 : f32
      %max3A_844 = vector.broadcast %max3A_843 : f32 to vector<16xf32>
      %max3A_845 = arith.maximumf %add3A_842, %max3A_844 : vector<16xf32>
      %exp3A_846 = math.exp %max3A_845 : vector<16xf32>
      %add3A_847 = arith.constant 1 : i32
      %add3A_848 = arith.addi %mul3A_667, %add3A_847 : i32
      %swap3A_849 = arith.constant 0 : i32
      %swap3A_850 = arith.index_cast %swap3A_849 : i32 to index
      %swap3A_851 = arith.index_cast %add3A_848 : i32 to index
      %swap3A_852 = arith.constant 0 : index
      %swap3A_853 = tpu.vector_load %arg15[%swap3A_850, %swap3A_851, %swap3A_852] {strides = array<i32>} : memref<2x96x64xf32, #tpu.memory_space<vmem>>, vector<1x1x16xf32>,
      %swap3A_854 = vector.shape_cast %swap3A_853 : vector<1x1x16xf32> to vector<16xf32>
      %swap3A_855 = vector.shape_cast %exp3A_846 : vector<16xf32> to vector<1x1x16xf32>
      tpu.vector_store %arg15[%swap3A_850, %swap3A_851, %swap3A_852], %swap3A_855 {strides = array<i32>} : memref<2x96x64xf32, #tpu.memory_space<vmem>>, vector<1x1x16xf32>,
      %mul3A_856 = arith.mulf %max3A_845, %exp3A_846 : vector<16xf32>
      %add3A_857 = arith.constant 1 : i32
      %add3A_858 = arith.addi %mul3A_667, %add3A_857 : i32
      %swap3A_859 = arith.constant 0 : i32
      %swap3A_860 = arith.index_cast %swap3A_859 : i32 to index
      %swap3A_861 = arith.index_cast %add3A_858 : i32 to index
      %swap3A_862 = arith.constant 0 : index
      %swap3A_863 = tpu.vector_load %arg16[%swap3A_860, %swap3A_861, %swap3A_862] {strides = array<i32>} : memref<2x96x64xf32, #tpu.memory_space<vmem>>, vector<1x1x16xf32>,
      %swap3A_864 = vector.shape_cast %swap3A_863 : vector<1x1x16xf32> to vector<16xf32>
      %swap3A_865 = vector.shape_cast %mul3A_856 : vector<16xf32> to vector<1x1x16xf32>
      tpu.vector_store %arg16[%swap3A_860, %swap3A_861, %swap3A_862], %swap3A_865 {strides = array<i32>} : memref<2x96x64xf32, #tpu.memory_space<vmem>>, vector<1x1x16xf32>,
      %add3A_866 = arith.constant 1 : i32
      %add3A_867 = arith.addi %mul3A_667, %add3A_866 : i32
      %get3A_868 = arith.constant 0 : i32
      %get3A_869 = arith.index_cast %get3A_868 : i32 to index
      %get3A_870 = arith.index_cast %add3A_867 : i32 to index
      %get3A_871 = arith.constant 16 : index
      %get3A_872 = tpu.vector_load %arg13[%get3A_869, %get3A_870, %get3A_871] {strides = array<i32>} : memref<2x96x64xf32, #tpu.memory_space<vmem>>, vector<1x1x16xf32>,
      %get3A_873 = vector.shape_cast %get3A_872 : vector<1x1x16xf32> to vector<16xf32>
      %add3A_874 = arith.constant 1 : i32
      %add3A_875 = arith.addi %mul3A_667, %add3A_874 : i32
      %get3A_876 = arith.constant 0 : i32
      %get3A_877 = arith.index_cast %get3A_876 : i32 to index
      %get3A_878 = arith.index_cast %add3A_875 : i32 to index
      %get3A_879 = arith.constant 16 : index
      %get3A_880 = tpu.vector_load %arg14[%get3A_877, %get3A_878, %get3A_879] {strides = array<i32>} : memref<2x96x64xf32, #tpu.memory_space<vmem>>, vector<1x1x16xf32>,
      %get3A_881 = vector.shape_cast %get3A_880 : vector<1x1x16xf32> to vector<16xf32>
      %add3A_882 = arith.addf %get3A_873, %get3A_881 : vector<16xf32>
      %max3A_883 = arith.constant 0.000000e+00 : f32
      %max3A_884 = vector.broadcast %max3A_883 : f32 to vector<16xf32>
      %max3A_885 = arith.maximumf %add3A_882, %max3A_884 : vector<16xf32>
      %exp3A_886 = math.exp %max3A_885 : vector<16xf32>
      %add3A_887 = arith.constant 1 : i32
      %add3A_888 = arith.addi %mul3A_667, %add3A_887 : i32
      %swap3A_889 = arith.constant 0 : i32
      %swap3A_890 = arith.index_cast %swap3A_889 : i32 to index
      %swap3A_891 = arith.index_cast %add3A_888 : i32 to index
      %swap3A_892 = arith.constant 16 : index
      %swap3A_893 = tpu.vector_load %arg15[%swap3A_890, %swap3A_891, %swap3A_892] {strides = array<i32>} : memref<2x96x64xf32, #tpu.memory_space<vmem>>, vector<1x1x16xf32>,
      %swap3A_894 = vector.shape_cast %swap3A_893 : vector<1x1x16xf32> to vector<16xf32>
      %swap3A_895 = vector.shape_cast %exp3A_886 : vector<16xf32> to vector<1x1x16xf32>
      tpu.vector_store %arg15[%swap3A_890, %swap3A_891, %swap3A_892], %swap3A_895 {strides = array<i32>} : memref<2x96x64xf32, #tpu.memory_space<vmem>>, vector<1x1x16xf32>,
      %mul3A_896 = arith.mulf %max3A_885, %exp3A_886 : vector<16xf32>
      %add3A_897 = arith.constant 1 : i32
      %add3A_898 = arith.addi %mul3A_667, %add3A_897 : i32
      %swap3A_899 = arith.constant 0 : i32
      %swap3A_900 = arith.index_cast %swap3A_899 : i32 to index
      %swap3A_901 = arith.index_cast %add3A_898 : i32 to index
      %swap3A_902 = arith.constant 16 : index
      %swap3A_903 = tpu.vector_load %arg16[%swap3A_900, %swap3A_901, %swap3A_902] {strides = array<i32>} : memref<2x96x64xf32, #tpu.memory_space<vmem>>, vector<1x1x16xf32>,
      %swap3A_904 = vector.shape_cast %swap3A_903 : vector<1x1x16xf32> to vector<16xf32>
      %swap3A_905 = vector.shape_cast %mul3A_896 : vector<16xf32> to vector<1x1x16xf32>
      tpu.vector_store %arg16[%swap3A_900, %swap3A_901, %swap3A_902], %swap3A_905 {strides = array<i32>} : memref<2x96x64xf32, #tpu.memory_space<vmem>>, vector<1x1x16xf32>,
      %add3A_906 = arith.constant 1 : i32
      %add3A_907 = arith.addi %mul3A_667, %add3A_906 : i32
      %get3A_908 = arith.constant 0 : i32
      %get3A_909 = arith.index_cast %get3A_908 : i32 to index
      %get3A_910 = arith.index_cast %add3A_907 : i32 to index
      %get3A_911 = arith.constant 32 : index
      %get3A_912 = tpu.vector_load %arg13[%get3A_909, %get3A_910, %get3A_911] {strides = array<i32>} : memref<2x96x64xf32, #tpu.memory_space<vmem>>, vector<1x1x16xf32>,
      %get3A_913 = vector.shape_cast %get3A_912 : vector<1x1x16xf32> to vector<16xf32>
      %add3A_914 = arith.constant 1 : i32
      %add3A_915 = arith.addi %mul3A_667, %add3A_914 : i32
      %get3A_916 = arith.constant 0 : i32
      %get3A_917 = arith.index_cast %get3A_916 : i32 to index
      %get3A_918 = arith.index_cast %add3A_915 : i32 to index
      %get3A_919 = arith.constant 32 : index
      %get3A_920 = tpu.vector_load %arg14[%get3A_917, %get3A_918, %get3A_919] {strides = array<i32>} : memref<2x96x64xf32, #tpu.memory_space<vmem>>, vector<1x1x16xf32>,
      %get3A_921 = vector.shape_cast %get3A_920 : vector<1x1x16xf32> to vector<16xf32>
      %add3A_922 = arith.addf %get3A_913, %get3A_921 : vector<16xf32>
      %max3A_923 = arith.constant 0.000000e+00 : f32
      %max3A_924 = vector.broadcast %max3A_923 : f32 to vector<16xf32>
      %max3A_925 = arith.maximumf %add3A_922, %max3A_924 : vector<16xf32>
      %exp3A_926 = math.exp %max3A_925 : vector<16xf32>
      %add3A_927 = arith.constant 1 : i32
      %add3A_928 = arith.addi %mul3A_667, %add3A_927 : i32
      %swap3A_929 = arith.constant 0 : i32
      %swap3A_930 = arith.index_cast %swap3A_929 : i32 to index
      %swap3A_931 = arith.index_cast %add3A_928 : i32 to index
      %swap3A_932 = arith.constant 32 : index
      %swap3A_933 = tpu.vector_load %arg15[%swap3A_930, %swap3A_931, %swap3A_932] {strides = array<i32>} : memref<2x96x64xf32, #tpu.memory_space<vmem>>, vector<1x1x16xf32>,
      %swap3A_934 = vector.shape_cast %swap3A_933 : vector<1x1x16xf32> to vector<16xf32>
      %swap3A_935 = vector.shape_cast %exp3A_926 : vector<16xf32> to vector<1x1x16xf32>
      tpu.vector_store %arg15[%swap3A_930, %swap3A_931, %swap3A_932], %swap3A_935 {strides = array<i32>} : memref<2x96x64xf32, #tpu.memory_space<vmem>>, vector<1x1x16xf32>,
      %mul3A_936 = arith.mulf %max3A_925, %exp3A_926 : vector<16xf32>
      %add3A_937 = arith.constant 1 : i32
      %add3A_938 = arith.addi %mul3A_667, %add3A_937 : i32
      %swap3A_939 = arith.constant 0 : i32
      %swap3A_940 = arith.index_cast %swap3A_939 : i32 to index
      %swap3A_941 = arith.index_cast %add3A_938 : i32 to index
      %swap3A_942 = arith.constant 32 : index
      %swap3A_943 = tpu.vector_load %arg16[%swap3A_940, %swap3A_941, %swap3A_942] {strides = array<i32>} : memref<2x96x64xf32, #tpu.memory_space<vmem>>, vector<1x1x16xf32>,
      %swap3A_944 = vector.shape_cast %swap3A_943 : vector<1x1x16xf32> to vector<16xf32>
      %swap3A_945 = vector.shape_cast %mul3A_936 : vector<16xf32> to vector<1x1x16xf32>
      tpu.vector_store %arg16[%swap3A_940, %swap3A_941, %swap3A_942], %swap3A_945 {strides = array<i32>} : memref<2x96x64xf32, #tpu.memory_space<vmem>>, vector<1x1x16xf32>,
      %add3A_946 = arith.constant 1 : i32
      %add3A_947 = arith.addi %mul3A_667, %add3A_946 : i32
      %get3A_948 = arith.constant 0 : i32
      %get3A_949 = arith.index_cast %get3A_948 : i32 to index
      %get3A_950 = arith.index_cast %add3A_947 : i32 to index
      %get3A_951 = arith.constant 48 : index
      %get3A_952 = tpu.vector_load %arg13[%get3A_949, %get3A_950, %get3A_951] {strides = array<i32>} : memref<2x96x64xf32, #tpu.memory_space<vmem>>, vector<1x1x16xf32>,
      %get3A_953 = vector.shape_cast %get3A_952 : vector<1x1x16xf32> to vector<16xf32>
      %add3A_954 = arith.constant 1 : i32
      %add3A_955 = arith.addi %mul3A_667, %add3A_954 : i32
      %get3A_956 = arith.constant 0 : i32
      %get3A_957 = arith.index_cast %get3A_956 : i32 to index
      %get3A_958 = arith.index_cast %add3A_955 : i32 to index
      %get3A_959 = arith.constant 48 : index
      %get3A_960 = tpu.vector_load %arg14[%get3A_957, %get3A_958, %get3A_959] {strides = array<i32>} : memref<2x96x64xf32, #tpu.memory_space<vmem>>, vector<1x1x16xf32>,
      %get3A_961 = vector.shape_cast %get3A_960 : vector<1x1x16xf32> to vector<16xf32>
      %add3A_962 = arith.addf %get3A_953, %get3A_961 : vector<16xf32>
      %max3A_963 = arith.constant 0.000000e+00 : f32
      %max3A_964 = vector.broadcast %max3A_963 : f32 to vector<16xf32>
      %max3A_965 = arith.maximumf %add3A_962, %max3A_964 : vector<16xf32>
      %exp3A_966 = math.exp %max3A_965 : vector<16xf32>
      %add3A_967 = arith.constant 1 : i32
      %add3A_968 = arith.addi %mul3A_667, %add3A_967 : i32
      %swap3A_969 = arith.constant 0 : i32
      %swap3A_970 = arith.index_cast %swap3A_969 : i32 to index
      %swap3A_971 = arith.index_cast %add3A_968 : i32 to index
      %swap3A_972 = arith.constant 48 : index
      %swap3A_973 = tpu.vector_load %arg15[%swap3A_970, %swap3A_971, %swap3A_972] {strides = array<i32>} : memref<2x96x64xf32, #tpu.memory_space<vmem>>, vector<1x1x16xf32>,
      %swap3A_974 = vector.shape_cast %swap3A_973 : vector<1x1x16xf32> to vector<16xf32>
      %swap3A_975 = vector.shape_cast %exp3A_966 : vector<16xf32> to vector<1x1x16xf32>
      tpu.vector_store %arg15[%swap3A_970, %swap3A_971, %swap3A_972], %swap3A_975 {strides = array<i32>} : memref<2x96x64xf32, #tpu.memory_space<vmem>>, vector<1x1x16xf32>,
      %mul3A_976 = arith.mulf %max3A_965, %exp3A_966 : vector<16xf32>
      %add3A_977 = arith.constant 1 : i32
      %add3A_978 = arith.addi %mul3A_667, %add3A_977 : i32
      %swap3A_979 = arith.constant 0 : i32
      %swap3A_980 = arith.index_cast %swap3A_979 : i32 to index
      %swap3A_981 = arith.index_cast %add3A_978 : i32 to index
      %swap3A_982 = arith.constant 48 : index
      %swap3A_983 = tpu.vector_load %arg16[%swap3A_980, %swap3A_981, %swap3A_982] {strides = array<i32>} : memref<2x96x64xf32, #tpu.memory_space<vmem>>, vector<1x1x16xf32>,
      %swap3A_984 = vector.shape_cast %swap3A_983 : vector<1x1x16xf32> to vector<16xf32>
      %swap3A_985 = vector.shape_cast %mul3A_976 : vector<16xf32> to vector<1x1x16xf32>
      tpu.vector_store %arg16[%swap3A_980, %swap3A_981, %swap3A_982], %swap3A_985 {strides = array<i32>} : memref<2x96x64xf32, #tpu.memory_space<vmem>>, vector<1x1x16xf32>,
      %scan3A_986 = arith.constant 0 : i32
      scf.yield %scan3A_986 : i32
    }
    %scan3A_614 = arith.constant 48 : i32
    %dma_start3A_615 = arith.constant 0 : i32
    %dma_start3A_616 = arith.constant 0 : i32
    %dma_start3A_617 = arith.constant 0 : i32
    %dma_start3A_618 = arith.constant 0 : i32
    %dma_start3A_619 = tpu.memref_slice %arg15[%dma_start3A_615, %dma_start3A_617, %dma_start3A_618] : memref<2x96x64xf32, #tpu.memory_space<vmem>> -> memref<1x96x64xf32, #tpu.memory_space<vmem>>
    %dma_start3A_620 = tpu.memref_squeeze %dma_start3A_619 : memref<1x96x64xf32, #tpu.memory_space<vmem>> -> memref<96x64xf32, #tpu.memory_space<vmem>>
    %dma_start3A_621 = arith.constant 0 : i32
    %dma_start3A_622 = tpu.memref_slice %arg12[%dma_start3A_616, %dma_start3A_621] : memref<2x96xi32, #tpu.memory_space<vmem>> -> memref<1x96xi32, #tpu.memory_space<vmem>>
    %dma_start3A_623 = tpu.memref_squeeze %dma_start3A_622 : memref<1x96xi32, #tpu.memory_space<vmem>> -> memref<96xi32, #tpu.memory_space<vmem>>
    %dma_start3A_624 = arith.constant 0 : i32
    %dma_start3A_625 = arith.constant 0 : i32
    %dma_start3A_626 = tpu.memref_slice %arg18[%dma_start3A_624, %dma_start3A_625] : memref<10112x64xf32, #tpu.memory_space<vmem_shared>> -> memref<10112x64xf32, #tpu.memory_space<vmem_shared>>
    tpu.enqueue_indirect_dma source(%dma_start3A_620 : memref<96x64xf32, #tpu.memory_space<vmem>>) target(%dma_start3A_626 : memref<10112x64xf32, #tpu.memory_space<vmem_shared>>) offsets(%dma_start3A_623 : memref<96xi32, #tpu.memory_space<vmem>>) semaphore(%arg23 : memref<!tpu.dma_semaphore, #tpu.memory_space<semaphore_mem>>) {add = true}
    %dma_start3A_627 = arith.constant 0 : i32
    %dma_start3A_628 = arith.constant 0 : i32
    %dma_start3A_629 = arith.constant 0 : i32
    %dma_start3A_630 = arith.constant 0 : i32
    %dma_start3A_631 = tpu.memref_slice %arg16[%dma_start3A_627, %dma_start3A_629, %dma_start3A_630] : memref<2x96x64xf32, #tpu.memory_space<vmem>> -> memref<1x96x64xf32, #tpu.memory_space<vmem>>
    %dma_start3A_632 = tpu.memref_squeeze %dma_start3A_631 : memref<1x96x64xf32, #tpu.memory_space<vmem>> -> memref<96x64xf32, #tpu.memory_space<vmem>>
    %dma_start3A_633 = arith.constant 0 : i32
    %dma_start3A_634 = tpu.memref_slice %arg12[%dma_start3A_628, %dma_start3A_633] : memref<2x96xi32, #tpu.memory_space<vmem>> -> memref<1x96xi32, #tpu.memory_space<vmem>>
    %dma_start3A_635 = tpu.memref_squeeze %dma_start3A_634 : memref<1x96xi32, #tpu.memory_space<vmem>> -> memref<96xi32, #tpu.memory_space<vmem>>
    %dma_start3A_636 = arith.constant 0 : i32
    %dma_start3A_637 = arith.constant 0 : i32
    %dma_start3A_638 = tpu.memref_slice %arg17[%dma_start3A_636, %dma_start3A_637] : memref<10112x64xf32, #tpu.memory_space<vmem_shared>> -> memref<10112x64xf32, #tpu.memory_space<vmem_shared>>
    tpu.enqueue_indirect_dma source(%dma_start3A_632 : memref<96x64xf32, #tpu.memory_space<vmem>>) target(%dma_start3A_638 : memref<10112x64xf32, #tpu.memory_space<vmem_shared>>) offsets(%dma_start3A_635 : memref<96xi32, #tpu.memory_space<vmem>>) semaphore(%arg23 : memref<!tpu.dma_semaphore, #tpu.memory_space<semaphore_mem>>) {add = true}
    %dma_wait3A_639 = arith.constant 0 : i32
    %dma_wait3A_640 = arith.constant 0 : i32
    %dma_wait3A_641 = arith.constant 0 : i32
    %dma_wait3A_642 = arith.constant 0 : i32
    %dma_wait3A_643 = tpu.memref_slice %arg15[%dma_wait3A_639, %dma_wait3A_641, %dma_wait3A_642] : memref<2x96x64xf32, #tpu.memory_space<vmem>> -> memref<1x96x64xf32, #tpu.memory_space<vmem>>
    %dma_wait3A_644 = tpu.memref_squeeze %dma_wait3A_643 : memref<1x96x64xf32, #tpu.memory_space<vmem>> -> memref<96x64xf32, #tpu.memory_space<vmem>>
    %dma_wait3A_645 = arith.constant 0 : i32
    %dma_wait3A_646 = tpu.memref_slice %arg12[%dma_wait3A_640, %dma_wait3A_645] : memref<2x96xi32, #tpu.memory_space<vmem>> -> memref<1x96xi32, #tpu.memory_space<vmem>>
    %dma_wait3A_647 = tpu.memref_squeeze %dma_wait3A_646 : memref<1x96xi32, #tpu.memory_space<vmem>> -> memref<96xi32, #tpu.memory_space<vmem>>
    %dma_wait3A_648 = arith.constant 0 : i32
    %dma_wait3A_649 = arith.constant 0 : i32
    %dma_wait3A_650 = tpu.memref_slice %arg18[%dma_wait3A_648, %dma_wait3A_649] : memref<10112x64xf32, #tpu.memory_space<vmem_shared>> -> memref<10112x64xf32, #tpu.memory_space<vmem_shared>>
    tpu.wait_indirect_dma semaphore(%arg23 : memref<!tpu.dma_semaphore, #tpu.memory_space<semaphore_mem>>) src(%dma_wait3A_644 : memref<96x64xf32, #tpu.memory_space<vmem>>) dst(%dma_wait3A_650 : memref<10112x64xf32, #tpu.memory_space<vmem_shared>>)
    %dma_wait3A_651 = arith.constant 0 : i32
    %dma_wait3A_652 = arith.constant 0 : i32
    %dma_wait3A_653 = arith.constant 0 : i32
    %dma_wait3A_654 = arith.constant 0 : i32
    %dma_wait3A_655 = tpu.memref_slice %arg16[%dma_wait3A_651, %dma_wait3A_653, %dma_wait3A_654] : memref<2x96x64xf32, #tpu.memory_space<vmem>> -> memref<1x96x64xf32, #tpu.memory_space<vmem>>
    %dma_wait3A_656 = tpu.memref_squeeze %dma_wait3A_655 : memref<1x96x64xf32, #tpu.memory_space<vmem>> -> memref<96x64xf32, #tpu.memory_space<vmem>>
    %dma_wait3A_657 = arith.constant 0 : i32
    %dma_wait3A_658 = tpu.memref_slice %arg12[%dma_wait3A_652, %dma_wait3A_657] : memref<2x96xi32, #tpu.memory_space<vmem>> -> memref<1x96xi32, #tpu.memory_space<vmem>>
    %dma_wait3A_659 = tpu.memref_squeeze %dma_wait3A_658 : memref<1x96xi32, #tpu.memory_space<vmem>> -> memref<96xi32, #tpu.memory_space<vmem>>
    %dma_wait3A_660 = arith.constant 0 : i32
    %dma_wait3A_661 = arith.constant 0 : i32
    %dma_wait3A_662 = tpu.memref_slice %arg17[%dma_wait3A_660, %dma_wait3A_661] : memref<10112x64xf32, #tpu.memory_space<vmem_shared>> -> memref<10112x64xf32, #tpu.memory_space<vmem_shared>>
    tpu.wait_indirect_dma semaphore(%arg23 : memref<!tpu.dma_semaphore, #tpu.memory_space<semaphore_mem>>) src(%dma_wait3A_656 : memref<96x64xf32, #tpu.memory_space<vmem>>) dst(%dma_wait3A_662 : memref<10112x64xf32, #tpu.memory_space<vmem_shared>>)
    %barrier3A_663 = arith.constant 0 : index
    tpu.barrier barrier_id(%barrier3A_663)
    "tpu.region"() ({
      %run_scoped3A_664 = tpu.sem_alloc : memref<!tpu.dma_semaphore, #tpu.memory_space<semaphore_mem>>
      %dma_start3A_665 = arith.constant 0 : i32
      %dma_start3A_666 = tpu.memref_slice %arg8[%arg0, %mul3A_3, %dma_start3A_665] : memref<2x10112x64xf32, #tpu.memory_space<hbm>> -> memref<1x632x64xf32, #tpu.memory_space<hbm>>
      %dma_start3A_667 = tpu.memref_squeeze %dma_start3A_666 : memref<1x632x64xf32, #tpu.memory_space<hbm>> -> memref<632x64xf32, #tpu.memory_space<hbm>>
      %dma_start3A_668 = arith.constant 0 : i32
      %dma_start3A_669 = tpu.memref_slice %arg17[%mul3A_3, %dma_start3A_668] : memref<10112x64xf32, #tpu.memory_space<vmem_shared>> -> memref<632x64xf32, #tpu.memory_space<vmem_shared>>
      tpu.enqueue_dma source(%dma_start3A_669 : memref<632x64xf32, #tpu.memory_space<vmem_shared>>) target(%dma_start3A_667 : memref<632x64xf32, #tpu.memory_space<hbm>>) target_semaphore(%run_scoped3A_664 : memref<!tpu.dma_semaphore, #tpu.memory_space<semaphore_mem>>)
      %dma_wait3A_670 = arith.constant 0 : i32
      %dma_wait3A_671 = tpu.memref_slice %arg8[%arg0, %mul3A_3, %dma_wait3A_670] : memref<2x10112x64xf32, #tpu.memory_space<hbm>> -> memref<1x632x64xf32, #tpu.memory_space<hbm>>
      %dma_wait3A_672 = tpu.memref_squeeze %dma_wait3A_671 : memref<1x632x64xf32, #tpu.memory_space<hbm>> -> memref<632x64xf32, #tpu.memory_space<hbm>>
      %dma_wait3A_673 = arith.constant 0 : i32
      %dma_wait3A_674 = tpu.memref_slice %arg17[%mul3A_3, %dma_wait3A_673] : memref<10112x64xf32, #tpu.memory_space<vmem_shared>> -> memref<632x64xf32, #tpu.memory_space<vmem_shared>>
      tpu.wait_dma2 semaphore(%run_scoped3A_664 : memref<!tpu.dma_semaphore, #tpu.memory_space<semaphore_mem>>) src(%dma_wait3A_674 : memref<632x64xf32, #tpu.memory_space<vmem_shared>>) dst(%dma_wait3A_672 : memref<632x64xf32, #tpu.memory_space<hbm>>)
      tpu.yield
    }) : () -> ()
    "tpu.region"() ({
      %run_scoped3A_664 = tpu.sem_alloc : memref<!tpu.dma_semaphore, #tpu.memory_space<semaphore_mem>>
      %dma_start3A_665 = arith.constant 0 : i32
      %dma_start3A_666 = tpu.memref_slice %arg9[%arg0, %mul3A_3, %dma_start3A_665] : memref<2x10112x64xf32, #tpu.memory_space<hbm>> -> memref<1x632x64xf32, #tpu.memory_space<hbm>>
      %dma_start3A_667 = tpu.memref_squeeze %dma_start3A_666 : memref<1x632x64xf32, #tpu.memory_space<hbm>> -> memref<632x64xf32, #tpu.memory_space<hbm>>
      %dma_start3A_668 = arith.constant 0 : i32
      %dma_start3A_669 = tpu.memref_slice %arg18[%mul3A_3, %dma_start3A_668] : memref<10112x64xf32, #tpu.memory_space<vmem_shared>> -> memref<632x64xf32, #tpu.memory_space<vmem_shared>>
      tpu.enqueue_dma source(%dma_start3A_669 : memref<632x64xf32, #tpu.memory_space<vmem_shared>>) target(%dma_start3A_667 : memref<632x64xf32, #tpu.memory_space<hbm>>) target_semaphore(%run_scoped3A_664 : memref<!tpu.dma_semaphore, #tpu.memory_space<semaphore_mem>>)
      %dma_wait3A_670 = arith.constant 0 : i32
      %dma_wait3A_671 = tpu.memref_slice %arg9[%arg0, %mul3A_3, %dma_wait3A_670] : memref<2x10112x64xf32, #tpu.memory_space<hbm>> -> memref<1x632x64xf32, #tpu.memory_space<hbm>>
      %dma_wait3A_672 = tpu.memref_squeeze %dma_wait3A_671 : memref<1x632x64xf32, #tpu.memory_space<hbm>> -> memref<632x64xf32, #tpu.memory_space<hbm>>
      %dma_wait3A_673 = arith.constant 0 : i32
      %dma_wait3A_674 = tpu.memref_slice %arg18[%mul3A_3, %dma_wait3A_673] : memref<10112x64xf32, #tpu.memory_space<vmem_shared>> -> memref<632x64xf32, #tpu.memory_space<vmem_shared>>
      tpu.wait_dma2 semaphore(%run_scoped3A_664 : memref<!tpu.dma_semaphore, #tpu.memory_space<semaphore_mem>>) src(%dma_wait3A_674 : memref<632x64xf32, #tpu.memory_space<vmem_shared>>) dst(%dma_wait3A_672 : memref<632x64xf32, #tpu.memory_space<hbm>>)
      tpu.yield
    }) : () -> ()
    return
  }
}

module attributes {stable_mosaic.version = 14 : i64} {
  func.func @_eproj_body(%arg0: i32, %arg1: memref<16000x16xf32, #tpu.memory_space<vmem>>, %arg2: memref<128x16xf32, #tpu.memory_space<vmem>>, %arg3: memref<1x128xf32, #tpu.memory_space<vmem>>, %arg4: memref<16000x128xf32, #tpu.memory_space<vmem>>) attributes {dimension_semantics = [#tpu.dimension_semantics<arbitrary>], iteration_bounds = array<i64: 20>, scalar_prefetch = 0 : i64, scratch_operands = 0 : i64, tpu.core_type = #tpu.core_type<tc>, window_params = [{transform_indices = @transform_0, window_bounds = array<i64: 16000, 16>}, {pipeline_mode = #tpu.pipeline_mode<synchronous>, transform_indices = @transform_1, window_bounds = array<i64: 128, 16>}, {pipeline_mode = #tpu.pipeline_mode<synchronous>, transform_indices = @transform_2, window_bounds = array<i64: 1, 128>}, {transform_indices = @transform_3, window_bounds = array<i64: 16000, 128>}]} {
    %get3A = arith.constant 0 : index
    %get3A_0 = arith.constant 0 : index
    %get3A_1 = vector.load %arg1[%get3A, %get3A_0] : memref<16000x16xf32, #tpu.memory_space<vmem>>, vector<16000x16xf32>
    %get3A_2 = arith.constant 0 : index
    %get3A_3 = arith.constant 0 : index
    %get3A_4 = vector.load %arg2[%get3A_2, %get3A_3] : memref<128x16xf32, #tpu.memory_space<vmem>>, vector<128x16xf32>
    %dot_general3A = arith.constant dense<0.000000e+00> : vector<16000x128xf32>
    %dot_general3A_5 = tpu.matmul %get3A_1, %get3A_4, %dot_general3A {dimension_numbers = #tpu.dot_dimension_numbers<[1], [1], [0], [0], [0, 0, 1, 0], [], []>, transpose_lhs_hint = false} : vector<16000x16xf32>, vector<128x16xf32>, vector<16000x128xf32> -> vector<16000x128xf32>
    %get3A_6 = arith.constant 0 : index
    %get3A_7 = arith.constant 0 : index
    %get3A_8 = vector.load %arg3[%get3A_6, %get3A_7] : memref<1x128xf32, #tpu.memory_space<vmem>>, vector<1x128xf32>
    %get3A_9 = vector.shape_cast %get3A_8 : vector<1x128xf32> to vector<128xf32>
    %broadcast_in_dim3A = vector.shape_cast %get3A_9 : vector<128xf32> to vector<1x128xf32>
    %add3A = vector.broadcast %broadcast_in_dim3A : vector<1x128xf32> to vector<16000x128xf32>
    %add3A_10 = arith.addf %dot_general3A_5, %add3A : vector<16000x128xf32>
    %swap3A = arith.constant 0 : index
    %swap3A_11 = arith.constant 0 : index
    %swap3A_12 = vector.load %arg4[%swap3A, %swap3A_11] : memref<16000x128xf32, #tpu.memory_space<vmem>>, vector<16000x128xf32>
    tpu.vector_store %arg4[%swap3A, %swap3A_11], %add3A_10 {strides = array<i32>} : memref<16000x128xf32, #tpu.memory_space<vmem>>, vector<16000x128xf32>,
    return
  }
  func.func @transform_0(%arg0: i32) -> (i32, i32) {
    %c0_i32 = arith.constant 0 : i32
    %c0_i32_0 = arith.constant 0 : i32
    return %arg0, %c0_i32 : i32, i32
  }
  func.func @transform_1(%arg0: i32) -> (i32, i32) {
    %c0_i32 = arith.constant 0 : i32
    %c0_i32_0 = arith.constant 0 : i32
    %c0_i32_1 = arith.constant 0 : i32
    return %c0_i32, %c0_i32_0 : i32, i32
  }
  func.func @transform_2(%arg0: i32) -> (i32, i32) {
    %c0_i32 = arith.constant 0 : i32
    %c0_i32_0 = arith.constant 0 : i32
    %c0_i32_1 = arith.constant 0 : i32
    return %c0_i32, %c0_i32_0 : i32, i32
  }
  func.func @transform_3(%arg0: i32) -> (i32, i32) {
    %c0_i32 = arith.constant 0 : i32
    %c0_i32_0 = arith.constant 0 : i32
    return %arg0, %c0_i32 : i32, i32
  }
}

module attributes {stable_mosaic.version = 14 : i64} {
  func.func @_mlp_body(%arg0: memref<2x10112x64xf32, #tpu.memory_space<vmem>>, %arg1: memref<2x10112x64xf32, #tpu.memory_space<vmem>>, %arg2: memref<10000x128xf32, #tpu.memory_space<vmem>>, %arg3: memref<256x128xf32, #tpu.memory_space<vmem>>, %arg4: memref<1x256xf32, #tpu.memory_space<vmem>>, %arg5: memref<1x256xf32, #tpu.memory_space<vmem>>, %arg6: memref<1x256xf32, #tpu.memory_space<vmem>>, %arg7: memref<128x256xf32, #tpu.memory_space<vmem>>, %arg8: memref<1x128xf32, #tpu.memory_space<vmem>>, %arg9: memref<128x128xf32, #tpu.memory_space<vmem>>, %arg10: memref<1x128xf32, #tpu.memory_space<vmem>>, %arg11: memref<10000x128xf32, #tpu.memory_space<vmem>>) attributes {dimension_semantics = [], scalar_prefetch = 0 : i64, scratch_operands = 0 : i64, tpu.core_type = #tpu.core_type<tc>} {
    %get3A = arith.constant 0 : index
    %get3A_0 = arith.constant 0 : index
    %get3A_1 = vector.load %arg2[%get3A, %get3A_0] : memref<10000x128xf32, #tpu.memory_space<vmem>>, vector<10000x128xf32>
    %get3A_2 = arith.constant 0 : index
    %get3A_3 = arith.constant 0 : index
    %get3A_4 = arith.constant 0 : index
    %get3A_5 = vector.load %arg0[%get3A_2, %get3A_3, %get3A_4] : memref<2x10112x64xf32, #tpu.memory_space<vmem>>, vector<1x10000x64xf32>
    %get3A_6 = vector.shape_cast %get3A_5 : vector<1x10000x64xf32> to vector<10000x64xf32>
    %get3A_7 = arith.constant 0 : index
    %get3A_8 = arith.constant 0 : index
    %get3A_9 = arith.constant 0 : index
    %get3A_10 = vector.load %arg1[%get3A_7, %get3A_8, %get3A_9] : memref<2x10112x64xf32, #tpu.memory_space<vmem>>, vector<1x10000x64xf32>
    %get3A_11 = vector.shape_cast %get3A_10 : vector<1x10000x64xf32> to vector<10000x64xf32>
    %add3A = arith.constant 1.000000e-16 : f32
    %add3A_12 = vector.broadcast %add3A : f32 to vector<10000x64xf32>
    %add3A_13 = arith.addf %get3A_11, %add3A_12 : vector<10000x64xf32>
    %div3A = arith.divf %get3A_6, %add3A_13 : vector<10000x64xf32>
    %slice3A = vector.extract_strided_slice %get3A_1 {offsets = [0, 0], sizes = [10000, 64], strides = [1, 1]} : vector<10000x128xf32> to vector<10000x64xf32>
    %add3A_14 = arith.addf %div3A, %slice3A : vector<10000x64xf32>
    %get3A_15 = arith.constant 1 : index
    %get3A_16 = arith.constant 0 : index
    %get3A_17 = arith.constant 0 : index
    %get3A_18 = vector.load %arg0[%get3A_15, %get3A_16, %get3A_17] : memref<2x10112x64xf32, #tpu.memory_space<vmem>>, vector<1x10000x64xf32>
    %get3A_19 = vector.shape_cast %get3A_18 : vector<1x10000x64xf32> to vector<10000x64xf32>
    %get3A_20 = arith.constant 1 : index
    %get3A_21 = arith.constant 0 : index
    %get3A_22 = arith.constant 0 : index
    %get3A_23 = vector.load %arg1[%get3A_20, %get3A_21, %get3A_22] : memref<2x10112x64xf32, #tpu.memory_space<vmem>>, vector<1x10000x64xf32>
    %get3A_24 = vector.shape_cast %get3A_23 : vector<1x10000x64xf32> to vector<10000x64xf32>
    %add3A_25 = arith.constant 1.000000e-16 : f32
    %add3A_26 = vector.broadcast %add3A_25 : f32 to vector<10000x64xf32>
    %add3A_27 = arith.addf %get3A_24, %add3A_26 : vector<10000x64xf32>
    %div3A_28 = arith.divf %get3A_19, %add3A_27 : vector<10000x64xf32>
    %slice3A_29 = vector.extract_strided_slice %get3A_1 {offsets = [0, 64], sizes = [10000, 64], strides = [1, 1]} : vector<10000x128xf32> to vector<10000x64xf32>
    %add3A_30 = arith.addf %div3A_28, %slice3A_29 : vector<10000x64xf32>
    %get3A_31 = arith.constant 0 : index
    %get3A_32 = arith.constant 0 : index
    %get3A_33 = vector.load %arg3[%get3A_31, %get3A_32] : memref<256x128xf32, #tpu.memory_space<vmem>>, vector<256x128xf32>
    %slice3A_34 = vector.extract_strided_slice %get3A_33 {offsets = [0, 0], sizes = [256, 64], strides = [1, 1]} : vector<256x128xf32> to vector<256x64xf32>
    %dot_general3A = arith.constant dense<0.000000e+00> : vector<10000x256xf32>
    %dot_general3A_35 = tpu.matmul %add3A_14, %slice3A_34, %dot_general3A {dimension_numbers = #tpu.dot_dimension_numbers<[1], [1], [0], [0], [0, 0, 1, 0], [], []>, transpose_lhs_hint = false} : vector<10000x64xf32>, vector<256x64xf32>, vector<10000x256xf32> -> vector<10000x256xf32>
    %slice3A_36 = vector.extract_strided_slice %get3A_33 {offsets = [0, 64], sizes = [256, 64], strides = [1, 1]} : vector<256x128xf32> to vector<256x64xf32>
    %dot_general3A_37 = arith.constant dense<0.000000e+00> : vector<10000x256xf32>
    %dot_general3A_38 = tpu.matmul %add3A_30, %slice3A_36, %dot_general3A_37 {dimension_numbers = #tpu.dot_dimension_numbers<[1], [1], [0], [0], [0, 0, 1, 0], [], []>, transpose_lhs_hint = false} : vector<10000x64xf32>, vector<256x64xf32>, vector<10000x256xf32> -> vector<10000x256xf32>
    %add3A_39 = arith.addf %dot_general3A_35, %dot_general3A_38 : vector<10000x256xf32>
    %get3A_40 = arith.constant 0 : index
    %get3A_41 = arith.constant 0 : index
    %get3A_42 = vector.load %arg4[%get3A_40, %get3A_41] : memref<1x256xf32, #tpu.memory_space<vmem>>, vector<1x256xf32>
    %add3A_43 = vector.broadcast %get3A_42 : vector<1x256xf32> to vector<10000x256xf32>
    %add3A_44 = arith.addf %add3A_39, %add3A_43 : vector<10000x256xf32>
    %reduce_sum3A = arith.constant dense<0.000000e+00> : vector<256xf32>
    %reduce_sum3A_45 = vector.multi_reduction <add>, %add3A_44, %reduce_sum3A [0] : vector<10000x256xf32> to vector<256xf32>
    %broadcast_in_dim3A = vector.shape_cast %reduce_sum3A_45 : vector<256xf32> to vector<1x256xf32>
    %div3A_46 = arith.constant 1.000000e+04 : f32
    %div3A_47 = vector.broadcast %div3A_46 : f32 to vector<1x256xf32>
    %div3A_48 = arith.divf %broadcast_in_dim3A, %div3A_47 : vector<1x256xf32>
    %mul3A = arith.mulf %add3A_44, %add3A_44 : vector<10000x256xf32>
    %reduce_sum3A_49 = arith.constant dense<0.000000e+00> : vector<256xf32>
    %reduce_sum3A_50 = vector.multi_reduction <add>, %mul3A, %reduce_sum3A_49 [0] : vector<10000x256xf32> to vector<256xf32>
    %broadcast_in_dim3A_51 = vector.shape_cast %reduce_sum3A_50 : vector<256xf32> to vector<1x256xf32>
    %div3A_52 = arith.constant 1.000000e+04 : f32
    %div3A_53 = vector.broadcast %div3A_52 : f32 to vector<1x256xf32>
    %div3A_54 = arith.divf %broadcast_in_dim3A_51, %div3A_53 : vector<1x256xf32>
    %mul3A_55 = arith.mulf %div3A_48, %div3A_48 : vector<1x256xf32>
    %sub3A = arith.subf %div3A_54, %mul3A_55 : vector<1x256xf32>
    %get3A_56 = arith.constant 0 : index
    %get3A_57 = arith.constant 0 : index
    %get3A_58 = vector.load %arg5[%get3A_56, %get3A_57] : memref<1x256xf32, #tpu.memory_space<vmem>>, vector<1x256xf32>
    %add3A_59 = arith.constant 9.99999974E-6 : f32
    %add3A_60 = vector.broadcast %add3A_59 : f32 to vector<1x256xf32>
    %add3A_61 = arith.addf %sub3A, %add3A_60 : vector<1x256xf32>
    %rsqrt3A = math.rsqrt %add3A_61 : vector<1x256xf32>
    %mul3A_62 = arith.mulf %get3A_58, %rsqrt3A : vector<1x256xf32>
    %sub3A_63 = vector.broadcast %div3A_48 : vector<1x256xf32> to vector<10000x256xf32>
    %sub3A_64 = arith.subf %add3A_44, %sub3A_63 : vector<10000x256xf32>
    %mul3A_65 = vector.broadcast %mul3A_62 : vector<1x256xf32> to vector<10000x256xf32>
    %mul3A_66 = arith.mulf %sub3A_64, %mul3A_65 : vector<10000x256xf32>
    %get3A_67 = arith.constant 0 : index
    %get3A_68 = arith.constant 0 : index
    %get3A_69 = vector.load %arg6[%get3A_67, %get3A_68] : memref<1x256xf32, #tpu.memory_space<vmem>>, vector<1x256xf32>
    %add3A_70 = vector.broadcast %get3A_69 : vector<1x256xf32> to vector<10000x256xf32>
    %add3A_71 = arith.addf %mul3A_66, %add3A_70 : vector<10000x256xf32>
    %max3A = arith.constant 0.000000e+00 : f32
    %max3A_72 = vector.broadcast %max3A : f32 to vector<10000x256xf32>
    %max3A_73 = arith.maximumf %add3A_71, %max3A_72 : vector<10000x256xf32>
    %get3A_74 = arith.constant 0 : index
    %get3A_75 = arith.constant 0 : index
    %get3A_76 = vector.load %arg7[%get3A_74, %get3A_75] : memref<128x256xf32, #tpu.memory_space<vmem>>, vector<128x256xf32>
    %dot_general3A_77 = arith.constant dense<0.000000e+00> : vector<10000x128xf32>
    %dot_general3A_78 = tpu.matmul %max3A_73, %get3A_76, %dot_general3A_77 {dimension_numbers = #tpu.dot_dimension_numbers<[1], [1], [0], [0], [0, 0, 1, 0], [], []>, transpose_lhs_hint = false} : vector<10000x256xf32>, vector<128x256xf32>, vector<10000x128xf32> -> vector<10000x128xf32>
    %get3A_79 = arith.constant 0 : index
    %get3A_80 = arith.constant 0 : index
    %get3A_81 = vector.load %arg8[%get3A_79, %get3A_80] : memref<1x128xf32, #tpu.memory_space<vmem>>, vector<1x128xf32>
    %add3A_82 = vector.broadcast %get3A_81 : vector<1x128xf32> to vector<10000x128xf32>
    %add3A_83 = arith.addf %dot_general3A_78, %add3A_82 : vector<10000x128xf32>
    %max3A_84 = arith.constant 0.000000e+00 : f32
    %max3A_85 = vector.broadcast %max3A_84 : f32 to vector<10000x128xf32>
    %max3A_86 = arith.maximumf %add3A_83, %max3A_85 : vector<10000x128xf32>
    %get3A_87 = arith.constant 0 : index
    %get3A_88 = arith.constant 0 : index
    %get3A_89 = vector.load %arg9[%get3A_87, %get3A_88] : memref<128x128xf32, #tpu.memory_space<vmem>>, vector<128x128xf32>
    %dot_general3A_90 = arith.constant dense<0.000000e+00> : vector<10000x128xf32>
    %dot_general3A_91 = tpu.matmul %max3A_86, %get3A_89, %dot_general3A_90 {dimension_numbers = #tpu.dot_dimension_numbers<[1], [1], [0], [0], [0, 0, 1, 0], [], []>, transpose_lhs_hint = false} : vector<10000x128xf32>, vector<128x128xf32>, vector<10000x128xf32> -> vector<10000x128xf32>
    %get3A_92 = arith.constant 0 : index
    %get3A_93 = arith.constant 0 : index
    %get3A_94 = vector.load %arg10[%get3A_92, %get3A_93] : memref<1x128xf32, #tpu.memory_space<vmem>>, vector<1x128xf32>
    %add3A_95 = vector.broadcast %get3A_94 : vector<1x128xf32> to vector<10000x128xf32>
    %add3A_96 = arith.addf %dot_general3A_91, %add3A_95 : vector<10000x128xf32>
    %swap3A = arith.constant 0 : index
    %swap3A_97 = arith.constant 0 : index
    %swap3A_98 = vector.load %arg11[%swap3A, %swap3A_97] : memref<10000x128xf32, #tpu.memory_space<vmem>>, vector<10000x128xf32>
    tpu.vector_store %arg11[%swap3A, %swap3A_97], %add3A_96 {strides = array<i32>} : memref<10000x128xf32, #tpu.memory_space<vmem>>, vector<10000x128xf32>,
    return
  }
}

</mosaic_0001>

<sc_bundles>
// kernel: kernel.5.cloned.1.call-start
scs
__scs_entry_jumppad:
0x0: {  	(pc) =	sbr.rel $0x88, $3  }
0x1: {  	(tag) =	ssettag $0x0;
	lr =	simm.s32 $0x1  }
0x2: {  	[smem:$0x3F94] =	sst lr;
	_ =	strace $0xD0000000  }
0x3: {  	_ = 	snop  }
0x4: {  	_ = 	snop  }
0x5: {  	_ = 	snop  }
0x6: {  	_ = 	snop  }
0x7: {  	_ = 	snop  }
__scs_overlays_trampoline_lowered:
0x8: {  	[smem:$0x3FA3] =	sst s0  }
0x9: {  	[smem:$0x3FA4] =	sst s1  }
0xa: {  	[smem:$0x3FA5] =	sst s2  }
0xb: {  	[smem:$0x3FA6] =	sst s3  }
0xc: {  	[smem:$0x3FA7] =	sst s4  }
0xd: {  	[smem:$0x3FA8] =	sst s5  }
0xe: {  	[smem:$0x3FA9] =	sst s6  }
0xf: {  	[smem:$0x3FAA] =	sst s7  }
0x10: {  	[smem:$0x3FAB] =	sst s8  }
0x11: {  	[smem:$0x3FAC] =	sst s9;
	s0 =	simm.s32 @!p0 $0x0  }
0x12: {  	s1 =	sld [smem:$0x3F92];
	s0 =	simm.s32 @p0 $0x1  }
0x13: {  	[smem:$0x3FAD] =	sst s0;
	s0 =	simm.s32 @!p1 $0x0  }
0x14: {  	s2 =	sld [smem:$0x3F91];
	s0 =	simm.s32 @p1 $0x1  }
0x15: {  	[smem:$0x3FAE] =	sst s0;
	s0 =	simm.s32 @!p2 $0x0  }
0x16: {  	s3 =	sld [smem:$0x3FDB];
	s0 =	simm.s32 @p2 $0x1  }
0x17: {  	s4 =	simm.s32 $0x1BF5;
	[smem:$0x3FB0] =	sst s0  }
0x18: {  	s0 =	sld [smem:$0x3F93];
	_ =	swait.ge [sflag:s4], $0x0  }
0x19: {  	s7 =	sld [smem:$0x3F94]  }
0x1a: {  	s8 =	sadd.s32 $0xFFFFE003, lr  }
0x1b: {  	s9 =	sadd.s32 $0xFFFFFEF7, lr;
	s5 =	simm.s32 $0xFFFFFFFF;
	p2 =	slt.u32 s8, $0xFFFFF086  }
0x1c: {  	p1 =	slt.u32 s9, $0xF7A;
	s5 =	simm.s32 @!p2 $0x0  }
0x1d: {  	s5 =	simm.s32 @p1 $0x1;
	p0 =	seq.s32 s7, s2  }
0x1e: {  	s7 =	smul.u32 @!p0 $0xF7A, s2;
	p2 =	seq.s32 @!p0 s5, $0x0  }
0x1f: {  	s9 =	smul.u32 $0xF7A, s1;
	s8 =	simm.s32 @!p0 $0x1BF5;
	p2 =	por !p2, p0  }
0x20: {  	[sflag:s8] =	ssyncset.s32 @!p0 $0xFFFFF086;
	s6 =	sadd.s32 @!p0 s3, s7;
	s7 =	simm.s32 @!p0 $0x108  }
0x21: {  	s3 =	sadd.s32 s3, s9;
	s6 =	sadd.s32 @!p0 $0x88, s6;
	s7 =	simm.s32 @p2 $0x1082  }
0x22: {  	[simem:s7], [sflag:s8] =	dma.local @!p0 [hbm:s6], $0xF7A  }
0x23: {  	s9 =	sor.u32 $0xD0000000, s2;
	s6 =	simm.s32 $0x108;
	_ =	swait.ge @!p0 [sflag:s8], $0x0  }
0x24: {  	s3 =	sadd.s32 $0x88, s3;
	s6 =	simm.s32 @!p1 $0x1082;
	[sflag:s4] =	ssyncset.s32 $0xFFFFF086  }
0x25: {  	[simem:s6], [sflag:s4] =	dma.local [hbm:s3], $0xF7A  }
0x26: {  	[smem:$0x3F94] =	sst s1;
	(tag) =	ssettag s2;
	_ =	strace s9  }
0x27: {  	s1 =	sld [smem:$0x3FA4]  }
0x28: {  	s2 =	sld [smem:$0x3FA5]  }
0x29: {  	s4 =	sld [smem:$0x3FA7]  }
0x2a: {  	p0 =	seq.s32 s5, $0x0;
	s5 =	sld [smem:$0x3FA8]  }
0x2b: {  	s6 =	sld [smem:$0x3FA9]  }
0x2c: {  	s7 =	sld [smem:$0x3FAA]  }
0x2d: {  	s3 =	simm.s32 $0x108;
	s8 =	sld [smem:$0x3FAB]  }
0x2e: {  	s3 =	simm.s32 @!p0 $0x1082;
	s9 =	sld [smem:$0x3FAC]  }
0x2f: {  	lr =	sadd.s32 s0, s3;
	s0 =	sld [smem:$0x3FA3]  }
0x30: {  	s3 =	sld [smem:$0x3FA6]  }
0x31: {  	[smem:$0x3FAF] =	sst s10  }
0x32: {  	s10 =	sld [smem:$0x3FAD];
	_ =	sdelay $0x3  }
0x33: {  	p0 =	seq.s32 s10, $0x1;
	s10 =	sld [smem:$0x3FAF];
	_ =	sdelay $0x3  }
0x34: {  	[smem:$0x3FAF] =	sst s10  }
0x35: {  	s10 =	sld [smem:$0x3FAE];
	_ =	sdelay $0x3  }
0x36: {  	p1 =	seq.s32 s10, $0x1;
	s10 =	sld [smem:$0x3FAF];
	_ =	sdelay $0x3  }
0x37: {  	[smem:$0x3FAF] =	sst s10  }
0x38: {  	s10 =	sld [smem:$0x3FB0]  }
0x39: {  	_ = 	snop;
	(pc) =	sbr.ind lr, $3  }
0x3a: {  	_ = 	snop  }
0x3b: {  	_ = 	snop  }
0x3c: {  	p2 =	seq.s32 s10, $0x1;
	s10 =	sld [smem:$0x3FAF]  }
0x3d: {  	_ =	shalt  }
0x3e: {  	_ =	shalt  }
0x3f: {  	_ =	shalt  }
0x40: {  	_ =	shalt  }
0x41: {  	_ =	shalt  }
0x42: {  	_ =	shalt  }
0x43: {  	_ =	shalt  }
0x44: {  	_ =	shalt  }
0x45: {  	_ =	shalt  }
0x46: {  	_ =	shalt  }
0x47: {  	_ =	shalt  }
0x48: {  	_ =	shalt  }
0x49: {  	_ =	shalt  }
0x4a: {  	_ =	shalt  }
0x4b: {  	_ =	shalt  }
0x4c: {  	_ =	shalt  }
0x4d: {  	_ =	shalt  }
0x4e: {  	_ =	shalt  }
0x4f: {  	_ =	shalt  }
0x50: {  	_ =	shalt  }
0x51: {  	_ =	shalt  }
0x52: {  	_ =	shalt  }
0x53: {  	_ =	shalt  }
0x54: {  	_ =	shalt  }
0x55: {  	_ =	shalt  }
0x56: {  	_ =	shalt  }
0x57: {  	_ =	shalt  }
0x58: {  	_ =	shalt  }
0x59: {  	_ =	shalt  }
0x5a: {  	_ =	shalt  }
0x5b: {  	_ =	shalt  }
0x5c: {  	_ =	shalt  }
0x5d: {  	_ =	shalt  }
0x5e: {  	_ =	shalt  }
0x5f: {  	_ =	shalt  }
0x60: {  	_ =	shalt  }
0x61: {  	_ =	shalt  }
0x62: {  	_ =	shalt  }
0x63: {  	_ =	shalt  }
0x64: {  	_ =	shalt  }
0x65: {  	_ =	shalt  }
0x66: {  	_ =	shalt  }
0x67: {  	_ =	shalt  }
0x68: {  	_ =	shalt  }
0x69: {  	_ =	shalt  }
0x6a: {  	_ =	shalt  }
0x6b: {  	_ =	shalt  }
0x6c: {  	_ =	shalt  }
0x6d: {  	_ =	shalt  }
0x6e: {  	_ =	shalt  }
0x6f: {  	_ =	shalt  }
0x70: {  	_ =	shalt  }
0x71: {  	_ =	shalt  }
0x72: {  	_ =	shalt  }
0x73: {  	_ =	shalt  }
0x74: {  	_ =	shalt  }
0x75: {  	_ =	shalt  }
0x76: {  	_ =	shalt  }
0x77: {  	_ =	shalt  }
0x78: {  	_ =	shalt  }
0x79: {  	_ =	shalt  }
0x7a: {  	_ =	shalt  }
0x7b: {  	_ =	shalt  }
0x7c: {  	_ =	shalt  }
0x7d: {  	_ =	shalt  }
0x7e: {  	_ =	shalt  }
0x7f: {  	_ =	shalt  }
0x80: {  	_ =	shalt  }
0x81: {  	_ =	shalt  }
0x82: {  	_ =	shalt  }
0x83: {  	_ =	shalt  }
0x84: {  	_ =	shalt  }
0x85: {  	_ =	shalt  }
0x86: {  	_ =	shalt  }
0x87: {  	_ =	shalt  }
.Lfunc_end0:
.L_simem_size_0:
called_computation_lowered:
.L_overlay_start_0:
0x88: {  	s2 =	sld [smem:$0x3FD9]  }
0x89: {  	s3 =	sld [smem:$0x3FFE];
	_ =	sdelay $0x1  }
0x8a: {  	s1 =	srdreg.scid  }
0x8b: {  	s0 =	sand.u32 $0x1, s1  }
0x8c: {  	s17 =	sshll.u32 s0, $0xA;
	s2 =	sadd.s32 s3, s2  }
0x8d: {  	s2 =	sadd.s32 s2, s17  }
0x8e: {  	[smem:$0x3FBB] =	sst s2  }
0x8f: {  	_ = 	snop  }
0x90: {  	s2 =	sld [smem:$0x3FC9]  }
0x91: {  	s18 =	sld [smem:$0x3FD0];
	(tm) =	ssettm $0x1  }
0x92: {  	s4 =	sld [smem:$0x3FFB];
	_ =	sdelay $0x3  }
0x93: {  	_ =	strace s4  }
0x94: {  	s4 =	sld [smem:$0x3FFC];
	_ =	sdelay $0x3  }
0x95: {  	_ =	strace s4  }
0x96: {  	s4 =	sld [smem:$0x3FFD];
	_ =	sdelay $0x3  }
0x97: {  	_ =	strace s4  }
0x98: {  	_ =	strace $0x8FFFFFFF  }
0x99: {  	s19 =	sld [smem:$0x3FDB];
	_ =	sdelay $0x1  }
0x9a: {  	s5 =	simm.s32 $_scs_section_size  }
0x9b: {  	s6 =	simm.s32 $_size__tile_overlayer_lowered;
	s7 =	simm.s32 $_tile_overlayer_lowered  }
0x9c: {  	s22 =	simm.s32 $0x1BFF;
	s21 =	sshll.u32 s7, $0x1;
	s4 =	sadd.s32 s5, s19  }
0x9d: {  	s8 =	simm.s32 $0x0;
	s20 =	sshll.u32 s6, $0x1;
	s6 =	sadd.s32 s21, s4  }
0x9e: {  	[timem:s8], [sflag:s22] =	dma.local [hbm:s6], s20  }
0x9f: {  	_ =	swait.ge [sflag:s22], s20  }
0xa0: {  	s5 =	ssub.s32 $0x0, s20;
	[sflag:s22] =	ssyncset.done $0x0  }
0xa1: {  	[sflag:s22] =	ssyncadd.s32 s5;
	_ =	sdelay $0x1  }
0xa2: {  	s23 =	simm.s32 $0x1B8B  }
0xa3: {  	_ =	swait.ge [sflag:s23], $0x1  }
0xa4: {  	[sflag:s23] =	ssyncset.done $0x0  }
0xa5: {  	s25 =	simm.s32 $0x1B8E;
	s24 =	sld [smem:$0x3FFE];
	[sflag:s23] =	ssyncadd.s32 $0xFFFFFFFF  }
0xa6: {  	s26 =	simm.s32 $execute0_lowered;
	[smem:$0x3FD2] =	sst s25  }
0xa7: {  	s6 =	sshll.u32 s26, $0x1;
	_ =	strace $0x80000046;
	[dreg:$0x1] =	wrdreg $0xFFFFFFFF  }
0xa8: {  	s28 =	simm.s32 $_size_execute0_lowered;
	s4 =	sadd.s32 s4, s6;
	[dreg:$0x0] =	wrdreg $0x0  }
0xa9: {  	s6 =	sshll.u32 s28, $0x1;
	[dreg:$0x2] =	wrdreg s4  }
0xaa: {  	[dreg:$0x3] =	wrdreg s6  }
0xab: {  	[dreg:$0x4] =	wrdreg $0xC0  }
0xac: {  	_ =	task [dreg:s8], $0x5FFFF  }
0xad: {  	[dreg:$0x1] =	wrdreg $0xFFFFFFFF  }
0xae: {  	[dreg:$0x0] =	wrdreg $0x60  }
0xaf: {  	[dreg:$0x2] =	wrdreg s2  }
0xb0: {  	[dreg:$0x3] =	wrdreg s24  }
0xb1: {  	[dreg:$0x4] =	wrdreg s18  }
0xb2: {  	[dreg:$0x5] =	wrdreg $0xC2400  }
0xb3: {  	[dreg:$0x6] =	wrdreg $0x160400  }
0xb4: {  	[dreg:$0x7] =	wrdreg $0x9  }
0xb5: {  	_ =	task.clear_ibuf [dreg:s8], $0x8FFFF;
	_ =	strace $0x90000046  }
0xb6: {  	s29 =	simm.s32 $0x9;
	_ =	strace $0x80000048  }
0xb7: {  	_ =	swait.ge [sflag:s29], $0x1  }
0xb8: {  	[sflag:s29] =	ssyncadd.s32 $0xFFFFFFFF  }
0xb9: {  	_ =	strace $0x90000048  }
0xba: {  	_ =	sfence  }
0xbb: {  	s30 =	sld [smem:$0x0];
	_ =	sdelay $0x2  }
0xbc: {  	s31 =	sshll.u32 s1, $0xD;
	s1 =	sshrl.u32 s1, $0x2  }
0xbd: {  	s3 =	sand.u32 $0x4000, s31;
	s1 =	sadd.s32 s1, s30  }
0xbe: {  	s0 =	sor.u32 s3, s0;
	s1 =	sshll.u32 s1, $0x11  }
0xbf: {  	s0 =	sor.u32 s1, s0  }
0xc0: {  	s0 =	sadd.s32 $0x8F2B, s0  }
0xc1: {  	[sflag:s0] =	ssyncadd.remote.s32 $0x1  }
0xc2: {  	_ =	sfence.sel $0xFFFF  }
0xc3: {  	[dreg:$0x0] =	wrdreg $0xFFFFFFFF;
	(pc) =	sbr.abs _section_cstart, $3  }
0xc4: {  	[dreg:$0x1] =	wrdreg $0xFFFFFFFF  }
0xc5: {  	_ =	task.clear_ibuf [dreg:s8], $0x2FFFF;
	_ =	strace $0x9FFFFFFF  }
0xc6: {  	(tm) =	ssettm $0x7FFFFFFF  }
0xc7: {  	_ =	shalt  }
tec
execute0_lowered:
.L_overlay_start_1:
0x0: {  	(tag) =	ssettag $0x1  }
0x1: {  	s0 =	rddreg [dreg:$0x0]  }
0x2: {  	s1 =	rddreg [dreg:$0x1]  }
0x3: {  	s2 =	rddreg [dreg:$0x2]  }
0x4: {  	s4 =	rddreg [dreg:$0x3]  }
0x5: {  	s3 =	srdreg.scid;
	s13 =	stileid.u32  }
0x6: {  	s5 =	rddreg [dreg:$0x4];
	s6 =	simm.s32 $0x0;
	s30 =	simm.s32 $0x60  }
0x7: {  	s31 =	simm.s32 $0x180;
	s29 =	simm.s32 $0xC0;
	s21 =	smul.u32 $0x9E00, s13  }
0x8: {  	s28 =	simm.s32 $0x4;
	s10 =	sand.u32 $0x1, s3;
	s12 =	smul.u32 $0x4E20, s13  }
0x9: {  	[smem:$0x7FF] =	sst s6;
	s7 =	sadd.s32 $0x1E00, s1;
	s14 =	smul.u32 $0x271000, s13  }
0xa: {  	s24 =	sshll.u32 s13, $0x6;
	s8 =	smul.u32 $0x9E000, s10;
	_ =	strace $0x80000047  }
0xb: {  	s11 =	ssub.s32 $0x2, s10;
	s16 =	sor.u32 $0x1C07, s24;
	s13 =	sshll.u32 s10, $0x6  }
0xc: {  	s22 =	sshrl.u32 s11, $0x1;
	s23 =	sadd.s32 s21, s4;
	s25 =	sshrl.u32 s12, $0x3  }
0xd: {  	s3 =	sadd.s32 s21, s5;
	s14 =	sor.u32 s13, s14;
	s15 =	sadd.s32 $0x60, s12  }
0xe: {  	s18 =	sadd.s32 $0x4E00, s12;
	s19 =	sadd.s32 $0xC0, s12;
	[dreg:$0x7] =	wrdreg s16  }
0xf: {  	s9 =	sadd.s32 s21, s8;
	s8 =	sadd.s32 $0x4EDC00, s1;
	[dreg:$0x6] =	wrdreg s23  }
0x10: {  	[dreg:$0x8] =	wrdreg s3;
	s26 =	sadd.s32 s7, s25;
	s3 =	sshrl.u32 s14, $0x3  }
0x11: {  	s17 =	sshrl.u32 s15, $0x3;
	s21 =	sshll.u32 s18, $0x7;
	s14 =	simm.s32 $0x40  }
0x12: {  	s9 =	sshrl.u32 s9, $0x3;
	[dreg:$0x9] =	wrdreg s26;
	s3 =	sadd.s32 s8, s3  }
0x13: {  	s20 =	sadd.s32 s7, s17;
	s1 =	sadd.s32 s9, s1;
	[dreg:$0xb] =	wrdreg s3  }
0x14: {  	s9 =	ssub.s32 s11, s22;
	s11 =	sadd.s32 s2, s25;
	[dreg:$0xc] =	wrdreg s20  }
0x15: {  	s3 =	sor.u32 s13, s21;
	s20 =	sadd.s32 $0x120, s12;
	s22 =	sshrl.u32 s18, $0x3  }
0x16: {  	s12 =	simm.s32 $0xAA40;
	[dreg:$0xa] =	wrdreg s11;
	s11 =	sadd.s32 s2, s17  }
0x17: {  	s18 =	simm.s32 $0x80;
	s23 =	sadd.s32 s7, s22;
	[dreg:$0xd] =	wrdreg s11  }
0x18: {  	s21 =	simm.s32 $0x2;
	s24 =	sadd.s32 $0xBC00, s1;
	[dreg:$0xe] =	wrdreg s23  }
0x19: {  	s3 =	sshrl.u32 s3, $0x3;
	s25 =	sadd.s32 $0x5AC00, s1;
	[dreg:$0x11] =	wrdreg s24  }
0x1a: {  	s1 =	sadd.s32 $0x33400, s1;
	s26 =	smax.u32 s9, $0x1;
	[dreg:$0x12] =	wrdreg s25  }
0x1b: {  	s9 =	simm.s32 $0x1E0;
	s17 =	simm.s32 $0x0;
	[dreg:$0x13] =	wrdreg s1  }
0x1c: {  	s11 =	sadd.s32 s2, s22;
	s3 =	sadd.s32 s8, s3;
	[dreg:$0x14] =	wrdreg s26  }
0x1d: {  	s23 =	simm.s32 $0x7;
	s1 =	simm.s32 $0x9240;
	s25 =	simm.s32 $0x3  }
0x1e: {  	v1 =	vimm.s32 $0x2710;
	s26 =	simm.s32 $0x5;
	s24 =	simm.s32 $0x6;
	[dreg:$0xf] =	wrdreg s11  }
0x1f: {  	v2 =	vimm.s32 $0x0;
	v3 =	vimm.f32 $0.0e+00;
	v0 =	vmov s10;
	[dreg:$0x10] =	wrdreg s3;
	s3 =	simm.s32 $0x6240;
	s11 =	simm.s32 $0x7A40  }
.LBB2_1:
0x20: {  	[dreg:$0x15] =	wrdreg s17  }
0x21: {  	s10 =	rddreg [dreg:$0x6]  }
0x22: {  	s17 =	rddreg [dreg:$0x11];
	s10 =	sshrl.u32 s10, $0x3  }
0x23: {  	[dreg:$0x16] =	wrdreg s10  }
0x24: {  	[spmem:s10], [sflag:s16] =	dma.local [hbm:s17], $0x13C0  }
0x25: {  	_ =	swait.ge [sflag:s23], $0x13C0  }
0x26: {  	s22 =	rddreg [dreg:$0x8]  }
0x27: {  	[sflag:s23] =	ssyncset.done $0x0;
	s10 =	sshrl.u32 s22, $0x3  }
0x28: {  	[sflag:s23] =	ssyncadd.s32 $0xFFFFEC40;
	[dreg:$0x17] =	wrdreg s10  }
0x29: {  	[spmem:s10], [sflag:s16] =	dma.local [hbm:s17], $0x13C0  }
0x2a: {  	_ =	swait.ge [sflag:s23], $0x13C0  }
0x2b: {  	[sflag:s23] =	ssyncset.done $0x0  }
0x2c: {  	[sflag:s23] =	ssyncadd.s32 $0xFFFFEC40  }
0x2d: {  	[bflag:$0x0] =	sbarrier.arrive $0xFFFF  }
0x2e: {  	[tilespmem:$0x180] =	vst v1  }
0x2f: {  	[tilespmem:$0x190] =	vst v1  }
0x30: {  	[tilespmem:$0x1A0] =	vst v1  }
0x31: {  	[tilespmem:$0x1B0] =	vst v1  }
0x32: {  	[tilespmem:$0x1C0] =	vst v1  }
0x33: {  	[tilespmem:$0x1D0] =	vst v1  }
0x34: {  	[spmem:s5] =	stream.indirect.scatter.add.f32 [tilespmem:s3], [sflag:$0x5], $0x40, s31, s30, $0xb8;
	[tilespmem:$0x1FE40] =	vst v63  }
0x35: {  	_ = 	snop  }
0x36: {  	[spmem:s4] =	stream.indirect.scatter.add.f32 [tilespmem:s1], [sflag:$0x5], $0x40, s31, s30, $0xb8;
	[tilespmem:$0x1FE40] =	vst v63  }
0x37: {  	[tilespmem:$0x1E0] =	vst v1  }
0x38: {  	[tilespmem:$0x1F0] =	vst v1  }
0x39: {  	[tilespmem:$0x200] =	vst v1  }
0x3a: {  	[tilespmem:$0x210] =	vst v1  }
0x3b: {  	[tilespmem:$0x220] =	vst v1  }
0x3c: {  	[tilespmem:$0x230] =	vst v1  }
0x3d: {  	[spmem:s5] =	stream.indirect.scatter.add.f32 [tilespmem:s11], [sflag:$0x6], $0x40, s9, s30, $0xb8;
	[tilespmem:$0x1FE40] =	vst v63  }
0x3e: {  	_ = 	snop  }
0x3f: {  	[spmem:s4] =	stream.indirect.scatter.add.f32 [tilespmem:s12], [sflag:$0x6], $0x40, s9, s30, $0xb8;
	[tilespmem:$0x1FE40] =	vst v63  }
0x40: {  	s17 =	rddreg [dreg:$0x9]  }
0x41: {  	[tilespmem:s6], [sflag:$0x1] =	stream.linear.gather [hbm4b:s17+s6], $0x60, $0x38;
	[tilespmem:$0x1FE40] =	vst v63  }
0x42: {  	s23 =	simm.s32 $0x1;
	s22 =	rddreg [dreg:$0xa]  }
0x43: {  	[tilespmem:s29], [sflag:$0x1] =	stream.linear.gather [hbm4b:s22+s6], $0x60, $0x38;
	[tilespmem:$0x1FE40] =	vst v63  }
0x44: {  	_ =	swait.ge [sflag:s23], $0x60  }
0x45: {  	[sflag:s23] =	ssyncset.done $0x0  }
0x46: {  	[sflag:s23] =	ssyncadd.s32 $0xFFFFFFA0  }
0x47: {  	_ =	swait.ge [sflag:s23], $0x60  }
0x48: {  	[sflag:s23] =	ssyncset.done $0x0  }
0x49: {  	[sflag:s23] =	ssyncadd.s32 $0xFFFFFFA0  }
0x4a: {  	v4 =	vld [tilespmem:$0x0]  }
0x4b: {  	v5 =	vld [tilespmem:$0x10]  }
0x4c: {  	v6 =	vld [tilespmem:$0x20]  }
0x4d: {  	v7 =	vld [tilespmem:$0x30]  }
0x4e: {  	v8 =	vld [tilespmem:$0x40]  }
0x4f: {  	v9 =	vld [tilespmem:$0x50];
	v4 =	vshll.u32 v4, $0x1  }
0x50: {  	v5 =	vshll.u32 v5, $0x1;
	v4 =	vor.u32 v0, v4  }
0x51: {  	[tilespmem:$0x0] =	vst v4;
	v4 =	vor.u32 v0, v5;
	v5 =	vshll.u32 v6, $0x1  }
0x52: {  	[tilespmem:$0x10] =	vst v4;
	v4 =	vor.u32 v0, v5;
	v5 =	vshll.u32 v7, $0x1  }
0x53: {  	[tilespmem:$0x20] =	vst v4;
	v4 =	vor.u32 v0, v5;
	v5 =	vshll.u32 v8, $0x1  }
0x54: {  	[tilespmem:$0x30] =	vst v4;
	v4 =	vor.u32 v0, v5;
	v5 =	vshll.u32 v9, $0x1  }
0x55: {  	[tilespmem:$0x40] =	vst v4;
	v4 =	vor.u32 v0, v5  }
0x56: {  	s29 =	simm.s32 $0x240;
	[tilespmem:$0x50] =	vst v4  }
0x57: {  	[tilespmem:s29], [sflag:$0x3] =	stream.indirect.gather [hbm4b:s0+s30], $0x40, s6, s30, $0xb8;
	[tilespmem:$0x1FE40] =	vst v63  }
0x58: {  	s17 =	simm.s32 $0x3240;
	s16 =	rddreg [dreg:$0xb]  }
0x59: {  	[tilespmem:s17], [sflag:$0x3] =	stream.strided.gather [hbm4b:s16+s14], $0x1800, s18, s14, $0x38;
	[tilespmem:$0x1FE40] =	vst v63  }
0x5a: {  	s22 =	rddreg [dreg:$0xc]  }
0x5b: {  	[tilespmem:s30], [sflag:$0x2] =	stream.linear.gather [hbm4b:s22+s6], $0x60, $0x38;
	[tilespmem:$0x1FE40] =	vst v63  }
0x5c: {  	s10 =	simm.s32 $0x0;
	s23 =	rddreg [dreg:$0xd];
	s29 =	simm.s32 $0x120  }
0x5d: {  	[tilespmem:s29], [sflag:$0x2] =	stream.linear.gather [hbm4b:s23+s6], $0x60, $0x38;
	[tilespmem:$0x1FE40] =	vst v63  }
.LBB2_2:
0x5e: {  	_ =	swait.ge [sflag:s21], $0x60  }
0x5f: {  	[sflag:s21] =	ssyncset.done $0x0  }
0x60: {  	[sflag:s21] =	ssyncadd.s32 $0xFFFFFFA0  }
0x61: {  	_ =	swait.ge [sflag:s21], $0x60  }
0x62: {  	[sflag:s21] =	ssyncset.done $0x0  }
0x63: {  	[sflag:s21] =	ssyncadd.s32 $0xFFFFFFA0  }
0x64: {  	v4 =	vld [tilespmem:$0x60]  }
0x65: {  	v5 =	vld [tilespmem:$0x70]  }
0x66: {  	v6 =	vld [tilespmem:$0x80]  }
0x67: {  	v7 =	vld [tilespmem:$0x90]  }
0x68: {  	v8 =	vld [tilespmem:$0xA0]  }
0x69: {  	v9 =	vld [tilespmem:$0xB0];
	v4 =	vshll.u32 v4, $0x1  }
0x6a: {  	v5 =	vshll.u32 v5, $0x1;
	v4 =	vor.u32 v0, v4  }
0x6b: {  	[tilespmem:$0x60] =	vst v4;
	v4 =	vor.u32 v0, v5;
	v5 =	vshll.u32 v6, $0x1  }
0x6c: {  	[tilespmem:$0x70] =	vst v4;
	v4 =	vor.u32 v0, v5;
	v5 =	vshll.u32 v7, $0x1  }
0x6d: {  	[tilespmem:$0x80] =	vst v4;
	v4 =	vor.u32 v0, v5;
	v5 =	vshll.u32 v8, $0x1  }
0x6e: {  	s16 =	smul.u32 $0xC0, s10;
	[tilespmem:$0x90] =	vst v4;
	v4 =	vor.u32 v0, v5;
	v5 =	vshll.u32 v9, $0x1  }
0x6f: {  	[tilespmem:$0xA0] =	vst v4;
	v4 =	vor.u32 v0, v5  }
0x70: {  	s17 =	simm.s32 $0x1A40;
	s23 =	sadd.s32 s16, s15;
	[tilespmem:$0xB0] =	vst v4  }
0x71: {  	[tilespmem:s17], [sflag:$0x4] =	stream.indirect.gather [hbm4b:s0+s30], $0x40, s30, s30, $0xb8;
	[tilespmem:$0x1FE40] =	vst v63  }
0x72: {  	s17 =	sshll.u32 s23, $0x7  }
0x73: {  	s17 =	sor.u32 s13, s17  }
0x74: {  	s17 =	sshrl.u32 s17, $0x3  }
0x75: {  	s22 =	simm.s32 $0x4A40;
	s17 =	sadd.s32 s8, s17  }
0x76: {  	[tilespmem:s22], [sflag:$0x4] =	stream.strided.gather [hbm4b:s17+s14], $0x1800, s18, s14, $0x38;
	[tilespmem:$0x1FE40] =	vst v63  }
0x77: {  	_ =	swait.ge [sflag:s25], $0x1800  }
0x78: {  	[sflag:s25] =	ssyncset.done $0x0  }
0x79: {  	[sflag:s25] =	ssyncadd.s32 $0xFFFFE800  }
0x7a: {  	_ =	swait.ge [sflag:s25], $0x1800  }
0x7b: {  	[sflag:s25] =	ssyncset.done $0x0  }
0x7c: {  	[sflag:s25] =	ssyncadd.s32 $0xFFFFE800  }
0x7d: {  	_ =	swait.ge [sflag:s26], $0x1800  }
0x7e: {  	[sflag:s26] =	ssyncset.done $0x0  }
0x7f: {  	[sflag:s26] =	ssyncadd.s32 $0xFFFFE800  }
0x80: {  	_ =	swait.ge [sflag:s26], $0x1800  }
0x81: {  	[sflag:s26] =	ssyncset.done $0x0  }
0x82: {  	[sflag:s26] =	ssyncadd.s32 $0xFFFFE800  }
0x83: {  	v4 =	vld [tilespmem:$0xC0]  }
0x84: {  	v5 =	vld [tilespmem:$0xD0]  }
0x85: {  	v6 =	vld [tilespmem:$0xE0]  }
0x86: {  	v7 =	vld [tilespmem:$0xF0]  }
0x87: {  	v8 =	vld [tilespmem:$0x100]  }
0x88: {  	[tilespmem:$0x180] =	vst v4;
	v4 =	vld [tilespmem:$0x110]  }
0x89: {  	[tilespmem:$0x190] =	vst v5  }
0x8a: {  	[tilespmem:$0x1A0] =	vst v6  }
0x8b: {  	[tilespmem:$0x1B0] =	vst v7  }
0x8c: {  	[tilespmem:$0x1C0] =	vst v8  }
0x8d: {  	s17 =	simm.s32 $0x70;
	[tilespmem:$0x1D0] =	vst v4  }
0x8e: {  	v4 =	vld [tilespmem:s17+$0x240]  }
0x8f: {  	v5 =	vld [tilespmem:s17+$0x3240];
	_ =	sdelay $0x2  }
0x90: {  	v6 =	vld [tilespmem:s17+$0x1D0]  }
0x91: {  	v7 =	vld [tilespmem:s17+$0x31D0]  }
0x92: {  	v8 =	vld [tilespmem:s17+$0x1E0];
	v4 =	vadd.f32 v5, v4  }
0x93: {  	v9 =	vld [tilespmem:s17+$0x31E0]  }
0x94: {  	v10 =	vld [tilespmem:s17+$0x1F0];
	v4 =	vmax.f32 v4, $0.0e+00  }
0x95: {  	v11 =	vld [tilespmem:s17+$0x200];
	v13 =	vmul.f32 $1.442695020e+00, v4  }
0x96: {  	v5 =	vld [tilespmem:s17+$0x31F0]  }
0x97: {  	v12 =	vld [tilespmem:s17+$0x3200];
	v6 =	vadd.f32 v7, v6;
	(erf) = vpow2.f32 v13  }
0x98: {  	v14 =	vld [tilespmem:s17+$0x210];
	v8 =	vadd.f32 v9, v8  }
0x99: {  	v16 =	vld [tilespmem:s17+$0x230];
	v6 =	vmax.f32 v6, $0.0e+00  }
0x9a: {  	s29 =	simm.s32 $0xF0;
	v18 =	vld [tilespmem:s17+$0x3230];
	v17 =	vmax.f32 v8, $0.0e+00;
	v15 =	vmul.f32 $1.442695020e+00, v6  }
0x9b: {  	v19 =	vld [tilespmem:s29+$0x1D0];
	v8 =	vmul.f32 $1.442695020e+00, v17;
	v5 =	vadd.f32 v5, v10  }
0x9c: {  	v20 =	vld [tilespmem:s29+$0x31D0];
	(erf) = vpow2.f32 v15  }
0x9d: {  	v21 =	vld [tilespmem:s29+$0x1E0];
	(erf) = vpow2.f32 v8;
	v5 =	vmax.f32 v5, $0.0e+00  }
0x9e: {  	v7 =	vld [tilespmem:s17+$0x3210];
	v8 =	vmul.f32 $1.442695020e+00, v5  }
0x9f: {  	v9 =	vld [tilespmem:s17+$0x3220]  }
0xa0: {  	v11 =	vadd.f32 v12, v11;
	v13 =	vld [tilespmem:s17+$0x220];
	(erf) = vpow2.f32 v8;
	v22 =	vpop (erf)  }
0xa1: {  	v23 =	vld [tilespmem:s29+$0x1F0];
	v4 =	vmul.f32 v22, v4  }
0xa2: {  	v25 =	vld [tilespmem:s29+$0x31F0];
	v24 =	vmax.f32 v11, $0.0e+00  }
0xa3: {  	v12 =	vld [tilespmem:s29+$0x31E0];
	v8 =	vmul.f32 $1.442695020e+00, v24  }
0xa4: {  	v10 =	vld [tilespmem:s29+$0x3240];
	v7 =	vadd.f32 v7, v14  }
0xa5: {  	v15 =	vld [tilespmem:s29+$0x240];
	(erf) = vpow2.f32 v8;
	v8 =	vadd.f32 v9, v13;
	[tilespmem:s17+$0x9240] =	vst v4;
	v4 =	vpop (erf)  }
0xa6: {  	v28 =	vmax.f32 v7, $0.0e+00;
	v26 =	vld [tilespmem:s29+$0x200];
	[tilespmem:s17+$0x61D0] =	vst v4;
	v11 =	vpop (erf);
	v4 =	vmul.f32 v4, v6  }
0xa7: {  	v8 =	vmax.f32 v8, $0.0e+00;
	v6 =	vmul.f32 $1.442695020e+00, v28;
	v27 =	vld [tilespmem:s29+$0x3200];
	[tilespmem:s17+$0x61E0] =	vst v11  }
0xa8: {  	v7 =	vadd.f32 v18, v16;
	v29 =	vld [tilespmem:s29+$0x210];
	[tilespmem:s17+$0x91D0] =	vst v4;
	v4 =	vmul.f32 $1.442695020e+00, v8  }
0xa9: {  	v14 =	vpop (erf);
	(erf) = vpow2.f32 v6;
	v6 =	vmul.f32 v11, v17  }
0xaa: {  	v10 =	vadd.f32 v10, v15;
	v9 =	vmax.f32 v7, $0.0e+00;
	v30 =	vld [tilespmem:s29+$0x3210];
	[tilespmem:s17+$0x61F0] =	vst v14  }
0xab: {  	(erf) = vpow2.f32 v4;
	v11 =	vld [tilespmem:s29+$0x220];
	[tilespmem:s17+$0x91E0] =	vst v6;
	v6 =	vmul.f32 $1.442695020e+00, v9  }
0xac: {  	v10 =	vmax.f32 v10, $0.0e+00;
	v4 =	vadd.f32 v20, v19  }
0xad: {  	v17 =	vmul.f32 $1.442695020e+00, v10;
	(erf) = vpow2.f32 v6  }
0xae: {  	v15 =	vadd.f32 v12, v21;
	v7 =	vmax.f32 v4, $0.0e+00;
	v4 =	vmul.f32 v14, v5  }
0xaf: {  	v16 =	vpop (erf);
	v5 =	vmul.f32 $1.442695020e+00, v7;
	(erf) = vpow2.f32 v17  }
0xb0: {  	v18 =	vmul.f32 v16, v24;
	v6 =	vmax.f32 v15, $0.0e+00;
	v17 =	vadd.f32 v25, v23  }
0xb1: {  	v13 =	vld [tilespmem:s29+$0x3220];
	[tilespmem:s17+$0x6200] =	vst v16;
	v15 =	vmul.f32 $1.442695020e+00, v6;
	(erf) = vpow2.f32 v5  }
0xb2: {  	v12 =	vld [tilespmem:s29+$0x230];
	[tilespmem:s17+$0x91F0] =	vst v4;
	v4 =	vmax.f32 v17, $0.0e+00;
	v5 =	vadd.f32 v27, v26  }
0xb3: {  	s22 =	simm.s32 $0x170;
	v14 =	vld [tilespmem:s29+$0x3230];
	[tilespmem:s17+$0x6240] =	vst v22;
	v17 =	vmul.f32 $1.442695020e+00, v4;
	(erf) = vpow2.f32 v15;
	v19 =	vpop (erf)  }
0xb4: {  	s23 =	simm.s32 $0x7C0;
	v16 =	vadd.f32 v30, v29;
	v15 =	vld [tilespmem:s22+$0x240];
	[tilespmem:s17+$0x9200] =	vst v18;
	v5 =	vmax.f32 v5, $0.0e+00;
	v20 =	vmul.f32 v19, v28;
	v18 =	vpop (erf)  }
.LBB2_3:
0xb5: {  	p0 =	sne.s32 s23, $0x5FC0;
	v21 =	vld [tilespmem:s22+$0x3240];
	v24 =	vmul.f32 $1.442695020e+00, v5;
	(erf) = vpow2.f32 v17;
	[tilespmem:s17+$0x6210] =	vst v19  }
0xb6: {  	v17 =	vld [tilespmem:s22+$0x1D0];
	v23 =	vmax.f32 v16, $0.0e+00;
	v11 =	vadd.f32 v13, v11;
	[tilespmem:s17+$0x9210] =	vst v20;
	v13 =	vmul.f32 v18, v8;
	v16 =	vpop (erf)  }
0xb7: {  	v19 =	vld [tilespmem:s22+$0x31D0];
	v20 =	vmul.f32 $1.442695020e+00, v23;
	(erf) = vpow2.f32 v24;
	[tilespmem:s17+$0x6220] =	vst v18  }
0xb8: {  	v18 =	vld [tilespmem:s22+$0x1E0];
	v8 =	vmax.f32 v11, $0.0e+00;
	v24 =	vadd.f32 v14, v12;
	v22 =	vpop (erf);
	[tilespmem:s17+$0x9220] =	vst v13;
	v12 =	vmul.f32 v16, v9  }
0xb9: {  	v13 =	vld [tilespmem:s22+$0x31E0];
	v14 =	vmul.f32 $1.442695020e+00, v8;
	v10 =	vmul.f32 v22, v10;
	[tilespmem:s17+$0x6230] =	vst v16  }
0xba: {  	v16 =	vld [tilespmem:s22+$0x1F0];
	v21 =	vadd.f32 v21, v15;
	v9 =	vmax.f32 v24, $0.0e+00;
	v11 =	vpop (erf);
	(erf) = vpow2.f32 v20;
	[tilespmem:s17+$0x9230] =	vst v12;
	s17 =	smov.u32 s29;
	s29 =	smov.u32 s22  }
0xbb: {  	v12 =	vld [tilespmem:s29+$0x31F0];
	v20 =	vmul.f32 $1.442695020e+00, v9;
	[tilespmem:s17+$0x9240] =	vst v10;
	(erf) = vpow2.f32 v14  }
0xbc: {  	v14 =	vadd.f32 v19, v17;
	v17 =	vld [tilespmem:s29+$0x200];
	v10 =	vmax.f32 v21, $0.0e+00;
	[tilespmem:s17+$0x61D0] =	vst v11;
	v11 =	vmul.f32 v11, v7;
	v15 =	vpop (erf)  }
0xbd: {  	v19 =	vld [tilespmem:s29+$0x3200];
	v21 =	vmul.f32 $1.442695020e+00, v10;
	[tilespmem:s17+$0x61E0] =	vst v15;
	(erf) = vpow2.f32 v20  }
0xbe: {  	v7 =	vmax.f32 v14, $0.0e+00;
	v13 =	vadd.f32 v13, v18;
	v18 =	vld [tilespmem:s29+$0x210];
	[tilespmem:s17+$0x91D0] =	vst v11;
	v14 =	vmul.f32 v15, v6;
	v15 =	vpop (erf)  }
0xbf: {  	v20 =	vmul.f32 $1.442695020e+00, v7;
	v24 =	vld [tilespmem:s29+$0x3210];
	(erf) = vpow2.f32 v21;
	[tilespmem:s17+$0x61F0] =	vst v15  }
.Ltmp0:
0xc0: {  	v6 =	vmax.f32 v13, $0.0e+00;
	v12 =	vadd.f32 v12, v16;
	v11 =	vld [tilespmem:s29+$0x220];
	[tilespmem:s17+$0x91E0] =	vst v14;
	v14 =	vmul.f32 v15, v4;
	v15 =	vpop (erf);
	(pc) =	sbr.rel @p0 .LBB2_3-.Ltmp0, $4  }
0xc1: {  	v16 =	vmul.f32 $1.442695020e+00, v6;
	v13 =	vld [tilespmem:s29+$0x3220];
	(erf) = vpow2.f32 v20;
	[tilespmem:s17+$0x6200] =	vst v15  }
0xc2: {  	v21 =	vmul.f32 v15, v5;
	v4 =	vmax.f32 v12, $0.0e+00;
	v20 =	vadd.f32 v19, v17;
	v12 =	vld [tilespmem:s29+$0x230];
	[tilespmem:s17+$0x91F0] =	vst v14  }
0xc3: {  	s22 =	sshra.s32 s23, $0x2;
	v17 =	vmul.f32 $1.442695020e+00, v4;
	v14 =	vld [tilespmem:s29+$0x3230];
	(erf) = vpow2.f32 v16;
	[tilespmem:s17+$0x6240] =	vst v22;
	v19 =	vpop (erf)  }
0xc4: {  	s23 =	sadd.s32 $0x200, s23;
	v15 =	vld [tilespmem:s22+$0x240];
	v5 =	vmax.f32 v20, $0.0e+00;
	v16 =	vadd.f32 v24, v18;
	[tilespmem:s17+$0x9200] =	vst v21;
	v20 =	vmul.f32 v19, v23;
	v18 =	vpop (erf)  }
0xc5: {  	v8 =	vmul.f32 v18, v8  }
0xc6: {  	v21 =	vld [tilespmem:s22+$0x3240];
	[tilespmem:s17+$0x6210] =	vst v19  }
0xc7: {  	v19 =	vld [tilespmem:s22+$0x1D0];
	[tilespmem:s17+$0x9210] =	vst v20  }
0xc8: {  	v20 =	vld [tilespmem:s22+$0x31D0];
	[tilespmem:s17+$0x6220] =	vst v18  }
0xc9: {  	v18 =	vld [tilespmem:s22+$0x1E0];
	[tilespmem:s17+$0x9220] =	vst v8;
	v8 =	vpop (erf)  }
0xca: {  	v22 =	vld [tilespmem:s22+$0x31E0];
	v9 =	vmul.f32 v8, v9;
	[tilespmem:s17+$0x6230] =	vst v8;
	v8 =	vpop (erf)  }
0xcb: {  	v10 =	vmul.f32 v8, v10  }
0xcc: {  	(erf) = vpow2.f32 v17;
	v17 =	vmul.f32 $1.442695020e+00, v5;
	_ =	sdelay $0x1  }
0xcd: {  	v23 =	vld [tilespmem:s22+$0x1F0];
	[tilespmem:s17+$0x9230] =	vst v9  }
0xce: {  	v16 =	vmax.f32 v16, $0.0e+00;
	v11 =	vadd.f32 v13, v11;
	(erf) = vpow2.f32 v17;
	v9 =	vld [tilespmem:s22+$0x31F0];
	[tilespmem:s29+$0x9240] =	vst v10;
	v10 =	vpop (erf)  }
0xcf: {  	v24 =	vld [tilespmem:s22+$0x200];
	[tilespmem:s29+$0x61D0] =	vst v10;
	v17 =	vpop (erf);
	v7 =	vmul.f32 v10, v7;
	v10 =	vmul.f32 $1.442695020e+00, v16  }
0xd0: {  	v11 =	vmax.f32 v11, $0.0e+00;
	v12 =	vadd.f32 v14, v12;
	v25 =	vld [tilespmem:s22+$0x3200];
	[tilespmem:s29+$0x61E0] =	vst v17  }
0xd1: {  	v13 =	vld [tilespmem:s22+$0x210];
	[tilespmem:s29+$0x91D0] =	vst v7;
	v7 =	vmul.f32 $1.442695020e+00, v11;
	(erf) = vpow2.f32 v10  }
0xd2: {  	v14 =	vadd.f32 v21, v15;
	v12 =	vmax.f32 v12, $0.0e+00;
	v6 =	vmul.f32 v17, v6  }
0xd3: {  	v17 =	vmul.f32 $1.442695020e+00, v12;
	(erf) = vpow2.f32 v7  }
0xd4: {  	v19 =	vadd.f32 v20, v19;
	v7 =	vmax.f32 v14, $0.0e+00  }
0xd5: {  	v15 =	vld [tilespmem:s22+$0x3210];
	v10 =	vpop (erf);
	v20 =	vmul.f32 $1.442695020e+00, v7;
	(erf) = vpow2.f32 v17  }
0xd6: {  	v19 =	vmax.f32 v19, $0.0e+00;
	[tilespmem:s29+$0x61F0] =	vst v10  }
0xd7: {  	v4 =	vmul.f32 v10, v4;
	v14 =	vld [tilespmem:s22+$0x220];
	[tilespmem:s29+$0x91E0] =	vst v6;
	v6 =	vadd.f32 v22, v18;
	v18 =	vpop (erf);
	(erf) = vpow2.f32 v20  }
0xd8: {  	v17 =	vmul.f32 $1.442695020e+00, v19;
	v21 =	vld [tilespmem:s22+$0x3220];
	[tilespmem:s29+$0x6200] =	vst v18  }
0xd9: {  	v9 =	vadd.f32 v9, v23;
	v5 =	vmul.f32 v18, v5;
	v6 =	vmax.f32 v6, $0.0e+00;
	v10 =	vld [tilespmem:s22+$0x230];
	[tilespmem:s29+$0x91F0] =	vst v4  }
0xda: {  	(erf) = vpow2.f32 v17;
	v13 =	vadd.f32 v15, v13;
	v20 =	vmul.f32 $1.442695020e+00, v6;
	v17 =	vld [tilespmem:s22+$0x3230];
	[tilespmem:s29+$0x6240] =	vst v8;
	v8 =	vpop (erf)  }
0xdb: {  	v4 =	vmax.f32 v9, $0.0e+00;
	v9 =	vadd.f32 v25, v24;
	[tilespmem:s29+$0x9200] =	vst v5;
	v5 =	vmul.f32 v8, v16  }
0xdc: {  	(erf) = vpow2.f32 v20;
	v15 =	vpop (erf)  }
0xdd: {  	v18 =	vmul.f32 $1.442695020e+00, v4;
	v9 =	vmax.f32 v9, $0.0e+00;
	[tilespmem:s29+$0x9210] =	vst v5;
	v5 =	vmul.f32 v15, v11  }
0xde: {  	v16 =	vmul.f32 $1.442695020e+00, v9;
	[tilespmem:s29+$0x6210] =	vst v8;
	v8 =	vmax.f32 v13, $0.0e+00;
	v13 =	vpop (erf)  }
0xdf: {  	(erf) = vpow2.f32 v18;
	[tilespmem:s29+$0x9220] =	vst v5;
	v5 =	vmul.f32 v13, v12  }
0xe0: {  	v11 =	vadd.f32 v21, v14;
	(erf) = vpow2.f32 v16;
	[tilespmem:s29+$0x6220] =	vst v15;
	v15 =	vpop (erf)  }
0xe1: {  	v14 =	vmul.f32 $1.442695020e+00, v8;
	v7 =	vmul.f32 v15, v7  }
0xe2: {  	v10 =	vadd.f32 v17, v10;
	[tilespmem:s29+$0x6230] =	vst v13;
	v11 =	vmax.f32 v11, $0.0e+00  }
0xe3: {  	(erf) = vpow2.f32 v14;
	v12 =	vmul.f32 $1.442695020e+00, v11;
	[tilespmem:s29+$0x9230] =	vst v5;
	v5 =	vpop (erf)  }
0xe4: {  	v10 =	vmax.f32 v10, $0.0e+00;
	[tilespmem:s22+$0x61D0] =	vst v5;
	v5 =	vmul.f32 v5, v19  }
0xe5: {  	v13 =	vmul.f32 $1.442695020e+00, v10;
	[tilespmem:s22+$0x9240] =	vst v7;
	(erf) = vpow2.f32 v12;
	v7 =	vpop (erf)  }
0xe6: {  	[tilespmem:s22+$0x91D0] =	vst v5;
	v5 =	vmul.f32 v7, v6  }
0xe7: {  	[tilespmem:s22+$0x6240] =	vst v15;
	(erf) = vpow2.f32 v13  }
0xe8: {  	[tilespmem:s22+$0x61E0] =	vst v7;
	v6 =	vpop (erf)  }
0xe9: {  	[tilespmem:s22+$0x61F0] =	vst v6;
	v4 =	vmul.f32 v6, v4  }
0xea: {  	[tilespmem:s22+$0x91E0] =	vst v5;
	v5 =	vpop (erf)  }
0xeb: {  	[tilespmem:s22+$0x91F0] =	vst v4;
	v4 =	vmul.f32 v5, v9  }
0xec: {  	[tilespmem:s22+$0x6200] =	vst v5;
	v5 =	vpop (erf)  }
0xed: {  	[tilespmem:s22+$0x9200] =	vst v4;
	v4 =	vmul.f32 v5, v8  }
0xee: {  	v6 =	vpop (erf);
	[tilespmem:s22+$0x6210] =	vst v5  }
0xef: {  	[tilespmem:s22+$0x9210] =	vst v4;
	v4 =	vmul.f32 v6, v11  }
0xf0: {  	v5 =	vpop (erf);
	[tilespmem:s22+$0x6220] =	vst v6  }
0xf1: {  	[tilespmem:s22+$0x9220] =	vst v4;
	v4 =	vmul.f32 v5, v10  }
0xf2: {  	p0 =	seq.s32 s10, $0x67;
	[tilespmem:s22+$0x6230] =	vst v5  }
0xf3: {  	s17 =	sadd.s32 @!p0 s16, s19;
	[tilespmem:s22+$0x9230] =	vst v4  }
0xf4: {  	[spmem:s5] =	stream.indirect.scatter.add.f32 [tilespmem:s3], [sflag:$0x5], $0x40, s31, s30, $0xb8;
	[tilespmem:$0x1FE40] =	vst v63  }
0xf5: {  	s22 =	sshrl.u32 @!p0 s17, $0x3  }
0xf6: {  	[spmem:s4] =	stream.indirect.scatter.add.f32 [tilespmem:s1], [sflag:$0x5], $0x40, s31, s30, $0xb8;
	[tilespmem:$0x1FE40] =	vst v63  }
0xf7: {  	s29 =	simm.s32 @!p0 $0x0;
	s23 =	sadd.s32 @!p0 s7, s22  }
0xf8: {  	[tilespmem:s29], [sflag:$0x1] =	stream.linear.gather @!p0 [hbm4b:s23+s29], $0x60, $0x38;
	[tilespmem:$0x1FE40] =	vst v63  }
0xf9: {  	s22 =	sadd.s32 @!p0 s2, s22;
	s23 =	simm.s32 @!p0 $0xC0  }
0xfa: {  	[tilespmem:s23], [sflag:$0x1] =	stream.linear.gather @!p0 [hbm4b:s22+s29], $0x60, $0x38;
	[tilespmem:$0x1FE40] =	vst v63  }
0xfb: {  	s22 =	simm.s32 @!p0 $0x1  }
0xfc: {  	_ =	swait.ge @!p0 [sflag:s22], $0x60  }
0xfd: {  	[sflag:s22] =	ssyncset.done @!p0 $0x0  }
0xfe: {  	[sflag:s22] =	ssyncadd.s32 @!p0 $0xFFFFFFA0  }
0xff: {  	_ =	swait.ge @!p0 [sflag:s22], $0x60  }
0x100: {  	[sflag:s22] =	ssyncset.done @!p0 $0x0  }
0x101: {  	[sflag:s22] =	ssyncadd.s32 @!p0 $0xFFFFFFA0  }
0x102: {  	v4 =	vld @!p0 [tilespmem:$0x0]  }
0x103: {  	v5 =	vld @!p0 [tilespmem:$0x10]  }
0x104: {  	v6 =	vld @!p0 [tilespmem:$0x20]  }
0x105: {  	v7 =	vld @!p0 [tilespmem:$0x30]  }
0x106: {  	v8 =	vld @!p0 [tilespmem:$0x40]  }
0x107: {  	v9 =	vld @!p0 [tilespmem:$0x50];
	v4 =	vshll.u32 @!p0 v4, $0x1  }
0x108: {  	v5 =	vshll.u32 @!p0 v5, $0x1;
	v4 =	vor.u32 @!p0 v0, v4  }
0x109: {  	[tilespmem:$0x0] =	vst @!p0 v4;
	v4 =	vor.u32 @!p0 v0, v5;
	v5 =	vshll.u32 @!p0 v6, $0x1  }
0x10a: {  	[tilespmem:$0x10] =	vst @!p0 v4;
	v4 =	vor.u32 @!p0 v0, v5;
	v5 =	vshll.u32 @!p0 v7, $0x1  }
0x10b: {  	s17 =	sshll.u32 @!p0 s17, $0x7;
	[tilespmem:$0x20] =	vst @!p0 v4;
	v4 =	vor.u32 @!p0 v0, v5;
	v5 =	vshll.u32 @!p0 v8, $0x1  }
0x10c: {  	s17 =	sor.u32 @!p0 s13, s17;
	[tilespmem:$0x30] =	vst @!p0 v4;
	v4 =	vor.u32 @!p0 v0, v5;
	v5 =	vshll.u32 @!p0 v9, $0x1  }
0x10d: {  	s17 =	sshrl.u32 @!p0 s17, $0x3;
	[tilespmem:$0x40] =	vst @!p0 v4;
	v4 =	vor.u32 @!p0 v0, v5  }
0x10e: {  	s17 =	sadd.s32 @!p0 s8, s17;
	s23 =	simm.s32 @!p0 $0x240;
	s22 =	simm.s32 @!p0 $0x60;
	[tilespmem:$0x50] =	vst @!p0 v4  }
0x10f: {  	[tilespmem:s23], [sflag:$0x3] =	stream.indirect.gather @!p0 [hbm4b:s0+s22], $0x40, s29, s22, $0xb8;
	[tilespmem:$0x1FE40] =	vst v63  }
0x110: {  	s22 =	simm.s32 @!p0 $0x40;
	s23 =	simm.s32 @!p0 $0x80;
	s29 =	simm.s32 @!p0 $0x3240  }
0x111: {  	[tilespmem:s29], [sflag:$0x3] =	stream.strided.gather @!p0 [hbm4b:s17+s22], $0x1800, s23, s22, $0x38;
	[tilespmem:$0x1FE40] =	vst v63  }
0x112: {  	_ =	swait.ge [sflag:s28], $0x1800  }
0x113: {  	[sflag:s28] =	ssyncset.done $0x0  }
0x114: {  	[sflag:s28] =	ssyncadd.s32 $0xFFFFE800  }
0x115: {  	_ =	swait.ge [sflag:s28], $0x1800  }
0x116: {  	[sflag:s28] =	ssyncset.done $0x0  }
0x117: {  	[sflag:s28] =	ssyncadd.s32 $0xFFFFE800  }
0x118: {  	_ =	swait.ge [sflag:s24], $0x1800  }
0x119: {  	[sflag:s24] =	ssyncset.done $0x0  }
0x11a: {  	[sflag:s24] =	ssyncadd.s32 $0xFFFFE800  }
0x11b: {  	_ =	swait.ge [sflag:s24], $0x1800  }
0x11c: {  	[sflag:s24] =	ssyncset.done $0x0  }
0x11d: {  	[sflag:s24] =	ssyncadd.s32 $0xFFFFE800  }
0x11e: {  	v4 =	vld [tilespmem:$0x120]  }
0x11f: {  	v5 =	vld [tilespmem:$0x130]  }
0x120: {  	v6 =	vld [tilespmem:$0x140]  }
0x121: {  	v7 =	vld [tilespmem:$0x150]  }
0x122: {  	v8 =	vld [tilespmem:$0x160]  }
0x123: {  	[tilespmem:$0x1E0] =	vst v4;
	v4 =	vld [tilespmem:$0x170]  }
0x124: {  	[tilespmem:$0x1F0] =	vst v5  }
0x125: {  	[tilespmem:$0x200] =	vst v6  }
0x126: {  	[tilespmem:$0x210] =	vst v7  }
0x127: {  	[tilespmem:$0x220] =	vst v8  }
0x128: {  	s17 =	simm.s32 $0x0;
	[tilespmem:$0x230] =	vst v4  }
0x129: {  	v4 =	vld [tilespmem:s17+$0x1AB0]  }
0x12a: {  	v5 =	vld [tilespmem:s17+$0x4AB0];
	_ =	sdelay $0x2  }
0x12b: {  	v6 =	vld [tilespmem:s17+$0x1A40]  }
0x12c: {  	v7 =	vld [tilespmem:s17+$0x4A40]  }
0x12d: {  	v8 =	vld [tilespmem:s17+$0x1A50];
	v4 =	vadd.f32 v5, v4  }
0x12e: {  	v9 =	vld [tilespmem:s17+$0x4A50]  }
0x12f: {  	v10 =	vld [tilespmem:s17+$0x1A60];
	v4 =	vmax.f32 v4, $0.0e+00  }
0x130: {  	v11 =	vld [tilespmem:s17+$0x1A70];
	v13 =	vmul.f32 $1.442695020e+00, v4  }
0x131: {  	v5 =	vld [tilespmem:s17+$0x4A60]  }
0x132: {  	v12 =	vld [tilespmem:s17+$0x4A70];
	v6 =	vadd.f32 v7, v6;
	(erf) = vpow2.f32 v13  }
0x133: {  	v14 =	vld [tilespmem:s17+$0x1A80];
	v8 =	vadd.f32 v9, v8  }
0x134: {  	v16 =	vld [tilespmem:s17+$0x1AA0];
	v6 =	vmax.f32 v6, $0.0e+00  }
0x135: {  	s29 =	simm.s32 $0x80;
	v18 =	vld [tilespmem:s17+$0x4AA0];
	v17 =	vmax.f32 v8, $0.0e+00;
	v15 =	vmul.f32 $1.442695020e+00, v6  }
0x136: {  	v19 =	vld [tilespmem:s29+$0x1A40];
	v8 =	vmul.f32 $1.442695020e+00, v17;
	v5 =	vadd.f32 v5, v10  }
0x137: {  	v20 =	vld [tilespmem:s29+$0x4A40];
	(erf) = vpow2.f32 v15  }
0x138: {  	v21 =	vld [tilespmem:s29+$0x1A50];
	(erf) = vpow2.f32 v8;
	v5 =	vmax.f32 v5, $0.0e+00  }
0x139: {  	v7 =	vld [tilespmem:s17+$0x4A80];
	v8 =	vmul.f32 $1.442695020e+00, v5  }
0x13a: {  	v9 =	vld [tilespmem:s17+$0x4A90]  }
0x13b: {  	v11 =	vadd.f32 v12, v11;
	v13 =	vld [tilespmem:s17+$0x1A90];
	(erf) = vpow2.f32 v8;
	v22 =	vpop (erf)  }
0x13c: {  	v23 =	vld [tilespmem:s29+$0x1A60];
	v4 =	vmul.f32 v22, v4  }
0x13d: {  	v63 =	vld [tilespmem:s29+$0x4A60];
	v62 =	vmax.f32 v11, $0.0e+00  }
0x13e: {  	v12 =	vld [tilespmem:s29+$0x4A50];
	v8 =	vmul.f32 $1.442695020e+00, v62  }
0x13f: {  	v10 =	vld [tilespmem:s29+$0x4AB0];
	v7 =	vadd.f32 v7, v14  }
0x140: {  	v15 =	vld [tilespmem:s29+$0x1AB0];
	[tilespmem:s17+$0xAAB0] =	vst v4;
	v4 =	vpop (erf);
	(erf) = vpow2.f32 v8;
	v8 =	vadd.f32 v9, v13  }
0x141: {  	v28 =	vmax.f32 v7, $0.0e+00;
	v26 =	vld [tilespmem:s29+$0x1A70];
	[tilespmem:s17+$0x7A40] =	vst v4;
	v11 =	vpop (erf);
	v4 =	vmul.f32 v4, v6  }
0x142: {  	v6 =	vmul.f32 $1.442695020e+00, v28;
	v27 =	vld [tilespmem:s29+$0x4A70];
	[tilespmem:s17+$0x7A50] =	vst v11;
	v8 =	vmax.f32 v8, $0.0e+00  }
0x143: {  	v7 =	vadd.f32 v18, v16;
	v29 =	vld [tilespmem:s29+$0x1A80];
	[tilespmem:s17+$0xAA40] =	vst v4;
	v4 =	vmul.f32 $1.442695020e+00, v8  }
0x144: {  	v14 =	vpop (erf);
	(erf) = vpow2.f32 v6;
	v6 =	vmul.f32 v11, v17  }
0x145: {  	v10 =	vadd.f32 v10, v15;
	v9 =	vmax.f32 v7, $0.0e+00;
	v30 =	vld [tilespmem:s29+$0x4A80];
	[tilespmem:s17+$0x7A60] =	vst v14  }
0x146: {  	(erf) = vpow2.f32 v4;
	v11 =	vld [tilespmem:s29+$0x1A90];
	[tilespmem:s17+$0xAA50] =	vst v6;
	v6 =	vmul.f32 $1.442695020e+00, v9  }
0x147: {  	v10 =	vmax.f32 v10, $0.0e+00;
	v4 =	vadd.f32 v20, v19  }
0x148: {  	v17 =	vmul.f32 $1.442695020e+00, v10;
	(erf) = vpow2.f32 v6  }
0x149: {  	v15 =	vadd.f32 v12, v21;
	v7 =	vmax.f32 v4, $0.0e+00;
	v4 =	vmul.f32 v14, v5  }
0x14a: {  	v5 =	vmul.f32 $1.442695020e+00, v7;
	v16 =	vpop (erf);
	(erf) = vpow2.f32 v17  }
0x14b: {  	v6 =	vmax.f32 v15, $0.0e+00;
	v17 =	vadd.f32 v63, v23;
	v18 =	vmul.f32 v16, v62  }
0x14c: {  	v13 =	vld [tilespmem:s29+$0x4A90];
	v15 =	vmul.f32 $1.442695020e+00, v6;
	[tilespmem:s17+$0x7A70] =	vst v16;
	(erf) = vpow2.f32 v5  }
0x14d: {  	v5 =	vadd.f32 v27, v26;
	v12 =	vld [tilespmem:s29+$0x1AA0];
	[tilespmem:s17+$0xAA60] =	vst v4;
	v4 =	vmax.f32 v17, $0.0e+00  }
0x14e: {  	s22 =	simm.s32 $0x100;
	(erf) = vpow2.f32 v15;
	v14 =	vld [tilespmem:s29+$0x4AA0];
	[tilespmem:s17+$0x7AB0] =	vst v22;
	v17 =	vmul.f32 $1.442695020e+00, v4;
	v19 =	vpop (erf)  }
0x14f: {  	s23 =	simm.s32 $0x600;
	v16 =	vadd.f32 v30, v29;
	v5 =	vmax.f32 v5, $0.0e+00;
	v15 =	vld [tilespmem:s22+$0x1AB0];
	[tilespmem:s17+$0xAA70] =	vst v18;
	v20 =	vmul.f32 v19, v28;
	v18 =	vpop (erf)  }
.LBB2_5:
0x150: {  	p1 =	sne.s32 s23, $0x5E00;
	v21 =	vld [tilespmem:s22+$0x4AB0];
	v24 =	vmul.f32 $1.442695020e+00, v5;
	(erf) = vpow2.f32 v17;
	[tilespmem:s17+$0x7A80] =	vst v19  }
0x151: {  	v17 =	vld [tilespmem:s22+$0x1A40];
	v23 =	vmax.f32 v16, $0.0e+00;
	v11 =	vadd.f32 v13, v11;
	[tilespmem:s17+$0xAA80] =	vst v20;
	v13 =	vmul.f32 v18, v8;
	v16 =	vpop (erf)  }
0x152: {  	v19 =	vld [tilespmem:s22+$0x4A40];
	v20 =	vmul.f32 $1.442695020e+00, v23;
	(erf) = vpow2.f32 v24;
	[tilespmem:s17+$0x7A90] =	vst v18  }
0x153: {  	v18 =	vld [tilespmem:s22+$0x1A50];
	v8 =	vmax.f32 v11, $0.0e+00;
	v24 =	vadd.f32 v14, v12;
	v22 =	vpop (erf);
	[tilespmem:s17+$0xAA90] =	vst v13;
	v12 =	vmul.f32 v16, v9  }
0x154: {  	v13 =	vld [tilespmem:s22+$0x4A50];
	v14 =	vmul.f32 $1.442695020e+00, v8;
	v10 =	vmul.f32 v22, v10;
	[tilespmem:s17+$0x7AA0] =	vst v16  }
0x155: {  	v16 =	vld [tilespmem:s22+$0x1A60];
	v21 =	vadd.f32 v21, v15;
	v9 =	vmax.f32 v24, $0.0e+00;
	v11 =	vpop (erf);
	(erf) = vpow2.f32 v20;
	[tilespmem:s17+$0xAAA0] =	vst v12;
	s17 =	smov.u32 s29;
	s29 =	smov.u32 s22  }
0x156: {  	v12 =	vld [tilespmem:s29+$0x4A60];
	v20 =	vmul.f32 $1.442695020e+00, v9;
	[tilespmem:s17+$0xAAB0] =	vst v10;
	(erf) = vpow2.f32 v14  }
0x157: {  	v14 =	vadd.f32 v19, v17;
	v17 =	vld [tilespmem:s29+$0x1A70];
	v10 =	vmax.f32 v21, $0.0e+00;
	[tilespmem:s17+$0x7A40] =	vst v11;
	v11 =	vmul.f32 v11, v7;
	v15 =	vpop (erf)  }
0x158: {  	v19 =	vld [tilespmem:s29+$0x4A70];
	v21 =	vmul.f32 $1.442695020e+00, v10;
	[tilespmem:s17+$0x7A50] =	vst v15;
	(erf) = vpow2.f32 v20  }
0x159: {  	v7 =	vmax.f32 v14, $0.0e+00;
	v13 =	vadd.f32 v13, v18;
	v18 =	vld [tilespmem:s29+$0x1A80];
	[tilespmem:s17+$0xAA40] =	vst v11;
	v14 =	vmul.f32 v15, v6;
	v15 =	vpop (erf)  }
0x15a: {  	v20 =	vmul.f32 $1.442695020e+00, v7;
	v24 =	vld [tilespmem:s29+$0x4A80];
	(erf) = vpow2.f32 v21;
	[tilespmem:s17+$0x7A60] =	vst v15  }
.Ltmp1:
0x15b: {  	v6 =	vmax.f32 v13, $0.0e+00;
	v12 =	vadd.f32 v12, v16;
	v11 =	vld [tilespmem:s29+$0x1A90];
	[tilespmem:s17+$0xAA50] =	vst v14;
	v14 =	vmul.f32 v15, v4;
	v15 =	vpop (erf);
	(pc) =	sbr.rel @p1 .LBB2_5-.Ltmp1, $4  }
0x15c: {  	v16 =	vmul.f32 $1.442695020e+00, v6;
	v13 =	vld [tilespmem:s29+$0x4A90];
	(erf) = vpow2.f32 v20;
	[tilespmem:s17+$0x7A70] =	vst v15  }
0x15d: {  	v21 =	vmul.f32 v15, v5;
	v4 =	vmax.f32 v12, $0.0e+00;
	v20 =	vadd.f32 v19, v17;
	v12 =	vld [tilespmem:s29+$0x1AA0];
	[tilespmem:s17+$0xAA60] =	vst v14  }
0x15e: {  	s22 =	sshra.s32 s23, $0x2;
	v17 =	vmul.f32 $1.442695020e+00, v4;
	v14 =	vld [tilespmem:s29+$0x4AA0];
	(erf) = vpow2.f32 v16;
	[tilespmem:s17+$0x7AB0] =	vst v22;
	v19 =	vpop (erf)  }
0x15f: {  	s23 =	sadd.s32 $0x200, s23;
	v15 =	vld [tilespmem:s22+$0x1AB0];
	v5 =	vmax.f32 v20, $0.0e+00;
	v16 =	vadd.f32 v24, v18;
	[tilespmem:s17+$0xAA70] =	vst v21;
	v20 =	vmul.f32 v19, v23;
	v18 =	vpop (erf)  }
0x160: {  	_ =	sdelay $0x1  }
0x161: {  	v8 =	vmul.f32 v18, v8  }
0x162: {  	v21 =	vld [tilespmem:s22+$0x4AB0];
	[tilespmem:s17+$0x7A80] =	vst v19;
	(erf) = vpow2.f32 v17;
	v61 =	vmul.f32 $1.442695020e+00, v5;
	v59 =	vpop (erf)  }
0x163: {  	v19 =	vld [tilespmem:s22+$0x1A40];
	[tilespmem:s17+$0xAA80] =	vst v20;
	v11 =	vadd.f32 v13, v11;
	v28 =	vmax.f32 v16, $0.0e+00;
	v9 =	vmul.f32 v59, v9  }
0x164: {  	v20 =	vld [tilespmem:s22+$0x4A40];
	[tilespmem:s17+$0x7A90] =	vst v18;
	(erf) = vpow2.f32 v61;
	v29 =	vmul.f32 $1.442695020e+00, v28;
	v60 =	vpop (erf)  }
0x165: {  	v18 =	vld [tilespmem:s22+$0x1A50];
	[tilespmem:s17+$0xAA90] =	vst v8;
	v12 =	vadd.f32 v14, v12;
	v11 =	vmax.f32 v11, $0.0e+00;
	v10 =	vmul.f32 v60, v10;
	v62 =	vpop (erf)  }
0x166: {  	v22 =	vld [tilespmem:s22+$0x4A50];
	[tilespmem:s17+$0x7AA0] =	vst v59;
	v31 =	vmul.f32 $1.442695020e+00, v11;
	v63 =	vpop (erf);
	(erf) = vpow2.f32 v29  }
0x167: {  	v23 =	vld [tilespmem:s22+$0x1A60];
	[tilespmem:s17+$0xAAA0] =	vst v9;
	v15 =	vadd.f32 v21, v15;
	v12 =	vmax.f32 v12, $0.0e+00  }
0x168: {  	v9 =	vld [tilespmem:s22+$0x4A60];
	[tilespmem:s29+$0xAAB0] =	vst v10;
	v34 =	vmul.f32 $1.442695020e+00, v12;
	(erf) = vpow2.f32 v31  }
0x169: {  	v7 =	vmul.f32 v62, v7;
	v24 =	vld [tilespmem:s22+$0x1A70];
	[tilespmem:s29+$0x7A40] =	vst v62;
	v15 =	vmax.f32 v15, $0.0e+00  }
0x16a: {  	v35 =	vadd.f32 v20, v19;
	v25 =	vld [tilespmem:s22+$0x4A70];
	[tilespmem:s29+$0x7A50] =	vst v63;
	v36 =	vmul.f32 $1.442695020e+00, v15;
	(erf) = vpow2.f32 v34  }
0x16b: {  	v6 =	vmul.f32 v63, v6;
	v30 =	vld [tilespmem:s22+$0x1A80];
	[tilespmem:s29+$0xAA40] =	vst v7;
	v32 =	vpop (erf)  }
0x16c: {  	v38 =	vmax.f32 v35, $0.0e+00;
	v39 =	vadd.f32 v22, v18;
	v33 =	vld [tilespmem:s22+$0x4A80];
	[tilespmem:s29+$0x7A60] =	vst v32;
	(erf) = vpow2.f32 v36  }
0x16d: {  	v4 =	vmul.f32 v32, v4;
	v42 =	vmul.f32 $1.442695020e+00, v38;
	v37 =	vld [tilespmem:s22+$0x1A90];
	[tilespmem:s29+$0xAA50] =	vst v6;
	v40 =	vpop (erf)  }
0x16e: {  	v7 =	vmax.f32 v39, $0.0e+00;
	v41 =	vld [tilespmem:s22+$0x4A90];
	[tilespmem:s29+$0x7A70] =	vst v40;
	v5 =	vmul.f32 v40, v5  }
0x16f: {  	v9 =	vadd.f32 v9, v23;
	(erf) = vpow2.f32 v42;
	v44 =	vmul.f32 $1.442695020e+00, v7;
	v43 =	vld [tilespmem:s22+$0x1AA0];
	[tilespmem:s29+$0xAA60] =	vst v4;
	v48 =	vpop (erf)  }
0x170: {  	v45 =	vadd.f32 v25, v24;
	v46 =	vld [tilespmem:s22+$0x4AA0];
	[tilespmem:s29+$0xAA70] =	vst v5;
	v5 =	vmul.f32 v48, v28  }
0x171: {  	v4 =	vmax.f32 v9, $0.0e+00;
	(erf) = vpow2.f32 v44;
	v50 =	vpop (erf)  }
0x172: {  	v47 =	vmul.f32 $1.442695020e+00, v4;
	v9 =	vmax.f32 v45, $0.0e+00;
	[tilespmem:s29+$0xAA80] =	vst v5;
	v5 =	vmul.f32 v50, v11  }
0x173: {  	[tilespmem:s29+$0x7AB0] =	vst v60;
	v49 =	vadd.f32 v33, v30;
	v51 =	vmul.f32 $1.442695020e+00, v9;
	v54 =	vpop (erf)  }
0x174: {  	(erf) = vpow2.f32 v47;
	[tilespmem:s29+$0xAA90] =	vst v5;
	v5 =	vmul.f32 v54, v12  }
0x175: {  	[tilespmem:s29+$0x7A80] =	vst v48;
	v52 =	vmax.f32 v49, $0.0e+00;
	v53 =	vadd.f32 v41, v37  }
0x176: {  	(erf) = vpow2.f32 v51;
	[tilespmem:s29+$0x7A90] =	vst v50;
	v55 =	vmul.f32 $1.442695020e+00, v52;
	v57 =	vpop (erf)  }
0x177: {  	v56 =	vadd.f32 v46, v43;
	v10 =	vmax.f32 v53, $0.0e+00;
	[tilespmem:s29+$0x7AA0] =	vst v54;
	v58 =	vmul.f32 v57, v15  }
0x178: {  	v59 =	vmul.f32 $1.442695020e+00, v10;
	(erf) = vpow2.f32 v55;
	[tilespmem:s29+$0xAAA0] =	vst v5;
	v5 =	vpop (erf)  }
0x179: {  	v14 =	vmax.f32 v56, $0.0e+00;
	[tilespmem:s22+$0x7A40] =	vst v5;
	v5 =	vmul.f32 v5, v38  }
0x17a: {  	v60 =	vmul.f32 $1.442695020e+00, v14;
	[tilespmem:s22+$0xAAB0] =	vst v58;
	(erf) = vpow2.f32 v59;
	v61 =	vpop (erf)  }
0x17b: {  	[tilespmem:s22+$0xAA40] =	vst v5;
	v5 =	vmul.f32 v61, v7  }
0x17c: {  	[tilespmem:s22+$0x7AB0] =	vst v57;
	(erf) = vpow2.f32 v60  }
0x17d: {  	[tilespmem:s22+$0x7A50] =	vst v61;
	v62 =	vpop (erf)  }
0x17e: {  	[tilespmem:s22+$0x7A60] =	vst v62;
	v4 =	vmul.f32 v62, v4  }
0x17f: {  	[tilespmem:s22+$0xAA50] =	vst v5;
	v5 =	vpop (erf)  }
0x180: {  	[tilespmem:s22+$0xAA60] =	vst v4;
	v4 =	vmul.f32 v5, v9  }
0x181: {  	[tilespmem:s22+$0x7A70] =	vst v5;
	v5 =	vpop (erf)  }
0x182: {  	[tilespmem:s22+$0xAA70] =	vst v4;
	v4 =	vmul.f32 v5, v52  }
0x183: {  	v63 =	vpop (erf);
	[tilespmem:s22+$0x7A80] =	vst v5  }
0x184: {  	[tilespmem:s22+$0xAA80] =	vst v4;
	v4 =	vmul.f32 v63, v10  }
0x185: {  	v5 =	vpop (erf);
	[tilespmem:s22+$0x7A90] =	vst v63  }
0x186: {  	[tilespmem:s22+$0xAA90] =	vst v4;
	v4 =	vmul.f32 v5, v14  }
.Ltmp2:
0x187: {  	[tilespmem:s22+$0x7AA0] =	vst v5;
	(pc) =	sbr.rel @p0 .LBB2_8-.Ltmp2, $4  }
0x188: {  	[tilespmem:s22+$0xAAA0] =	vst v4  }
0x189: {  	[spmem:s5] =	stream.indirect.scatter.add.f32 [tilespmem:s11], [sflag:$0x6], $0x40, s9, s30, $0xb8;
	[tilespmem:$0x1FE40] =	vst v63  }
0x18a: {  	_ = 	snop  }
0x18b: {  	[spmem:s4] =	stream.indirect.scatter.add.f32 [tilespmem:s12], [sflag:$0x6], $0x40, s9, s30, $0xb8;
	[tilespmem:$0x1FE40] =	vst v63  }
0x18c: {  	s16 =	sadd.s32 s16, s20  }
.Ltmp3:
0x18d: {  	s16 =	sshrl.u32 s16, $0x3;
	(pc) =	sbr.rel .LBB2_2-.Ltmp3, $4  }
0x18e: {  	s17 =	sadd.s32 s7, s16  }
0x18f: {  	[tilespmem:s30], [sflag:$0x2] =	stream.linear.gather [hbm4b:s17+s6], $0x60, $0x38;
	[tilespmem:$0x1FE40] =	vst v63  }
0x190: {  	s29 =	simm.s32 $0x120;
	s10 =	sadd.s32 $0x1, s10;
	s16 =	sadd.s32 s2, s16  }
0x191: {  	[tilespmem:s29], [sflag:$0x2] =	stream.linear.gather [hbm4b:s16+s6], $0x60, $0x38;
	[tilespmem:$0x1FE40] =	vst v63  }
.LBB2_8:
0x192: {  	_ =	swait.ge [sflag:s26], $0x1800  }
0x193: {  	[sflag:s26] =	ssyncset.done $0x0  }
0x194: {  	[sflag:s26] =	ssyncadd.s32 $0xFFFFE800  }
0x195: {  	_ =	swait.ge [sflag:s26], $0x1800  }
0x196: {  	[sflag:s26] =	ssyncset.done $0x0  }
0x197: {  	[sflag:s26] =	ssyncadd.s32 $0xFFFFE800  }
0x198: {  	_ =	swait.ge [sflag:s24], $0x1800  }
0x199: {  	[sflag:s24] =	ssyncset.done $0x0  }
0x19a: {  	[sflag:s24] =	ssyncadd.s32 $0xFFFFE800  }
0x19b: {  	_ =	swait.ge [sflag:s24], $0x1800  }
0x19c: {  	s10 =	simm.s32 $0x0;
	[sflag:s24] =	ssyncset.done $0x0  }
0x19d: {  	s23 =	simm.s32 $0x7;
	s16 =	rddreg [dreg:$0xe];
	[sflag:s24] =	ssyncadd.s32 $0xFFFFE800  }
0x19e: {  	[tilespmem:s10], [sflag:$0x7] =	stream.linear.gather [hbm4b:s16+s10], $0x20, $0x38;
	[tilespmem:$0x1FE40] =	vst v63  }
0x19f: {  	_ =	swait.ge [sflag:s23], $0x20  }
0x1a0: {  	[sflag:s23] =	ssyncset.done $0x0  }
0x1a1: {  	s29 =	simm.s32 $0xC0;
	s22 =	rddreg [dreg:$0xf];
	[sflag:s23] =	ssyncadd.s32 $0xFFFFFFE0  }
0x1a2: {  	[tilespmem:s29], [sflag:$0x7] =	stream.linear.gather [hbm4b:s22+s10], $0x20, $0x38;
	[tilespmem:$0x1FE40] =	vst v63  }
0x1a3: {  	_ =	swait.ge [sflag:s23], $0x20  }
0x1a4: {  	[sflag:s23] =	ssyncset.done $0x0  }
0x1a5: {  	[sflag:s23] =	ssyncadd.s32 $0xFFFFFFE0  }
0x1a6: {  	[tilespmem:$0x20] =	vst v2  }
0x1a7: {  	v4 =	vld [tilespmem:$0x0];
	[tilespmem:$0xE0] =	vst v1  }
0x1a8: {  	v5 =	vld [tilespmem:$0x10];
	[tilespmem:$0x30] =	vst v2  }
0x1a9: {  	[tilespmem:$0xF0] =	vst v1  }
0x1aa: {  	[tilespmem:$0x40] =	vst v2  }
0x1ab: {  	[tilespmem:$0x100] =	vst v1  }
0x1ac: {  	[tilespmem:$0x50] =	vst v2;
	v4 =	vshll.u32 v4, $0x1  }
0x1ad: {  	[tilespmem:$0x110] =	vst v1;
	v5 =	vshll.u32 v5, $0x1;
	v4 =	vor.u32 v0, v4  }
0x1ae: {  	[tilespmem:$0x0] =	vst v4;
	v4 =	vor.u32 v0, v5  }
0x1af: {  	s16 =	simm.s32 $0x100;
	s10 =	simm.s32 $0x0;
	[tilespmem:$0x10] =	vst v4  }
.LBB2_9:
0x1b0: {  	p0 =	sne.s32 s16, $0x3F00;
	[tilespmem:s10+$0x3A70] =	vst v3;
	s17 =	smov.u32 s16;
	s16 =	sadd.s32 $0x100, s16  }
.Ltmp4:
0x1b1: {  	[tilespmem:s10+$0x3A60] =	vst v3;
	(pc) =	sbr.rel @p0 .LBB2_9-.Ltmp4, $3  }
0x1b2: {  	[tilespmem:s10+$0x3A40] =	vst v3  }
0x1b3: {  	[tilespmem:s10+$0x3A50] =	vst v3;
	_ =	sdelay $0x1  }
0x1b4: {  	s10 =	sshra.s32 s17, $0x2  }
0x1b5: {  	[tilespmem:s10+$0x3A70] =	vst v3  }
0x1b6: {  	[tilespmem:s10+$0x3A60] =	vst v3  }
0x1b7: {  	[tilespmem:s10+$0x3A40] =	vst v3  }
0x1b8: {  	[tilespmem:s10+$0x3A50] =	vst v3;
	s17 =	simm.s32 $0x240  }
0x1b9: {  	[tilespmem:s17], [sflag:$0x3] =	stream.indirect.gather [hbm4b:s0+s30], $0x40, s6, s30, $0xb8;
	[tilespmem:$0x1FE40] =	vst v63  }
0x1ba: {  	s22 =	rddreg [dreg:$0x10];
	s16 =	simm.s32 $0x3240  }
0x1bb: {  	[tilespmem:s16], [sflag:$0x3] =	stream.strided.gather [hbm4b:s22+s14], $0x800, s18, s14, $0x38;
	[tilespmem:$0x1FE40] =	vst v63  }
0x1bc: {  	_ =	swait.ge [sflag:s25], $0x1800  }
0x1bd: {  	[sflag:s25] =	ssyncset.done $0x0  }
0x1be: {  	[sflag:s25] =	ssyncadd.s32 $0xFFFFE800  }
0x1bf: {  	_ =	swait.ge [sflag:s25], $0x800  }
0x1c0: {  	[sflag:s25] =	ssyncset.done $0x0  }
0x1c1: {  	[sflag:s25] =	ssyncadd.s32 $0xFFFFF800  }
0x1c2: {  	v4 =	vld [tilespmem:$0xC0]  }
0x1c3: {  	v5 =	vld [tilespmem:$0xD0]  }
0x1c4: {  	v6 =	vld [tilespmem:$0xE0]  }
0x1c5: {  	v7 =	vld [tilespmem:$0xF0]  }
0x1c6: {  	v8 =	vld [tilespmem:$0x100]  }
0x1c7: {  	[tilespmem:$0x180] =	vst v4;
	v4 =	vld [tilespmem:$0x110]  }
0x1c8: {  	[tilespmem:$0x190] =	vst v5  }
0x1c9: {  	[tilespmem:$0x1A0] =	vst v6  }
0x1ca: {  	[tilespmem:$0x1B0] =	vst v7  }
0x1cb: {  	[tilespmem:$0x1C0] =	vst v8  }
0x1cc: {  	s16 =	simm.s32 $0x70;
	[tilespmem:$0x1D0] =	vst v4  }
0x1cd: {  	v4 =	vld [tilespmem:s16+$0x240]  }
0x1ce: {  	v5 =	vld [tilespmem:s16+$0x3240];
	_ =	sdelay $0x2  }
0x1cf: {  	v6 =	vld [tilespmem:s16+$0x1D0]  }
0x1d0: {  	v7 =	vld [tilespmem:s16+$0x31D0]  }
0x1d1: {  	v8 =	vld [tilespmem:s16+$0x1E0];
	v4 =	vadd.f32 v5, v4  }
0x1d2: {  	v9 =	vld [tilespmem:s16+$0x31E0]  }
0x1d3: {  	v10 =	vld [tilespmem:s16+$0x1F0];
	v4 =	vmax.f32 v4, $0.0e+00  }
0x1d4: {  	v11 =	vld [tilespmem:s16+$0x200];
	v13 =	vmul.f32 $1.442695020e+00, v4  }
0x1d5: {  	v5 =	vld [tilespmem:s16+$0x31F0]  }
0x1d6: {  	v12 =	vld [tilespmem:s16+$0x3200];
	v6 =	vadd.f32 v7, v6;
	(erf) = vpow2.f32 v13  }
0x1d7: {  	v14 =	vld [tilespmem:s16+$0x210];
	v8 =	vadd.f32 v9, v8  }
0x1d8: {  	v16 =	vld [tilespmem:s16+$0x230];
	v6 =	vmax.f32 v6, $0.0e+00  }
0x1d9: {  	s10 =	simm.s32 $0xF0;
	v18 =	vld [tilespmem:s16+$0x3230];
	v17 =	vmax.f32 v8, $0.0e+00;
	v15 =	vmul.f32 $1.442695020e+00, v6  }
0x1da: {  	v19 =	vld [tilespmem:s10+$0x1D0];
	v8 =	vmul.f32 $1.442695020e+00, v17;
	v5 =	vadd.f32 v5, v10  }
0x1db: {  	v20 =	vld [tilespmem:s10+$0x31D0];
	(erf) = vpow2.f32 v15  }
0x1dc: {  	v21 =	vld [tilespmem:s10+$0x1E0];
	(erf) = vpow2.f32 v8;
	v5 =	vmax.f32 v5, $0.0e+00  }
0x1dd: {  	v7 =	vld [tilespmem:s16+$0x3210];
	v8 =	vmul.f32 $1.442695020e+00, v5  }
0x1de: {  	v9 =	vld [tilespmem:s16+$0x3220]  }
0x1df: {  	v11 =	vadd.f32 v12, v11;
	v13 =	vld [tilespmem:s16+$0x220];
	(erf) = vpow2.f32 v8;
	v22 =	vpop (erf)  }
0x1e0: {  	v23 =	vld [tilespmem:s10+$0x1F0];
	v4 =	vmul.f32 v22, v4  }
0x1e1: {  	v25 =	vld [tilespmem:s10+$0x31F0];
	v24 =	vmax.f32 v11, $0.0e+00  }
0x1e2: {  	v12 =	vld [tilespmem:s10+$0x31E0];
	v8 =	vmul.f32 $1.442695020e+00, v24  }
0x1e3: {  	v10 =	vld [tilespmem:s10+$0x3240];
	v7 =	vadd.f32 v7, v14  }
0x1e4: {  	v15 =	vld [tilespmem:s10+$0x240];
	(erf) = vpow2.f32 v8;
	v8 =	vadd.f32 v9, v13;
	[tilespmem:s16+$0x9240] =	vst v4;
	v4 =	vpop (erf)  }
0x1e5: {  	v28 =	vmax.f32 v7, $0.0e+00;
	v26 =	vld [tilespmem:s10+$0x200];
	[tilespmem:s16+$0x61D0] =	vst v4;
	v11 =	vpop (erf);
	v4 =	vmul.f32 v4, v6  }
0x1e6: {  	v8 =	vmax.f32 v8, $0.0e+00;
	v6 =	vmul.f32 $1.442695020e+00, v28;
	v27 =	vld [tilespmem:s10+$0x3200];
	[tilespmem:s16+$0x61E0] =	vst v11  }
0x1e7: {  	v7 =	vadd.f32 v18, v16;
	v29 =	vld [tilespmem:s10+$0x210];
	[tilespmem:s16+$0x91D0] =	vst v4;
	v4 =	vmul.f32 $1.442695020e+00, v8  }
0x1e8: {  	v14 =	vpop (erf);
	(erf) = vpow2.f32 v6;
	v6 =	vmul.f32 v11, v17  }
0x1e9: {  	v10 =	vadd.f32 v10, v15;
	v9 =	vmax.f32 v7, $0.0e+00;
	v30 =	vld [tilespmem:s10+$0x3210];
	[tilespmem:s16+$0x61F0] =	vst v14  }
0x1ea: {  	(erf) = vpow2.f32 v4;
	v11 =	vld [tilespmem:s10+$0x220];
	[tilespmem:s16+$0x91E0] =	vst v6;
	v6 =	vmul.f32 $1.442695020e+00, v9  }
0x1eb: {  	v10 =	vmax.f32 v10, $0.0e+00;
	v4 =	vadd.f32 v20, v19  }
0x1ec: {  	v17 =	vmul.f32 $1.442695020e+00, v10;
	(erf) = vpow2.f32 v6  }
0x1ed: {  	v15 =	vadd.f32 v12, v21;
	v7 =	vmax.f32 v4, $0.0e+00;
	v4 =	vmul.f32 v14, v5  }
0x1ee: {  	v16 =	vpop (erf);
	v5 =	vmul.f32 $1.442695020e+00, v7;
	(erf) = vpow2.f32 v17  }
0x1ef: {  	v18 =	vmul.f32 v16, v24;
	v6 =	vmax.f32 v15, $0.0e+00;
	v17 =	vadd.f32 v25, v23  }
0x1f0: {  	v13 =	vld [tilespmem:s10+$0x3220];
	[tilespmem:s16+$0x6200] =	vst v16;
	v15 =	vmul.f32 $1.442695020e+00, v6;
	(erf) = vpow2.f32 v5  }
0x1f1: {  	v12 =	vld [tilespmem:s10+$0x230];
	[tilespmem:s16+$0x91F0] =	vst v4;
	v4 =	vmax.f32 v17, $0.0e+00;
	v5 =	vadd.f32 v27, v26  }
0x1f2: {  	s17 =	simm.s32 $0x170;
	v14 =	vld [tilespmem:s10+$0x3230];
	[tilespmem:s16+$0x6240] =	vst v22;
	v17 =	vmul.f32 $1.442695020e+00, v4;
	(erf) = vpow2.f32 v15;
	v19 =	vpop (erf)  }
0x1f3: {  	s22 =	simm.s32 $0x7C0;
	v16 =	vadd.f32 v30, v29;
	v15 =	vld [tilespmem:s17+$0x240];
	[tilespmem:s16+$0x9200] =	vst v18;
	v5 =	vmax.f32 v5, $0.0e+00;
	v20 =	vmul.f32 v19, v28;
	v18 =	vpop (erf)  }
.LBB2_11:
0x1f4: {  	p0 =	sne.s32 s22, $0x5FC0;
	v21 =	vld [tilespmem:s17+$0x3240];
	v24 =	vmul.f32 $1.442695020e+00, v5;
	(erf) = vpow2.f32 v17;
	[tilespmem:s16+$0x6210] =	vst v19  }
0x1f5: {  	v17 =	vld [tilespmem:s17+$0x1D0];
	v23 =	vmax.f32 v16, $0.0e+00;
	v11 =	vadd.f32 v13, v11;
	[tilespmem:s16+$0x9210] =	vst v20;
	v13 =	vmul.f32 v18, v8;
	v16 =	vpop (erf)  }
0x1f6: {  	v19 =	vld [tilespmem:s17+$0x31D0];
	v20 =	vmul.f32 $1.442695020e+00, v23;
	(erf) = vpow2.f32 v24;
	[tilespmem:s16+$0x6220] =	vst v18  }
0x1f7: {  	v18 =	vld [tilespmem:s17+$0x1E0];
	v8 =	vmax.f32 v11, $0.0e+00;
	v24 =	vadd.f32 v14, v12;
	v22 =	vpop (erf);
	[tilespmem:s16+$0x9220] =	vst v13;
	v12 =	vmul.f32 v16, v9  }
0x1f8: {  	v13 =	vld [tilespmem:s17+$0x31E0];
	v14 =	vmul.f32 $1.442695020e+00, v8;
	v10 =	vmul.f32 v22, v10;
	[tilespmem:s16+$0x6230] =	vst v16  }
0x1f9: {  	v16 =	vld [tilespmem:s17+$0x1F0];
	v21 =	vadd.f32 v21, v15;
	v9 =	vmax.f32 v24, $0.0e+00;
	v11 =	vpop (erf);
	(erf) = vpow2.f32 v20;
	[tilespmem:s16+$0x9230] =	vst v12;
	s16 =	smov.u32 s10;
	s10 =	smov.u32 s17  }
0x1fa: {  	v12 =	vld [tilespmem:s10+$0x31F0];
	v20 =	vmul.f32 $1.442695020e+00, v9;
	[tilespmem:s16+$0x9240] =	vst v10;
	(erf) = vpow2.f32 v14  }
0x1fb: {  	v14 =	vadd.f32 v19, v17;
	v17 =	vld [tilespmem:s10+$0x200];
	v10 =	vmax.f32 v21, $0.0e+00;
	[tilespmem:s16+$0x61D0] =	vst v11;
	v11 =	vmul.f32 v11, v7;
	v15 =	vpop (erf)  }
0x1fc: {  	v19 =	vld [tilespmem:s10+$0x3200];
	v21 =	vmul.f32 $1.442695020e+00, v10;
	[tilespmem:s16+$0x61E0] =	vst v15;
	(erf) = vpow2.f32 v20  }
0x1fd: {  	v7 =	vmax.f32 v14, $0.0e+00;
	v13 =	vadd.f32 v13, v18;
	v18 =	vld [tilespmem:s10+$0x210];
	[tilespmem:s16+$0x91D0] =	vst v11;
	v14 =	vmul.f32 v15, v6;
	v15 =	vpop (erf)  }
0x1fe: {  	v20 =	vmul.f32 $1.442695020e+00, v7;
	v24 =	vld [tilespmem:s10+$0x3210];
	(erf) = vpow2.f32 v21;
	[tilespmem:s16+$0x61F0] =	vst v15  }
.Ltmp5:
0x1ff: {  	v6 =	vmax.f32 v13, $0.0e+00;
	v12 =	vadd.f32 v12, v16;
	v11 =	vld [tilespmem:s10+$0x220];
	[tilespmem:s16+$0x91E0] =	vst v14;
	v14 =	vmul.f32 v15, v4;
	v15 =	vpop (erf);
	(pc) =	sbr.rel @p0 .LBB2_11-.Ltmp5, $4  }
0x200: {  	v16 =	vmul.f32 $1.442695020e+00, v6;
	v13 =	vld [tilespmem:s10+$0x3220];
	(erf) = vpow2.f32 v20;
	[tilespmem:s16+$0x6200] =	vst v15  }
0x201: {  	v21 =	vmul.f32 v15, v5;
	v4 =	vmax.f32 v12, $0.0e+00;
	v20 =	vadd.f32 v19, v17;
	v12 =	vld [tilespmem:s10+$0x230];
	[tilespmem:s16+$0x91F0] =	vst v14  }
0x202: {  	s17 =	sshra.s32 s22, $0x2;
	v17 =	vmul.f32 $1.442695020e+00, v4;
	v14 =	vld [tilespmem:s10+$0x3230];
	(erf) = vpow2.f32 v16;
	[tilespmem:s16+$0x6240] =	vst v22;
	v19 =	vpop (erf)  }
0x203: {  	s22 =	sadd.s32 $0x200, s22;
	v15 =	vld [tilespmem:s17+$0x240];
	v5 =	vmax.f32 v20, $0.0e+00;
	v16 =	vadd.f32 v24, v18;
	[tilespmem:s16+$0x9200] =	vst v21;
	v20 =	vmul.f32 v19, v23;
	v18 =	vpop (erf)  }
0x204: {  	_ =	sdelay $0x1  }
0x205: {  	v8 =	vmul.f32 v18, v8  }
0x206: {  	v21 =	vld [tilespmem:s17+$0x3240];
	[tilespmem:s16+$0x6210] =	vst v19;
	(erf) = vpow2.f32 v17;
	v61 =	vmul.f32 $1.442695020e+00, v5;
	v59 =	vpop (erf)  }
0x207: {  	v19 =	vld [tilespmem:s17+$0x1D0];
	[tilespmem:s16+$0x9210] =	vst v20;
	v11 =	vadd.f32 v13, v11;
	v28 =	vmax.f32 v16, $0.0e+00;
	v9 =	vmul.f32 v59, v9  }
0x208: {  	v20 =	vld [tilespmem:s17+$0x31D0];
	[tilespmem:s16+$0x6220] =	vst v18;
	(erf) = vpow2.f32 v61;
	v29 =	vmul.f32 $1.442695020e+00, v28;
	v60 =	vpop (erf)  }
0x209: {  	v18 =	vld [tilespmem:s17+$0x1E0];
	[tilespmem:s16+$0x9220] =	vst v8;
	v12 =	vadd.f32 v14, v12;
	v11 =	vmax.f32 v11, $0.0e+00;
	v10 =	vmul.f32 v60, v10;
	v62 =	vpop (erf)  }
0x20a: {  	v22 =	vld [tilespmem:s17+$0x31E0];
	[tilespmem:s16+$0x6230] =	vst v59;
	v31 =	vmul.f32 $1.442695020e+00, v11;
	v63 =	vpop (erf);
	(erf) = vpow2.f32 v29  }
0x20b: {  	v23 =	vld [tilespmem:s17+$0x1F0];
	[tilespmem:s16+$0x9230] =	vst v9;
	v15 =	vadd.f32 v21, v15;
	v12 =	vmax.f32 v12, $0.0e+00  }
0x20c: {  	v9 =	vld [tilespmem:s17+$0x31F0];
	[tilespmem:s10+$0x9240] =	vst v10;
	v34 =	vmul.f32 $1.442695020e+00, v12;
	(erf) = vpow2.f32 v31  }
0x20d: {  	v7 =	vmul.f32 v62, v7;
	v24 =	vld [tilespmem:s17+$0x200];
	[tilespmem:s10+$0x61D0] =	vst v62;
	v15 =	vmax.f32 v15, $0.0e+00  }
0x20e: {  	v35 =	vadd.f32 v20, v19;
	v25 =	vld [tilespmem:s17+$0x3200];
	[tilespmem:s10+$0x61E0] =	vst v63;
	v36 =	vmul.f32 $1.442695020e+00, v15;
	(erf) = vpow2.f32 v34  }
0x20f: {  	v6 =	vmul.f32 v63, v6;
	v30 =	vld [tilespmem:s17+$0x210];
	[tilespmem:s10+$0x91D0] =	vst v7;
	v32 =	vpop (erf)  }
0x210: {  	v38 =	vmax.f32 v35, $0.0e+00;
	v39 =	vadd.f32 v22, v18;
	v33 =	vld [tilespmem:s17+$0x3210];
	[tilespmem:s10+$0x61F0] =	vst v32;
	(erf) = vpow2.f32 v36  }
0x211: {  	v4 =	vmul.f32 v32, v4;
	v42 =	vmul.f32 $1.442695020e+00, v38;
	v37 =	vld [tilespmem:s17+$0x220];
	[tilespmem:s10+$0x91E0] =	vst v6;
	v40 =	vpop (erf)  }
0x212: {  	v7 =	vmax.f32 v39, $0.0e+00;
	v41 =	vld [tilespmem:s17+$0x3220];
	[tilespmem:s10+$0x6200] =	vst v40;
	v5 =	vmul.f32 v40, v5  }
0x213: {  	v9 =	vadd.f32 v9, v23;
	(erf) = vpow2.f32 v42;
	v44 =	vmul.f32 $1.442695020e+00, v7;
	v43 =	vld [tilespmem:s17+$0x230];
	[tilespmem:s10+$0x91F0] =	vst v4;
	v48 =	vpop (erf)  }
0x214: {  	v45 =	vadd.f32 v25, v24;
	v46 =	vld [tilespmem:s17+$0x3230];
	[tilespmem:s10+$0x9200] =	vst v5;
	v5 =	vmul.f32 v48, v28  }
0x215: {  	v4 =	vmax.f32 v9, $0.0e+00;
	(erf) = vpow2.f32 v44;
	v50 =	vpop (erf)  }
0x216: {  	v47 =	vmul.f32 $1.442695020e+00, v4;
	v9 =	vmax.f32 v45, $0.0e+00;
	[tilespmem:s10+$0x9210] =	vst v5;
	v5 =	vmul.f32 v50, v11  }
0x217: {  	[tilespmem:s10+$0x6240] =	vst v60;
	v49 =	vadd.f32 v33, v30;
	v51 =	vmul.f32 $1.442695020e+00, v9;
	v54 =	vpop (erf)  }
0x218: {  	(erf) = vpow2.f32 v47;
	[tilespmem:s10+$0x9220] =	vst v5;
	v5 =	vmul.f32 v54, v12  }
0x219: {  	[tilespmem:s10+$0x6210] =	vst v48;
	v52 =	vmax.f32 v49, $0.0e+00;
	v53 =	vadd.f32 v41, v37  }
0x21a: {  	(erf) = vpow2.f32 v51;
	[tilespmem:s10+$0x6220] =	vst v50;
	v55 =	vmul.f32 $1.442695020e+00, v52;
	v57 =	vpop (erf)  }
0x21b: {  	v56 =	vadd.f32 v46, v43;
	v10 =	vmax.f32 v53, $0.0e+00;
	[tilespmem:s10+$0x6230] =	vst v54;
	v58 =	vmul.f32 v57, v15  }
0x21c: {  	v59 =	vmul.f32 $1.442695020e+00, v10;
	(erf) = vpow2.f32 v55;
	[tilespmem:s10+$0x9230] =	vst v5;
	v5 =	vpop (erf)  }
0x21d: {  	v14 =	vmax.f32 v56, $0.0e+00;
	[tilespmem:s17+$0x61D0] =	vst v5;
	v5 =	vmul.f32 v5, v38  }
0x21e: {  	v60 =	vmul.f32 $1.442695020e+00, v14;
	[tilespmem:s17+$0x9240] =	vst v58;
	(erf) = vpow2.f32 v59;
	v61 =	vpop (erf)  }
0x21f: {  	[tilespmem:s17+$0x91D0] =	vst v5;
	v5 =	vmul.f32 v61, v7  }
0x220: {  	[tilespmem:s17+$0x6240] =	vst v57;
	(erf) = vpow2.f32 v60  }
0x221: {  	[tilespmem:s17+$0x61E0] =	vst v61;
	v62 =	vpop (erf)  }
0x222: {  	[tilespmem:s17+$0x61F0] =	vst v62;
	v4 =	vmul.f32 v62, v4  }
0x223: {  	[tilespmem:s17+$0x91E0] =	vst v5;
	v5 =	vpop (erf)  }
0x224: {  	[tilespmem:s17+$0x91F0] =	vst v4;
	v4 =	vmul.f32 v5, v9  }
0x225: {  	[tilespmem:s17+$0x6200] =	vst v5;
	v5 =	vpop (erf)  }
0x226: {  	[tilespmem:s17+$0x9200] =	vst v4;
	v4 =	vmul.f32 v5, v52  }
0x227: {  	v63 =	vpop (erf);
	[tilespmem:s17+$0x6210] =	vst v5  }
0x228: {  	[tilespmem:s17+$0x9210] =	vst v4;
	v4 =	vmul.f32 v63, v10  }
0x229: {  	v5 =	vpop (erf);
	[tilespmem:s17+$0x6220] =	vst v63  }
0x22a: {  	[tilespmem:s17+$0x9220] =	vst v4;
	v4 =	vmul.f32 v5, v14  }
0x22b: {  	[tilespmem:s17+$0x6230] =	vst v5  }
0x22c: {  	[tilespmem:s17+$0x9230] =	vst v4  }
0x22d: {  	[spmem:s5] =	stream.indirect.scatter.add.f32 [tilespmem:s3], [sflag:$0x5], $0x40, s31, s30, $0xb8;
	[tilespmem:$0x1FE40] =	vst v63  }
0x22e: {  	_ = 	snop  }
0x22f: {  	[spmem:s4] =	stream.indirect.scatter.add.f32 [tilespmem:s1], [sflag:$0x5], $0x40, s31, s30, $0xb8;
	[tilespmem:$0x1FE40] =	vst v63  }
0x230: {  	_ =	swait.ge [sflag:s26], $0x1800  }
0x231: {  	[sflag:s26] =	ssyncset.done $0x0  }
0x232: {  	[sflag:s26] =	ssyncadd.s32 $0xFFFFE800  }
0x233: {  	_ =	swait.ge [sflag:s26], $0x1800  }
0x234: {  	[sflag:s26] =	ssyncset.done $0x0  }
0x235: {  	[sflag:s26] =	ssyncadd.s32 $0xFFFFE800  }
0x236: {  	[bflag:$0x0] =	sbarrier.arrive $0xFFFF  }
0x237: {  	s16 =	rddreg [dreg:$0x7]  }
0x238: {  	s17 =	rddreg [dreg:$0x12]  }
0x239: {  	s22 =	rddreg [dreg:$0x16]  }
0x23a: {  	[hbm:s17], [sflag:s16] =	dma.local [spmem:s22], $0x13C0  }
0x23b: {  	_ =	swait.ge [sflag:s23], $0x13C0  }
0x23c: {  	[sflag:s23] =	ssyncset.done $0x0;
	s17 =	rddreg [dreg:$0x13]  }
0x23d: {  	s22 =	rddreg [dreg:$0x17];
	[sflag:s23] =	ssyncadd.s32 $0xFFFFEC40  }
0x23e: {  	[hbm:s17], [sflag:s16] =	dma.local [spmem:s22], $0x13C0  }
0x23f: {  	_ =	swait.ge [sflag:s23], $0x13C0  }
0x240: {  	s10 =	rddreg [dreg:$0x15]  }
0x241: {  	s22 =	rddreg [dreg:$0x14];
	s17 =	sadd.s32 $0x1, s10  }
0x242: {  	p0 =	sne.s32 s17, s22  }
.Ltmp6:
0x243: {  	_ = 	snop;
	(pc) =	sbr.rel @p0 .LBB2_1-.Ltmp6, $3  }
0x244: {  	_ =	sdelay $0x1  }
0x245: {  	[sflag:s23] =	ssyncset.done $0x0  }
0x246: {  	[sflag:s23] =	ssyncadd.s32 $0xFFFFEC40  }
0x247: {  	_ =	sfence.sel $0x180000  }
0x248: {  	[bflag:$0x0] =	sbarrier.arrive $0xFFFF  }
0x249: {  	_ =	strace $0x90000047  }
0x24a: {  	s0 =	stileid.u32;
	[bflag:$0x2] =	sbarrier.arrive $0xFFFF  }
0x24b: {  	p0 =	sne.s32 s0, $0x0;
	s0 =	rddreg [dreg:$0x5]  }
0x24c: {  	s0 =	sadd.s32 @!p0 $0x100000, s0  }
0x24d: {  	[sflag:s0] =	ssyncadd.tile.s32 @!p0 $0x1;
	_ =	shalt  }
.Lfunc_end2:
_tile_overlayer_lowered:
.L_overlay_start_2:
0x24e: {  	(tag) =	ssettag $0x2  }
0x24f: {  	s0 =	rddreg [dreg:$0x0];
	s2 =	stileid.u32  }
0x250: {  	s1 =	rddreg [dreg:$0x1];
	p0 =	sne.s32 s2, $0x0  }
0x251: {  	s3 =	rddreg [dreg:$0x2];
	[bflag:$0x3] =	sbarrier.arrive $0xFFFF;
	s2 =	simm.s32 @!p0 $0x1C07  }
0x252: {  	[timem:s3], [sflag:s2] =	dma.local @!p0 [hbm:s0], s1  }
0x253: {  	s0 =	simm.s32 @!p0 $0x7  }
0x254: {  	_ =	swait.ge @!p0 [sflag:s0], s1  }
0x255: {  	s1 =	ssub.s32 @!p0 $0x0, s1;
	[sflag:s0] =	ssyncset.done @!p0 $0x0  }
0x256: {  	[sflag:s0] =	ssyncadd.s32 @!p0 s1  }
0x257: {  	[bflag:$0x3] =	sbarrier.arrive $0xFFFF  }
0x258: {  	_ =	shalt  }

</sc_bundles>
